<compile_context>
chip_gen: v7x
topology: tpu7x:2x2x1
jax: 0.10.2.dev20260603
libtpu: 0.0.44.dev20260713+nightly
codegen_flags: <defaults>
</compile_context>

<pallas_src>
import functools

import jax
import jax.numpy as jnp
from jax import lax
from jax.experimental import pallas as pl
from jax.experimental.pallas import tpu as pltpu
from jax.experimental.pallas import tpu_sc as plsc

NC = 2
NS = 16
NW = NC * NS

KCH = 64
DEPTH = 5
LEAD = 3


def _tc1_body(x_ref, w_ref, b_ref, xt_ref, xh_ref):
    xt = lax.dot_general(x_ref[...], w_ref[...], (((1,), (1,)), ((), ())),
                         preferred_element_type=jnp.float32,
                         precision=lax.Precision.HIGHEST)
    xt = xt + b_ref[...]
    xt_ref[...] = xt
    xh_ref[...] = xt * 0.5


def _tc1(x, W_lin, b_lin2d):
    N, D = x.shape
    H = W_lin.shape[0]
    BN = 1000
    grid = (N // BN,)
    return pl.pallas_call(
        _tc1_body,
        grid=grid,
        in_specs=[
            pl.BlockSpec((BN, D), lambda i: (i, 0)),
            pl.BlockSpec((H, D), lambda i: (0, 0)),
            pl.BlockSpec((1, H), lambda i: (0, 0)),
        ],
        out_specs=[
            pl.BlockSpec((BN, H), lambda i: (i, 0)),
            pl.BlockSpec((BN, H), lambda i: (i, 0)),
        ],
        out_shape=[
            jax.ShapeDtypeStruct((N, H), jnp.float32),
            jax.ShapeDtypeStruct((N, H), jnp.float32),
        ],
    )(x, W_lin, b_lin2d)


def _tc2_body(c0_ref, c1_ref, att_ref, w1_ref, b1_ref, a_ref, w2_ref,
              b2_ref, ho_ref, hp_ref):
    c = c0_ref[...] + c1_ref[...]
    logits = jnp.sum(c * att_ref[...], axis=1, keepdims=True)
    gate = jax.nn.sigmoid(logits)
    ho = gate * c
    ho_ref[...] = ho
    h1 = lax.dot_general(ho, w1_ref[...], (((1,), (1,)), ((), ())),
                         preferred_element_type=jnp.float32,
                         precision=lax.Precision.HIGHEST) + b1_ref[...]
    h1 = jnp.where(h1 >= 0, h1, h1 * a_ref[...])
    hp_ref[...] = lax.dot_general(h1, w2_ref[...], (((1,), (1,)), ((), ())),
                                  preferred_element_type=jnp.float32,
                                  precision=lax.Precision.HIGHEST) + b2_ref[...]


def _tc2(c_all, N, N_pad, attention, W1, b1_2d, a2d, W2, b2_2d):
    H = c_all.shape[1]
    BN = N_pad // NS
    assert N_pad % BN == 0
    grid = ((N + BN - 1) // BN,)
    off_blocks = N_pad // BN
    full = lambda i: (0, 0)
    blk = lambda i: (i, 0)
    blk1 = lambda i: (i + off_blocks, 0)
    return pl.pallas_call(
        _tc2_body,
        grid=grid,
        in_specs=[
            pl.BlockSpec((BN, H), blk),
            pl.BlockSpec((BN, H), blk1),
            pl.BlockSpec((1, H), full),
            pl.BlockSpec((H, H), full),
            pl.BlockSpec((1, H), full),
            pl.BlockSpec((1, 1), full),
            pl.BlockSpec((H, H), full),
            pl.BlockSpec((1, H), full),
        ],
        out_specs=[
            pl.BlockSpec((BN, H), blk),
            pl.BlockSpec((BN, H), blk),
        ],
        out_shape=[
            jax.ShapeDtypeStruct((N, H), jnp.float32),
            jax.ShapeDtypeStruct((N, H), jnp.float32),
        ],
    )(c_all, c_all, attention, W1, b1_2d, a2d, W2, b2_2d)


def _sum_body(a_ref, b_ref, o_ref):
    o_ref[...] = a_ref[...] + b_ref[...]


def _tc_sum(up_p, N_pad):
    H = up_p.shape[1]
    BN = N_pad // NS
    grid = (NS,)
    return pl.pallas_call(
        _sum_body,
        grid=grid,
        in_specs=[
            pl.BlockSpec((BN, H), lambda i: (i, 0)),
            pl.BlockSpec((BN, H), lambda i: (i + NS, 0)),
        ],
        out_specs=pl.BlockSpec((BN, H), lambda i: (i, 0)),
        out_shape=jax.ShapeDtypeStruct((N_pad, H), jnp.float32),
    )(up_p, up_p)


def _phase(src_hbm, xc_hbm, acc, idx_v, rows_v, gsem, ssem, w, T, K):
    R = T // DEPTH
    assert T % DEPTH == 0 and R >= 2

    def load_round(r, r3):
        base = pl.multiple_of(w * T + r * DEPTH, DEPTH)
        pltpu.sync_copy(xc_hbm.at[pl.ds(base, DEPTH)], idx_v.at[r3])

    def slot(q):
        return rows_v.at[pl.ds(q * K, K)]

    def fire_gather(r3, i, q):
        pltpu.async_copy(src_hbm.at[idx_v.at[r3, i, 0]], slot(q), gsem.at[q])

    def wait_gather(r3, i, q):
        pltpu.make_async_copy(src_hbm.at[idx_v.at[r3, i, 0]], slot(q),
                              gsem.at[q]).wait()

    def fire_scatter(r3, i, q):
        pltpu.async_copy(slot(q), acc.at[idx_v.at[r3, i, 1]], ssem.at[q],
                         add=True)

    def wait_scatter(r3, i, q):
        pltpu.make_async_copy(slot(q), acc.at[idx_v.at[r3, i, 1]],
                              ssem.at[q]).wait()

    def visit(rm3, q, first, last):
        if not last:
            qa = (q + LEAD) % DEPTH
            if q < DEPTH - LEAD:
                rg3 = rm3
            else:
                rg3 = _rem3(rm3 + 1)
            if not (first and q < DEPTH - LEAD):
                wait_scatter(rm3, q, qa)
            fire_gather(rg3, qa, qa)
        wait_gather(rm3, q, q)
        fire_scatter(rm3, q, q)

    def _rem3(v):
        if isinstance(v, int):
            return v % 3
        return lax.rem(v, 3)

    load_round(0, 0)
    load_round(1, 1)
    for q in range(LEAD):
        fire_gather(0, q, q)
    for q in range(DEPTH):
        visit(0, q, True, False)

    def round_body(r, carry):
        rm3 = lax.rem(r, 3)
        load_round(r + 1, lax.rem(r + 1, 3))
        for q in range(DEPTH):
            visit(rm3, q, False, False)
        return carry

    lax.fori_loop(1, R - 1, round_body, 0)

    for q in range(DEPTH):
        visit((R - 1) % 3, q, False, q >= DEPTH - LEAD)
    for q in range(DEPTH):
        wait_scatter(0, 0, q)


def _make_sc_upper(N_pad, H, T):
    RPT = N_pad // NS
    K = KCH
    mesh = plsc.VectorSubcoreMesh(core_axis_name="c", subcore_axis_name="s",
                                  num_cores=NC, num_subcores=NS)

    @functools.partial(
        pl.kernel,
        out_type=jax.ShapeDtypeStruct((2 * N_pad, H), jnp.float32),
        mesh=mesh,
        scratch_types=[
            pltpu.VMEM_SHARED((N_pad, H), jnp.float32),
            pltpu.VMEM((3, DEPTH, 2, K), jnp.int32),
            pltpu.VMEM((DEPTH * K, H), jnp.float32),
            pltpu.SemaphoreType.DMA((DEPTH,)),
            pltpu.SemaphoreType.DMA((DEPTH,)),
        ],
    )
    def sc_upper(xh_hbm, xc_hbm, z_hbm, out, acc, idx_v, rows_v, gsem, ssem):
        c = lax.axis_index("c")
        s = lax.axis_index("s")
        w = s * NC + c
        pltpu.sync_copy(z_hbm, acc.at[pl.ds(s * RPT, RPT)])
        plsc.subcore_barrier()
        _phase(xh_hbm, xc_hbm, acc, idx_v, rows_v, gsem, ssem, w, T, K)
        plsc.subcore_barrier()
        off = pl.multiple_of(c * N_pad + s * RPT, 8)
        pltpu.sync_copy(acc.at[pl.ds(s * RPT, RPT)], out.at[pl.ds(off, RPT)])

    return sc_upper


def _make_sc_combine(N_pad, H, TE, TB):
    RPT = N_pad // NS
    K = KCH
    mesh = plsc.VectorSubcoreMesh(core_axis_name="c", subcore_axis_name="s",
                                  num_cores=NC, num_subcores=NS)

    @functools.partial(
        pl.kernel,
        out_type=jax.ShapeDtypeStruct((2 * N_pad, H), jnp.float32),
        mesh=mesh,
        scratch_types=[
            pltpu.VMEM_SHARED((N_pad, H), jnp.float32),
            pltpu.VMEM((3, DEPTH, 2, K), jnp.int32),
            pltpu.VMEM((DEPTH * K, H), jnp.float32),
            pltpu.SemaphoreType.DMA((DEPTH,)),
            pltpu.SemaphoreType.DMA((DEPTH,)),
        ],
    )
    def sc_combine(xt_hbm, xce_hbm, up_hbm, xcb_hbm, z_hbm, out,
                   acc, idx_v, rows_v, gsem, ssem):
        c = lax.axis_index("c")
        s = lax.axis_index("s")
        w = s * NC + c
        pltpu.sync_copy(z_hbm, acc.at[pl.ds(s * RPT, RPT)])
        plsc.subcore_barrier()
        _phase(xt_hbm, xce_hbm, acc, idx_v, rows_v, gsem, ssem, w, TE, K)
        _phase(up_hbm, xcb_hbm, acc, idx_v, rows_v, gsem, ssem, w, TB, K)
        plsc.subcore_barrier()
        off = pl.multiple_of(c * N_pad + s * RPT, 8)
        pltpu.sync_copy(acc.at[pl.ds(s * RPT, RPT)], out.at[pl.ds(off, RPT)])

    return sc_combine


def _pad_and_order(gidx, sidx, trash):
    K = KCH
    ne = gidx.shape[0]
    quantum = NW * K * DEPTH
    ne_pad = max(2, -(-ne // quantum)) * quantum
    pad = ne_pad - ne
    gp = jnp.concatenate([gidx, jnp.zeros((pad,), jnp.int32)])
    sp = jnp.concatenate([sidx, jnp.full((pad,), trash, jnp.int32)])
    C = ne_pad // K
    T = C // NW
    xc = jnp.stack([gp.reshape(C, K), sp.reshape(C, K)], axis=1)
    order = (jnp.arange(NW)[:, None] + jnp.arange(T)[None, :] * NW).reshape(-1)
    return xc[order], T


def kernel(x, adj_indices, bup_indices, W_lin, b_lin, attention, W1, b1,
           prelu_a, W2, b2):
    N, D = x.shape
    H = W_lin.shape[0]

    RPT = ((N + NS - 1) // NS + 7) // 8 * 8
    N_pad = NS * RPT
    zeros = jnp.zeros((RPT, H), jnp.float32)
    trash = N_pad - 1

    xce, TE = _pad_and_order(adj_indices[1], adj_indices[0], trash)
    xcb_up, TU = _pad_and_order(bup_indices[1], bup_indices[0], trash)
    xcb, TB = _pad_and_order(bup_indices[0], bup_indices[1], trash)

    x_trans, x_half = _tc1(x, W_lin, b_lin.reshape(1, H))

    up_p = _make_sc_upper(N_pad, H, TU)(x_half, xcb_up, zeros)
    up_sum = _tc_sum(up_p, N_pad)

    c_all = _make_sc_combine(N_pad, H, TE, TB)(
        x_trans, xce, up_sum, xcb, zeros)

    h_online, h_pred = _tc2(c_all, N, N_pad, attention, W1, b1.reshape(1, H),
                            prelu_a.reshape(1, 1), W2, b2.reshape(1, H))
    return (h_online, h_pred, h_online)

# --- scband reference (transcript-rebuilt; emitter-appended) ---
"""Pipeline reference for scband-cell-complex-online-54065048322397 (READ-ONLY COPY).

The authoritative reference and input builder live on the scoring server;
editing this copy changes nothing except your own understanding.
"""

import jax, jax.numpy as jnp
import numpy as np

N = 10000   # num 0-cells (nodes)
E = 320000  # adjacency nnz
EB = 60000  # upper boundary nnz
D = 128     # in_channels
H = 128     # hidden_dim


def setup_inputs(seed: int = 0) -> dict:
    key = jax.random.key(seed)
    ks = jax.random.split(key, 12)
    x = jax.random.normal(ks[0], (N, D), dtype=jnp.float32)
    adj_indices = jax.random.randint(ks[1], (2, E), 0, N, dtype=jnp.int32)
    bup_indices = jax.random.randint(ks[2], (2, EB), 0, N, dtype=jnp.int32)
    # KCellMessagePassing params (online encoder dim_0; target encoder is an
    # exact copy at init, so the same arrays are reused under stop_gradient)
    W_lin = jax.random.normal(ks[3], (H, D), dtype=jnp.float32) * (1.0 / np.sqrt(D))
    b_lin = jnp.zeros((H,), dtype=jnp.float32)
    attention = jax.random.normal(ks[4], (1, H), dtype=jnp.float32) * (1.0 / np.sqrt(H))
    # predictor: Linear(H,H) -> PReLU -> Linear(H,H)
    W1 = jax.random.normal(ks[5], (H, H), dtype=jnp.float32) * (1.0 / np.sqrt(H))
    b1 = jnp.zeros((H,), dtype=jnp.float32)
    prelu_a = jnp.array(0.25, dtype=jnp.float32)
    W2 = jax.random.normal(ks[6], (H, H), dtype=jnp.float32) * (1.0 / np.sqrt(H))
    b2 = jnp.zeros((H,), dtype=jnp.float32)
    return {"x": x, "adj_indices": adj_indices, "bup_indices": bup_indices,
            "W_lin": W_lin, "b_lin": b_lin, "attention": attention,
            "W1": W1, "b1": b1, "prelu_a": prelu_a, "W2": W2, "b2": b2}


def _encode(x, adj_indices, bup_indices, W_lin, b_lin, attention):
    # KCellMessagePassing.forward for dim 0 (boundary_down is None)
    x_trans = x @ W_lin.T + b_lin                               # [N, H]
    row, col = adj_indices[0], adj_indices[1]
    # msg_same_dim = sparse.mm(A, x_trans), A values = 1.0
    msg_same = jnp.zeros_like(x_trans).at[row].add(x_trans[col])
    # boundary_up B: [N_upper, N] (N_upper == N here), values = 1.0
    br, bc = bup_indices[0], bup_indices[1]
    upper_features = jnp.zeros((N, H), dtype=x_trans.dtype).at[br].add(x_trans[bc])  # B @ x_trans
    msg_up = jnp.zeros_like(x_trans).at[bc].add(upper_features[br])                   # B.T @ upper
    combined = msg_same + 0.5 * msg_up  # msg_down is zero (no lower boundary)
    att_w = jax.nn.sigmoid(combined @ attention.T)  # [N, 1]
    return att_w * combined


def reference(x, adj_indices, bup_indices, W_lin, b_lin, attention, W1, b1, prelu_a, W2, b2):
    # HierarchicalMessagePassing over a single dim -> mean over 1 output = output
    h_online = _encode(x, adj_indices, bup_indices, W_lin, b_lin, attention)
    # predictor
    h1 = h_online @ W1.T + b1
    h1 = jnp.where(h1 >= 0, h1, prelu_a * h1)
    h_pred = h1 @ W2.T + b2
    # target encoder: params copied from online at init, computed under no_grad
    h_target = jax.lax.stop_gradient(_encode(x, adj_indices, bup_indices, W_lin, b_lin, attention))
    return (h_online, h_pred, h_target)

if __name__ == "__main__":
    import jax
    _d = setup_inputs()
    print(jax.jit(kernel)(*tuple(_d.values())))

</pallas_src>

<mosaic_0001>
#map = affine_map<(d0, d1) -> (0, 0)>
#map1 = affine_map<(d0, d1) -> (0, 0, 0)>
module attributes {stable_mosaic.version = 14 : i64} {
  func.func @sc_upper(%arg0: i32, %arg1: i32, %arg2: memref<10000x128xf32, #tpu.memory_space<hbm>>, %arg3: memref<960x2x64xi32, #tpu.memory_space<hbm>>, %arg4: memref<632x128xf32, #tpu.memory_space<hbm>>, %arg5: memref<20224x128xf32, #tpu.memory_space<hbm>>, %arg6: memref<10112x128xf32, #tpu.memory_space<vmem_shared>>, %arg7: memref<3x5x2x64xi32, #tpu.memory_space<vmem>>, %arg8: memref<320x128xf32, #tpu.memory_space<vmem>>, %arg9: memref<5x!tpu.dma_semaphore, #tpu.memory_space<semaphore_mem>>, %arg10: memref<5x!tpu.dma_semaphore, #tpu.memory_space<semaphore_mem>>) attributes {dimension_semantics = [#tpu.dimension_semantics<core_parallel>, #tpu.dimension_semantics<subcore_parallel>], iteration_bounds = array<i64: 2, 16>, scalar_prefetch = 0 : i64, scratch_operands = 5 : i64, tpu.core_type = #tpu.core_type<sc_vector_subcore>, window_params = [{transform_indices = #map}, {transform_indices = #map1}, {transform_indices = #map}, {transform_indices = #map}]} {
    %mul3A = arith.constant 2 : i32
    %mul3A_0 = arith.muli %arg1, %mul3A : i32
    %add3A = arith.addi %mul3A_0, %arg0 : i32
    %mul3A_1 = arith.constant 632 : i32
    %mul3A_2 = arith.muli %arg1, %mul3A_1 : i32
    "tpu.region"() ({
      %run_scoped3A_625 = tpu.sem_alloc : memref<!tpu.dma_semaphore, #tpu.memory_space<semaphore_mem>>
      %dma_start3A_626 = arith.constant 0 : i32
      %dma_start3A_627 = tpu.memref_slice %arg6[%mul3A_2, %dma_start3A_626] : memref<10112x128xf32, #tpu.memory_space<vmem_shared>> -> memref<632x128xf32, #tpu.memory_space<vmem_shared>>
      tpu.enqueue_dma source(%arg4 : memref<632x128xf32, #tpu.memory_space<hbm>>) target(%dma_start3A_627 : memref<632x128xf32, #tpu.memory_space<vmem_shared>>) target_semaphore(%run_scoped3A_625 : memref<!tpu.dma_semaphore, #tpu.memory_space<semaphore_mem>>)
      %dma_wait3A_628 = arith.constant 0 : i32
      %dma_wait3A_629 = tpu.memref_slice %arg6[%mul3A_2, %dma_wait3A_628] : memref<10112x128xf32, #tpu.memory_space<vmem_shared>> -> memref<632x128xf32, #tpu.memory_space<vmem_shared>>
      tpu.wait_dma2 semaphore(%run_scoped3A_625 : memref<!tpu.dma_semaphore, #tpu.memory_space<semaphore_mem>>) src(%arg4 : memref<632x128xf32, #tpu.memory_space<hbm>>) dst(%dma_wait3A_629 : memref<632x128xf32, #tpu.memory_space<vmem_shared>>)
      tpu.yield
    }) : () -> ()
    %barrier3A = arith.constant 0 : index
    tpu.barrier barrier_id(%barrier3A)
    %mul3A_3 = arith.constant 30 : i32
    %mul3A_4 = arith.muli %add3A, %mul3A_3 : i32
    %add3A_5 = arith.constant 0 : i32
    %add3A_6 = arith.addi %mul3A_4, %add3A_5 : i32
    %multiple_of3A = tpu.assume_multiple %add3A_6, 5 : i32
    %run_scoped3A = arith.constant 0 : i32
    "tpu.region"() ({
      %run_scoped3A_625 = tpu.sem_alloc : memref<!tpu.dma_semaphore, #tpu.memory_space<semaphore_mem>>
      %dma_start3A_626 = arith.constant 0 : i32
      %dma_start3A_627 = arith.constant 0 : i32
      %dma_start3A_628 = arith.constant 0 : i32
      %dma_start3A_629 = tpu.memref_slice %arg7[%run_scoped3A, %dma_start3A_626, %dma_start3A_627, %dma_start3A_628] : memref<3x5x2x64xi32, #tpu.memory_space<vmem>> -> memref<1x5x2x64xi32, #tpu.memory_space<vmem>>
      %dma_start3A_630 = tpu.memref_squeeze %dma_start3A_629 : memref<1x5x2x64xi32, #tpu.memory_space<vmem>> -> memref<5x2x64xi32, #tpu.memory_space<vmem>>
      %dma_start3A_631 = arith.constant 0 : i32
      %dma_start3A_632 = arith.constant 0 : i32
      %dma_start3A_633 = tpu.memref_slice %arg3[%multiple_of3A, %dma_start3A_631, %dma_start3A_632] : memref<960x2x64xi32, #tpu.memory_space<hbm>> -> memref<5x2x64xi32, #tpu.memory_space<hbm>>
      %dma_start3A_634 = arith.constant 0 : i32
      %dma_start3A_635 = arith.constant 0 : i32
      %dma_start3A_636 = arith.constant 0 : i32
      %dma_start3A_637 = tpu.memref_slice %arg7[%run_scoped3A, %dma_start3A_634, %dma_start3A_635, %dma_start3A_636] : memref<3x5x2x64xi32, #tpu.memory_space<vmem>> -> memref<1x5x2x64xi32, #tpu.memory_space<vmem>>
      %dma_start3A_638 = tpu.memref_squeeze %dma_start3A_637 : memref<1x5x2x64xi32, #tpu.memory_space<vmem>> -> memref<5x2x64xi32, #tpu.memory_space<vmem>>
      %dma_start3A_639 = arith.constant 0 : i32
      %dma_start3A_640 = arith.constant 0 : i32
      %dma_start3A_641 = tpu.memref_slice %arg3[%multiple_of3A, %dma_start3A_639, %dma_start3A_640] : memref<960x2x64xi32, #tpu.memory_space<hbm>> -> memref<5x2x64xi32, #tpu.memory_space<hbm>>
      tpu.enqueue_dma source(%dma_start3A_641 : memref<5x2x64xi32, #tpu.memory_space<hbm>>) target(%dma_start3A_638 : memref<5x2x64xi32, #tpu.memory_space<vmem>>) target_semaphore(%run_scoped3A_625 : memref<!tpu.dma_semaphore, #tpu.memory_space<semaphore_mem>>)
      %dma_wait3A_642 = arith.constant 0 : i32
      %dma_wait3A_643 = arith.constant 0 : i32
      %dma_wait3A_644 = arith.constant 0 : i32
      %dma_wait3A_645 = tpu.memref_slice %arg7[%run_scoped3A, %dma_wait3A_642, %dma_wait3A_643, %dma_wait3A_644] : memref<3x5x2x64xi32, #tpu.memory_space<vmem>> -> memref<1x5x2x64xi32, #tpu.memory_space<vmem>>
      %dma_wait3A_646 = tpu.memref_squeeze %dma_wait3A_645 : memref<1x5x2x64xi32, #tpu.memory_space<vmem>> -> memref<5x2x64xi32, #tpu.memory_space<vmem>>
      %dma_wait3A_647 = arith.constant 0 : i32
      %dma_wait3A_648 = arith.constant 0 : i32
      %dma_wait3A_649 = tpu.memref_slice %arg3[%multiple_of3A, %dma_wait3A_647, %dma_wait3A_648] : memref<960x2x64xi32, #tpu.memory_space<hbm>> -> memref<5x2x64xi32, #tpu.memory_space<hbm>>
      %dma_wait3A_650 = arith.constant 0 : i32
      %dma_wait3A_651 = arith.constant 0 : i32
      %dma_wait3A_652 = arith.constant 0 : i32
      %dma_wait3A_653 = tpu.memref_slice %arg7[%run_scoped3A, %dma_wait3A_650, %dma_wait3A_651, %dma_wait3A_652] : memref<3x5x2x64xi32, #tpu.memory_space<vmem>> -> memref<1x5x2x64xi32, #tpu.memory_space<vmem>>
      %dma_wait3A_654 = tpu.memref_squeeze %dma_wait3A_653 : memref<1x5x2x64xi32, #tpu.memory_space<vmem>> -> memref<5x2x64xi32, #tpu.memory_space<vmem>>
      %dma_wait3A_655 = arith.constant 0 : i32
      %dma_wait3A_656 = arith.constant 0 : i32
      %dma_wait3A_657 = tpu.memref_slice %arg3[%multiple_of3A, %dma_wait3A_655, %dma_wait3A_656] : memref<960x2x64xi32, #tpu.memory_space<hbm>> -> memref<5x2x64xi32, #tpu.memory_space<hbm>>
      tpu.wait_dma2 semaphore(%run_scoped3A_625 : memref<!tpu.dma_semaphore, #tpu.memory_space<semaphore_mem>>) src(%dma_wait3A_657 : memref<5x2x64xi32, #tpu.memory_space<hbm>>) dst(%dma_wait3A_654 : memref<5x2x64xi32, #tpu.memory_space<vmem>>)
      tpu.yield
    }) : () -> ()
    %mul3A_7 = arith.constant 30 : i32
    %mul3A_8 = arith.muli %add3A, %mul3A_7 : i32
    %add3A_9 = arith.constant 5 : i32
    %add3A_10 = arith.addi %mul3A_8, %add3A_9 : i32
    %multiple_of3A_11 = tpu.assume_multiple %add3A_10, 5 : i32
    %run_scoped3A_12 = arith.constant 1 : i32
    "tpu.region"() ({
      %run_scoped3A_625 = tpu.sem_alloc : memref<!tpu.dma_semaphore, #tpu.memory_space<semaphore_mem>>
      %dma_start3A_626 = arith.constant 0 : i32
      %dma_start3A_627 = arith.constant 0 : i32
      %dma_start3A_628 = arith.constant 0 : i32
      %dma_start3A_629 = tpu.memref_slice %arg7[%run_scoped3A_12, %dma_start3A_626, %dma_start3A_627, %dma_start3A_628] : memref<3x5x2x64xi32, #tpu.memory_space<vmem>> -> memref<1x5x2x64xi32, #tpu.memory_space<vmem>>
      %dma_start3A_630 = tpu.memref_squeeze %dma_start3A_629 : memref<1x5x2x64xi32, #tpu.memory_space<vmem>> -> memref<5x2x64xi32, #tpu.memory_space<vmem>>
      %dma_start3A_631 = arith.constant 0 : i32
      %dma_start3A_632 = arith.constant 0 : i32
      %dma_start3A_633 = tpu.memref_slice %arg3[%multiple_of3A_11, %dma_start3A_631, %dma_start3A_632] : memref<960x2x64xi32, #tpu.memory_space<hbm>> -> memref<5x2x64xi32, #tpu.memory_space<hbm>>
      %dma_start3A_634 = arith.constant 0 : i32
      %dma_start3A_635 = arith.constant 0 : i32
      %dma_start3A_636 = arith.constant 0 : i32
      %dma_start3A_637 = tpu.memref_slice %arg7[%run_scoped3A_12, %dma_start3A_634, %dma_start3A_635, %dma_start3A_636] : memref<3x5x2x64xi32, #tpu.memory_space<vmem>> -> memref<1x5x2x64xi32, #tpu.memory_space<vmem>>
      %dma_start3A_638 = tpu.memref_squeeze %dma_start3A_637 : memref<1x5x2x64xi32, #tpu.memory_space<vmem>> -> memref<5x2x64xi32, #tpu.memory_space<vmem>>
      %dma_start3A_639 = arith.constant 0 : i32
      %dma_start3A_640 = arith.constant 0 : i32
      %dma_start3A_641 = tpu.memref_slice %arg3[%multiple_of3A_11, %dma_start3A_639, %dma_start3A_640] : memref<960x2x64xi32, #tpu.memory_space<hbm>> -> memref<5x2x64xi32, #tpu.memory_space<hbm>>
      tpu.enqueue_dma source(%dma_start3A_641 : memref<5x2x64xi32, #tpu.memory_space<hbm>>) target(%dma_start3A_638 : memref<5x2x64xi32, #tpu.memory_space<vmem>>) target_semaphore(%run_scoped3A_625 : memref<!tpu.dma_semaphore, #tpu.memory_space<semaphore_mem>>)
      %dma_wait3A_642 = arith.constant 0 : i32
      %dma_wait3A_643 = arith.constant 0 : i32
      %dma_wait3A_644 = arith.constant 0 : i32
      %dma_wait3A_645 = tpu.memref_slice %arg7[%run_scoped3A_12, %dma_wait3A_642, %dma_wait3A_643, %dma_wait3A_644] : memref<3x5x2x64xi32, #tpu.memory_space<vmem>> -> memref<1x5x2x64xi32, #tpu.memory_space<vmem>>
      %dma_wait3A_646 = tpu.memref_squeeze %dma_wait3A_645 : memref<1x5x2x64xi32, #tpu.memory_space<vmem>> -> memref<5x2x64xi32, #tpu.memory_space<vmem>>
      %dma_wait3A_647 = arith.constant 0 : i32
      %dma_wait3A_648 = arith.constant 0 : i32
      %dma_wait3A_649 = tpu.memref_slice %arg3[%multiple_of3A_11, %dma_wait3A_647, %dma_wait3A_648] : memref<960x2x64xi32, #tpu.memory_space<hbm>> -> memref<5x2x64xi32, #tpu.memory_space<hbm>>
      %dma_wait3A_650 = arith.constant 0 : i32
      %dma_wait3A_651 = arith.constant 0 : i32
      %dma_wait3A_652 = arith.constant 0 : i32
      %dma_wait3A_653 = tpu.memref_slice %arg7[%run_scoped3A_12, %dma_wait3A_650, %dma_wait3A_651, %dma_wait3A_652] : memref<3x5x2x64xi32, #tpu.memory_space<vmem>> -> memref<1x5x2x64xi32, #tpu.memory_space<vmem>>
      %dma_wait3A_654 = tpu.memref_squeeze %dma_wait3A_653 : memref<1x5x2x64xi32, #tpu.memory_space<vmem>> -> memref<5x2x64xi32, #tpu.memory_space<vmem>>
      %dma_wait3A_655 = arith.constant 0 : i32
      %dma_wait3A_656 = arith.constant 0 : i32
      %dma_wait3A_657 = tpu.memref_slice %arg3[%multiple_of3A_11, %dma_wait3A_655, %dma_wait3A_656] : memref<960x2x64xi32, #tpu.memory_space<hbm>> -> memref<5x2x64xi32, #tpu.memory_space<hbm>>
      tpu.wait_dma2 semaphore(%run_scoped3A_625 : memref<!tpu.dma_semaphore, #tpu.memory_space<semaphore_mem>>) src(%dma_wait3A_657 : memref<5x2x64xi32, #tpu.memory_space<hbm>>) dst(%dma_wait3A_654 : memref<5x2x64xi32, #tpu.memory_space<vmem>>)
      tpu.yield
    }) : () -> ()
    %dma_start3A = arith.constant 0 : i32
    %dma_start3A_13 = arith.constant 0 : i32
    %dma_start3A_14 = arith.constant 0 : i32
    %dma_start3A_15 = arith.constant 0 : i32
    %dma_start3A_16 = arith.constant 0 : i32
    %dma_start3A_17 = arith.constant 0 : i32
    %dma_start3A_18 = tpu.memref_slice %arg8[%dma_start3A_16, %dma_start3A_17] : memref<320x128xf32, #tpu.memory_space<vmem>> -> memref<64x128xf32, #tpu.memory_space<vmem>>
    %dma_start3A_19 = arith.constant 0 : i32
    %dma_start3A_20 = tpu.memref_slice %arg7[%dma_start3A, %dma_start3A_13, %dma_start3A_14, %dma_start3A_19] : memref<3x5x2x64xi32, #tpu.memory_space<vmem>> -> memref<1x1x1x64xi32, #tpu.memory_space<vmem>>
    %dma_start3A_21 = tpu.memref_squeeze %dma_start3A_20 : memref<1x1x1x64xi32, #tpu.memory_space<vmem>> -> memref<64xi32, #tpu.memory_space<vmem>>
    %dma_start3A_22 = arith.constant 0 : i32
    %dma_start3A_23 = arith.constant 0 : i32
    %dma_start3A_24 = tpu.memref_slice %arg2[%dma_start3A_22, %dma_start3A_23] : memref<10000x128xf32, #tpu.memory_space<hbm>> -> memref<10000x128xf32, #tpu.memory_space<hbm>>
    %dma_start3A_25 = tpu.memref_slice %arg9[%dma_start3A_15] : memref<5x!tpu.dma_semaphore, #tpu.memory_space<semaphore_mem>> -> memref<1x!tpu.dma_semaphore, #tpu.memory_space<semaphore_mem>>
    %dma_start3A_26 = tpu.memref_squeeze %dma_start3A_25 : memref<1x!tpu.dma_semaphore, #tpu.memory_space<semaphore_mem>> -> memref<!tpu.dma_semaphore, #tpu.memory_space<semaphore_mem>>
    tpu.enqueue_indirect_dma source(%dma_start3A_24 : memref<10000x128xf32, #tpu.memory_space<hbm>>) target(%dma_start3A_18 : memref<64x128xf32, #tpu.memory_space<vmem>>) offsets(%dma_start3A_21 : memref<64xi32, #tpu.memory_space<vmem>>) semaphore(%dma_start3A_26 : memref<!tpu.dma_semaphore, #tpu.memory_space<semaphore_mem>>)
    %dma_start3A_27 = arith.constant 0 : i32
    %dma_start3A_28 = arith.constant 1 : i32
    %dma_start3A_29 = arith.constant 0 : i32
    %dma_start3A_30 = arith.constant 1 : i32
    %dma_start3A_31 = arith.constant 64 : i32
    %dma_start3A_32 = arith.constant 0 : i32
    %dma_start3A_33 = tpu.memref_slice %arg8[%dma_start3A_31, %dma_start3A_32] : memref<320x128xf32, #tpu.memory_space<vmem>> -> memref<64x128xf32, #tpu.memory_space<vmem>>
    %dma_start3A_34 = arith.constant 0 : i32
    %dma_start3A_35 = tpu.memref_slice %arg7[%dma_start3A_27, %dma_start3A_28, %dma_start3A_29, %dma_start3A_34] : memref<3x5x2x64xi32, #tpu.memory_space<vmem>> -> memref<1x1x1x64xi32, #tpu.memory_space<vmem>>
    %dma_start3A_36 = tpu.memref_squeeze %dma_start3A_35 : memref<1x1x1x64xi32, #tpu.memory_space<vmem>> -> memref<64xi32, #tpu.memory_space<vmem>>
    %dma_start3A_37 = arith.constant 0 : i32
    %dma_start3A_38 = arith.constant 0 : i32
    %dma_start3A_39 = tpu.memref_slice %arg2[%dma_start3A_37, %dma_start3A_38] : memref<10000x128xf32, #tpu.memory_space<hbm>> -> memref<10000x128xf32, #tpu.memory_space<hbm>>
    %dma_start3A_40 = tpu.memref_slice %arg9[%dma_start3A_30] : memref<5x!tpu.dma_semaphore, #tpu.memory_space<semaphore_mem>> -> memref<1x!tpu.dma_semaphore, #tpu.memory_space<semaphore_mem>>
    %dma_start3A_41 = tpu.memref_squeeze %dma_start3A_40 : memref<1x!tpu.dma_semaphore, #tpu.memory_space<semaphore_mem>> -> memref<!tpu.dma_semaphore, #tpu.memory_space<semaphore_mem>>
    tpu.enqueue_indirect_dma source(%dma_start3A_39 : memref<10000x128xf32, #tpu.memory_space<hbm>>) target(%dma_start3A_33 : memref<64x128xf32, #tpu.memory_space<vmem>>) offsets(%dma_start3A_36 : memref<64xi32, #tpu.memory_space<vmem>>) semaphore(%dma_start3A_41 : memref<!tpu.dma_semaphore, #tpu.memory_space<semaphore_mem>>)
    %dma_start3A_42 = arith.constant 0 : i32
    %dma_start3A_43 = arith.constant 2 : i32
    %dma_start3A_44 = arith.constant 0 : i32
    %dma_start3A_45 = arith.constant 2 : i32
    %dma_start3A_46 = arith.constant 128 : i32
    %dma_start3A_47 = arith.constant 0 : i32
    %dma_start3A_48 = tpu.memref_slice %arg8[%dma_start3A_46, %dma_start3A_47] : memref<320x128xf32, #tpu.memory_space<vmem>> -> memref<64x128xf32, #tpu.memory_space<vmem>>
    %dma_start3A_49 = arith.constant 0 : i32
    %dma_start3A_50 = tpu.memref_slice %arg7[%dma_start3A_42, %dma_start3A_43, %dma_start3A_44, %dma_start3A_49] : memref<3x5x2x64xi32, #tpu.memory_space<vmem>> -> memref<1x1x1x64xi32, #tpu.memory_space<vmem>>
    %dma_start3A_51 = tpu.memref_squeeze %dma_start3A_50 : memref<1x1x1x64xi32, #tpu.memory_space<vmem>> -> memref<64xi32, #tpu.memory_space<vmem>>
    %dma_start3A_52 = arith.constant 0 : i32
    %dma_start3A_53 = arith.constant 0 : i32
    %dma_start3A_54 = tpu.memref_slice %arg2[%dma_start3A_52, %dma_start3A_53] : memref<10000x128xf32, #tpu.memory_space<hbm>> -> memref<10000x128xf32, #tpu.memory_space<hbm>>
    %dma_start3A_55 = tpu.memref_slice %arg9[%dma_start3A_45] : memref<5x!tpu.dma_semaphore, #tpu.memory_space<semaphore_mem>> -> memref<1x!tpu.dma_semaphore, #tpu.memory_space<semaphore_mem>>
    %dma_start3A_56 = tpu.memref_squeeze %dma_start3A_55 : memref<1x!tpu.dma_semaphore, #tpu.memory_space<semaphore_mem>> -> memref<!tpu.dma_semaphore, #tpu.memory_space<semaphore_mem>>
    tpu.enqueue_indirect_dma source(%dma_start3A_54 : memref<10000x128xf32, #tpu.memory_space<hbm>>) target(%dma_start3A_48 : memref<64x128xf32, #tpu.memory_space<vmem>>) offsets(%dma_start3A_51 : memref<64xi32, #tpu.memory_space<vmem>>) semaphore(%dma_start3A_56 : memref<!tpu.dma_semaphore, #tpu.memory_space<semaphore_mem>>)
    %dma_start3A_57 = arith.constant 0 : i32
    %dma_start3A_58 = arith.constant 3 : i32
    %dma_start3A_59 = arith.constant 0 : i32
    %dma_start3A_60 = arith.constant 3 : i32
    %dma_start3A_61 = arith.constant 192 : i32
    %dma_start3A_62 = arith.constant 0 : i32
    %dma_start3A_63 = tpu.memref_slice %arg8[%dma_start3A_61, %dma_start3A_62] : memref<320x128xf32, #tpu.memory_space<vmem>> -> memref<64x128xf32, #tpu.memory_space<vmem>>
    %dma_start3A_64 = arith.constant 0 : i32
    %dma_start3A_65 = tpu.memref_slice %arg7[%dma_start3A_57, %dma_start3A_58, %dma_start3A_59, %dma_start3A_64] : memref<3x5x2x64xi32, #tpu.memory_space<vmem>> -> memref<1x1x1x64xi32, #tpu.memory_space<vmem>>
    %dma_start3A_66 = tpu.memref_squeeze %dma_start3A_65 : memref<1x1x1x64xi32, #tpu.memory_space<vmem>> -> memref<64xi32, #tpu.memory_space<vmem>>
    %dma_start3A_67 = arith.constant 0 : i32
    %dma_start3A_68 = arith.constant 0 : i32
    %dma_start3A_69 = tpu.memref_slice %arg2[%dma_start3A_67, %dma_start3A_68] : memref<10000x128xf32, #tpu.memory_space<hbm>> -> memref<10000x128xf32, #tpu.memory_space<hbm>>
    %dma_start3A_70 = tpu.memref_slice %arg9[%dma_start3A_60] : memref<5x!tpu.dma_semaphore, #tpu.memory_space<semaphore_mem>> -> memref<1x!tpu.dma_semaphore, #tpu.memory_space<semaphore_mem>>
    %dma_start3A_71 = tpu.memref_squeeze %dma_start3A_70 : memref<1x!tpu.dma_semaphore, #tpu.memory_space<semaphore_mem>> -> memref<!tpu.dma_semaphore, #tpu.memory_space<semaphore_mem>>
    tpu.enqueue_indirect_dma source(%dma_start3A_69 : memref<10000x128xf32, #tpu.memory_space<hbm>>) target(%dma_start3A_63 : memref<64x128xf32, #tpu.memory_space<vmem>>) offsets(%dma_start3A_66 : memref<64xi32, #tpu.memory_space<vmem>>) semaphore(%dma_start3A_71 : memref<!tpu.dma_semaphore, #tpu.memory_space<semaphore_mem>>)
    %dma_wait3A = arith.constant 0 : i32
    %dma_wait3A_72 = arith.constant 0 : i32
    %dma_wait3A_73 = arith.constant 0 : i32
    %dma_wait3A_74 = arith.constant 0 : i32
    %dma_wait3A_75 = arith.constant 0 : i32
    %dma_wait3A_76 = arith.constant 0 : i32
    %dma_wait3A_77 = tpu.memref_slice %arg8[%dma_wait3A_75, %dma_wait3A_76] : memref<320x128xf32, #tpu.memory_space<vmem>> -> memref<64x128xf32, #tpu.memory_space<vmem>>
    %dma_wait3A_78 = arith.constant 0 : i32
    %dma_wait3A_79 = tpu.memref_slice %arg7[%dma_wait3A, %dma_wait3A_72, %dma_wait3A_73, %dma_wait3A_78] : memref<3x5x2x64xi32, #tpu.memory_space<vmem>> -> memref<1x1x1x64xi32, #tpu.memory_space<vmem>>
    %dma_wait3A_80 = tpu.memref_squeeze %dma_wait3A_79 : memref<1x1x1x64xi32, #tpu.memory_space<vmem>> -> memref<64xi32, #tpu.memory_space<vmem>>
    %dma_wait3A_81 = arith.constant 0 : i32
    %dma_wait3A_82 = arith.constant 0 : i32
    %dma_wait3A_83 = tpu.memref_slice %arg2[%dma_wait3A_81, %dma_wait3A_82] : memref<10000x128xf32, #tpu.memory_space<hbm>> -> memref<10000x128xf32, #tpu.memory_space<hbm>>
    %dma_wait3A_84 = tpu.memref_slice %arg9[%dma_wait3A_74] : memref<5x!tpu.dma_semaphore, #tpu.memory_space<semaphore_mem>> -> memref<1x!tpu.dma_semaphore, #tpu.memory_space<semaphore_mem>>
    %dma_wait3A_85 = tpu.memref_squeeze %dma_wait3A_84 : memref<1x!tpu.dma_semaphore, #tpu.memory_space<semaphore_mem>> -> memref<!tpu.dma_semaphore, #tpu.memory_space<semaphore_mem>>
    tpu.wait_indirect_dma semaphore(%dma_wait3A_85 : memref<!tpu.dma_semaphore, #tpu.memory_space<semaphore_mem>>) src(%dma_wait3A_83 : memref<10000x128xf32, #tpu.memory_space<hbm>>) dst(%dma_wait3A_77 : memref<64x128xf32, #tpu.memory_space<vmem>>)
    %dma_start3A_86 = arith.constant 0 : i32
    %dma_start3A_87 = arith.constant 0 : i32
    %dma_start3A_88 = arith.constant 1 : i32
    %dma_start3A_89 = arith.constant 0 : i32
    %dma_start3A_90 = arith.constant 0 : i32
    %dma_start3A_91 = arith.constant 0 : i32
    %dma_start3A_92 = tpu.memref_slice %arg8[%dma_start3A_90, %dma_start3A_91] : memref<320x128xf32, #tpu.memory_space<vmem>> -> memref<64x128xf32, #tpu.memory_space<vmem>>
    %dma_start3A_93 = arith.constant 0 : i32
    %dma_start3A_94 = tpu.memref_slice %arg7[%dma_start3A_86, %dma_start3A_87, %dma_start3A_88, %dma_start3A_93] : memref<3x5x2x64xi32, #tpu.memory_space<vmem>> -> memref<1x1x1x64xi32, #tpu.memory_space<vmem>>
    %dma_start3A_95 = tpu.memref_squeeze %dma_start3A_94 : memref<1x1x1x64xi32, #tpu.memory_space<vmem>> -> memref<64xi32, #tpu.memory_space<vmem>>
    %dma_start3A_96 = arith.constant 0 : i32
    %dma_start3A_97 = arith.constant 0 : i32
    %dma_start3A_98 = tpu.memref_slice %arg6[%dma_start3A_96, %dma_start3A_97] : memref<10112x128xf32, #tpu.memory_space<vmem_shared>> -> memref<10112x128xf32, #tpu.memory_space<vmem_shared>>
    %dma_start3A_99 = tpu.memref_slice %arg10[%dma_start3A_89] : memref<5x!tpu.dma_semaphore, #tpu.memory_space<semaphore_mem>> -> memref<1x!tpu.dma_semaphore, #tpu.memory_space<semaphore_mem>>
    %dma_start3A_100 = tpu.memref_squeeze %dma_start3A_99 : memref<1x!tpu.dma_semaphore, #tpu.memory_space<semaphore_mem>> -> memref<!tpu.dma_semaphore, #tpu.memory_space<semaphore_mem>>
    tpu.enqueue_indirect_dma source(%dma_start3A_92 : memref<64x128xf32, #tpu.memory_space<vmem>>) target(%dma_start3A_98 : memref<10112x128xf32, #tpu.memory_space<vmem_shared>>) offsets(%dma_start3A_95 : memref<64xi32, #tpu.memory_space<vmem>>) semaphore(%dma_start3A_100 : memref<!tpu.dma_semaphore, #tpu.memory_space<semaphore_mem>>) {add = true}
    %dma_start3A_101 = arith.constant 0 : i32
    %dma_start3A_102 = arith.constant 4 : i32
    %dma_start3A_103 = arith.constant 0 : i32
    %dma_start3A_104 = arith.constant 4 : i32
    %dma_start3A_105 = arith.constant 256 : i32
    %dma_start3A_106 = arith.constant 0 : i32
    %dma_start3A_107 = tpu.memref_slice %arg8[%dma_start3A_105, %dma_start3A_106] : memref<320x128xf32, #tpu.memory_space<vmem>> -> memref<64x128xf32, #tpu.memory_space<vmem>>
    %dma_start3A_108 = arith.constant 0 : i32
    %dma_start3A_109 = tpu.memref_slice %arg7[%dma_start3A_101, %dma_start3A_102, %dma_start3A_103, %dma_start3A_108] : memref<3x5x2x64xi32, #tpu.memory_space<vmem>> -> memref<1x1x1x64xi32, #tpu.memory_space<vmem>>
    %dma_start3A_110 = tpu.memref_squeeze %dma_start3A_109 : memref<1x1x1x64xi32, #tpu.memory_space<vmem>> -> memref<64xi32, #tpu.memory_space<vmem>>
    %dma_start3A_111 = arith.constant 0 : i32
    %dma_start3A_112 = arith.constant 0 : i32
    %dma_start3A_113 = tpu.memref_slice %arg2[%dma_start3A_111, %dma_start3A_112] : memref<10000x128xf32, #tpu.memory_space<hbm>> -> memref<10000x128xf32, #tpu.memory_space<hbm>>
    %dma_start3A_114 = tpu.memref_slice %arg9[%dma_start3A_104] : memref<5x!tpu.dma_semaphore, #tpu.memory_space<semaphore_mem>> -> memref<1x!tpu.dma_semaphore, #tpu.memory_space<semaphore_mem>>
    %dma_start3A_115 = tpu.memref_squeeze %dma_start3A_114 : memref<1x!tpu.dma_semaphore, #tpu.memory_space<semaphore_mem>> -> memref<!tpu.dma_semaphore, #tpu.memory_space<semaphore_mem>>
    tpu.enqueue_indirect_dma source(%dma_start3A_113 : memref<10000x128xf32, #tpu.memory_space<hbm>>) target(%dma_start3A_107 : memref<64x128xf32, #tpu.memory_space<vmem>>) offsets(%dma_start3A_110 : memref<64xi32, #tpu.memory_space<vmem>>) semaphore(%dma_start3A_115 : memref<!tpu.dma_semaphore, #tpu.memory_space<semaphore_mem>>)
    %dma_wait3A_116 = arith.constant 0 : i32
    %dma_wait3A_117 = arith.constant 1 : i32
    %dma_wait3A_118 = arith.constant 0 : i32
    %dma_wait3A_119 = arith.constant 1 : i32
    %dma_wait3A_120 = arith.constant 64 : i32
    %dma_wait3A_121 = arith.constant 0 : i32
    %dma_wait3A_122 = tpu.memref_slice %arg8[%dma_wait3A_120, %dma_wait3A_121] : memref<320x128xf32, #tpu.memory_space<vmem>> -> memref<64x128xf32, #tpu.memory_space<vmem>>
    %dma_wait3A_123 = arith.constant 0 : i32
    %dma_wait3A_124 = tpu.memref_slice %arg7[%dma_wait3A_116, %dma_wait3A_117, %dma_wait3A_118, %dma_wait3A_123] : memref<3x5x2x64xi32, #tpu.memory_space<vmem>> -> memref<1x1x1x64xi32, #tpu.memory_space<vmem>>
    %dma_wait3A_125 = tpu.memref_squeeze %dma_wait3A_124 : memref<1x1x1x64xi32, #tpu.memory_space<vmem>> -> memref<64xi32, #tpu.memory_space<vmem>>
    %dma_wait3A_126 = arith.constant 0 : i32
    %dma_wait3A_127 = arith.constant 0 : i32
    %dma_wait3A_128 = tpu.memref_slice %arg2[%dma_wait3A_126, %dma_wait3A_127] : memref<10000x128xf32, #tpu.memory_space<hbm>> -> memref<10000x128xf32, #tpu.memory_space<hbm>>
    %dma_wait3A_129 = tpu.memref_slice %arg9[%dma_wait3A_119] : memref<5x!tpu.dma_semaphore, #tpu.memory_space<semaphore_mem>> -> memref<1x!tpu.dma_semaphore, #tpu.memory_space<semaphore_mem>>
    %dma_wait3A_130 = tpu.memref_squeeze %dma_wait3A_129 : memref<1x!tpu.dma_semaphore, #tpu.memory_space<semaphore_mem>> -> memref<!tpu.dma_semaphore, #tpu.memory_space<semaphore_mem>>
    tpu.wait_indirect_dma semaphore(%dma_wait3A_130 : memref<!tpu.dma_semaphore, #tpu.memory_space<semaphore_mem>>) src(%dma_wait3A_128 : memref<10000x128xf32, #tpu.memory_space<hbm>>) dst(%dma_wait3A_122 : memref<64x128xf32, #tpu.memory_space<vmem>>)
    %dma_start3A_131 = arith.constant 0 : i32
    %dma_start3A_132 = arith.constant 1 : i32
    %dma_start3A_133 = arith.constant 1 : i32
    %dma_start3A_134 = arith.constant 1 : i32
    %dma_start3A_135 = arith.constant 64 : i32
    %dma_start3A_136 = arith.constant 0 : i32
    %dma_start3A_137 = tpu.memref_slice %arg8[%dma_start3A_135, %dma_start3A_136] : memref<320x128xf32, #tpu.memory_space<vmem>> -> memref<64x128xf32, #tpu.memory_space<vmem>>
    %dma_start3A_138 = arith.constant 0 : i32
    %dma_start3A_139 = tpu.memref_slice %arg7[%dma_start3A_131, %dma_start3A_132, %dma_start3A_133, %dma_start3A_138] : memref<3x5x2x64xi32, #tpu.memory_space<vmem>> -> memref<1x1x1x64xi32, #tpu.memory_space<vmem>>
    %dma_start3A_140 = tpu.memref_squeeze %dma_start3A_139 : memref<1x1x1x64xi32, #tpu.memory_space<vmem>> -> memref<64xi32, #tpu.memory_space<vmem>>
    %dma_start3A_141 = arith.constant 0 : i32
    %dma_start3A_142 = arith.constant 0 : i32
    %dma_start3A_143 = tpu.memref_slice %arg6[%dma_start3A_141, %dma_start3A_142] : memref<10112x128xf32, #tpu.memory_space<vmem_shared>> -> memref<10112x128xf32, #tpu.memory_space<vmem_shared>>
    %dma_start3A_144 = tpu.memref_slice %arg10[%dma_start3A_134] : memref<5x!tpu.dma_semaphore, #tpu.memory_space<semaphore_mem>> -> memref<1x!tpu.dma_semaphore, #tpu.memory_space<semaphore_mem>>
    %dma_start3A_145 = tpu.memref_squeeze %dma_start3A_144 : memref<1x!tpu.dma_semaphore, #tpu.memory_space<semaphore_mem>> -> memref<!tpu.dma_semaphore, #tpu.memory_space<semaphore_mem>>
    tpu.enqueue_indirect_dma source(%dma_start3A_137 : memref<64x128xf32, #tpu.memory_space<vmem>>) target(%dma_start3A_143 : memref<10112x128xf32, #tpu.memory_space<vmem_shared>>) offsets(%dma_start3A_140 : memref<64xi32, #tpu.memory_space<vmem>>) semaphore(%dma_start3A_145 : memref<!tpu.dma_semaphore, #tpu.memory_space<semaphore_mem>>) {add = true}
    %dma_wait3A_146 = arith.constant 0 : i32
    %dma_wait3A_147 = arith.constant 2 : i32
    %dma_wait3A_148 = arith.constant 1 : i32
    %dma_wait3A_149 = arith.constant 0 : i32
    %dma_wait3A_150 = arith.constant 0 : i32
    %dma_wait3A_151 = arith.constant 0 : i32
    %dma_wait3A_152 = tpu.memref_slice %arg8[%dma_wait3A_150, %dma_wait3A_151] : memref<320x128xf32, #tpu.memory_space<vmem>> -> memref<64x128xf32, #tpu.memory_space<vmem>>
    %dma_wait3A_153 = arith.constant 0 : i32
    %dma_wait3A_154 = tpu.memref_slice %arg7[%dma_wait3A_146, %dma_wait3A_147, %dma_wait3A_148, %dma_wait3A_153] : memref<3x5x2x64xi32, #tpu.memory_space<vmem>> -> memref<1x1x1x64xi32, #tpu.memory_space<vmem>>
    %dma_wait3A_155 = tpu.memref_squeeze %dma_wait3A_154 : memref<1x1x1x64xi32, #tpu.memory_space<vmem>> -> memref<64xi32, #tpu.memory_space<vmem>>
    %dma_wait3A_156 = arith.constant 0 : i32
    %dma_wait3A_157 = arith.constant 0 : i32
    %dma_wait3A_158 = tpu.memref_slice %arg6[%dma_wait3A_156, %dma_wait3A_157] : memref<10112x128xf32, #tpu.memory_space<vmem_shared>> -> memref<10112x128xf32, #tpu.memory_space<vmem_shared>>
    %dma_wait3A_159 = tpu.memref_slice %arg10[%dma_wait3A_149] : memref<5x!tpu.dma_semaphore, #tpu.memory_space<semaphore_mem>> -> memref<1x!tpu.dma_semaphore, #tpu.memory_space<semaphore_mem>>
    %dma_wait3A_160 = tpu.memref_squeeze %dma_wait3A_159 : memref<1x!tpu.dma_semaphore, #tpu.memory_space<semaphore_mem>> -> memref<!tpu.dma_semaphore, #tpu.memory_space<semaphore_mem>>
    tpu.wait_indirect_dma semaphore(%dma_wait3A_160 : memref<!tpu.dma_semaphore, #tpu.memory_space<semaphore_mem>>) src(%dma_wait3A_152 : memref<64x128xf32, #tpu.memory_space<vmem>>) dst(%dma_wait3A_158 : memref<10112x128xf32, #tpu.memory_space<vmem_shared>>)
    %dma_start3A_161 = arith.constant 1 : i32
    %dma_start3A_162 = arith.constant 0 : i32
    %dma_start3A_163 = arith.constant 0 : i32
    %dma_start3A_164 = arith.constant 0 : i32
    %dma_start3A_165 = arith.constant 0 : i32
    %dma_start3A_166 = arith.constant 0 : i32
    %dma_start3A_167 = tpu.memref_slice %arg8[%dma_start3A_165, %dma_start3A_166] : memref<320x128xf32, #tpu.memory_space<vmem>> -> memref<64x128xf32, #tpu.memory_space<vmem>>
    %dma_start3A_168 = arith.constant 0 : i32
    %dma_start3A_169 = tpu.memref_slice %arg7[%dma_start3A_161, %dma_start3A_162, %dma_start3A_163, %dma_start3A_168] : memref<3x5x2x64xi32, #tpu.memory_space<vmem>> -> memref<1x1x1x64xi32, #tpu.memory_space<vmem>>
    %dma_start3A_170 = tpu.memref_squeeze %dma_start3A_169 : memref<1x1x1x64xi32, #tpu.memory_space<vmem>> -> memref<64xi32, #tpu.memory_space<vmem>>
    %dma_start3A_171 = arith.constant 0 : i32
    %dma_start3A_172 = arith.constant 0 : i32
    %dma_start3A_173 = tpu.memref_slice %arg2[%dma_start3A_171, %dma_start3A_172] : memref<10000x128xf32, #tpu.memory_space<hbm>> -> memref<10000x128xf32, #tpu.memory_space<hbm>>
    %dma_start3A_174 = tpu.memref_slice %arg9[%dma_start3A_164] : memref<5x!tpu.dma_semaphore, #tpu.memory_space<semaphore_mem>> -> memref<1x!tpu.dma_semaphore, #tpu.memory_space<semaphore_mem>>
    %dma_start3A_175 = tpu.memref_squeeze %dma_start3A_174 : memref<1x!tpu.dma_semaphore, #tpu.memory_space<semaphore_mem>> -> memref<!tpu.dma_semaphore, #tpu.memory_space<semaphore_mem>>
    tpu.enqueue_indirect_dma source(%dma_start3A_173 : memref<10000x128xf32, #tpu.memory_space<hbm>>) target(%dma_start3A_167 : memref<64x128xf32, #tpu.memory_space<vmem>>) offsets(%dma_start3A_170 : memref<64xi32, #tpu.memory_space<vmem>>) semaphore(%dma_start3A_175 : memref<!tpu.dma_semaphore, #tpu.memory_space<semaphore_mem>>)
    %dma_wait3A_176 = arith.constant 0 : i32
    %dma_wait3A_177 = arith.constant 2 : i32
    %dma_wait3A_178 = arith.constant 0 : i32
    %dma_wait3A_179 = arith.constant 2 : i32
    %dma_wait3A_180 = arith.constant 128 : i32
    %dma_wait3A_181 = arith.constant 0 : i32
    %dma_wait3A_182 = tpu.memref_slice %arg8[%dma_wait3A_180, %dma_wait3A_181] : memref<320x128xf32, #tpu.memory_space<vmem>> -> memref<64x128xf32, #tpu.memory_space<vmem>>
    %dma_wait3A_183 = arith.constant 0 : i32
    %dma_wait3A_184 = tpu.memref_slice %arg7[%dma_wait3A_176, %dma_wait3A_177, %dma_wait3A_178, %dma_wait3A_183] : memref<3x5x2x64xi32, #tpu.memory_space<vmem>> -> memref<1x1x1x64xi32, #tpu.memory_space<vmem>>
    %dma_wait3A_185 = tpu.memref_squeeze %dma_wait3A_184 : memref<1x1x1x64xi32, #tpu.memory_space<vmem>> -> memref<64xi32, #tpu.memory_space<vmem>>
    %dma_wait3A_186 = arith.constant 0 : i32
    %dma_wait3A_187 = arith.constant 0 : i32
    %dma_wait3A_188 = tpu.memref_slice %arg2[%dma_wait3A_186, %dma_wait3A_187] : memref<10000x128xf32, #tpu.memory_space<hbm>> -> memref<10000x128xf32, #tpu.memory_space<hbm>>
    %dma_wait3A_189 = tpu.memref_slice %arg9[%dma_wait3A_179] : memref<5x!tpu.dma_semaphore, #tpu.memory_space<semaphore_mem>> -> memref<1x!tpu.dma_semaphore, #tpu.memory_space<semaphore_mem>>
    %dma_wait3A_190 = tpu.memref_squeeze %dma_wait3A_189 : memref<1x!tpu.dma_semaphore, #tpu.memory_space<semaphore_mem>> -> memref<!tpu.dma_semaphore, #tpu.memory_space<semaphore_mem>>
    tpu.wait_indirect_dma semaphore(%dma_wait3A_190 : memref<!tpu.dma_semaphore, #tpu.memory_space<semaphore_mem>>) src(%dma_wait3A_188 : memref<10000x128xf32, #tpu.memory_space<hbm>>) dst(%dma_wait3A_182 : memref<64x128xf32, #tpu.memory_space<vmem>>)
    %dma_start3A_191 = arith.constant 0 : i32
    %dma_start3A_192 = arith.constant 2 : i32
    %dma_start3A_193 = arith.constant 1 : i32
    %dma_start3A_194 = arith.constant 2 : i32
    %dma_start3A_195 = arith.constant 128 : i32
    %dma_start3A_196 = arith.constant 0 : i32
    %dma_start3A_197 = tpu.memref_slice %arg8[%dma_start3A_195, %dma_start3A_196] : memref<320x128xf32, #tpu.memory_space<vmem>> -> memref<64x128xf32, #tpu.memory_space<vmem>>
    %dma_start3A_198 = arith.constant 0 : i32
    %dma_start3A_199 = tpu.memref_slice %arg7[%dma_start3A_191, %dma_start3A_192, %dma_start3A_193, %dma_start3A_198] : memref<3x5x2x64xi32, #tpu.memory_space<vmem>> -> memref<1x1x1x64xi32, #tpu.memory_space<vmem>>
    %dma_start3A_200 = tpu.memref_squeeze %dma_start3A_199 : memref<1x1x1x64xi32, #tpu.memory_space<vmem>> -> memref<64xi32, #tpu.memory_space<vmem>>
    %dma_start3A_201 = arith.constant 0 : i32
    %dma_start3A_202 = arith.constant 0 : i32
    %dma_start3A_203 = tpu.memref_slice %arg6[%dma_start3A_201, %dma_start3A_202] : memref<10112x128xf32, #tpu.memory_space<vmem_shared>> -> memref<10112x128xf32, #tpu.memory_space<vmem_shared>>
    %dma_start3A_204 = tpu.memref_slice %arg10[%dma_start3A_194] : memref<5x!tpu.dma_semaphore, #tpu.memory_space<semaphore_mem>> -> memref<1x!tpu.dma_semaphore, #tpu.memory_space<semaphore_mem>>
    %dma_start3A_205 = tpu.memref_squeeze %dma_start3A_204 : memref<1x!tpu.dma_semaphore, #tpu.memory_space<semaphore_mem>> -> memref<!tpu.dma_semaphore, #tpu.memory_space<semaphore_mem>>
    tpu.enqueue_indirect_dma source(%dma_start3A_197 : memref<64x128xf32, #tpu.memory_space<vmem>>) target(%dma_start3A_203 : memref<10112x128xf32, #tpu.memory_space<vmem_shared>>) offsets(%dma_start3A_200 : memref<64xi32, #tpu.memory_space<vmem>>) semaphore(%dma_start3A_205 : memref<!tpu.dma_semaphore, #tpu.memory_space<semaphore_mem>>) {add = true}
    %dma_wait3A_206 = arith.constant 0 : i32
    %dma_wait3A_207 = arith.constant 3 : i32
    %dma_wait3A_208 = arith.constant 1 : i32
    %dma_wait3A_209 = arith.constant 1 : i32
    %dma_wait3A_210 = arith.constant 64 : i32
    %dma_wait3A_211 = arith.constant 0 : i32
    %dma_wait3A_212 = tpu.memref_slice %arg8[%dma_wait3A_210, %dma_wait3A_211] : memref<320x128xf32, #tpu.memory_space<vmem>> -> memref<64x128xf32, #tpu.memory_space<vmem>>
    %dma_wait3A_213 = arith.constant 0 : i32
    %dma_wait3A_214 = tpu.memref_slice %arg7[%dma_wait3A_206, %dma_wait3A_207, %dma_wait3A_208, %dma_wait3A_213] : memref<3x5x2x64xi32, #tpu.memory_space<vmem>> -> memref<1x1x1x64xi32, #tpu.memory_space<vmem>>
    %dma_wait3A_215 = tpu.memref_squeeze %dma_wait3A_214 : memref<1x1x1x64xi32, #tpu.memory_space<vmem>> -> memref<64xi32, #tpu.memory_space<vmem>>
    %dma_wait3A_216 = arith.constant 0 : i32
    %dma_wait3A_217 = arith.constant 0 : i32
    %dma_wait3A_218 = tpu.memref_slice %arg6[%dma_wait3A_216, %dma_wait3A_217] : memref<10112x128xf32, #tpu.memory_space<vmem_shared>> -> memref<10112x128xf32, #tpu.memory_space<vmem_shared>>
    %dma_wait3A_219 = tpu.memref_slice %arg10[%dma_wait3A_209] : memref<5x!tpu.dma_semaphore, #tpu.memory_space<semaphore_mem>> -> memref<1x!tpu.dma_semaphore, #tpu.memory_space<semaphore_mem>>
    %dma_wait3A_220 = tpu.memref_squeeze %dma_wait3A_219 : memref<1x!tpu.dma_semaphore, #tpu.memory_space<semaphore_mem>> -> memref<!tpu.dma_semaphore, #tpu.memory_space<semaphore_mem>>
    tpu.wait_indirect_dma semaphore(%dma_wait3A_220 : memref<!tpu.dma_semaphore, #tpu.memory_space<semaphore_mem>>) src(%dma_wait3A_212 : memref<64x128xf32, #tpu.memory_space<vmem>>) dst(%dma_wait3A_218 : memref<10112x128xf32, #tpu.memory_space<vmem_shared>>)
    %dma_start3A_221 = arith.constant 1 : i32
    %dma_start3A_222 = arith.constant 1 : i32
    %dma_start3A_223 = arith.constant 0 : i32
    %dma_start3A_224 = arith.constant 1 : i32
    %dma_start3A_225 = arith.constant 64 : i32
    %dma_start3A_226 = arith.constant 0 : i32
    %dma_start3A_227 = tpu.memref_slice %arg8[%dma_start3A_225, %dma_start3A_226] : memref<320x128xf32, #tpu.memory_space<vmem>> -> memref<64x128xf32, #tpu.memory_space<vmem>>
    %dma_start3A_228 = arith.constant 0 : i32
    %dma_start3A_229 = tpu.memref_slice %arg7[%dma_start3A_221, %dma_start3A_222, %dma_start3A_223, %dma_start3A_228] : memref<3x5x2x64xi32, #tpu.memory_space<vmem>> -> memref<1x1x1x64xi32, #tpu.memory_space<vmem>>
    %dma_start3A_230 = tpu.memref_squeeze %dma_start3A_229 : memref<1x1x1x64xi32, #tpu.memory_space<vmem>> -> memref<64xi32, #tpu.memory_space<vmem>>
    %dma_start3A_231 = arith.constant 0 : i32
    %dma_start3A_232 = arith.constant 0 : i32
    %dma_start3A_233 = tpu.memref_slice %arg2[%dma_start3A_231, %dma_start3A_232] : memref<10000x128xf32, #tpu.memory_space<hbm>> -> memref<10000x128xf32, #tpu.memory_space<hbm>>
    %dma_start3A_234 = tpu.memref_slice %arg9[%dma_start3A_224] : memref<5x!tpu.dma_semaphore, #tpu.memory_space<semaphore_mem>> -> memref<1x!tpu.dma_semaphore, #tpu.memory_space<semaphore_mem>>
    %dma_start3A_235 = tpu.memref_squeeze %dma_start3A_234 : memref<1x!tpu.dma_semaphore, #tpu.memory_space<semaphore_mem>> -> memref<!tpu.dma_semaphore, #tpu.memory_space<semaphore_mem>>
    tpu.enqueue_indirect_dma source(%dma_start3A_233 : memref<10000x128xf32, #tpu.memory_space<hbm>>) target(%dma_start3A_227 : memref<64x128xf32, #tpu.memory_space<vmem>>) offsets(%dma_start3A_230 : memref<64xi32, #tpu.memory_space<vmem>>) semaphore(%dma_start3A_235 : memref<!tpu.dma_semaphore, #tpu.memory_space<semaphore_mem>>)
    %dma_wait3A_236 = arith.constant 0 : i32
    %dma_wait3A_237 = arith.constant 3 : i32
    %dma_wait3A_238 = arith.constant 0 : i32
    %dma_wait3A_239 = arith.constant 3 : i32
    %dma_wait3A_240 = arith.constant 192 : i32
    %dma_wait3A_241 = arith.constant 0 : i32
    %dma_wait3A_242 = tpu.memref_slice %arg8[%dma_wait3A_240, %dma_wait3A_241] : memref<320x128xf32, #tpu.memory_space<vmem>> -> memref<64x128xf32, #tpu.memory_space<vmem>>
    %dma_wait3A_243 = arith.constant 0 : i32
    %dma_wait3A_244 = tpu.memref_slice %arg7[%dma_wait3A_236, %dma_wait3A_237, %dma_wait3A_238, %dma_wait3A_243] : memref<3x5x2x64xi32, #tpu.memory_space<vmem>> -> memref<1x1x1x64xi32, #tpu.memory_space<vmem>>
    %dma_wait3A_245 = tpu.memref_squeeze %dma_wait3A_244 : memref<1x1x1x64xi32, #tpu.memory_space<vmem>> -> memref<64xi32, #tpu.memory_space<vmem>>
    %dma_wait3A_246 = arith.constant 0 : i32
    %dma_wait3A_247 = arith.constant 0 : i32
    %dma_wait3A_248 = tpu.memref_slice %arg2[%dma_wait3A_246, %dma_wait3A_247] : memref<10000x128xf32, #tpu.memory_space<hbm>> -> memref<10000x128xf32, #tpu.memory_space<hbm>>
    %dma_wait3A_249 = tpu.memref_slice %arg9[%dma_wait3A_239] : memref<5x!tpu.dma_semaphore, #tpu.memory_space<semaphore_mem>> -> memref<1x!tpu.dma_semaphore, #tpu.memory_space<semaphore_mem>>
    %dma_wait3A_250 = tpu.memref_squeeze %dma_wait3A_249 : memref<1x!tpu.dma_semaphore, #tpu.memory_space<semaphore_mem>> -> memref<!tpu.dma_semaphore, #tpu.memory_space<semaphore_mem>>
    tpu.wait_indirect_dma semaphore(%dma_wait3A_250 : memref<!tpu.dma_semaphore, #tpu.memory_space<semaphore_mem>>) src(%dma_wait3A_248 : memref<10000x128xf32, #tpu.memory_space<hbm>>) dst(%dma_wait3A_242 : memref<64x128xf32, #tpu.memory_space<vmem>>)
    %dma_start3A_251 = arith.constant 0 : i32
    %dma_start3A_252 = arith.constant 3 : i32
    %dma_start3A_253 = arith.constant 1 : i32
    %dma_start3A_254 = arith.constant 3 : i32
    %dma_start3A_255 = arith.constant 192 : i32
    %dma_start3A_256 = arith.constant 0 : i32
    %dma_start3A_257 = tpu.memref_slice %arg8[%dma_start3A_255, %dma_start3A_256] : memref<320x128xf32, #tpu.memory_space<vmem>> -> memref<64x128xf32, #tpu.memory_space<vmem>>
    %dma_start3A_258 = arith.constant 0 : i32
    %dma_start3A_259 = tpu.memref_slice %arg7[%dma_start3A_251, %dma_start3A_252, %dma_start3A_253, %dma_start3A_258] : memref<3x5x2x64xi32, #tpu.memory_space<vmem>> -> memref<1x1x1x64xi32, #tpu.memory_space<vmem>>
    %dma_start3A_260 = tpu.memref_squeeze %dma_start3A_259 : memref<1x1x1x64xi32, #tpu.memory_space<vmem>> -> memref<64xi32, #tpu.memory_space<vmem>>
    %dma_start3A_261 = arith.constant 0 : i32
    %dma_start3A_262 = arith.constant 0 : i32
    %dma_start3A_263 = tpu.memref_slice %arg6[%dma_start3A_261, %dma_start3A_262] : memref<10112x128xf32, #tpu.memory_space<vmem_shared>> -> memref<10112x128xf32, #tpu.memory_space<vmem_shared>>
    %dma_start3A_264 = tpu.memref_slice %arg10[%dma_start3A_254] : memref<5x!tpu.dma_semaphore, #tpu.memory_space<semaphore_mem>> -> memref<1x!tpu.dma_semaphore, #tpu.memory_space<semaphore_mem>>
    %dma_start3A_265 = tpu.memref_squeeze %dma_start3A_264 : memref<1x!tpu.dma_semaphore, #tpu.memory_space<semaphore_mem>> -> memref<!tpu.dma_semaphore, #tpu.memory_space<semaphore_mem>>
    tpu.enqueue_indirect_dma source(%dma_start3A_257 : memref<64x128xf32, #tpu.memory_space<vmem>>) target(%dma_start3A_263 : memref<10112x128xf32, #tpu.memory_space<vmem_shared>>) offsets(%dma_start3A_260 : memref<64xi32, #tpu.memory_space<vmem>>) semaphore(%dma_start3A_265 : memref<!tpu.dma_semaphore, #tpu.memory_space<semaphore_mem>>) {add = true}
    %dma_wait3A_266 = arith.constant 0 : i32
    %dma_wait3A_267 = arith.constant 4 : i32
    %dma_wait3A_268 = arith.constant 1 : i32
    %dma_wait3A_269 = arith.constant 2 : i32
    %dma_wait3A_270 = arith.constant 128 : i32
    %dma_wait3A_271 = arith.constant 0 : i32
    %dma_wait3A_272 = tpu.memref_slice %arg8[%dma_wait3A_270, %dma_wait3A_271] : memref<320x128xf32, #tpu.memory_space<vmem>> -> memref<64x128xf32, #tpu.memory_space<vmem>>
    %dma_wait3A_273 = arith.constant 0 : i32
    %dma_wait3A_274 = tpu.memref_slice %arg7[%dma_wait3A_266, %dma_wait3A_267, %dma_wait3A_268, %dma_wait3A_273] : memref<3x5x2x64xi32, #tpu.memory_space<vmem>> -> memref<1x1x1x64xi32, #tpu.memory_space<vmem>>
    %dma_wait3A_275 = tpu.memref_squeeze %dma_wait3A_274 : memref<1x1x1x64xi32, #tpu.memory_space<vmem>> -> memref<64xi32, #tpu.memory_space<vmem>>
    %dma_wait3A_276 = arith.constant 0 : i32
    %dma_wait3A_277 = arith.constant 0 : i32
    %dma_wait3A_278 = tpu.memref_slice %arg6[%dma_wait3A_276, %dma_wait3A_277] : memref<10112x128xf32, #tpu.memory_space<vmem_shared>> -> memref<10112x128xf32, #tpu.memory_space<vmem_shared>>
    %dma_wait3A_279 = tpu.memref_slice %arg10[%dma_wait3A_269] : memref<5x!tpu.dma_semaphore, #tpu.memory_space<semaphore_mem>> -> memref<1x!tpu.dma_semaphore, #tpu.memory_space<semaphore_mem>>
    %dma_wait3A_280 = tpu.memref_squeeze %dma_wait3A_279 : memref<1x!tpu.dma_semaphore, #tpu.memory_space<semaphore_mem>> -> memref<!tpu.dma_semaphore, #tpu.memory_space<semaphore_mem>>
    tpu.wait_indirect_dma semaphore(%dma_wait3A_280 : memref<!tpu.dma_semaphore, #tpu.memory_space<semaphore_mem>>) src(%dma_wait3A_272 : memref<64x128xf32, #tpu.memory_space<vmem>>) dst(%dma_wait3A_278 : memref<10112x128xf32, #tpu.memory_space<vmem_shared>>)
    %dma_start3A_281 = arith.constant 1 : i32
    %dma_start3A_282 = arith.constant 2 : i32
    %dma_start3A_283 = arith.constant 0 : i32
    %dma_start3A_284 = arith.constant 2 : i32
    %dma_start3A_285 = arith.constant 128 : i32
    %dma_start3A_286 = arith.constant 0 : i32
    %dma_start3A_287 = tpu.memref_slice %arg8[%dma_start3A_285, %dma_start3A_286] : memref<320x128xf32, #tpu.memory_space<vmem>> -> memref<64x128xf32, #tpu.memory_space<vmem>>
    %dma_start3A_288 = arith.constant 0 : i32
    %dma_start3A_289 = tpu.memref_slice %arg7[%dma_start3A_281, %dma_start3A_282, %dma_start3A_283, %dma_start3A_288] : memref<3x5x2x64xi32, #tpu.memory_space<vmem>> -> memref<1x1x1x64xi32, #tpu.memory_space<vmem>>
    %dma_start3A_290 = tpu.memref_squeeze %dma_start3A_289 : memref<1x1x1x64xi32, #tpu.memory_space<vmem>> -> memref<64xi32, #tpu.memory_space<vmem>>
    %dma_start3A_291 = arith.constant 0 : i32
    %dma_start3A_292 = arith.constant 0 : i32
    %dma_start3A_293 = tpu.memref_slice %arg2[%dma_start3A_291, %dma_start3A_292] : memref<10000x128xf32, #tpu.memory_space<hbm>> -> memref<10000x128xf32, #tpu.memory_space<hbm>>
    %dma_start3A_294 = tpu.memref_slice %arg9[%dma_start3A_284] : memref<5x!tpu.dma_semaphore, #tpu.memory_space<semaphore_mem>> -> memref<1x!tpu.dma_semaphore, #tpu.memory_space<semaphore_mem>>
    %dma_start3A_295 = tpu.memref_squeeze %dma_start3A_294 : memref<1x!tpu.dma_semaphore, #tpu.memory_space<semaphore_mem>> -> memref<!tpu.dma_semaphore, #tpu.memory_space<semaphore_mem>>
    tpu.enqueue_indirect_dma source(%dma_start3A_293 : memref<10000x128xf32, #tpu.memory_space<hbm>>) target(%dma_start3A_287 : memref<64x128xf32, #tpu.memory_space<vmem>>) offsets(%dma_start3A_290 : memref<64xi32, #tpu.memory_space<vmem>>) semaphore(%dma_start3A_295 : memref<!tpu.dma_semaphore, #tpu.memory_space<semaphore_mem>>)
    %dma_wait3A_296 = arith.constant 0 : i32
    %dma_wait3A_297 = arith.constant 4 : i32
    %dma_wait3A_298 = arith.constant 0 : i32
    %dma_wait3A_299 = arith.constant 4 : i32
    %dma_wait3A_300 = arith.constant 256 : i32
    %dma_wait3A_301 = arith.constant 0 : i32
    %dma_wait3A_302 = tpu.memref_slice %arg8[%dma_wait3A_300, %dma_wait3A_301] : memref<320x128xf32, #tpu.memory_space<vmem>> -> memref<64x128xf32, #tpu.memory_space<vmem>>
    %dma_wait3A_303 = arith.constant 0 : i32
    %dma_wait3A_304 = tpu.memref_slice %arg7[%dma_wait3A_296, %dma_wait3A_297, %dma_wait3A_298, %dma_wait3A_303] : memref<3x5x2x64xi32, #tpu.memory_space<vmem>> -> memref<1x1x1x64xi32, #tpu.memory_space<vmem>>
    %dma_wait3A_305 = tpu.memref_squeeze %dma_wait3A_304 : memref<1x1x1x64xi32, #tpu.memory_space<vmem>> -> memref<64xi32, #tpu.memory_space<vmem>>
    %dma_wait3A_306 = arith.constant 0 : i32
    %dma_wait3A_307 = arith.constant 0 : i32
    %dma_wait3A_308 = tpu.memref_slice %arg2[%dma_wait3A_306, %dma_wait3A_307] : memref<10000x128xf32, #tpu.memory_space<hbm>> -> memref<10000x128xf32, #tpu.memory_space<hbm>>
    %dma_wait3A_309 = tpu.memref_slice %arg9[%dma_wait3A_299] : memref<5x!tpu.dma_semaphore, #tpu.memory_space<semaphore_mem>> -> memref<1x!tpu.dma_semaphore, #tpu.memory_space<semaphore_mem>>
    %dma_wait3A_310 = tpu.memref_squeeze %dma_wait3A_309 : memref<1x!tpu.dma_semaphore, #tpu.memory_space<semaphore_mem>> -> memref<!tpu.dma_semaphore, #tpu.memory_space<semaphore_mem>>
    tpu.wait_indirect_dma semaphore(%dma_wait3A_310 : memref<!tpu.dma_semaphore, #tpu.memory_space<semaphore_mem>>) src(%dma_wait3A_308 : memref<10000x128xf32, #tpu.memory_space<hbm>>) dst(%dma_wait3A_302 : memref<64x128xf32, #tpu.memory_space<vmem>>)
    %dma_start3A_311 = arith.constant 0 : i32
    %dma_start3A_312 = arith.constant 4 : i32
    %dma_start3A_313 = arith.constant 1 : i32
    %dma_start3A_314 = arith.constant 4 : i32
    %dma_start3A_315 = arith.constant 256 : i32
    %dma_start3A_316 = arith.constant 0 : i32
    %dma_start3A_317 = tpu.memref_slice %arg8[%dma_start3A_315, %dma_start3A_316] : memref<320x128xf32, #tpu.memory_space<vmem>> -> memref<64x128xf32, #tpu.memory_space<vmem>>
    %dma_start3A_318 = arith.constant 0 : i32
    %dma_start3A_319 = tpu.memref_slice %arg7[%dma_start3A_311, %dma_start3A_312, %dma_start3A_313, %dma_start3A_318] : memref<3x5x2x64xi32, #tpu.memory_space<vmem>> -> memref<1x1x1x64xi32, #tpu.memory_space<vmem>>
    %dma_start3A_320 = tpu.memref_squeeze %dma_start3A_319 : memref<1x1x1x64xi32, #tpu.memory_space<vmem>> -> memref<64xi32, #tpu.memory_space<vmem>>
    %dma_start3A_321 = arith.constant 0 : i32
    %dma_start3A_322 = arith.constant 0 : i32
    %dma_start3A_323 = tpu.memref_slice %arg6[%dma_start3A_321, %dma_start3A_322] : memref<10112x128xf32, #tpu.memory_space<vmem_shared>> -> memref<10112x128xf32, #tpu.memory_space<vmem_shared>>
    %dma_start3A_324 = tpu.memref_slice %arg10[%dma_start3A_314] : memref<5x!tpu.dma_semaphore, #tpu.memory_space<semaphore_mem>> -> memref<1x!tpu.dma_semaphore, #tpu.memory_space<semaphore_mem>>
    %dma_start3A_325 = tpu.memref_squeeze %dma_start3A_324 : memref<1x!tpu.dma_semaphore, #tpu.memory_space<semaphore_mem>> -> memref<!tpu.dma_semaphore, #tpu.memory_space<semaphore_mem>>
    tpu.enqueue_indirect_dma source(%dma_start3A_317 : memref<64x128xf32, #tpu.memory_space<vmem>>) target(%dma_start3A_323 : memref<10112x128xf32, #tpu.memory_space<vmem_shared>>) offsets(%dma_start3A_320 : memref<64xi32, #tpu.memory_space<vmem>>) semaphore(%dma_start3A_325 : memref<!tpu.dma_semaphore, #tpu.memory_space<semaphore_mem>>) {add = true}
    %scan3A = arith.constant 0 : i32
    %scan3A_326 = arith.constant 1 : i32
    %scan3A_327 = arith.constant 4 : i32
    %scan3A_328 = arith.addi %scan3A_326, %scan3A_327 : i32
    %scan3A_329 = arith.constant 1 : i32
    scf.for %scan3A_625 = %scan3A_326 to %scan3A_328 step %scan3A_329  : i32 {
      %rem3A = arith.constant 3 : i32
      %rem3A_626 = arith.remsi %scan3A_625, %rem3A : i32
      %add3A_627 = arith.constant 1 : i32
      %add3A_628 = arith.addi %scan3A_625, %add3A_627 : i32
      %add3A_629 = arith.constant 1 : i32
      %add3A_630 = arith.addi %scan3A_625, %add3A_629 : i32
      %rem3A_631 = arith.constant 3 : i32
      %rem3A_632 = arith.remsi %add3A_630, %rem3A_631 : i32
      %mul3A_633 = arith.constant 30 : i32
      %mul3A_634 = arith.muli %add3A, %mul3A_633 : i32
      %mul3A_635 = arith.constant 5 : i32
      %mul3A_636 = arith.muli %add3A_628, %mul3A_635 : i32
      %add3A_637 = arith.addi %mul3A_634, %mul3A_636 : i32
      %multiple_of3A_638 = tpu.assume_multiple %add3A_637, 5 : i32
      "tpu.region"() ({
        %run_scoped3A_931 = tpu.sem_alloc : memref<!tpu.dma_semaphore, #tpu.memory_space<semaphore_mem>>
        %dma_start3A_932 = arith.constant 0 : i32
        %dma_start3A_933 = arith.constant 0 : i32
        %dma_start3A_934 = arith.constant 0 : i32
        %dma_start3A_935 = tpu.memref_slice %arg7[%rem3A_632, %dma_start3A_932, %dma_start3A_933, %dma_start3A_934] : memref<3x5x2x64xi32, #tpu.memory_space<vmem>> -> memref<1x5x2x64xi32, #tpu.memory_space<vmem>>
        %dma_start3A_936 = tpu.memref_squeeze %dma_start3A_935 : memref<1x5x2x64xi32, #tpu.memory_space<vmem>> -> memref<5x2x64xi32, #tpu.memory_space<vmem>>
        %dma_start3A_937 = arith.constant 0 : i32
        %dma_start3A_938 = arith.constant 0 : i32
        %dma_start3A_939 = tpu.memref_slice %arg3[%multiple_of3A_638, %dma_start3A_937, %dma_start3A_938] : memref<960x2x64xi32, #tpu.memory_space<hbm>> -> memref<5x2x64xi32, #tpu.memory_space<hbm>>
        %dma_start3A_940 = arith.constant 0 : i32
        %dma_start3A_941 = arith.constant 0 : i32
        %dma_start3A_942 = arith.constant 0 : i32
        %dma_start3A_943 = tpu.memref_slice %arg7[%rem3A_632, %dma_start3A_940, %dma_start3A_941, %dma_start3A_942] : memref<3x5x2x64xi32, #tpu.memory_space<vmem>> -> memref<1x5x2x64xi32, #tpu.memory_space<vmem>>
        %dma_start3A_944 = tpu.memref_squeeze %dma_start3A_943 : memref<1x5x2x64xi32, #tpu.memory_space<vmem>> -> memref<5x2x64xi32, #tpu.memory_space<vmem>>
        %dma_start3A_945 = arith.constant 0 : i32
        %dma_start3A_946 = arith.constant 0 : i32
        %dma_start3A_947 = tpu.memref_slice %arg3[%multiple_of3A_638, %dma_start3A_945, %dma_start3A_946] : memref<960x2x64xi32, #tpu.memory_space<hbm>> -> memref<5x2x64xi32, #tpu.memory_space<hbm>>
        tpu.enqueue_dma source(%dma_start3A_947 : memref<5x2x64xi32, #tpu.memory_space<hbm>>) target(%dma_start3A_944 : memref<5x2x64xi32, #tpu.memory_space<vmem>>) target_semaphore(%run_scoped3A_931 : memref<!tpu.dma_semaphore, #tpu.memory_space<semaphore_mem>>)
        %dma_wait3A_948 = arith.constant 0 : i32
        %dma_wait3A_949 = arith.constant 0 : i32
        %dma_wait3A_950 = arith.constant 0 : i32
        %dma_wait3A_951 = tpu.memref_slice %arg7[%rem3A_632, %dma_wait3A_948, %dma_wait3A_949, %dma_wait3A_950] : memref<3x5x2x64xi32, #tpu.memory_space<vmem>> -> memref<1x5x2x64xi32, #tpu.memory_space<vmem>>
        %dma_wait3A_952 = tpu.memref_squeeze %dma_wait3A_951 : memref<1x5x2x64xi32, #tpu.memory_space<vmem>> -> memref<5x2x64xi32, #tpu.memory_space<vmem>>
        %dma_wait3A_953 = arith.constant 0 : i32
        %dma_wait3A_954 = arith.constant 0 : i32
        %dma_wait3A_955 = tpu.memref_slice %arg3[%multiple_of3A_638, %dma_wait3A_953, %dma_wait3A_954] : memref<960x2x64xi32, #tpu.memory_space<hbm>> -> memref<5x2x64xi32, #tpu.memory_space<hbm>>
        %dma_wait3A_956 = arith.constant 0 : i32
        %dma_wait3A_957 = arith.constant 0 : i32
        %dma_wait3A_958 = arith.constant 0 : i32
        %dma_wait3A_959 = tpu.memref_slice %arg7[%rem3A_632, %dma_wait3A_956, %dma_wait3A_957, %dma_wait3A_958] : memref<3x5x2x64xi32, #tpu.memory_space<vmem>> -> memref<1x5x2x64xi32, #tpu.memory_space<vmem>>
        %dma_wait3A_960 = tpu.memref_squeeze %dma_wait3A_959 : memref<1x5x2x64xi32, #tpu.memory_space<vmem>> -> memref<5x2x64xi32, #tpu.memory_space<vmem>>
        %dma_wait3A_961 = arith.constant 0 : i32
        %dma_wait3A_962 = arith.constant 0 : i32
        %dma_wait3A_963 = tpu.memref_slice %arg3[%multiple_of3A_638, %dma_wait3A_961, %dma_wait3A_962] : memref<960x2x64xi32, #tpu.memory_space<hbm>> -> memref<5x2x64xi32, #tpu.memory_space<hbm>>
        tpu.wait_dma2 semaphore(%run_scoped3A_931 : memref<!tpu.dma_semaphore, #tpu.memory_space<semaphore_mem>>) src(%dma_wait3A_963 : memref<5x2x64xi32, #tpu.memory_space<hbm>>) dst(%dma_wait3A_960 : memref<5x2x64xi32, #tpu.memory_space<vmem>>)
        tpu.yield
      }) : () -> ()
      %dma_wait3A_639 = arith.constant 0 : i32
      %dma_wait3A_640 = arith.constant 1 : i32
      %dma_wait3A_641 = arith.constant 3 : i32
      %dma_wait3A_642 = arith.constant 192 : i32
      %dma_wait3A_643 = arith.constant 0 : i32
      %dma_wait3A_644 = tpu.memref_slice %arg8[%dma_wait3A_642, %dma_wait3A_643] : memref<320x128xf32, #tpu.memory_space<vmem>> -> memref<64x128xf32, #tpu.memory_space<vmem>>
      %dma_wait3A_645 = arith.constant 0 : i32
      %dma_wait3A_646 = tpu.memref_slice %arg7[%rem3A_626, %dma_wait3A_639, %dma_wait3A_640, %dma_wait3A_645] : memref<3x5x2x64xi32, #tpu.memory_space<vmem>> -> memref<1x1x1x64xi32, #tpu.memory_space<vmem>>
      %dma_wait3A_647 = tpu.memref_squeeze %dma_wait3A_646 : memref<1x1x1x64xi32, #tpu.memory_space<vmem>> -> memref<64xi32, #tpu.memory_space<vmem>>
      %dma_wait3A_648 = arith.constant 0 : i32
      %dma_wait3A_649 = arith.constant 0 : i32
      %dma_wait3A_650 = tpu.memref_slice %arg6[%dma_wait3A_648, %dma_wait3A_649] : memref<10112x128xf32, #tpu.memory_space<vmem_shared>> -> memref<10112x128xf32, #tpu.memory_space<vmem_shared>>
      %dma_wait3A_651 = tpu.memref_slice %arg10[%dma_wait3A_641] : memref<5x!tpu.dma_semaphore, #tpu.memory_space<semaphore_mem>> -> memref<1x!tpu.dma_semaphore, #tpu.memory_space<semaphore_mem>>
      %dma_wait3A_652 = tpu.memref_squeeze %dma_wait3A_651 : memref<1x!tpu.dma_semaphore, #tpu.memory_space<semaphore_mem>> -> memref<!tpu.dma_semaphore, #tpu.memory_space<semaphore_mem>>
      tpu.wait_indirect_dma semaphore(%dma_wait3A_652 : memref<!tpu.dma_semaphore, #tpu.memory_space<semaphore_mem>>) src(%dma_wait3A_644 : memref<64x128xf32, #tpu.memory_space<vmem>>) dst(%dma_wait3A_650 : memref<10112x128xf32, #tpu.memory_space<vmem_shared>>)
      %dma_start3A_653 = arith.constant 3 : i32
      %dma_start3A_654 = arith.constant 0 : i32
      %dma_start3A_655 = arith.constant 3 : i32
      %dma_start3A_656 = arith.constant 192 : i32
      %dma_start3A_657 = arith.constant 0 : i32
      %dma_start3A_658 = tpu.memref_slice %arg8[%dma_start3A_656, %dma_start3A_657] : memref<320x128xf32, #tpu.memory_space<vmem>> -> memref<64x128xf32, #tpu.memory_space<vmem>>
      %dma_start3A_659 = arith.constant 0 : i32
      %dma_start3A_660 = tpu.memref_slice %arg7[%rem3A_626, %dma_start3A_653, %dma_start3A_654, %dma_start3A_659] : memref<3x5x2x64xi32, #tpu.memory_space<vmem>> -> memref<1x1x1x64xi32, #tpu.memory_space<vmem>>
      %dma_start3A_661 = tpu.memref_squeeze %dma_start3A_660 : memref<1x1x1x64xi32, #tpu.memory_space<vmem>> -> memref<64xi32, #tpu.memory_space<vmem>>
      %dma_start3A_662 = arith.constant 0 : i32
      %dma_start3A_663 = arith.constant 0 : i32
      %dma_start3A_664 = tpu.memref_slice %arg2[%dma_start3A_662, %dma_start3A_663] : memref<10000x128xf32, #tpu.memory_space<hbm>> -> memref<10000x128xf32, #tpu.memory_space<hbm>>
      %dma_start3A_665 = tpu.memref_slice %arg9[%dma_start3A_655] : memref<5x!tpu.dma_semaphore, #tpu.memory_space<semaphore_mem>> -> memref<1x!tpu.dma_semaphore, #tpu.memory_space<semaphore_mem>>
      %dma_start3A_666 = tpu.memref_squeeze %dma_start3A_665 : memref<1x!tpu.dma_semaphore, #tpu.memory_space<semaphore_mem>> -> memref<!tpu.dma_semaphore, #tpu.memory_space<semaphore_mem>>
      tpu.enqueue_indirect_dma source(%dma_start3A_664 : memref<10000x128xf32, #tpu.memory_space<hbm>>) target(%dma_start3A_658 : memref<64x128xf32, #tpu.memory_space<vmem>>) offsets(%dma_start3A_661 : memref<64xi32, #tpu.memory_space<vmem>>) semaphore(%dma_start3A_666 : memref<!tpu.dma_semaphore, #tpu.memory_space<semaphore_mem>>)
      %dma_wait3A_667 = arith.constant 0 : i32
      %dma_wait3A_668 = arith.constant 0 : i32
      %dma_wait3A_669 = arith.constant 0 : i32
      %dma_wait3A_670 = arith.constant 0 : i32
      %dma_wait3A_671 = arith.constant 0 : i32
      %dma_wait3A_672 = tpu.memref_slice %arg8[%dma_wait3A_670, %dma_wait3A_671] : memref<320x128xf32, #tpu.memory_space<vmem>> -> memref<64x128xf32, #tpu.memory_space<vmem>>
      %dma_wait3A_673 = arith.constant 0 : i32
      %dma_wait3A_674 = tpu.memref_slice %arg7[%rem3A_626, %dma_wait3A_667, %dma_wait3A_668, %dma_wait3A_673] : memref<3x5x2x64xi32, #tpu.memory_space<vmem>> -> memref<1x1x1x64xi32, #tpu.memory_space<vmem>>
      %dma_wait3A_675 = tpu.memref_squeeze %dma_wait3A_674 : memref<1x1x1x64xi32, #tpu.memory_space<vmem>> -> memref<64xi32, #tpu.memory_space<vmem>>
      %dma_wait3A_676 = arith.constant 0 : i32
      %dma_wait3A_677 = arith.constant 0 : i32
      %dma_wait3A_678 = tpu.memref_slice %arg2[%dma_wait3A_676, %dma_wait3A_677] : memref<10000x128xf32, #tpu.memory_space<hbm>> -> memref<10000x128xf32, #tpu.memory_space<hbm>>
      %dma_wait3A_679 = tpu.memref_slice %arg9[%dma_wait3A_669] : memref<5x!tpu.dma_semaphore, #tpu.memory_space<semaphore_mem>> -> memref<1x!tpu.dma_semaphore, #tpu.memory_space<semaphore_mem>>
      %dma_wait3A_680 = tpu.memref_squeeze %dma_wait3A_679 : memref<1x!tpu.dma_semaphore, #tpu.memory_space<semaphore_mem>> -> memref<!tpu.dma_semaphore, #tpu.memory_space<semaphore_mem>>
      tpu.wait_indirect_dma semaphore(%dma_wait3A_680 : memref<!tpu.dma_semaphore, #tpu.memory_space<semaphore_mem>>) src(%dma_wait3A_678 : memref<10000x128xf32, #tpu.memory_space<hbm>>) dst(%dma_wait3A_672 : memref<64x128xf32, #tpu.memory_space<vmem>>)
      %dma_start3A_681 = arith.constant 0 : i32
      %dma_start3A_682 = arith.constant 1 : i32
      %dma_start3A_683 = arith.constant 0 : i32
      %dma_start3A_684 = arith.constant 0 : i32
      %dma_start3A_685 = arith.constant 0 : i32
      %dma_start3A_686 = tpu.memref_slice %arg8[%dma_start3A_684, %dma_start3A_685] : memref<320x128xf32, #tpu.memory_space<vmem>> -> memref<64x128xf32, #tpu.memory_space<vmem>>
      %dma_start3A_687 = arith.constant 0 : i32
      %dma_start3A_688 = tpu.memref_slice %arg7[%rem3A_626, %dma_start3A_681, %dma_start3A_682, %dma_start3A_687] : memref<3x5x2x64xi32, #tpu.memory_space<vmem>> -> memref<1x1x1x64xi32, #tpu.memory_space<vmem>>
      %dma_start3A_689 = tpu.memref_squeeze %dma_start3A_688 : memref<1x1x1x64xi32, #tpu.memory_space<vmem>> -> memref<64xi32, #tpu.memory_space<vmem>>
      %dma_start3A_690 = arith.constant 0 : i32
      %dma_start3A_691 = arith.constant 0 : i32
      %dma_start3A_692 = tpu.memref_slice %arg6[%dma_start3A_690, %dma_start3A_691] : memref<10112x128xf32, #tpu.memory_space<vmem_shared>> -> memref<10112x128xf32, #tpu.memory_space<vmem_shared>>
      %dma_start3A_693 = tpu.memref_slice %arg10[%dma_start3A_683] : memref<5x!tpu.dma_semaphore, #tpu.memory_space<semaphore_mem>> -> memref<1x!tpu.dma_semaphore, #tpu.memory_space<semaphore_mem>>
      %dma_start3A_694 = tpu.memref_squeeze %dma_start3A_693 : memref<1x!tpu.dma_semaphore, #tpu.memory_space<semaphore_mem>> -> memref<!tpu.dma_semaphore, #tpu.memory_space<semaphore_mem>>
      tpu.enqueue_indirect_dma source(%dma_start3A_686 : memref<64x128xf32, #tpu.memory_space<vmem>>) target(%dma_start3A_692 : memref<10112x128xf32, #tpu.memory_space<vmem_shared>>) offsets(%dma_start3A_689 : memref<64xi32, #tpu.memory_space<vmem>>) semaphore(%dma_start3A_694 : memref<!tpu.dma_semaphore, #tpu.memory_space<semaphore_mem>>) {add = true}
      %dma_wait3A_695 = arith.constant 1 : i32
      %dma_wait3A_696 = arith.constant 1 : i32
      %dma_wait3A_697 = arith.constant 4 : i32
      %dma_wait3A_698 = arith.constant 256 : i32
      %dma_wait3A_699 = arith.constant 0 : i32
      %dma_wait3A_700 = tpu.memref_slice %arg8[%dma_wait3A_698, %dma_wait3A_699] : memref<320x128xf32, #tpu.memory_space<vmem>> -> memref<64x128xf32, #tpu.memory_space<vmem>>
      %dma_wait3A_701 = arith.constant 0 : i32
      %dma_wait3A_702 = tpu.memref_slice %arg7[%rem3A_626, %dma_wait3A_695, %dma_wait3A_696, %dma_wait3A_701] : memref<3x5x2x64xi32, #tpu.memory_space<vmem>> -> memref<1x1x1x64xi32, #tpu.memory_space<vmem>>
      %dma_wait3A_703 = tpu.memref_squeeze %dma_wait3A_702 : memref<1x1x1x64xi32, #tpu.memory_space<vmem>> -> memref<64xi32, #tpu.memory_space<vmem>>
      %dma_wait3A_704 = arith.constant 0 : i32
      %dma_wait3A_705 = arith.constant 0 : i32
      %dma_wait3A_706 = tpu.memref_slice %arg6[%dma_wait3A_704, %dma_wait3A_705] : memref<10112x128xf32, #tpu.memory_space<vmem_shared>> -> memref<10112x128xf32, #tpu.memory_space<vmem_shared>>
      %dma_wait3A_707 = tpu.memref_slice %arg10[%dma_wait3A_697] : memref<5x!tpu.dma_semaphore, #tpu.memory_space<semaphore_mem>> -> memref<1x!tpu.dma_semaphore, #tpu.memory_space<semaphore_mem>>
      %dma_wait3A_708 = tpu.memref_squeeze %dma_wait3A_707 : memref<1x!tpu.dma_semaphore, #tpu.memory_space<semaphore_mem>> -> memref<!tpu.dma_semaphore, #tpu.memory_space<semaphore_mem>>
      tpu.wait_indirect_dma semaphore(%dma_wait3A_708 : memref<!tpu.dma_semaphore, #tpu.memory_space<semaphore_mem>>) src(%dma_wait3A_700 : memref<64x128xf32, #tpu.memory_space<vmem>>) dst(%dma_wait3A_706 : memref<10112x128xf32, #tpu.memory_space<vmem_shared>>)
      %dma_start3A_709 = arith.constant 4 : i32
      %dma_start3A_710 = arith.constant 0 : i32
      %dma_start3A_711 = arith.constant 4 : i32
      %dma_start3A_712 = arith.constant 256 : i32
      %dma_start3A_713 = arith.constant 0 : i32
      %dma_start3A_714 = tpu.memref_slice %arg8[%dma_start3A_712, %dma_start3A_713] : memref<320x128xf32, #tpu.memory_space<vmem>> -> memref<64x128xf32, #tpu.memory_space<vmem>>
      %dma_start3A_715 = arith.constant 0 : i32
      %dma_start3A_716 = tpu.memref_slice %arg7[%rem3A_626, %dma_start3A_709, %dma_start3A_710, %dma_start3A_715] : memref<3x5x2x64xi32, #tpu.memory_space<vmem>> -> memref<1x1x1x64xi32, #tpu.memory_space<vmem>>
      %dma_start3A_717 = tpu.memref_squeeze %dma_start3A_716 : memref<1x1x1x64xi32, #tpu.memory_space<vmem>> -> memref<64xi32, #tpu.memory_space<vmem>>
      %dma_start3A_718 = arith.constant 0 : i32
      %dma_start3A_719 = arith.constant 0 : i32
      %dma_start3A_720 = tpu.memref_slice %arg2[%dma_start3A_718, %dma_start3A_719] : memref<10000x128xf32, #tpu.memory_space<hbm>> -> memref<10000x128xf32, #tpu.memory_space<hbm>>
      %dma_start3A_721 = tpu.memref_slice %arg9[%dma_start3A_711] : memref<5x!tpu.dma_semaphore, #tpu.memory_space<semaphore_mem>> -> memref<1x!tpu.dma_semaphore, #tpu.memory_space<semaphore_mem>>
      %dma_start3A_722 = tpu.memref_squeeze %dma_start3A_721 : memref<1x!tpu.dma_semaphore, #tpu.memory_space<semaphore_mem>> -> memref<!tpu.dma_semaphore, #tpu.memory_space<semaphore_mem>>
      tpu.enqueue_indirect_dma source(%dma_start3A_720 : memref<10000x128xf32, #tpu.memory_space<hbm>>) target(%dma_start3A_714 : memref<64x128xf32, #tpu.memory_space<vmem>>) offsets(%dma_start3A_717 : memref<64xi32, #tpu.memory_space<vmem>>) semaphore(%dma_start3A_722 : memref<!tpu.dma_semaphore, #tpu.memory_space<semaphore_mem>>)
      %dma_wait3A_723 = arith.constant 1 : i32
      %dma_wait3A_724 = arith.constant 0 : i32
      %dma_wait3A_725 = arith.constant 1 : i32
      %dma_wait3A_726 = arith.constant 64 : i32
      %dma_wait3A_727 = arith.constant 0 : i32
      %dma_wait3A_728 = tpu.memref_slice %arg8[%dma_wait3A_726, %dma_wait3A_727] : memref<320x128xf32, #tpu.memory_space<vmem>> -> memref<64x128xf32, #tpu.memory_space<vmem>>
      %dma_wait3A_729 = arith.constant 0 : i32
      %dma_wait3A_730 = tpu.memref_slice %arg7[%rem3A_626, %dma_wait3A_723, %dma_wait3A_724, %dma_wait3A_729] : memref<3x5x2x64xi32, #tpu.memory_space<vmem>> -> memref<1x1x1x64xi32, #tpu.memory_space<vmem>>
      %dma_wait3A_731 = tpu.memref_squeeze %dma_wait3A_730 : memref<1x1x1x64xi32, #tpu.memory_space<vmem>> -> memref<64xi32, #tpu.memory_space<vmem>>
      %dma_wait3A_732 = arith.constant 0 : i32
      %dma_wait3A_733 = arith.constant 0 : i32
      %dma_wait3A_734 = tpu.memref_slice %arg2[%dma_wait3A_732, %dma_wait3A_733] : memref<10000x128xf32, #tpu.memory_space<hbm>> -> memref<10000x128xf32, #tpu.memory_space<hbm>>
      %dma_wait3A_735 = tpu.memref_slice %arg9[%dma_wait3A_725] : memref<5x!tpu.dma_semaphore, #tpu.memory_space<semaphore_mem>> -> memref<1x!tpu.dma_semaphore, #tpu.memory_space<semaphore_mem>>
      %dma_wait3A_736 = tpu.memref_squeeze %dma_wait3A_735 : memref<1x!tpu.dma_semaphore, #tpu.memory_space<semaphore_mem>> -> memref<!tpu.dma_semaphore, #tpu.memory_space<semaphore_mem>>
      tpu.wait_indirect_dma semaphore(%dma_wait3A_736 : memref<!tpu.dma_semaphore, #tpu.memory_space<semaphore_mem>>) src(%dma_wait3A_734 : memref<10000x128xf32, #tpu.memory_space<hbm>>) dst(%dma_wait3A_728 : memref<64x128xf32, #tpu.memory_space<vmem>>)
      %dma_start3A_737 = arith.constant 1 : i32
      %dma_start3A_738 = arith.constant 1 : i32
      %dma_start3A_739 = arith.constant 1 : i32
      %dma_start3A_740 = arith.constant 64 : i32
      %dma_start3A_741 = arith.constant 0 : i32
      %dma_start3A_742 = tpu.memref_slice %arg8[%dma_start3A_740, %dma_start3A_741] : memref<320x128xf32, #tpu.memory_space<vmem>> -> memref<64x128xf32, #tpu.memory_space<vmem>>
      %dma_start3A_743 = arith.constant 0 : i32
      %dma_start3A_744 = tpu.memref_slice %arg7[%rem3A_626, %dma_start3A_737, %dma_start3A_738, %dma_start3A_743] : memref<3x5x2x64xi32, #tpu.memory_space<vmem>> -> memref<1x1x1x64xi32, #tpu.memory_space<vmem>>
      %dma_start3A_745 = tpu.memref_squeeze %dma_start3A_744 : memref<1x1x1x64xi32, #tpu.memory_space<vmem>> -> memref<64xi32, #tpu.memory_space<vmem>>
      %dma_start3A_746 = arith.constant 0 : i32
      %dma_start3A_747 = arith.constant 0 : i32
      %dma_start3A_748 = tpu.memref_slice %arg6[%dma_start3A_746, %dma_start3A_747] : memref<10112x128xf32, #tpu.memory_space<vmem_shared>> -> memref<10112x128xf32, #tpu.memory_space<vmem_shared>>
      %dma_start3A_749 = tpu.memref_slice %arg10[%dma_start3A_739] : memref<5x!tpu.dma_semaphore, #tpu.memory_space<semaphore_mem>> -> memref<1x!tpu.dma_semaphore, #tpu.memory_space<semaphore_mem>>
      %dma_start3A_750 = tpu.memref_squeeze %dma_start3A_749 : memref<1x!tpu.dma_semaphore, #tpu.memory_space<semaphore_mem>> -> memref<!tpu.dma_semaphore, #tpu.memory_space<semaphore_mem>>
      tpu.enqueue_indirect_dma source(%dma_start3A_742 : memref<64x128xf32, #tpu.memory_space<vmem>>) target(%dma_start3A_748 : memref<10112x128xf32, #tpu.memory_space<vmem_shared>>) offsets(%dma_start3A_745 : memref<64xi32, #tpu.memory_space<vmem>>) semaphore(%dma_start3A_750 : memref<!tpu.dma_semaphore, #tpu.memory_space<semaphore_mem>>) {add = true}
      %add3A_751 = arith.constant 1 : i32
      %add3A_752 = arith.addi %rem3A_626, %add3A_751 : i32
      %rem3A_753 = arith.constant 3 : i32
      %rem3A_754 = arith.remsi %add3A_752, %rem3A_753 : i32
      %dma_wait3A_755 = arith.constant 2 : i32
      %dma_wait3A_756 = arith.constant 1 : i32
      %dma_wait3A_757 = arith.constant 0 : i32
      %dma_wait3A_758 = arith.constant 0 : i32
      %dma_wait3A_759 = arith.constant 0 : i32
      %dma_wait3A_760 = tpu.memref_slice %arg8[%dma_wait3A_758, %dma_wait3A_759] : memref<320x128xf32, #tpu.memory_space<vmem>> -> memref<64x128xf32, #tpu.memory_space<vmem>>
      %dma_wait3A_761 = arith.constant 0 : i32
      %dma_wait3A_762 = tpu.memref_slice %arg7[%rem3A_626, %dma_wait3A_755, %dma_wait3A_756, %dma_wait3A_761] : memref<3x5x2x64xi32, #tpu.memory_space<vmem>> -> memref<1x1x1x64xi32, #tpu.memory_space<vmem>>
      %dma_wait3A_763 = tpu.memref_squeeze %dma_wait3A_762 : memref<1x1x1x64xi32, #tpu.memory_space<vmem>> -> memref<64xi32, #tpu.memory_space<vmem>>
      %dma_wait3A_764 = arith.constant 0 : i32
      %dma_wait3A_765 = arith.constant 0 : i32
      %dma_wait3A_766 = tpu.memref_slice %arg6[%dma_wait3A_764, %dma_wait3A_765] : memref<10112x128xf32, #tpu.memory_space<vmem_shared>> -> memref<10112x128xf32, #tpu.memory_space<vmem_shared>>
      %dma_wait3A_767 = tpu.memref_slice %arg10[%dma_wait3A_757] : memref<5x!tpu.dma_semaphore, #tpu.memory_space<semaphore_mem>> -> memref<1x!tpu.dma_semaphore, #tpu.memory_space<semaphore_mem>>
      %dma_wait3A_768 = tpu.memref_squeeze %dma_wait3A_767 : memref<1x!tpu.dma_semaphore, #tpu.memory_space<semaphore_mem>> -> memref<!tpu.dma_semaphore, #tpu.memory_space<semaphore_mem>>
      tpu.wait_indirect_dma semaphore(%dma_wait3A_768 : memref<!tpu.dma_semaphore, #tpu.memory_space<semaphore_mem>>) src(%dma_wait3A_760 : memref<64x128xf32, #tpu.memory_space<vmem>>) dst(%dma_wait3A_766 : memref<10112x128xf32, #tpu.memory_space<vmem_shared>>)
      %dma_start3A_769 = arith.constant 0 : i32
      %dma_start3A_770 = arith.constant 0 : i32
      %dma_start3A_771 = arith.constant 0 : i32
      %dma_start3A_772 = arith.constant 0 : i32
      %dma_start3A_773 = arith.constant 0 : i32
      %dma_start3A_774 = tpu.memref_slice %arg8[%dma_start3A_772, %dma_start3A_773] : memref<320x128xf32, #tpu.memory_space<vmem>> -> memref<64x128xf32, #tpu.memory_space<vmem>>
      %dma_start3A_775 = arith.constant 0 : i32
      %dma_start3A_776 = tpu.memref_slice %arg7[%rem3A_754, %dma_start3A_769, %dma_start3A_770, %dma_start3A_775] : memref<3x5x2x64xi32, #tpu.memory_space<vmem>> -> memref<1x1x1x64xi32, #tpu.memory_space<vmem>>
      %dma_start3A_777 = tpu.memref_squeeze %dma_start3A_776 : memref<1x1x1x64xi32, #tpu.memory_space<vmem>> -> memref<64xi32, #tpu.memory_space<vmem>>
      %dma_start3A_778 = arith.constant 0 : i32
      %dma_start3A_779 = arith.constant 0 : i32
      %dma_start3A_780 = tpu.memref_slice %arg2[%dma_start3A_778, %dma_start3A_779] : memref<10000x128xf32, #tpu.memory_space<hbm>> -> memref<10000x128xf32, #tpu.memory_space<hbm>>
      %dma_start3A_781 = tpu.memref_slice %arg9[%dma_start3A_771] : memref<5x!tpu.dma_semaphore, #tpu.memory_space<semaphore_mem>> -> memref<1x!tpu.dma_semaphore, #tpu.memory_space<semaphore_mem>>
      %dma_start3A_782 = tpu.memref_squeeze %dma_start3A_781 : memref<1x!tpu.dma_semaphore, #tpu.memory_space<semaphore_mem>> -> memref<!tpu.dma_semaphore, #tpu.memory_space<semaphore_mem>>
      tpu.enqueue_indirect_dma source(%dma_start3A_780 : memref<10000x128xf32, #tpu.memory_space<hbm>>) target(%dma_start3A_774 : memref<64x128xf32, #tpu.memory_space<vmem>>) offsets(%dma_start3A_777 : memref<64xi32, #tpu.memory_space<vmem>>) semaphore(%dma_start3A_782 : memref<!tpu.dma_semaphore, #tpu.memory_space<semaphore_mem>>)
      %dma_wait3A_783 = arith.constant 2 : i32
      %dma_wait3A_784 = arith.constant 0 : i32
      %dma_wait3A_785 = arith.constant 2 : i32
      %dma_wait3A_786 = arith.constant 128 : i32
      %dma_wait3A_787 = arith.constant 0 : i32
      %dma_wait3A_788 = tpu.memref_slice %arg8[%dma_wait3A_786, %dma_wait3A_787] : memref<320x128xf32, #tpu.memory_space<vmem>> -> memref<64x128xf32, #tpu.memory_space<vmem>>
      %dma_wait3A_789 = arith.constant 0 : i32
      %dma_wait3A_790 = tpu.memref_slice %arg7[%rem3A_626, %dma_wait3A_783, %dma_wait3A_784, %dma_wait3A_789] : memref<3x5x2x64xi32, #tpu.memory_space<vmem>> -> memref<1x1x1x64xi32, #tpu.memory_space<vmem>>
      %dma_wait3A_791 = tpu.memref_squeeze %dma_wait3A_790 : memref<1x1x1x64xi32, #tpu.memory_space<vmem>> -> memref<64xi32, #tpu.memory_space<vmem>>
      %dma_wait3A_792 = arith.constant 0 : i32
      %dma_wait3A_793 = arith.constant 0 : i32
      %dma_wait3A_794 = tpu.memref_slice %arg2[%dma_wait3A_792, %dma_wait3A_793] : memref<10000x128xf32, #tpu.memory_space<hbm>> -> memref<10000x128xf32, #tpu.memory_space<hbm>>
      %dma_wait3A_795 = tpu.memref_slice %arg9[%dma_wait3A_785] : memref<5x!tpu.dma_semaphore, #tpu.memory_space<semaphore_mem>> -> memref<1x!tpu.dma_semaphore, #tpu.memory_space<semaphore_mem>>
      %dma_wait3A_796 = tpu.memref_squeeze %dma_wait3A_795 : memref<1x!tpu.dma_semaphore, #tpu.memory_space<semaphore_mem>> -> memref<!tpu.dma_semaphore, #tpu.memory_space<semaphore_mem>>
      tpu.wait_indirect_dma semaphore(%dma_wait3A_796 : memref<!tpu.dma_semaphore, #tpu.memory_space<semaphore_mem>>) src(%dma_wait3A_794 : memref<10000x128xf32, #tpu.memory_space<hbm>>) dst(%dma_wait3A_788 : memref<64x128xf32, #tpu.memory_space<vmem>>)
      %dma_start3A_797 = arith.constant 2 : i32
      %dma_start3A_798 = arith.constant 1 : i32
      %dma_start3A_799 = arith.constant 2 : i32
      %dma_start3A_800 = arith.constant 128 : i32
      %dma_start3A_801 = arith.constant 0 : i32
      %dma_start3A_802 = tpu.memref_slice %arg8[%dma_start3A_800, %dma_start3A_801] : memref<320x128xf32, #tpu.memory_space<vmem>> -> memref<64x128xf32, #tpu.memory_space<vmem>>
      %dma_start3A_803 = arith.constant 0 : i32
      %dma_start3A_804 = tpu.memref_slice %arg7[%rem3A_626, %dma_start3A_797, %dma_start3A_798, %dma_start3A_803] : memref<3x5x2x64xi32, #tpu.memory_space<vmem>> -> memref<1x1x1x64xi32, #tpu.memory_space<vmem>>
      %dma_start3A_805 = tpu.memref_squeeze %dma_start3A_804 : memref<1x1x1x64xi32, #tpu.memory_space<vmem>> -> memref<64xi32, #tpu.memory_space<vmem>>
      %dma_start3A_806 = arith.constant 0 : i32
      %dma_start3A_807 = arith.constant 0 : i32
      %dma_start3A_808 = tpu.memref_slice %arg6[%dma_start3A_806, %dma_start3A_807] : memref<10112x128xf32, #tpu.memory_space<vmem_shared>> -> memref<10112x128xf32, #tpu.memory_space<vmem_shared>>
      %dma_start3A_809 = tpu.memref_slice %arg10[%dma_start3A_799] : memref<5x!tpu.dma_semaphore, #tpu.memory_space<semaphore_mem>> -> memref<1x!tpu.dma_semaphore, #tpu.memory_space<semaphore_mem>>
      %dma_start3A_810 = tpu.memref_squeeze %dma_start3A_809 : memref<1x!tpu.dma_semaphore, #tpu.memory_space<semaphore_mem>> -> memref<!tpu.dma_semaphore, #tpu.memory_space<semaphore_mem>>
      tpu.enqueue_indirect_dma source(%dma_start3A_802 : memref<64x128xf32, #tpu.memory_space<vmem>>) target(%dma_start3A_808 : memref<10112x128xf32, #tpu.memory_space<vmem_shared>>) offsets(%dma_start3A_805 : memref<64xi32, #tpu.memory_space<vmem>>) semaphore(%dma_start3A_810 : memref<!tpu.dma_semaphore, #tpu.memory_space<semaphore_mem>>) {add = true}
      %add3A_811 = arith.constant 1 : i32
      %add3A_812 = arith.addi %rem3A_626, %add3A_811 : i32
      %rem3A_813 = arith.constant 3 : i32
      %rem3A_814 = arith.remsi %add3A_812, %rem3A_813 : i32
      %dma_wait3A_815 = arith.constant 3 : i32
      %dma_wait3A_816 = arith.constant 1 : i32
      %dma_wait3A_817 = arith.constant 1 : i32
      %dma_wait3A_818 = arith.constant 64 : i32
      %dma_wait3A_819 = arith.constant 0 : i32
      %dma_wait3A_820 = tpu.memref_slice %arg8[%dma_wait3A_818, %dma_wait3A_819] : memref<320x128xf32, #tpu.memory_space<vmem>> -> memref<64x128xf32, #tpu.memory_space<vmem>>
      %dma_wait3A_821 = arith.constant 0 : i32
      %dma_wait3A_822 = tpu.memref_slice %arg7[%rem3A_626, %dma_wait3A_815, %dma_wait3A_816, %dma_wait3A_821] : memref<3x5x2x64xi32, #tpu.memory_space<vmem>> -> memref<1x1x1x64xi32, #tpu.memory_space<vmem>>
      %dma_wait3A_823 = tpu.memref_squeeze %dma_wait3A_822 : memref<1x1x1x64xi32, #tpu.memory_space<vmem>> -> memref<64xi32, #tpu.memory_space<vmem>>
      %dma_wait3A_824 = arith.constant 0 : i32
      %dma_wait3A_825 = arith.constant 0 : i32
      %dma_wait3A_826 = tpu.memref_slice %arg6[%dma_wait3A_824, %dma_wait3A_825] : memref<10112x128xf32, #tpu.memory_space<vmem_shared>> -> memref<10112x128xf32, #tpu.memory_space<vmem_shared>>
      %dma_wait3A_827 = tpu.memref_slice %arg10[%dma_wait3A_817] : memref<5x!tpu.dma_semaphore, #tpu.memory_space<semaphore_mem>> -> memref<1x!tpu.dma_semaphore, #tpu.memory_space<semaphore_mem>>
      %dma_wait3A_828 = tpu.memref_squeeze %dma_wait3A_827 : memref<1x!tpu.dma_semaphore, #tpu.memory_space<semaphore_mem>> -> memref<!tpu.dma_semaphore, #tpu.memory_space<semaphore_mem>>
      tpu.wait_indirect_dma semaphore(%dma_wait3A_828 : memref<!tpu.dma_semaphore, #tpu.memory_space<semaphore_mem>>) src(%dma_wait3A_820 : memref<64x128xf32, #tpu.memory_space<vmem>>) dst(%dma_wait3A_826 : memref<10112x128xf32, #tpu.memory_space<vmem_shared>>)
      %dma_start3A_829 = arith.constant 1 : i32
      %dma_start3A_830 = arith.constant 0 : i32
      %dma_start3A_831 = arith.constant 1 : i32
      %dma_start3A_832 = arith.constant 64 : i32
      %dma_start3A_833 = arith.constant 0 : i32
      %dma_start3A_834 = tpu.memref_slice %arg8[%dma_start3A_832, %dma_start3A_833] : memref<320x128xf32, #tpu.memory_space<vmem>> -> memref<64x128xf32, #tpu.memory_space<vmem>>
      %dma_start3A_835 = arith.constant 0 : i32
      %dma_start3A_836 = tpu.memref_slice %arg7[%rem3A_814, %dma_start3A_829, %dma_start3A_830, %dma_start3A_835] : memref<3x5x2x64xi32, #tpu.memory_space<vmem>> -> memref<1x1x1x64xi32, #tpu.memory_space<vmem>>
      %dma_start3A_837 = tpu.memref_squeeze %dma_start3A_836 : memref<1x1x1x64xi32, #tpu.memory_space<vmem>> -> memref<64xi32, #tpu.memory_space<vmem>>
      %dma_start3A_838 = arith.constant 0 : i32
      %dma_start3A_839 = arith.constant 0 : i32
      %dma_start3A_840 = tpu.memref_slice %arg2[%dma_start3A_838, %dma_start3A_839] : memref<10000x128xf32, #tpu.memory_space<hbm>> -> memref<10000x128xf32, #tpu.memory_space<hbm>>
      %dma_start3A_841 = tpu.memref_slice %arg9[%dma_start3A_831] : memref<5x!tpu.dma_semaphore, #tpu.memory_space<semaphore_mem>> -> memref<1x!tpu.dma_semaphore, #tpu.memory_space<semaphore_mem>>
      %dma_start3A_842 = tpu.memref_squeeze %dma_start3A_841 : memref<1x!tpu.dma_semaphore, #tpu.memory_space<semaphore_mem>> -> memref<!tpu.dma_semaphore, #tpu.memory_space<semaphore_mem>>
      tpu.enqueue_indirect_dma source(%dma_start3A_840 : memref<10000x128xf32, #tpu.memory_space<hbm>>) target(%dma_start3A_834 : memref<64x128xf32, #tpu.memory_space<vmem>>) offsets(%dma_start3A_837 : memref<64xi32, #tpu.memory_space<vmem>>) semaphore(%dma_start3A_842 : memref<!tpu.dma_semaphore, #tpu.memory_space<semaphore_mem>>)
      %dma_wait3A_843 = arith.constant 3 : i32
      %dma_wait3A_844 = arith.constant 0 : i32
      %dma_wait3A_845 = arith.constant 3 : i32
      %dma_wait3A_846 = arith.constant 192 : i32
      %dma_wait3A_847 = arith.constant 0 : i32
      %dma_wait3A_848 = tpu.memref_slice %arg8[%dma_wait3A_846, %dma_wait3A_847] : memref<320x128xf32, #tpu.memory_space<vmem>> -> memref<64x128xf32, #tpu.memory_space<vmem>>
      %dma_wait3A_849 = arith.constant 0 : i32
      %dma_wait3A_850 = tpu.memref_slice %arg7[%rem3A_626, %dma_wait3A_843, %dma_wait3A_844, %dma_wait3A_849] : memref<3x5x2x64xi32, #tpu.memory_space<vmem>> -> memref<1x1x1x64xi32, #tpu.memory_space<vmem>>
      %dma_wait3A_851 = tpu.memref_squeeze %dma_wait3A_850 : memref<1x1x1x64xi32, #tpu.memory_space<vmem>> -> memref<64xi32, #tpu.memory_space<vmem>>
      %dma_wait3A_852 = arith.constant 0 : i32
      %dma_wait3A_853 = arith.constant 0 : i32
      %dma_wait3A_854 = tpu.memref_slice %arg2[%dma_wait3A_852, %dma_wait3A_853] : memref<10000x128xf32, #tpu.memory_space<hbm>> -> memref<10000x128xf32, #tpu.memory_space<hbm>>
      %dma_wait3A_855 = tpu.memref_slice %arg9[%dma_wait3A_845] : memref<5x!tpu.dma_semaphore, #tpu.memory_space<semaphore_mem>> -> memref<1x!tpu.dma_semaphore, #tpu.memory_space<semaphore_mem>>
      %dma_wait3A_856 = tpu.memref_squeeze %dma_wait3A_855 : memref<1x!tpu.dma_semaphore, #tpu.memory_space<semaphore_mem>> -> memref<!tpu.dma_semaphore, #tpu.memory_space<semaphore_mem>>
      tpu.wait_indirect_dma semaphore(%dma_wait3A_856 : memref<!tpu.dma_semaphore, #tpu.memory_space<semaphore_mem>>) src(%dma_wait3A_854 : memref<10000x128xf32, #tpu.memory_space<hbm>>) dst(%dma_wait3A_848 : memref<64x128xf32, #tpu.memory_space<vmem>>)
      %dma_start3A_857 = arith.constant 3 : i32
      %dma_start3A_858 = arith.constant 1 : i32
      %dma_start3A_859 = arith.constant 3 : i32
      %dma_start3A_860 = arith.constant 192 : i32
      %dma_start3A_861 = arith.constant 0 : i32
      %dma_start3A_862 = tpu.memref_slice %arg8[%dma_start3A_860, %dma_start3A_861] : memref<320x128xf32, #tpu.memory_space<vmem>> -> memref<64x128xf32, #tpu.memory_space<vmem>>
      %dma_start3A_863 = arith.constant 0 : i32
      %dma_start3A_864 = tpu.memref_slice %arg7[%rem3A_626, %dma_start3A_857, %dma_start3A_858, %dma_start3A_863] : memref<3x5x2x64xi32, #tpu.memory_space<vmem>> -> memref<1x1x1x64xi32, #tpu.memory_space<vmem>>
      %dma_start3A_865 = tpu.memref_squeeze %dma_start3A_864 : memref<1x1x1x64xi32, #tpu.memory_space<vmem>> -> memref<64xi32, #tpu.memory_space<vmem>>
      %dma_start3A_866 = arith.constant 0 : i32
      %dma_start3A_867 = arith.constant 0 : i32
      %dma_start3A_868 = tpu.memref_slice %arg6[%dma_start3A_866, %dma_start3A_867] : memref<10112x128xf32, #tpu.memory_space<vmem_shared>> -> memref<10112x128xf32, #tpu.memory_space<vmem_shared>>
      %dma_start3A_869 = tpu.memref_slice %arg10[%dma_start3A_859] : memref<5x!tpu.dma_semaphore, #tpu.memory_space<semaphore_mem>> -> memref<1x!tpu.dma_semaphore, #tpu.memory_space<semaphore_mem>>
      %dma_start3A_870 = tpu.memref_squeeze %dma_start3A_869 : memref<1x!tpu.dma_semaphore, #tpu.memory_space<semaphore_mem>> -> memref<!tpu.dma_semaphore, #tpu.memory_space<semaphore_mem>>
      tpu.enqueue_indirect_dma source(%dma_start3A_862 : memref<64x128xf32, #tpu.memory_space<vmem>>) target(%dma_start3A_868 : memref<10112x128xf32, #tpu.memory_space<vmem_shared>>) offsets(%dma_start3A_865 : memref<64xi32, #tpu.memory_space<vmem>>) semaphore(%dma_start3A_870 : memref<!tpu.dma_semaphore, #tpu.memory_space<semaphore_mem>>) {add = true}
      %add3A_871 = arith.constant 1 : i32
      %add3A_872 = arith.addi %rem3A_626, %add3A_871 : i32
      %rem3A_873 = arith.constant 3 : i32
      %rem3A_874 = arith.remsi %add3A_872, %rem3A_873 : i32
      %dma_wait3A_875 = arith.constant 4 : i32
      %dma_wait3A_876 = arith.constant 1 : i32
      %dma_wait3A_877 = arith.constant 2 : i32
      %dma_wait3A_878 = arith.constant 128 : i32
      %dma_wait3A_879 = arith.constant 0 : i32
      %dma_wait3A_880 = tpu.memref_slice %arg8[%dma_wait3A_878, %dma_wait3A_879] : memref<320x128xf32, #tpu.memory_space<vmem>> -> memref<64x128xf32, #tpu.memory_space<vmem>>
      %dma_wait3A_881 = arith.constant 0 : i32
      %dma_wait3A_882 = tpu.memref_slice %arg7[%rem3A_626, %dma_wait3A_875, %dma_wait3A_876, %dma_wait3A_881] : memref<3x5x2x64xi32, #tpu.memory_space<vmem>> -> memref<1x1x1x64xi32, #tpu.memory_space<vmem>>
      %dma_wait3A_883 = tpu.memref_squeeze %dma_wait3A_882 : memref<1x1x1x64xi32, #tpu.memory_space<vmem>> -> memref<64xi32, #tpu.memory_space<vmem>>
      %dma_wait3A_884 = arith.constant 0 : i32
      %dma_wait3A_885 = arith.constant 0 : i32
      %dma_wait3A_886 = tpu.memref_slice %arg6[%dma_wait3A_884, %dma_wait3A_885] : memref<10112x128xf32, #tpu.memory_space<vmem_shared>> -> memref<10112x128xf32, #tpu.memory_space<vmem_shared>>
      %dma_wait3A_887 = tpu.memref_slice %arg10[%dma_wait3A_877] : memref<5x!tpu.dma_semaphore, #tpu.memory_space<semaphore_mem>> -> memref<1x!tpu.dma_semaphore, #tpu.memory_space<semaphore_mem>>
      %dma_wait3A_888 = tpu.memref_squeeze %dma_wait3A_887 : memref<1x!tpu.dma_semaphore, #tpu.memory_space<semaphore_mem>> -> memref<!tpu.dma_semaphore, #tpu.memory_space<semaphore_mem>>
      tpu.wait_indirect_dma semaphore(%dma_wait3A_888 : memref<!tpu.dma_semaphore, #tpu.memory_space<semaphore_mem>>) src(%dma_wait3A_880 : memref<64x128xf32, #tpu.memory_space<vmem>>) dst(%dma_wait3A_886 : memref<10112x128xf32, #tpu.memory_space<vmem_shared>>)
      %dma_start3A_889 = arith.constant 2 : i32
      %dma_start3A_890 = arith.constant 0 : i32
      %dma_start3A_891 = arith.constant 2 : i32
      %dma_start3A_892 = arith.constant 128 : i32
      %dma_start3A_893 = arith.constant 0 : i32
      %dma_start3A_894 = tpu.memref_slice %arg8[%dma_start3A_892, %dma_start3A_893] : memref<320x128xf32, #tpu.memory_space<vmem>> -> memref<64x128xf32, #tpu.memory_space<vmem>>
      %dma_start3A_895 = arith.constant 0 : i32
      %dma_start3A_896 = tpu.memref_slice %arg7[%rem3A_874, %dma_start3A_889, %dma_start3A_890, %dma_start3A_895] : memref<3x5x2x64xi32, #tpu.memory_space<vmem>> -> memref<1x1x1x64xi32, #tpu.memory_space<vmem>>
      %dma_start3A_897 = tpu.memref_squeeze %dma_start3A_896 : memref<1x1x1x64xi32, #tpu.memory_space<vmem>> -> memref<64xi32, #tpu.memory_space<vmem>>
      %dma_start3A_898 = arith.constant 0 : i32
      %dma_start3A_899 = arith.constant 0 : i32
      %dma_start3A_900 = tpu.memref_slice %arg2[%dma_start3A_898, %dma_start3A_899] : memref<10000x128xf32, #tpu.memory_space<hbm>> -> memref<10000x128xf32, #tpu.memory_space<hbm>>
      %dma_start3A_901 = tpu.memref_slice %arg9[%dma_start3A_891] : memref<5x!tpu.dma_semaphore, #tpu.memory_space<semaphore_mem>> -> memref<1x!tpu.dma_semaphore, #tpu.memory_space<semaphore_mem>>
      %dma_start3A_902 = tpu.memref_squeeze %dma_start3A_901 : memref<1x!tpu.dma_semaphore, #tpu.memory_space<semaphore_mem>> -> memref<!tpu.dma_semaphore, #tpu.memory_space<semaphore_mem>>
      tpu.enqueue_indirect_dma source(%dma_start3A_900 : memref<10000x128xf32, #tpu.memory_space<hbm>>) target(%dma_start3A_894 : memref<64x128xf32, #tpu.memory_space<vmem>>) offsets(%dma_start3A_897 : memref<64xi32, #tpu.memory_space<vmem>>) semaphore(%dma_start3A_902 : memref<!tpu.dma_semaphore, #tpu.memory_space<semaphore_mem>>)
      %dma_wait3A_903 = arith.constant 4 : i32
      %dma_wait3A_904 = arith.constant 0 : i32
      %dma_wait3A_905 = arith.constant 4 : i32
      %dma_wait3A_906 = arith.constant 256 : i32
      %dma_wait3A_907 = arith.constant 0 : i32
      %dma_wait3A_908 = tpu.memref_slice %arg8[%dma_wait3A_906, %dma_wait3A_907] : memref<320x128xf32, #tpu.memory_space<vmem>> -> memref<64x128xf32, #tpu.memory_space<vmem>>
      %dma_wait3A_909 = arith.constant 0 : i32
      %dma_wait3A_910 = tpu.memref_slice %arg7[%rem3A_626, %dma_wait3A_903, %dma_wait3A_904, %dma_wait3A_909] : memref<3x5x2x64xi32, #tpu.memory_space<vmem>> -> memref<1x1x1x64xi32, #tpu.memory_space<vmem>>
      %dma_wait3A_911 = tpu.memref_squeeze %dma_wait3A_910 : memref<1x1x1x64xi32, #tpu.memory_space<vmem>> -> memref<64xi32, #tpu.memory_space<vmem>>
      %dma_wait3A_912 = arith.constant 0 : i32
      %dma_wait3A_913 = arith.constant 0 : i32
      %dma_wait3A_914 = tpu.memref_slice %arg2[%dma_wait3A_912, %dma_wait3A_913] : memref<10000x128xf32, #tpu.memory_space<hbm>> -> memref<10000x128xf32, #tpu.memory_space<hbm>>
      %dma_wait3A_915 = tpu.memref_slice %arg9[%dma_wait3A_905] : memref<5x!tpu.dma_semaphore, #tpu.memory_space<semaphore_mem>> -> memref<1x!tpu.dma_semaphore, #tpu.memory_space<semaphore_mem>>
      %dma_wait3A_916 = tpu.memref_squeeze %dma_wait3A_915 : memref<1x!tpu.dma_semaphore, #tpu.memory_space<semaphore_mem>> -> memref<!tpu.dma_semaphore, #tpu.memory_space<semaphore_mem>>
      tpu.wait_indirect_dma semaphore(%dma_wait3A_916 : memref<!tpu.dma_semaphore, #tpu.memory_space<semaphore_mem>>) src(%dma_wait3A_914 : memref<10000x128xf32, #tpu.memory_space<hbm>>) dst(%dma_wait3A_908 : memref<64x128xf32, #tpu.memory_space<vmem>>)
      %dma_start3A_917 = arith.constant 4 : i32
      %dma_start3A_918 = arith.constant 1 : i32
      %dma_start3A_919 = arith.constant 4 : i32
      %dma_start3A_920 = arith.constant 256 : i32
      %dma_start3A_921 = arith.constant 0 : i32
      %dma_start3A_922 = tpu.memref_slice %arg8[%dma_start3A_920, %dma_start3A_921] : memref<320x128xf32, #tpu.memory_space<vmem>> -> memref<64x128xf32, #tpu.memory_space<vmem>>
      %dma_start3A_923 = arith.constant 0 : i32
      %dma_start3A_924 = tpu.memref_slice %arg7[%rem3A_626, %dma_start3A_917, %dma_start3A_918, %dma_start3A_923] : memref<3x5x2x64xi32, #tpu.memory_space<vmem>> -> memref<1x1x1x64xi32, #tpu.memory_space<vmem>>
      %dma_start3A_925 = tpu.memref_squeeze %dma_start3A_924 : memref<1x1x1x64xi32, #tpu.memory_space<vmem>> -> memref<64xi32, #tpu.memory_space<vmem>>
      %dma_start3A_926 = arith.constant 0 : i32
      %dma_start3A_927 = arith.constant 0 : i32
      %dma_start3A_928 = tpu.memref_slice %arg6[%dma_start3A_926, %dma_start3A_927] : memref<10112x128xf32, #tpu.memory_space<vmem_shared>> -> memref<10112x128xf32, #tpu.memory_space<vmem_shared>>
      %dma_start3A_929 = tpu.memref_slice %arg10[%dma_start3A_919] : memref<5x!tpu.dma_semaphore, #tpu.memory_space<semaphore_mem>> -> memref<1x!tpu.dma_semaphore, #tpu.memory_space<semaphore_mem>>
      %dma_start3A_930 = tpu.memref_squeeze %dma_start3A_929 : memref<1x!tpu.dma_semaphore, #tpu.memory_space<semaphore_mem>> -> memref<!tpu.dma_semaphore, #tpu.memory_space<semaphore_mem>>
      tpu.enqueue_indirect_dma source(%dma_start3A_922 : memref<64x128xf32, #tpu.memory_space<vmem>>) target(%dma_start3A_928 : memref<10112x128xf32, #tpu.memory_space<vmem_shared>>) offsets(%dma_start3A_925 : memref<64xi32, #tpu.memory_space<vmem>>) semaphore(%dma_start3A_930 : memref<!tpu.dma_semaphore, #tpu.memory_space<semaphore_mem>>) {add = true}
    }
    %scan3A_330 = arith.constant 4 : i32
    %dma_wait3A_331 = arith.constant 2 : i32
    %dma_wait3A_332 = arith.constant 0 : i32
    %dma_wait3A_333 = arith.constant 1 : i32
    %dma_wait3A_334 = arith.constant 3 : i32
    %dma_wait3A_335 = arith.constant 192 : i32
    %dma_wait3A_336 = arith.constant 0 : i32
    %dma_wait3A_337 = tpu.memref_slice %arg8[%dma_wait3A_335, %dma_wait3A_336] : memref<320x128xf32, #tpu.memory_space<vmem>> -> memref<64x128xf32, #tpu.memory_space<vmem>>
    %dma_wait3A_338 = arith.constant 0 : i32
    %dma_wait3A_339 = tpu.memref_slice %arg7[%dma_wait3A_331, %dma_wait3A_332, %dma_wait3A_333, %dma_wait3A_338] : memref<3x5x2x64xi32, #tpu.memory_space<vmem>> -> memref<1x1x1x64xi32, #tpu.memory_space<vmem>>
    %dma_wait3A_340 = tpu.memref_squeeze %dma_wait3A_339 : memref<1x1x1x64xi32, #tpu.memory_space<vmem>> -> memref<64xi32, #tpu.memory_space<vmem>>
    %dma_wait3A_341 = arith.constant 0 : i32
    %dma_wait3A_342 = arith.constant 0 : i32
    %dma_wait3A_343 = tpu.memref_slice %arg6[%dma_wait3A_341, %dma_wait3A_342] : memref<10112x128xf32, #tpu.memory_space<vmem_shared>> -> memref<10112x128xf32, #tpu.memory_space<vmem_shared>>
    %dma_wait3A_344 = tpu.memref_slice %arg10[%dma_wait3A_334] : memref<5x!tpu.dma_semaphore, #tpu.memory_space<semaphore_mem>> -> memref<1x!tpu.dma_semaphore, #tpu.memory_space<semaphore_mem>>
    %dma_wait3A_345 = tpu.memref_squeeze %dma_wait3A_344 : memref<1x!tpu.dma_semaphore, #tpu.memory_space<semaphore_mem>> -> memref<!tpu.dma_semaphore, #tpu.memory_space<semaphore_mem>>
    tpu.wait_indirect_dma semaphore(%dma_wait3A_345 : memref<!tpu.dma_semaphore, #tpu.memory_space<semaphore_mem>>) src(%dma_wait3A_337 : memref<64x128xf32, #tpu.memory_space<vmem>>) dst(%dma_wait3A_343 : memref<10112x128xf32, #tpu.memory_space<vmem_shared>>)
    %dma_start3A_346 = arith.constant 2 : i32
    %dma_start3A_347 = arith.constant 3 : i32
    %dma_start3A_348 = arith.constant 0 : i32
    %dma_start3A_349 = arith.constant 3 : i32
    %dma_start3A_350 = arith.constant 192 : i32
    %dma_start3A_351 = arith.constant 0 : i32
    %dma_start3A_352 = tpu.memref_slice %arg8[%dma_start3A_350, %dma_start3A_351] : memref<320x128xf32, #tpu.memory_space<vmem>> -> memref<64x128xf32, #tpu.memory_space<vmem>>
    %dma_start3A_353 = arith.constant 0 : i32
    %dma_start3A_354 = tpu.memref_slice %arg7[%dma_start3A_346, %dma_start3A_347, %dma_start3A_348, %dma_start3A_353] : memref<3x5x2x64xi32, #tpu.memory_space<vmem>> -> memref<1x1x1x64xi32, #tpu.memory_space<vmem>>
    %dma_start3A_355 = tpu.memref_squeeze %dma_start3A_354 : memref<1x1x1x64xi32, #tpu.memory_space<vmem>> -> memref<64xi32, #tpu.memory_space<vmem>>
    %dma_start3A_356 = arith.constant 0 : i32
    %dma_start3A_357 = arith.constant 0 : i32
    %dma_start3A_358 = tpu.memref_slice %arg2[%dma_start3A_356, %dma_start3A_357] : memref<10000x128xf32, #tpu.memory_space<hbm>> -> memref<10000x128xf32, #tpu.memory_space<hbm>>
    %dma_start3A_359 = tpu.memref_slice %arg9[%dma_start3A_349] : memref<5x!tpu.dma_semaphore, #tpu.memory_space<semaphore_mem>> -> memref<1x!tpu.dma_semaphore, #tpu.memory_space<semaphore_mem>>
    %dma_start3A_360 = tpu.memref_squeeze %dma_start3A_359 : memref<1x!tpu.dma_semaphore, #tpu.memory_space<semaphore_mem>> -> memref<!tpu.dma_semaphore, #tpu.memory_space<semaphore_mem>>
    tpu.enqueue_indirect_dma source(%dma_start3A_358 : memref<10000x128xf32, #tpu.memory_space<hbm>>) target(%dma_start3A_352 : memref<64x128xf32, #tpu.memory_space<vmem>>) offsets(%dma_start3A_355 : memref<64xi32, #tpu.memory_space<vmem>>) semaphore(%dma_start3A_360 : memref<!tpu.dma_semaphore, #tpu.memory_space<semaphore_mem>>)
    %dma_wait3A_361 = arith.constant 2 : i32
    %dma_wait3A_362 = arith.constant 0 : i32
    %dma_wait3A_363 = arith.constant 0 : i32
    %dma_wait3A_364 = arith.constant 0 : i32
    %dma_wait3A_365 = arith.constant 0 : i32
    %dma_wait3A_366 = arith.constant 0 : i32
    %dma_wait3A_367 = tpu.memref_slice %arg8[%dma_wait3A_365, %dma_wait3A_366] : memref<320x128xf32, #tpu.memory_space<vmem>> -> memref<64x128xf32, #tpu.memory_space<vmem>>
    %dma_wait3A_368 = arith.constant 0 : i32
    %dma_wait3A_369 = tpu.memref_slice %arg7[%dma_wait3A_361, %dma_wait3A_362, %dma_wait3A_363, %dma_wait3A_368] : memref<3x5x2x64xi32, #tpu.memory_space<vmem>> -> memref<1x1x1x64xi32, #tpu.memory_space<vmem>>
    %dma_wait3A_370 = tpu.memref_squeeze %dma_wait3A_369 : memref<1x1x1x64xi32, #tpu.memory_space<vmem>> -> memref<64xi32, #tpu.memory_space<vmem>>
    %dma_wait3A_371 = arith.constant 0 : i32
    %dma_wait3A_372 = arith.constant 0 : i32
    %dma_wait3A_373 = tpu.memref_slice %arg2[%dma_wait3A_371, %dma_wait3A_372] : memref<10000x128xf32, #tpu.memory_space<hbm>> -> memref<10000x128xf32, #tpu.memory_space<hbm>>
    %dma_wait3A_374 = tpu.memref_slice %arg9[%dma_wait3A_364] : memref<5x!tpu.dma_semaphore, #tpu.memory_space<semaphore_mem>> -> memref<1x!tpu.dma_semaphore, #tpu.memory_space<semaphore_mem>>
    %dma_wait3A_375 = tpu.memref_squeeze %dma_wait3A_374 : memref<1x!tpu.dma_semaphore, #tpu.memory_space<semaphore_mem>> -> memref<!tpu.dma_semaphore, #tpu.memory_space<semaphore_mem>>
    tpu.wait_indirect_dma semaphore(%dma_wait3A_375 : memref<!tpu.dma_semaphore, #tpu.memory_space<semaphore_mem>>) src(%dma_wait3A_373 : memref<10000x128xf32, #tpu.memory_space<hbm>>) dst(%dma_wait3A_367 : memref<64x128xf32, #tpu.memory_space<vmem>>)
    %dma_start3A_376 = arith.constant 2 : i32
    %dma_start3A_377 = arith.constant 0 : i32
    %dma_start3A_378 = arith.constant 1 : i32
    %dma_start3A_379 = arith.constant 0 : i32
    %dma_start3A_380 = arith.constant 0 : i32
    %dma_start3A_381 = arith.constant 0 : i32
    %dma_start3A_382 = tpu.memref_slice %arg8[%dma_start3A_380, %dma_start3A_381] : memref<320x128xf32, #tpu.memory_space<vmem>> -> memref<64x128xf32, #tpu.memory_space<vmem>>
    %dma_start3A_383 = arith.constant 0 : i32
    %dma_start3A_384 = tpu.memref_slice %arg7[%dma_start3A_376, %dma_start3A_377, %dma_start3A_378, %dma_start3A_383] : memref<3x5x2x64xi32, #tpu.memory_space<vmem>> -> memref<1x1x1x64xi32, #tpu.memory_space<vmem>>
    %dma_start3A_385 = tpu.memref_squeeze %dma_start3A_384 : memref<1x1x1x64xi32, #tpu.memory_space<vmem>> -> memref<64xi32, #tpu.memory_space<vmem>>
    %dma_start3A_386 = arith.constant 0 : i32
    %dma_start3A_387 = arith.constant 0 : i32
    %dma_start3A_388 = tpu.memref_slice %arg6[%dma_start3A_386, %dma_start3A_387] : memref<10112x128xf32, #tpu.memory_space<vmem_shared>> -> memref<10112x128xf32, #tpu.memory_space<vmem_shared>>
    %dma_start3A_389 = tpu.memref_slice %arg10[%dma_start3A_379] : memref<5x!tpu.dma_semaphore, #tpu.memory_space<semaphore_mem>> -> memref<1x!tpu.dma_semaphore, #tpu.memory_space<semaphore_mem>>
    %dma_start3A_390 = tpu.memref_squeeze %dma_start3A_389 : memref<1x!tpu.dma_semaphore, #tpu.memory_space<semaphore_mem>> -> memref<!tpu.dma_semaphore, #tpu.memory_space<semaphore_mem>>
    tpu.enqueue_indirect_dma source(%dma_start3A_382 : memref<64x128xf32, #tpu.memory_space<vmem>>) target(%dma_start3A_388 : memref<10112x128xf32, #tpu.memory_space<vmem_shared>>) offsets(%dma_start3A_385 : memref<64xi32, #tpu.memory_space<vmem>>) semaphore(%dma_start3A_390 : memref<!tpu.dma_semaphore, #tpu.memory_space<semaphore_mem>>) {add = true}
    %dma_wait3A_391 = arith.constant 2 : i32
    %dma_wait3A_392 = arith.constant 1 : i32
    %dma_wait3A_393 = arith.constant 1 : i32
    %dma_wait3A_394 = arith.constant 4 : i32
    %dma_wait3A_395 = arith.constant 256 : i32
    %dma_wait3A_396 = arith.constant 0 : i32
    %dma_wait3A_397 = tpu.memref_slice %arg8[%dma_wait3A_395, %dma_wait3A_396] : memref<320x128xf32, #tpu.memory_space<vmem>> -> memref<64x128xf32, #tpu.memory_space<vmem>>
    %dma_wait3A_398 = arith.constant 0 : i32
    %dma_wait3A_399 = tpu.memref_slice %arg7[%dma_wait3A_391, %dma_wait3A_392, %dma_wait3A_393, %dma_wait3A_398] : memref<3x5x2x64xi32, #tpu.memory_space<vmem>> -> memref<1x1x1x64xi32, #tpu.memory_space<vmem>>
    %dma_wait3A_400 = tpu.memref_squeeze %dma_wait3A_399 : memref<1x1x1x64xi32, #tpu.memory_space<vmem>> -> memref<64xi32, #tpu.memory_space<vmem>>
    %dma_wait3A_401 = arith.constant 0 : i32
    %dma_wait3A_402 = arith.constant 0 : i32
    %dma_wait3A_403 = tpu.memref_slice %arg6[%dma_wait3A_401, %dma_wait3A_402] : memref<10112x128xf32, #tpu.memory_space<vmem_shared>> -> memref<10112x128xf32, #tpu.memory_space<vmem_shared>>
    %dma_wait3A_404 = tpu.memref_slice %arg10[%dma_wait3A_394] : memref<5x!tpu.dma_semaphore, #tpu.memory_space<semaphore_mem>> -> memref<1x!tpu.dma_semaphore, #tpu.memory_space<semaphore_mem>>
    %dma_wait3A_405 = tpu.memref_squeeze %dma_wait3A_404 : memref<1x!tpu.dma_semaphore, #tpu.memory_space<semaphore_mem>> -> memref<!tpu.dma_semaphore, #tpu.memory_space<semaphore_mem>>
    tpu.wait_indirect_dma semaphore(%dma_wait3A_405 : memref<!tpu.dma_semaphore, #tpu.memory_space<semaphore_mem>>) src(%dma_wait3A_397 : memref<64x128xf32, #tpu.memory_space<vmem>>) dst(%dma_wait3A_403 : memref<10112x128xf32, #tpu.memory_space<vmem_shared>>)
    %dma_start3A_406 = arith.constant 2 : i32
    %dma_start3A_407 = arith.constant 4 : i32
    %dma_start3A_408 = arith.constant 0 : i32
    %dma_start3A_409 = arith.constant 4 : i32
    %dma_start3A_410 = arith.constant 256 : i32
    %dma_start3A_411 = arith.constant 0 : i32
    %dma_start3A_412 = tpu.memref_slice %arg8[%dma_start3A_410, %dma_start3A_411] : memref<320x128xf32, #tpu.memory_space<vmem>> -> memref<64x128xf32, #tpu.memory_space<vmem>>
    %dma_start3A_413 = arith.constant 0 : i32
    %dma_start3A_414 = tpu.memref_slice %arg7[%dma_start3A_406, %dma_start3A_407, %dma_start3A_408, %dma_start3A_413] : memref<3x5x2x64xi32, #tpu.memory_space<vmem>> -> memref<1x1x1x64xi32, #tpu.memory_space<vmem>>
    %dma_start3A_415 = tpu.memref_squeeze %dma_start3A_414 : memref<1x1x1x64xi32, #tpu.memory_space<vmem>> -> memref<64xi32, #tpu.memory_space<vmem>>
    %dma_start3A_416 = arith.constant 0 : i32
    %dma_start3A_417 = arith.constant 0 : i32
    %dma_start3A_418 = tpu.memref_slice %arg2[%dma_start3A_416, %dma_start3A_417] : memref<10000x128xf32, #tpu.memory_space<hbm>> -> memref<10000x128xf32, #tpu.memory_space<hbm>>
    %dma_start3A_419 = tpu.memref_slice %arg9[%dma_start3A_409] : memref<5x!tpu.dma_semaphore, #tpu.memory_space<semaphore_mem>> -> memref<1x!tpu.dma_semaphore, #tpu.memory_space<semaphore_mem>>
    %dma_start3A_420 = tpu.memref_squeeze %dma_start3A_419 : memref<1x!tpu.dma_semaphore, #tpu.memory_space<semaphore_mem>> -> memref<!tpu.dma_semaphore, #tpu.memory_space<semaphore_mem>>
    tpu.enqueue_indirect_dma source(%dma_start3A_418 : memref<10000x128xf32, #tpu.memory_space<hbm>>) target(%dma_start3A_412 : memref<64x128xf32, #tpu.memory_space<vmem>>) offsets(%dma_start3A_415 : memref<64xi32, #tpu.memory_space<vmem>>) semaphore(%dma_start3A_420 : memref<!tpu.dma_semaphore, #tpu.memory_space<semaphore_mem>>)
    %dma_wait3A_421 = arith.constant 2 : i32
    %dma_wait3A_422 = arith.constant 1 : i32
    %dma_wait3A_423 = arith.constant 0 : i32
    %dma_wait3A_424 = arith.constant 1 : i32
    %dma_wait3A_425 = arith.constant 64 : i32
    %dma_wait3A_426 = arith.constant 0 : i32
    %dma_wait3A_427 = tpu.memref_slice %arg8[%dma_wait3A_425, %dma_wait3A_426] : memref<320x128xf32, #tpu.memory_space<vmem>> -> memref<64x128xf32, #tpu.memory_space<vmem>>
    %dma_wait3A_428 = arith.constant 0 : i32
    %dma_wait3A_429 = tpu.memref_slice %arg7[%dma_wait3A_421, %dma_wait3A_422, %dma_wait3A_423, %dma_wait3A_428] : memref<3x5x2x64xi32, #tpu.memory_space<vmem>> -> memref<1x1x1x64xi32, #tpu.memory_space<vmem>>
    %dma_wait3A_430 = tpu.memref_squeeze %dma_wait3A_429 : memref<1x1x1x64xi32, #tpu.memory_space<vmem>> -> memref<64xi32, #tpu.memory_space<vmem>>
    %dma_wait3A_431 = arith.constant 0 : i32
    %dma_wait3A_432 = arith.constant 0 : i32
    %dma_wait3A_433 = tpu.memref_slice %arg2[%dma_wait3A_431, %dma_wait3A_432] : memref<10000x128xf32, #tpu.memory_space<hbm>> -> memref<10000x128xf32, #tpu.memory_space<hbm>>
    %dma_wait3A_434 = tpu.memref_slice %arg9[%dma_wait3A_424] : memref<5x!tpu.dma_semaphore, #tpu.memory_space<semaphore_mem>> -> memref<1x!tpu.dma_semaphore, #tpu.memory_space<semaphore_mem>>
    %dma_wait3A_435 = tpu.memref_squeeze %dma_wait3A_434 : memref<1x!tpu.dma_semaphore, #tpu.memory_space<semaphore_mem>> -> memref<!tpu.dma_semaphore, #tpu.memory_space<semaphore_mem>>
    tpu.wait_indirect_dma semaphore(%dma_wait3A_435 : memref<!tpu.dma_semaphore, #tpu.memory_space<semaphore_mem>>) src(%dma_wait3A_433 : memref<10000x128xf32, #tpu.memory_space<hbm>>) dst(%dma_wait3A_427 : memref<64x128xf32, #tpu.memory_space<vmem>>)
    %dma_start3A_436 = arith.constant 2 : i32
    %dma_start3A_437 = arith.constant 1 : i32
    %dma_start3A_438 = arith.constant 1 : i32
    %dma_start3A_439 = arith.constant 1 : i32
    %dma_start3A_440 = arith.constant 64 : i32
    %dma_start3A_441 = arith.constant 0 : i32
    %dma_start3A_442 = tpu.memref_slice %arg8[%dma_start3A_440, %dma_start3A_441] : memref<320x128xf32, #tpu.memory_space<vmem>> -> memref<64x128xf32, #tpu.memory_space<vmem>>
    %dma_start3A_443 = arith.constant 0 : i32
    %dma_start3A_444 = tpu.memref_slice %arg7[%dma_start3A_436, %dma_start3A_437, %dma_start3A_438, %dma_start3A_443] : memref<3x5x2x64xi32, #tpu.memory_space<vmem>> -> memref<1x1x1x64xi32, #tpu.memory_space<vmem>>
    %dma_start3A_445 = tpu.memref_squeeze %dma_start3A_444 : memref<1x1x1x64xi32, #tpu.memory_space<vmem>> -> memref<64xi32, #tpu.memory_space<vmem>>
    %dma_start3A_446 = arith.constant 0 : i32
    %dma_start3A_447 = arith.constant 0 : i32
    %dma_start3A_448 = tpu.memref_slice %arg6[%dma_start3A_446, %dma_start3A_447] : memref<10112x128xf32, #tpu.memory_space<vmem_shared>> -> memref<10112x128xf32, #tpu.memory_space<vmem_shared>>
    %dma_start3A_449 = tpu.memref_slice %arg10[%dma_start3A_439] : memref<5x!tpu.dma_semaphore, #tpu.memory_space<semaphore_mem>> -> memref<1x!tpu.dma_semaphore, #tpu.memory_space<semaphore_mem>>
    %dma_start3A_450 = tpu.memref_squeeze %dma_start3A_449 : memref<1x!tpu.dma_semaphore, #tpu.memory_space<semaphore_mem>> -> memref<!tpu.dma_semaphore, #tpu.memory_space<semaphore_mem>>
    tpu.enqueue_indirect_dma source(%dma_start3A_442 : memref<64x128xf32, #tpu.memory_space<vmem>>) target(%dma_start3A_448 : memref<10112x128xf32, #tpu.memory_space<vmem_shared>>) offsets(%dma_start3A_445 : memref<64xi32, #tpu.memory_space<vmem>>) semaphore(%dma_start3A_450 : memref<!tpu.dma_semaphore, #tpu.memory_space<semaphore_mem>>) {add = true}
    %dma_wait3A_451 = arith.constant 2 : i32
    %dma_wait3A_452 = arith.constant 2 : i32
    %dma_wait3A_453 = arith.constant 0 : i32
    %dma_wait3A_454 = arith.constant 2 : i32
    %dma_wait3A_455 = arith.constant 128 : i32
    %dma_wait3A_456 = arith.constant 0 : i32
    %dma_wait3A_457 = tpu.memref_slice %arg8[%dma_wait3A_455, %dma_wait3A_456] : memref<320x128xf32, #tpu.memory_space<vmem>> -> memref<64x128xf32, #tpu.memory_space<vmem>>
    %dma_wait3A_458 = arith.constant 0 : i32
    %dma_wait3A_459 = tpu.memref_slice %arg7[%dma_wait3A_451, %dma_wait3A_452, %dma_wait3A_453, %dma_wait3A_458] : memref<3x5x2x64xi32, #tpu.memory_space<vmem>> -> memref<1x1x1x64xi32, #tpu.memory_space<vmem>>
    %dma_wait3A_460 = tpu.memref_squeeze %dma_wait3A_459 : memref<1x1x1x64xi32, #tpu.memory_space<vmem>> -> memref<64xi32, #tpu.memory_space<vmem>>
    %dma_wait3A_461 = arith.constant 0 : i32
    %dma_wait3A_462 = arith.constant 0 : i32
    %dma_wait3A_463 = tpu.memref_slice %arg2[%dma_wait3A_461, %dma_wait3A_462] : memref<10000x128xf32, #tpu.memory_space<hbm>> -> memref<10000x128xf32, #tpu.memory_space<hbm>>
    %dma_wait3A_464 = tpu.memref_slice %arg9[%dma_wait3A_454] : memref<5x!tpu.dma_semaphore, #tpu.memory_space<semaphore_mem>> -> memref<1x!tpu.dma_semaphore, #tpu.memory_space<semaphore_mem>>
    %dma_wait3A_465 = tpu.memref_squeeze %dma_wait3A_464 : memref<1x!tpu.dma_semaphore, #tpu.memory_space<semaphore_mem>> -> memref<!tpu.dma_semaphore, #tpu.memory_space<semaphore_mem>>
    tpu.wait_indirect_dma semaphore(%dma_wait3A_465 : memref<!tpu.dma_semaphore, #tpu.memory_space<semaphore_mem>>) src(%dma_wait3A_463 : memref<10000x128xf32, #tpu.memory_space<hbm>>) dst(%dma_wait3A_457 : memref<64x128xf32, #tpu.memory_space<vmem>>)
    %dma_start3A_466 = arith.constant 2 : i32
    %dma_start3A_467 = arith.constant 2 : i32
    %dma_start3A_468 = arith.constant 1 : i32
    %dma_start3A_469 = arith.constant 2 : i32
    %dma_start3A_470 = arith.constant 128 : i32
    %dma_start3A_471 = arith.constant 0 : i32
    %dma_start3A_472 = tpu.memref_slice %arg8[%dma_start3A_470, %dma_start3A_471] : memref<320x128xf32, #tpu.memory_space<vmem>> -> memref<64x128xf32, #tpu.memory_space<vmem>>
    %dma_start3A_473 = arith.constant 0 : i32
    %dma_start3A_474 = tpu.memref_slice %arg7[%dma_start3A_466, %dma_start3A_467, %dma_start3A_468, %dma_start3A_473] : memref<3x5x2x64xi32, #tpu.memory_space<vmem>> -> memref<1x1x1x64xi32, #tpu.memory_space<vmem>>
    %dma_start3A_475 = tpu.memref_squeeze %dma_start3A_474 : memref<1x1x1x64xi32, #tpu.memory_space<vmem>> -> memref<64xi32, #tpu.memory_space<vmem>>
    %dma_start3A_476 = arith.constant 0 : i32
    %dma_start3A_477 = arith.constant 0 : i32
    %dma_start3A_478 = tpu.memref_slice %arg6[%dma_start3A_476, %dma_start3A_477] : memref<10112x128xf32, #tpu.memory_space<vmem_shared>> -> memref<10112x128xf32, #tpu.memory_space<vmem_shared>>
    %dma_start3A_479 = tpu.memref_slice %arg10[%dma_start3A_469] : memref<5x!tpu.dma_semaphore, #tpu.memory_space<semaphore_mem>> -> memref<1x!tpu.dma_semaphore, #tpu.memory_space<semaphore_mem>>
    %dma_start3A_480 = tpu.memref_squeeze %dma_start3A_479 : memref<1x!tpu.dma_semaphore, #tpu.memory_space<semaphore_mem>> -> memref<!tpu.dma_semaphore, #tpu.memory_space<semaphore_mem>>
    tpu.enqueue_indirect_dma source(%dma_start3A_472 : memref<64x128xf32, #tpu.memory_space<vmem>>) target(%dma_start3A_478 : memref<10112x128xf32, #tpu.memory_space<vmem_shared>>) offsets(%dma_start3A_475 : memref<64xi32, #tpu.memory_space<vmem>>) semaphore(%dma_start3A_480 : memref<!tpu.dma_semaphore, #tpu.memory_space<semaphore_mem>>) {add = true}
    %dma_wait3A_481 = arith.constant 2 : i32
    %dma_wait3A_482 = arith.constant 3 : i32
    %dma_wait3A_483 = arith.constant 0 : i32
    %dma_wait3A_484 = arith.constant 3 : i32
    %dma_wait3A_485 = arith.constant 192 : i32
    %dma_wait3A_486 = arith.constant 0 : i32
    %dma_wait3A_487 = tpu.memref_slice %arg8[%dma_wait3A_485, %dma_wait3A_486] : memref<320x128xf32, #tpu.memory_space<vmem>> -> memref<64x128xf32, #tpu.memory_space<vmem>>
    %dma_wait3A_488 = arith.constant 0 : i32
    %dma_wait3A_489 = tpu.memref_slice %arg7[%dma_wait3A_481, %dma_wait3A_482, %dma_wait3A_483, %dma_wait3A_488] : memref<3x5x2x64xi32, #tpu.memory_space<vmem>> -> memref<1x1x1x64xi32, #tpu.memory_space<vmem>>
    %dma_wait3A_490 = tpu.memref_squeeze %dma_wait3A_489 : memref<1x1x1x64xi32, #tpu.memory_space<vmem>> -> memref<64xi32, #tpu.memory_space<vmem>>
    %dma_wait3A_491 = arith.constant 0 : i32
    %dma_wait3A_492 = arith.constant 0 : i32
    %dma_wait3A_493 = tpu.memref_slice %arg2[%dma_wait3A_491, %dma_wait3A_492] : memref<10000x128xf32, #tpu.memory_space<hbm>> -> memref<10000x128xf32, #tpu.memory_space<hbm>>
    %dma_wait3A_494 = tpu.memref_slice %arg9[%dma_wait3A_484] : memref<5x!tpu.dma_semaphore, #tpu.memory_space<semaphore_mem>> -> memref<1x!tpu.dma_semaphore, #tpu.memory_space<semaphore_mem>>
    %dma_wait3A_495 = tpu.memref_squeeze %dma_wait3A_494 : memref<1x!tpu.dma_semaphore, #tpu.memory_space<semaphore_mem>> -> memref<!tpu.dma_semaphore, #tpu.memory_space<semaphore_mem>>
    tpu.wait_indirect_dma semaphore(%dma_wait3A_495 : memref<!tpu.dma_semaphore, #tpu.memory_space<semaphore_mem>>) src(%dma_wait3A_493 : memref<10000x128xf32, #tpu.memory_space<hbm>>) dst(%dma_wait3A_487 : memref<64x128xf32, #tpu.memory_space<vmem>>)
    %dma_start3A_496 = arith.constant 2 : i32
    %dma_start3A_497 = arith.constant 3 : i32
    %dma_start3A_498 = arith.constant 1 : i32
    %dma_start3A_499 = arith.constant 3 : i32
    %dma_start3A_500 = arith.constant 192 : i32
    %dma_start3A_501 = arith.constant 0 : i32
    %dma_start3A_502 = tpu.memref_slice %arg8[%dma_start3A_500, %dma_start3A_501] : memref<320x128xf32, #tpu.memory_space<vmem>> -> memref<64x128xf32, #tpu.memory_space<vmem>>
    %dma_start3A_503 = arith.constant 0 : i32
    %dma_start3A_504 = tpu.memref_slice %arg7[%dma_start3A_496, %dma_start3A_497, %dma_start3A_498, %dma_start3A_503] : memref<3x5x2x64xi32, #tpu.memory_space<vmem>> -> memref<1x1x1x64xi32, #tpu.memory_space<vmem>>
    %dma_start3A_505 = tpu.memref_squeeze %dma_start3A_504 : memref<1x1x1x64xi32, #tpu.memory_space<vmem>> -> memref<64xi32, #tpu.memory_space<vmem>>
    %dma_start3A_506 = arith.constant 0 : i32
    %dma_start3A_507 = arith.constant 0 : i32
    %dma_start3A_508 = tpu.memref_slice %arg6[%dma_start3A_506, %dma_start3A_507] : memref<10112x128xf32, #tpu.memory_space<vmem_shared>> -> memref<10112x128xf32, #tpu.memory_space<vmem_shared>>
    %dma_start3A_509 = tpu.memref_slice %arg10[%dma_start3A_499] : memref<5x!tpu.dma_semaphore, #tpu.memory_space<semaphore_mem>> -> memref<1x!tpu.dma_semaphore, #tpu.memory_space<semaphore_mem>>
    %dma_start3A_510 = tpu.memref_squeeze %dma_start3A_509 : memref<1x!tpu.dma_semaphore, #tpu.memory_space<semaphore_mem>> -> memref<!tpu.dma_semaphore, #tpu.memory_space<semaphore_mem>>
    tpu.enqueue_indirect_dma source(%dma_start3A_502 : memref<64x128xf32, #tpu.memory_space<vmem>>) target(%dma_start3A_508 : memref<10112x128xf32, #tpu.memory_space<vmem_shared>>) offsets(%dma_start3A_505 : memref<64xi32, #tpu.memory_space<vmem>>) semaphore(%dma_start3A_510 : memref<!tpu.dma_semaphore, #tpu.memory_space<semaphore_mem>>) {add = true}
    %dma_wait3A_511 = arith.constant 2 : i32
    %dma_wait3A_512 = arith.constant 4 : i32
    %dma_wait3A_513 = arith.constant 0 : i32
    %dma_wait3A_514 = arith.constant 4 : i32
    %dma_wait3A_515 = arith.constant 256 : i32
    %dma_wait3A_516 = arith.constant 0 : i32
    %dma_wait3A_517 = tpu.memref_slice %arg8[%dma_wait3A_515, %dma_wait3A_516] : memref<320x128xf32, #tpu.memory_space<vmem>> -> memref<64x128xf32, #tpu.memory_space<vmem>>
    %dma_wait3A_518 = arith.constant 0 : i32
    %dma_wait3A_519 = tpu.memref_slice %arg7[%dma_wait3A_511, %dma_wait3A_512, %dma_wait3A_513, %dma_wait3A_518] : memref<3x5x2x64xi32, #tpu.memory_space<vmem>> -> memref<1x1x1x64xi32, #tpu.memory_space<vmem>>
    %dma_wait3A_520 = tpu.memref_squeeze %dma_wait3A_519 : memref<1x1x1x64xi32, #tpu.memory_space<vmem>> -> memref<64xi32, #tpu.memory_space<vmem>>
    %dma_wait3A_521 = arith.constant 0 : i32
    %dma_wait3A_522 = arith.constant 0 : i32
    %dma_wait3A_523 = tpu.memref_slice %arg2[%dma_wait3A_521, %dma_wait3A_522] : memref<10000x128xf32, #tpu.memory_space<hbm>> -> memref<10000x128xf32, #tpu.memory_space<hbm>>
    %dma_wait3A_524 = tpu.memref_slice %arg9[%dma_wait3A_514] : memref<5x!tpu.dma_semaphore, #tpu.memory_space<semaphore_mem>> -> memref<1x!tpu.dma_semaphore, #tpu.memory_space<semaphore_mem>>
    %dma_wait3A_525 = tpu.memref_squeeze %dma_wait3A_524 : memref<1x!tpu.dma_semaphore, #tpu.memory_space<semaphore_mem>> -> memref<!tpu.dma_semaphore, #tpu.memory_space<semaphore_mem>>
    tpu.wait_indirect_dma semaphore(%dma_wait3A_525 : memref<!tpu.dma_semaphore, #tpu.memory_space<semaphore_mem>>) src(%dma_wait3A_523 : memref<10000x128xf32, #tpu.memory_space<hbm>>) dst(%dma_wait3A_517 : memref<64x128xf32, #tpu.memory_space<vmem>>)
    %dma_start3A_526 = arith.constant 2 : i32
    %dma_start3A_527 = arith.constant 4 : i32
    %dma_start3A_528 = arith.constant 1 : i32
    %dma_start3A_529 = arith.constant 4 : i32
    %dma_start3A_530 = arith.constant 256 : i32
    %dma_start3A_531 = arith.constant 0 : i32
    %dma_start3A_532 = tpu.memref_slice %arg8[%dma_start3A_530, %dma_start3A_531] : memref<320x128xf32, #tpu.memory_space<vmem>> -> memref<64x128xf32, #tpu.memory_space<vmem>>
    %dma_start3A_533 = arith.constant 0 : i32
    %dma_start3A_534 = tpu.memref_slice %arg7[%dma_start3A_526, %dma_start3A_527, %dma_start3A_528, %dma_start3A_533] : memref<3x5x2x64xi32, #tpu.memory_space<vmem>> -> memref<1x1x1x64xi32, #tpu.memory_space<vmem>>
    %dma_start3A_535 = tpu.memref_squeeze %dma_start3A_534 : memref<1x1x1x64xi32, #tpu.memory_space<vmem>> -> memref<64xi32, #tpu.memory_space<vmem>>
    %dma_start3A_536 = arith.constant 0 : i32
    %dma_start3A_537 = arith.constant 0 : i32
    %dma_start3A_538 = tpu.memref_slice %arg6[%dma_start3A_536, %dma_start3A_537] : memref<10112x128xf32, #tpu.memory_space<vmem_shared>> -> memref<10112x128xf32, #tpu.memory_space<vmem_shared>>
    %dma_start3A_539 = tpu.memref_slice %arg10[%dma_start3A_529] : memref<5x!tpu.dma_semaphore, #tpu.memory_space<semaphore_mem>> -> memref<1x!tpu.dma_semaphore, #tpu.memory_space<semaphore_mem>>
    %dma_start3A_540 = tpu.memref_squeeze %dma_start3A_539 : memref<1x!tpu.dma_semaphore, #tpu.memory_space<semaphore_mem>> -> memref<!tpu.dma_semaphore, #tpu.memory_space<semaphore_mem>>
    tpu.enqueue_indirect_dma source(%dma_start3A_532 : memref<64x128xf32, #tpu.memory_space<vmem>>) target(%dma_start3A_538 : memref<10112x128xf32, #tpu.memory_space<vmem_shared>>) offsets(%dma_start3A_535 : memref<64xi32, #tpu.memory_space<vmem>>) semaphore(%dma_start3A_540 : memref<!tpu.dma_semaphore, #tpu.memory_space<semaphore_mem>>) {add = true}
    %dma_wait3A_541 = arith.constant 0 : i32
    %dma_wait3A_542 = arith.constant 0 : i32
    %dma_wait3A_543 = arith.constant 1 : i32
    %dma_wait3A_544 = arith.constant 0 : i32
    %dma_wait3A_545 = arith.constant 0 : i32
    %dma_wait3A_546 = arith.constant 0 : i32
    %dma_wait3A_547 = tpu.memref_slice %arg8[%dma_wait3A_545, %dma_wait3A_546] : memref<320x128xf32, #tpu.memory_space<vmem>> -> memref<64x128xf32, #tpu.memory_space<vmem>>
    %dma_wait3A_548 = arith.constant 0 : i32
    %dma_wait3A_549 = tpu.memref_slice %arg7[%dma_wait3A_541, %dma_wait3A_542, %dma_wait3A_543, %dma_wait3A_548] : memref<3x5x2x64xi32, #tpu.memory_space<vmem>> -> memref<1x1x1x64xi32, #tpu.memory_space<vmem>>
    %dma_wait3A_550 = tpu.memref_squeeze %dma_wait3A_549 : memref<1x1x1x64xi32, #tpu.memory_space<vmem>> -> memref<64xi32, #tpu.memory_space<vmem>>
    %dma_wait3A_551 = arith.constant 0 : i32
    %dma_wait3A_552 = arith.constant 0 : i32
    %dma_wait3A_553 = tpu.memref_slice %arg6[%dma_wait3A_551, %dma_wait3A_552] : memref<10112x128xf32, #tpu.memory_space<vmem_shared>> -> memref<10112x128xf32, #tpu.memory_space<vmem_shared>>
    %dma_wait3A_554 = tpu.memref_slice %arg10[%dma_wait3A_544] : memref<5x!tpu.dma_semaphore, #tpu.memory_space<semaphore_mem>> -> memref<1x!tpu.dma_semaphore, #tpu.memory_space<semaphore_mem>>
    %dma_wait3A_555 = tpu.memref_squeeze %dma_wait3A_554 : memref<1x!tpu.dma_semaphore, #tpu.memory_space<semaphore_mem>> -> memref<!tpu.dma_semaphore, #tpu.memory_space<semaphore_mem>>
    tpu.wait_indirect_dma semaphore(%dma_wait3A_555 : memref<!tpu.dma_semaphore, #tpu.memory_space<semaphore_mem>>) src(%dma_wait3A_547 : memref<64x128xf32, #tpu.memory_space<vmem>>) dst(%dma_wait3A_553 : memref<10112x128xf32, #tpu.memory_space<vmem_shared>>)
    %dma_wait3A_556 = arith.constant 0 : i32
    %dma_wait3A_557 = arith.constant 0 : i32
    %dma_wait3A_558 = arith.constant 1 : i32
    %dma_wait3A_559 = arith.constant 1 : i32
    %dma_wait3A_560 = arith.constant 64 : i32
    %dma_wait3A_561 = arith.constant 0 : i32
    %dma_wait3A_562 = tpu.memref_slice %arg8[%dma_wait3A_560, %dma_wait3A_561] : memref<320x128xf32, #tpu.memory_space<vmem>> -> memref<64x128xf32, #tpu.memory_space<vmem>>
    %dma_wait3A_563 = arith.constant 0 : i32
    %dma_wait3A_564 = tpu.memref_slice %arg7[%dma_wait3A_556, %dma_wait3A_557, %dma_wait3A_558, %dma_wait3A_563] : memref<3x5x2x64xi32, #tpu.memory_space<vmem>> -> memref<1x1x1x64xi32, #tpu.memory_space<vmem>>
    %dma_wait3A_565 = tpu.memref_squeeze %dma_wait3A_564 : memref<1x1x1x64xi32, #tpu.memory_space<vmem>> -> memref<64xi32, #tpu.memory_space<vmem>>
    %dma_wait3A_566 = arith.constant 0 : i32
    %dma_wait3A_567 = arith.constant 0 : i32
    %dma_wait3A_568 = tpu.memref_slice %arg6[%dma_wait3A_566, %dma_wait3A_567] : memref<10112x128xf32, #tpu.memory_space<vmem_shared>> -> memref<10112x128xf32, #tpu.memory_space<vmem_shared>>
    %dma_wait3A_569 = tpu.memref_slice %arg10[%dma_wait3A_559] : memref<5x!tpu.dma_semaphore, #tpu.memory_space<semaphore_mem>> -> memref<1x!tpu.dma_semaphore, #tpu.memory_space<semaphore_mem>>
    %dma_wait3A_570 = tpu.memref_squeeze %dma_wait3A_569 : memref<1x!tpu.dma_semaphore, #tpu.memory_space<semaphore_mem>> -> memref<!tpu.dma_semaphore, #tpu.memory_space<semaphore_mem>>
    tpu.wait_indirect_dma semaphore(%dma_wait3A_570 : memref<!tpu.dma_semaphore, #tpu.memory_space<semaphore_mem>>) src(%dma_wait3A_562 : memref<64x128xf32, #tpu.memory_space<vmem>>) dst(%dma_wait3A_568 : memref<10112x128xf32, #tpu.memory_space<vmem_shared>>)
    %dma_wait3A_571 = arith.constant 0 : i32
    %dma_wait3A_572 = arith.constant 0 : i32
    %dma_wait3A_573 = arith.constant 1 : i32
    %dma_wait3A_574 = arith.constant 2 : i32
    %dma_wait3A_575 = arith.constant 128 : i32
    %dma_wait3A_576 = arith.constant 0 : i32
    %dma_wait3A_577 = tpu.memref_slice %arg8[%dma_wait3A_575, %dma_wait3A_576] : memref<320x128xf32, #tpu.memory_space<vmem>> -> memref<64x128xf32, #tpu.memory_space<vmem>>
    %dma_wait3A_578 = arith.constant 0 : i32
    %dma_wait3A_579 = tpu.memref_slice %arg7[%dma_wait3A_571, %dma_wait3A_572, %dma_wait3A_573, %dma_wait3A_578] : memref<3x5x2x64xi32, #tpu.memory_space<vmem>> -> memref<1x1x1x64xi32, #tpu.memory_space<vmem>>
    %dma_wait3A_580 = tpu.memref_squeeze %dma_wait3A_579 : memref<1x1x1x64xi32, #tpu.memory_space<vmem>> -> memref<64xi32, #tpu.memory_space<vmem>>
    %dma_wait3A_581 = arith.constant 0 : i32
    %dma_wait3A_582 = arith.constant 0 : i32
    %dma_wait3A_583 = tpu.memref_slice %arg6[%dma_wait3A_581, %dma_wait3A_582] : memref<10112x128xf32, #tpu.memory_space<vmem_shared>> -> memref<10112x128xf32, #tpu.memory_space<vmem_shared>>
    %dma_wait3A_584 = tpu.memref_slice %arg10[%dma_wait3A_574] : memref<5x!tpu.dma_semaphore, #tpu.memory_space<semaphore_mem>> -> memref<1x!tpu.dma_semaphore, #tpu.memory_space<semaphore_mem>>
    %dma_wait3A_585 = tpu.memref_squeeze %dma_wait3A_584 : memref<1x!tpu.dma_semaphore, #tpu.memory_space<semaphore_mem>> -> memref<!tpu.dma_semaphore, #tpu.memory_space<semaphore_mem>>
    tpu.wait_indirect_dma semaphore(%dma_wait3A_585 : memref<!tpu.dma_semaphore, #tpu.memory_space<semaphore_mem>>) src(%dma_wait3A_577 : memref<64x128xf32, #tpu.memory_space<vmem>>) dst(%dma_wait3A_583 : memref<10112x128xf32, #tpu.memory_space<vmem_shared>>)
    %dma_wait3A_586 = arith.constant 0 : i32
    %dma_wait3A_587 = arith.constant 0 : i32
    %dma_wait3A_588 = arith.constant 1 : i32
    %dma_wait3A_589 = arith.constant 3 : i32
    %dma_wait3A_590 = arith.constant 192 : i32
    %dma_wait3A_591 = arith.constant 0 : i32
    %dma_wait3A_592 = tpu.memref_slice %arg8[%dma_wait3A_590, %dma_wait3A_591] : memref<320x128xf32, #tpu.memory_space<vmem>> -> memref<64x128xf32, #tpu.memory_space<vmem>>
    %dma_wait3A_593 = arith.constant 0 : i32
    %dma_wait3A_594 = tpu.memref_slice %arg7[%dma_wait3A_586, %dma_wait3A_587, %dma_wait3A_588, %dma_wait3A_593] : memref<3x5x2x64xi32, #tpu.memory_space<vmem>> -> memref<1x1x1x64xi32, #tpu.memory_space<vmem>>
    %dma_wait3A_595 = tpu.memref_squeeze %dma_wait3A_594 : memref<1x1x1x64xi32, #tpu.memory_space<vmem>> -> memref<64xi32, #tpu.memory_space<vmem>>
    %dma_wait3A_596 = arith.constant 0 : i32
    %dma_wait3A_597 = arith.constant 0 : i32
    %dma_wait3A_598 = tpu.memref_slice %arg6[%dma_wait3A_596, %dma_wait3A_597] : memref<10112x128xf32, #tpu.memory_space<vmem_shared>> -> memref<10112x128xf32, #tpu.memory_space<vmem_shared>>
    %dma_wait3A_599 = tpu.memref_slice %arg10[%dma_wait3A_589] : memref<5x!tpu.dma_semaphore, #tpu.memory_space<semaphore_mem>> -> memref<1x!tpu.dma_semaphore, #tpu.memory_space<semaphore_mem>>
    %dma_wait3A_600 = tpu.memref_squeeze %dma_wait3A_599 : memref<1x!tpu.dma_semaphore, #tpu.memory_space<semaphore_mem>> -> memref<!tpu.dma_semaphore, #tpu.memory_space<semaphore_mem>>
    tpu.wait_indirect_dma semaphore(%dma_wait3A_600 : memref<!tpu.dma_semaphore, #tpu.memory_space<semaphore_mem>>) src(%dma_wait3A_592 : memref<64x128xf32, #tpu.memory_space<vmem>>) dst(%dma_wait3A_598 : memref<10112x128xf32, #tpu.memory_space<vmem_shared>>)
    %dma_wait3A_601 = arith.constant 0 : i32
    %dma_wait3A_602 = arith.constant 0 : i32
    %dma_wait3A_603 = arith.constant 1 : i32
    %dma_wait3A_604 = arith.constant 4 : i32
    %dma_wait3A_605 = arith.constant 256 : i32
    %dma_wait3A_606 = arith.constant 0 : i32
    %dma_wait3A_607 = tpu.memref_slice %arg8[%dma_wait3A_605, %dma_wait3A_606] : memref<320x128xf32, #tpu.memory_space<vmem>> -> memref<64x128xf32, #tpu.memory_space<vmem>>
    %dma_wait3A_608 = arith.constant 0 : i32
    %dma_wait3A_609 = tpu.memref_slice %arg7[%dma_wait3A_601, %dma_wait3A_602, %dma_wait3A_603, %dma_wait3A_608] : memref<3x5x2x64xi32, #tpu.memory_space<vmem>> -> memref<1x1x1x64xi32, #tpu.memory_space<vmem>>
    %dma_wait3A_610 = tpu.memref_squeeze %dma_wait3A_609 : memref<1x1x1x64xi32, #tpu.memory_space<vmem>> -> memref<64xi32, #tpu.memory_space<vmem>>
    %dma_wait3A_611 = arith.constant 0 : i32
    %dma_wait3A_612 = arith.constant 0 : i32
    %dma_wait3A_613 = tpu.memref_slice %arg6[%dma_wait3A_611, %dma_wait3A_612] : memref<10112x128xf32, #tpu.memory_space<vmem_shared>> -> memref<10112x128xf32, #tpu.memory_space<vmem_shared>>
    %dma_wait3A_614 = tpu.memref_slice %arg10[%dma_wait3A_604] : memref<5x!tpu.dma_semaphore, #tpu.memory_space<semaphore_mem>> -> memref<1x!tpu.dma_semaphore, #tpu.memory_space<semaphore_mem>>
    %dma_wait3A_615 = tpu.memref_squeeze %dma_wait3A_614 : memref<1x!tpu.dma_semaphore, #tpu.memory_space<semaphore_mem>> -> memref<!tpu.dma_semaphore, #tpu.memory_space<semaphore_mem>>
    tpu.wait_indirect_dma semaphore(%dma_wait3A_615 : memref<!tpu.dma_semaphore, #tpu.memory_space<semaphore_mem>>) src(%dma_wait3A_607 : memref<64x128xf32, #tpu.memory_space<vmem>>) dst(%dma_wait3A_613 : memref<10112x128xf32, #tpu.memory_space<vmem_shared>>)
    %barrier3A_616 = arith.constant 0 : index
    tpu.barrier barrier_id(%barrier3A_616)
    %mul3A_617 = arith.constant 10112 : i32
    %mul3A_618 = arith.muli %arg0, %mul3A_617 : i32
    %mul3A_619 = arith.constant 632 : i32
    %mul3A_620 = arith.muli %arg1, %mul3A_619 : i32
    %add3A_621 = arith.addi %mul3A_618, %mul3A_620 : i32
    %multiple_of3A_622 = tpu.assume_multiple %add3A_621, 8 : i32
    %mul3A_623 = arith.constant 632 : i32
    %mul3A_624 = arith.muli %arg1, %mul3A_623 : i32
    "tpu.region"() ({
      %run_scoped3A_625 = tpu.sem_alloc : memref<!tpu.dma_semaphore, #tpu.memory_space<semaphore_mem>>
      %dma_start3A_626 = arith.constant 0 : i32
      %dma_start3A_627 = tpu.memref_slice %arg5[%multiple_of3A_622, %dma_start3A_626] : memref<20224x128xf32, #tpu.memory_space<hbm>> -> memref<632x128xf32, #tpu.memory_space<hbm>>
      %dma_start3A_628 = arith.constant 0 : i32
      %dma_start3A_629 = tpu.memref_slice %arg6[%mul3A_624, %dma_start3A_628] : memref<10112x128xf32, #tpu.memory_space<vmem_shared>> -> memref<632x128xf32, #tpu.memory_space<vmem_shared>>
      tpu.enqueue_dma source(%dma_start3A_629 : memref<632x128xf32, #tpu.memory_space<vmem_shared>>) target(%dma_start3A_627 : memref<632x128xf32, #tpu.memory_space<hbm>>) target_semaphore(%run_scoped3A_625 : memref<!tpu.dma_semaphore, #tpu.memory_space<semaphore_mem>>)
      %dma_wait3A_630 = arith.constant 0 : i32
      %dma_wait3A_631 = tpu.memref_slice %arg5[%multiple_of3A_622, %dma_wait3A_630] : memref<20224x128xf32, #tpu.memory_space<hbm>> -> memref<632x128xf32, #tpu.memory_space<hbm>>
      %dma_wait3A_632 = arith.constant 0 : i32
      %dma_wait3A_633 = tpu.memref_slice %arg6[%mul3A_624, %dma_wait3A_632] : memref<10112x128xf32, #tpu.memory_space<vmem_shared>> -> memref<632x128xf32, #tpu.memory_space<vmem_shared>>
      tpu.wait_dma2 semaphore(%run_scoped3A_625 : memref<!tpu.dma_semaphore, #tpu.memory_space<semaphore_mem>>) src(%dma_wait3A_633 : memref<632x128xf32, #tpu.memory_space<vmem_shared>>) dst(%dma_wait3A_631 : memref<632x128xf32, #tpu.memory_space<hbm>>)
      tpu.yield
    }) : () -> ()
    return
  }
}

#map = affine_map<(d0, d1) -> (0, 0)>
#map1 = affine_map<(d0, d1) -> (0, 0, 0)>
module attributes {stable_mosaic.version = 14 : i64} {
  func.func @sc_combine(%arg0: i32, %arg1: i32, %arg2: memref<10000x128xf32, #tpu.memory_space<hbm>>, %arg3: memref<5120x2x64xi32, #tpu.memory_space<hbm>>, %arg4: memref<10112x128xf32, #tpu.memory_space<hbm>>, %arg5: memref<960x2x64xi32, #tpu.memory_space<hbm>>, %arg6: memref<632x128xf32, #tpu.memory_space<hbm>>, %arg7: memref<20224x128xf32, #tpu.memory_space<hbm>>, %arg8: memref<10112x128xf32, #tpu.memory_space<vmem_shared>>, %arg9: memref<3x5x2x64xi32, #tpu.memory_space<vmem>>, %arg10: memref<320x128xf32, #tpu.memory_space<vmem>>, %arg11: memref<5x!tpu.dma_semaphore, #tpu.memory_space<semaphore_mem>>, %arg12: memref<5x!tpu.dma_semaphore, #tpu.memory_space<semaphore_mem>>) attributes {dimension_semantics = [#tpu.dimension_semantics<core_parallel>, #tpu.dimension_semantics<subcore_parallel>], iteration_bounds = array<i64: 2, 16>, scalar_prefetch = 0 : i64, scratch_operands = 5 : i64, tpu.core_type = #tpu.core_type<sc_vector_subcore>, window_params = [{transform_indices = #map}, {transform_indices = #map1}, {transform_indices = #map}, {transform_indices = #map1}, {transform_indices = #map}, {transform_indices = #map}]} {
    %mul3A = arith.constant 2 : i32
    %mul3A_0 = arith.muli %arg1, %mul3A : i32
    %add3A = arith.addi %mul3A_0, %arg0 : i32
    %mul3A_1 = arith.constant 632 : i32
    %mul3A_2 = arith.muli %arg1, %mul3A_1 : i32
    "tpu.region"() ({
      %run_scoped3A_1243 = tpu.sem_alloc : memref<!tpu.dma_semaphore, #tpu.memory_space<semaphore_mem>>
      %dma_start3A_1244 = arith.constant 0 : i32
      %dma_start3A_1245 = tpu.memref_slice %arg8[%mul3A_2, %dma_start3A_1244] : memref<10112x128xf32, #tpu.memory_space<vmem_shared>> -> memref<632x128xf32, #tpu.memory_space<vmem_shared>>
      tpu.enqueue_dma source(%arg6 : memref<632x128xf32, #tpu.memory_space<hbm>>) target(%dma_start3A_1245 : memref<632x128xf32, #tpu.memory_space<vmem_shared>>) target_semaphore(%run_scoped3A_1243 : memref<!tpu.dma_semaphore, #tpu.memory_space<semaphore_mem>>)
      %dma_wait3A_1246 = arith.constant 0 : i32
      %dma_wait3A_1247 = tpu.memref_slice %arg8[%mul3A_2, %dma_wait3A_1246] : memref<10112x128xf32, #tpu.memory_space<vmem_shared>> -> memref<632x128xf32, #tpu.memory_space<vmem_shared>>
      tpu.wait_dma2 semaphore(%run_scoped3A_1243 : memref<!tpu.dma_semaphore, #tpu.memory_space<semaphore_mem>>) src(%arg6 : memref<632x128xf32, #tpu.memory_space<hbm>>) dst(%dma_wait3A_1247 : memref<632x128xf32, #tpu.memory_space<vmem_shared>>)
      tpu.yield
    }) : () -> ()
    %barrier3A = arith.constant 0 : index
    tpu.barrier barrier_id(%barrier3A)
    %mul3A_3 = arith.constant 160 : i32
    %mul3A_4 = arith.muli %add3A, %mul3A_3 : i32
    %add3A_5 = arith.constant 0 : i32
    %add3A_6 = arith.addi %mul3A_4, %add3A_5 : i32
    %multiple_of3A = tpu.assume_multiple %add3A_6, 5 : i32
    %run_scoped3A = arith.constant 0 : i32
    "tpu.region"() ({
      %run_scoped3A_1243 = tpu.sem_alloc : memref<!tpu.dma_semaphore, #tpu.memory_space<semaphore_mem>>
      %dma_start3A_1244 = arith.constant 0 : i32
      %dma_start3A_1245 = arith.constant 0 : i32
      %dma_start3A_1246 = arith.constant 0 : i32
      %dma_start3A_1247 = tpu.memref_slice %arg9[%run_scoped3A, %dma_start3A_1244, %dma_start3A_1245, %dma_start3A_1246] : memref<3x5x2x64xi32, #tpu.memory_space<vmem>> -> memref<1x5x2x64xi32, #tpu.memory_space<vmem>>
      %dma_start3A_1248 = tpu.memref_squeeze %dma_start3A_1247 : memref<1x5x2x64xi32, #tpu.memory_space<vmem>> -> memref<5x2x64xi32, #tpu.memory_space<vmem>>
      %dma_start3A_1249 = arith.constant 0 : i32
      %dma_start3A_1250 = arith.constant 0 : i32
      %dma_start3A_1251 = tpu.memref_slice %arg3[%multiple_of3A, %dma_start3A_1249, %dma_start3A_1250] : memref<5120x2x64xi32, #tpu.memory_space<hbm>> -> memref<5x2x64xi32, #tpu.memory_space<hbm>>
      %dma_start3A_1252 = arith.constant 0 : i32
      %dma_start3A_1253 = arith.constant 0 : i32
      %dma_start3A_1254 = arith.constant 0 : i32
      %dma_start3A_1255 = tpu.memref_slice %arg9[%run_scoped3A, %dma_start3A_1252, %dma_start3A_1253, %dma_start3A_1254] : memref<3x5x2x64xi32, #tpu.memory_space<vmem>> -> memref<1x5x2x64xi32, #tpu.memory_space<vmem>>
      %dma_start3A_1256 = tpu.memref_squeeze %dma_start3A_1255 : memref<1x5x2x64xi32, #tpu.memory_space<vmem>> -> memref<5x2x64xi32, #tpu.memory_space<vmem>>
      %dma_start3A_1257 = arith.constant 0 : i32
      %dma_start3A_1258 = arith.constant 0 : i32
      %dma_start3A_1259 = tpu.memref_slice %arg3[%multiple_of3A, %dma_start3A_1257, %dma_start3A_1258] : memref<5120x2x64xi32, #tpu.memory_space<hbm>> -> memref<5x2x64xi32, #tpu.memory_space<hbm>>
      tpu.enqueue_dma source(%dma_start3A_1259 : memref<5x2x64xi32, #tpu.memory_space<hbm>>) target(%dma_start3A_1256 : memref<5x2x64xi32, #tpu.memory_space<vmem>>) target_semaphore(%run_scoped3A_1243 : memref<!tpu.dma_semaphore, #tpu.memory_space<semaphore_mem>>)
      %dma_wait3A_1260 = arith.constant 0 : i32
      %dma_wait3A_1261 = arith.constant 0 : i32
      %dma_wait3A_1262 = arith.constant 0 : i32
      %dma_wait3A_1263 = tpu.memref_slice %arg9[%run_scoped3A, %dma_wait3A_1260, %dma_wait3A_1261, %dma_wait3A_1262] : memref<3x5x2x64xi32, #tpu.memory_space<vmem>> -> memref<1x5x2x64xi32, #tpu.memory_space<vmem>>
      %dma_wait3A_1264 = tpu.memref_squeeze %dma_wait3A_1263 : memref<1x5x2x64xi32, #tpu.memory_space<vmem>> -> memref<5x2x64xi32, #tpu.memory_space<vmem>>
      %dma_wait3A_1265 = arith.constant 0 : i32
      %dma_wait3A_1266 = arith.constant 0 : i32
      %dma_wait3A_1267 = tpu.memref_slice %arg3[%multiple_of3A, %dma_wait3A_1265, %dma_wait3A_1266] : memref<5120x2x64xi32, #tpu.memory_space<hbm>> -> memref<5x2x64xi32, #tpu.memory_space<hbm>>
      %dma_wait3A_1268 = arith.constant 0 : i32
      %dma_wait3A_1269 = arith.constant 0 : i32
      %dma_wait3A_1270 = arith.constant 0 : i32
      %dma_wait3A_1271 = tpu.memref_slice %arg9[%run_scoped3A, %dma_wait3A_1268, %dma_wait3A_1269, %dma_wait3A_1270] : memref<3x5x2x64xi32, #tpu.memory_space<vmem>> -> memref<1x5x2x64xi32, #tpu.memory_space<vmem>>
      %dma_wait3A_1272 = tpu.memref_squeeze %dma_wait3A_1271 : memref<1x5x2x64xi32, #tpu.memory_space<vmem>> -> memref<5x2x64xi32, #tpu.memory_space<vmem>>
      %dma_wait3A_1273 = arith.constant 0 : i32
      %dma_wait3A_1274 = arith.constant 0 : i32
      %dma_wait3A_1275 = tpu.memref_slice %arg3[%multiple_of3A, %dma_wait3A_1273, %dma_wait3A_1274] : memref<5120x2x64xi32, #tpu.memory_space<hbm>> -> memref<5x2x64xi32, #tpu.memory_space<hbm>>
      tpu.wait_dma2 semaphore(%run_scoped3A_1243 : memref<!tpu.dma_semaphore, #tpu.memory_space<semaphore_mem>>) src(%dma_wait3A_1275 : memref<5x2x64xi32, #tpu.memory_space<hbm>>) dst(%dma_wait3A_1272 : memref<5x2x64xi32, #tpu.memory_space<vmem>>)
      tpu.yield
    }) : () -> ()
    %mul3A_7 = arith.constant 160 : i32
    %mul3A_8 = arith.muli %add3A, %mul3A_7 : i32
    %add3A_9 = arith.constant 5 : i32
    %add3A_10 = arith.addi %mul3A_8, %add3A_9 : i32
    %multiple_of3A_11 = tpu.assume_multiple %add3A_10, 5 : i32
    %run_scoped3A_12 = arith.constant 1 : i32
    "tpu.region"() ({
      %run_scoped3A_1243 = tpu.sem_alloc : memref<!tpu.dma_semaphore, #tpu.memory_space<semaphore_mem>>
      %dma_start3A_1244 = arith.constant 0 : i32
      %dma_start3A_1245 = arith.constant 0 : i32
      %dma_start3A_1246 = arith.constant 0 : i32
      %dma_start3A_1247 = tpu.memref_slice %arg9[%run_scoped3A_12, %dma_start3A_1244, %dma_start3A_1245, %dma_start3A_1246] : memref<3x5x2x64xi32, #tpu.memory_space<vmem>> -> memref<1x5x2x64xi32, #tpu.memory_space<vmem>>
      %dma_start3A_1248 = tpu.memref_squeeze %dma_start3A_1247 : memref<1x5x2x64xi32, #tpu.memory_space<vmem>> -> memref<5x2x64xi32, #tpu.memory_space<vmem>>
      %dma_start3A_1249 = arith.constant 0 : i32
      %dma_start3A_1250 = arith.constant 0 : i32
      %dma_start3A_1251 = tpu.memref_slice %arg3[%multiple_of3A_11, %dma_start3A_1249, %dma_start3A_1250] : memref<5120x2x64xi32, #tpu.memory_space<hbm>> -> memref<5x2x64xi32, #tpu.memory_space<hbm>>
      %dma_start3A_1252 = arith.constant 0 : i32
      %dma_start3A_1253 = arith.constant 0 : i32
      %dma_start3A_1254 = arith.constant 0 : i32
      %dma_start3A_1255 = tpu.memref_slice %arg9[%run_scoped3A_12, %dma_start3A_1252, %dma_start3A_1253, %dma_start3A_1254] : memref<3x5x2x64xi32, #tpu.memory_space<vmem>> -> memref<1x5x2x64xi32, #tpu.memory_space<vmem>>
      %dma_start3A_1256 = tpu.memref_squeeze %dma_start3A_1255 : memref<1x5x2x64xi32, #tpu.memory_space<vmem>> -> memref<5x2x64xi32, #tpu.memory_space<vmem>>
      %dma_start3A_1257 = arith.constant 0 : i32
      %dma_start3A_1258 = arith.constant 0 : i32
      %dma_start3A_1259 = tpu.memref_slice %arg3[%multiple_of3A_11, %dma_start3A_1257, %dma_start3A_1258] : memref<5120x2x64xi32, #tpu.memory_space<hbm>> -> memref<5x2x64xi32, #tpu.memory_space<hbm>>
      tpu.enqueue_dma source(%dma_start3A_1259 : memref<5x2x64xi32, #tpu.memory_space<hbm>>) target(%dma_start3A_1256 : memref<5x2x64xi32, #tpu.memory_space<vmem>>) target_semaphore(%run_scoped3A_1243 : memref<!tpu.dma_semaphore, #tpu.memory_space<semaphore_mem>>)
      %dma_wait3A_1260 = arith.constant 0 : i32
      %dma_wait3A_1261 = arith.constant 0 : i32
      %dma_wait3A_1262 = arith.constant 0 : i32
      %dma_wait3A_1263 = tpu.memref_slice %arg9[%run_scoped3A_12, %dma_wait3A_1260, %dma_wait3A_1261, %dma_wait3A_1262] : memref<3x5x2x64xi32, #tpu.memory_space<vmem>> -> memref<1x5x2x64xi32, #tpu.memory_space<vmem>>
      %dma_wait3A_1264 = tpu.memref_squeeze %dma_wait3A_1263 : memref<1x5x2x64xi32, #tpu.memory_space<vmem>> -> memref<5x2x64xi32, #tpu.memory_space<vmem>>
      %dma_wait3A_1265 = arith.constant 0 : i32
      %dma_wait3A_1266 = arith.constant 0 : i32
      %dma_wait3A_1267 = tpu.memref_slice %arg3[%multiple_of3A_11, %dma_wait3A_1265, %dma_wait3A_1266] : memref<5120x2x64xi32, #tpu.memory_space<hbm>> -> memref<5x2x64xi32, #tpu.memory_space<hbm>>
      %dma_wait3A_1268 = arith.constant 0 : i32
      %dma_wait3A_1269 = arith.constant 0 : i32
      %dma_wait3A_1270 = arith.constant 0 : i32
      %dma_wait3A_1271 = tpu.memref_slice %arg9[%run_scoped3A_12, %dma_wait3A_1268, %dma_wait3A_1269, %dma_wait3A_1270] : memref<3x5x2x64xi32, #tpu.memory_space<vmem>> -> memref<1x5x2x64xi32, #tpu.memory_space<vmem>>
      %dma_wait3A_1272 = tpu.memref_squeeze %dma_wait3A_1271 : memref<1x5x2x64xi32, #tpu.memory_space<vmem>> -> memref<5x2x64xi32, #tpu.memory_space<vmem>>
      %dma_wait3A_1273 = arith.constant 0 : i32
      %dma_wait3A_1274 = arith.constant 0 : i32
      %dma_wait3A_1275 = tpu.memref_slice %arg3[%multiple_of3A_11, %dma_wait3A_1273, %dma_wait3A_1274] : memref<5120x2x64xi32, #tpu.memory_space<hbm>> -> memref<5x2x64xi32, #tpu.memory_space<hbm>>
      tpu.wait_dma2 semaphore(%run_scoped3A_1243 : memref<!tpu.dma_semaphore, #tpu.memory_space<semaphore_mem>>) src(%dma_wait3A_1275 : memref<5x2x64xi32, #tpu.memory_space<hbm>>) dst(%dma_wait3A_1272 : memref<5x2x64xi32, #tpu.memory_space<vmem>>)
      tpu.yield
    }) : () -> ()
    %dma_start3A = arith.constant 0 : i32
    %dma_start3A_13 = arith.constant 0 : i32
    %dma_start3A_14 = arith.constant 0 : i32
    %dma_start3A_15 = arith.constant 0 : i32
    %dma_start3A_16 = arith.constant 0 : i32
    %dma_start3A_17 = arith.constant 0 : i32
    %dma_start3A_18 = tpu.memref_slice %arg10[%dma_start3A_16, %dma_start3A_17] : memref<320x128xf32, #tpu.memory_space<vmem>> -> memref<64x128xf32, #tpu.memory_space<vmem>>
    %dma_start3A_19 = arith.constant 0 : i32
    %dma_start3A_20 = tpu.memref_slice %arg9[%dma_start3A, %dma_start3A_13, %dma_start3A_14, %dma_start3A_19] : memref<3x5x2x64xi32, #tpu.memory_space<vmem>> -> memref<1x1x1x64xi32, #tpu.memory_space<vmem>>
    %dma_start3A_21 = tpu.memref_squeeze %dma_start3A_20 : memref<1x1x1x64xi32, #tpu.memory_space<vmem>> -> memref<64xi32, #tpu.memory_space<vmem>>
    %dma_start3A_22 = arith.constant 0 : i32
    %dma_start3A_23 = arith.constant 0 : i32
    %dma_start3A_24 = tpu.memref_slice %arg2[%dma_start3A_22, %dma_start3A_23] : memref<10000x128xf32, #tpu.memory_space<hbm>> -> memref<10000x128xf32, #tpu.memory_space<hbm>>
    %dma_start3A_25 = tpu.memref_slice %arg11[%dma_start3A_15] : memref<5x!tpu.dma_semaphore, #tpu.memory_space<semaphore_mem>> -> memref<1x!tpu.dma_semaphore, #tpu.memory_space<semaphore_mem>>
    %dma_start3A_26 = tpu.memref_squeeze %dma_start3A_25 : memref<1x!tpu.dma_semaphore, #tpu.memory_space<semaphore_mem>> -> memref<!tpu.dma_semaphore, #tpu.memory_space<semaphore_mem>>
    tpu.enqueue_indirect_dma source(%dma_start3A_24 : memref<10000x128xf32, #tpu.memory_space<hbm>>) target(%dma_start3A_18 : memref<64x128xf32, #tpu.memory_space<vmem>>) offsets(%dma_start3A_21 : memref<64xi32, #tpu.memory_space<vmem>>) semaphore(%dma_start3A_26 : memref<!tpu.dma_semaphore, #tpu.memory_space<semaphore_mem>>)
    %dma_start3A_27 = arith.constant 0 : i32
    %dma_start3A_28 = arith.constant 1 : i32
    %dma_start3A_29 = arith.constant 0 : i32
    %dma_start3A_30 = arith.constant 1 : i32
    %dma_start3A_31 = arith.constant 64 : i32
    %dma_start3A_32 = arith.constant 0 : i32
    %dma_start3A_33 = tpu.memref_slice %arg10[%dma_start3A_31, %dma_start3A_32] : memref<320x128xf32, #tpu.memory_space<vmem>> -> memref<64x128xf32, #tpu.memory_space<vmem>>
    %dma_start3A_34 = arith.constant 0 : i32
    %dma_start3A_35 = tpu.memref_slice %arg9[%dma_start3A_27, %dma_start3A_28, %dma_start3A_29, %dma_start3A_34] : memref<3x5x2x64xi32, #tpu.memory_space<vmem>> -> memref<1x1x1x64xi32, #tpu.memory_space<vmem>>
    %dma_start3A_36 = tpu.memref_squeeze %dma_start3A_35 : memref<1x1x1x64xi32, #tpu.memory_space<vmem>> -> memref<64xi32, #tpu.memory_space<vmem>>
    %dma_start3A_37 = arith.constant 0 : i32
    %dma_start3A_38 = arith.constant 0 : i32
    %dma_start3A_39 = tpu.memref_slice %arg2[%dma_start3A_37, %dma_start3A_38] : memref<10000x128xf32, #tpu.memory_space<hbm>> -> memref<10000x128xf32, #tpu.memory_space<hbm>>
    %dma_start3A_40 = tpu.memref_slice %arg11[%dma_start3A_30] : memref<5x!tpu.dma_semaphore, #tpu.memory_space<semaphore_mem>> -> memref<1x!tpu.dma_semaphore, #tpu.memory_space<semaphore_mem>>
    %dma_start3A_41 = tpu.memref_squeeze %dma_start3A_40 : memref<1x!tpu.dma_semaphore, #tpu.memory_space<semaphore_mem>> -> memref<!tpu.dma_semaphore, #tpu.memory_space<semaphore_mem>>
    tpu.enqueue_indirect_dma source(%dma_start3A_39 : memref<10000x128xf32, #tpu.memory_space<hbm>>) target(%dma_start3A_33 : memref<64x128xf32, #tpu.memory_space<vmem>>) offsets(%dma_start3A_36 : memref<64xi32, #tpu.memory_space<vmem>>) semaphore(%dma_start3A_41 : memref<!tpu.dma_semaphore, #tpu.memory_space<semaphore_mem>>)
    %dma_start3A_42 = arith.constant 0 : i32
    %dma_start3A_43 = arith.constant 2 : i32
    %dma_start3A_44 = arith.constant 0 : i32
    %dma_start3A_45 = arith.constant 2 : i32
    %dma_start3A_46 = arith.constant 128 : i32
    %dma_start3A_47 = arith.constant 0 : i32
    %dma_start3A_48 = tpu.memref_slice %arg10[%dma_start3A_46, %dma_start3A_47] : memref<320x128xf32, #tpu.memory_space<vmem>> -> memref<64x128xf32, #tpu.memory_space<vmem>>
    %dma_start3A_49 = arith.constant 0 : i32
    %dma_start3A_50 = tpu.memref_slice %arg9[%dma_start3A_42, %dma_start3A_43, %dma_start3A_44, %dma_start3A_49] : memref<3x5x2x64xi32, #tpu.memory_space<vmem>> -> memref<1x1x1x64xi32, #tpu.memory_space<vmem>>
    %dma_start3A_51 = tpu.memref_squeeze %dma_start3A_50 : memref<1x1x1x64xi32, #tpu.memory_space<vmem>> -> memref<64xi32, #tpu.memory_space<vmem>>
    %dma_start3A_52 = arith.constant 0 : i32
    %dma_start3A_53 = arith.constant 0 : i32
    %dma_start3A_54 = tpu.memref_slice %arg2[%dma_start3A_52, %dma_start3A_53] : memref<10000x128xf32, #tpu.memory_space<hbm>> -> memref<10000x128xf32, #tpu.memory_space<hbm>>
    %dma_start3A_55 = tpu.memref_slice %arg11[%dma_start3A_45] : memref<5x!tpu.dma_semaphore, #tpu.memory_space<semaphore_mem>> -> memref<1x!tpu.dma_semaphore, #tpu.memory_space<semaphore_mem>>
    %dma_start3A_56 = tpu.memref_squeeze %dma_start3A_55 : memref<1x!tpu.dma_semaphore, #tpu.memory_space<semaphore_mem>> -> memref<!tpu.dma_semaphore, #tpu.memory_space<semaphore_mem>>
    tpu.enqueue_indirect_dma source(%dma_start3A_54 : memref<10000x128xf32, #tpu.memory_space<hbm>>) target(%dma_start3A_48 : memref<64x128xf32, #tpu.memory_space<vmem>>) offsets(%dma_start3A_51 : memref<64xi32, #tpu.memory_space<vmem>>) semaphore(%dma_start3A_56 : memref<!tpu.dma_semaphore, #tpu.memory_space<semaphore_mem>>)
    %dma_start3A_57 = arith.constant 0 : i32
    %dma_start3A_58 = arith.constant 3 : i32
    %dma_start3A_59 = arith.constant 0 : i32
    %dma_start3A_60 = arith.constant 3 : i32
    %dma_start3A_61 = arith.constant 192 : i32
    %dma_start3A_62 = arith.constant 0 : i32
    %dma_start3A_63 = tpu.memref_slice %arg10[%dma_start3A_61, %dma_start3A_62] : memref<320x128xf32, #tpu.memory_space<vmem>> -> memref<64x128xf32, #tpu.memory_space<vmem>>
    %dma_start3A_64 = arith.constant 0 : i32
    %dma_start3A_65 = tpu.memref_slice %arg9[%dma_start3A_57, %dma_start3A_58, %dma_start3A_59, %dma_start3A_64] : memref<3x5x2x64xi32, #tpu.memory_space<vmem>> -> memref<1x1x1x64xi32, #tpu.memory_space<vmem>>
    %dma_start3A_66 = tpu.memref_squeeze %dma_start3A_65 : memref<1x1x1x64xi32, #tpu.memory_space<vmem>> -> memref<64xi32, #tpu.memory_space<vmem>>
    %dma_start3A_67 = arith.constant 0 : i32
    %dma_start3A_68 = arith.constant 0 : i32
    %dma_start3A_69 = tpu.memref_slice %arg2[%dma_start3A_67, %dma_start3A_68] : memref<10000x128xf32, #tpu.memory_space<hbm>> -> memref<10000x128xf32, #tpu.memory_space<hbm>>
    %dma_start3A_70 = tpu.memref_slice %arg11[%dma_start3A_60] : memref<5x!tpu.dma_semaphore, #tpu.memory_space<semaphore_mem>> -> memref<1x!tpu.dma_semaphore, #tpu.memory_space<semaphore_mem>>
    %dma_start3A_71 = tpu.memref_squeeze %dma_start3A_70 : memref<1x!tpu.dma_semaphore, #tpu.memory_space<semaphore_mem>> -> memref<!tpu.dma_semaphore, #tpu.memory_space<semaphore_mem>>
    tpu.enqueue_indirect_dma source(%dma_start3A_69 : memref<10000x128xf32, #tpu.memory_space<hbm>>) target(%dma_start3A_63 : memref<64x128xf32, #tpu.memory_space<vmem>>) offsets(%dma_start3A_66 : memref<64xi32, #tpu.memory_space<vmem>>) semaphore(%dma_start3A_71 : memref<!tpu.dma_semaphore, #tpu.memory_space<semaphore_mem>>)
    %dma_wait3A = arith.constant 0 : i32
    %dma_wait3A_72 = arith.constant 0 : i32
    %dma_wait3A_73 = arith.constant 0 : i32
    %dma_wait3A_74 = arith.constant 0 : i32
    %dma_wait3A_75 = arith.constant 0 : i32
    %dma_wait3A_76 = arith.constant 0 : i32
    %dma_wait3A_77 = tpu.memref_slice %arg10[%dma_wait3A_75, %dma_wait3A_76] : memref<320x128xf32, #tpu.memory_space<vmem>> -> memref<64x128xf32, #tpu.memory_space<vmem>>
    %dma_wait3A_78 = arith.constant 0 : i32
    %dma_wait3A_79 = tpu.memref_slice %arg9[%dma_wait3A, %dma_wait3A_72, %dma_wait3A_73, %dma_wait3A_78] : memref<3x5x2x64xi32, #tpu.memory_space<vmem>> -> memref<1x1x1x64xi32, #tpu.memory_space<vmem>>
    %dma_wait3A_80 = tpu.memref_squeeze %dma_wait3A_79 : memref<1x1x1x64xi32, #tpu.memory_space<vmem>> -> memref<64xi32, #tpu.memory_space<vmem>>
    %dma_wait3A_81 = arith.constant 0 : i32
    %dma_wait3A_82 = arith.constant 0 : i32
    %dma_wait3A_83 = tpu.memref_slice %arg2[%dma_wait3A_81, %dma_wait3A_82] : memref<10000x128xf32, #tpu.memory_space<hbm>> -> memref<10000x128xf32, #tpu.memory_space<hbm>>
    %dma_wait3A_84 = tpu.memref_slice %arg11[%dma_wait3A_74] : memref<5x!tpu.dma_semaphore, #tpu.memory_space<semaphore_mem>> -> memref<1x!tpu.dma_semaphore, #tpu.memory_space<semaphore_mem>>
    %dma_wait3A_85 = tpu.memref_squeeze %dma_wait3A_84 : memref<1x!tpu.dma_semaphore, #tpu.memory_space<semaphore_mem>> -> memref<!tpu.dma_semaphore, #tpu.memory_space<semaphore_mem>>
    tpu.wait_indirect_dma semaphore(%dma_wait3A_85 : memref<!tpu.dma_semaphore, #tpu.memory_space<semaphore_mem>>) src(%dma_wait3A_83 : memref<10000x128xf32, #tpu.memory_space<hbm>>) dst(%dma_wait3A_77 : memref<64x128xf32, #tpu.memory_space<vmem>>)
    %dma_start3A_86 = arith.constant 0 : i32
    %dma_start3A_87 = arith.constant 0 : i32
    %dma_start3A_88 = arith.constant 1 : i32
    %dma_start3A_89 = arith.constant 0 : i32
    %dma_start3A_90 = arith.constant 0 : i32
    %dma_start3A_91 = arith.constant 0 : i32
    %dma_start3A_92 = tpu.memref_slice %arg10[%dma_start3A_90, %dma_start3A_91] : memref<320x128xf32, #tpu.memory_space<vmem>> -> memref<64x128xf32, #tpu.memory_space<vmem>>
    %dma_start3A_93 = arith.constant 0 : i32
    %dma_start3A_94 = tpu.memref_slice %arg9[%dma_start3A_86, %dma_start3A_87, %dma_start3A_88, %dma_start3A_93] : memref<3x5x2x64xi32, #tpu.memory_space<vmem>> -> memref<1x1x1x64xi32, #tpu.memory_space<vmem>>
    %dma_start3A_95 = tpu.memref_squeeze %dma_start3A_94 : memref<1x1x1x64xi32, #tpu.memory_space<vmem>> -> memref<64xi32, #tpu.memory_space<vmem>>
    %dma_start3A_96 = arith.constant 0 : i32
    %dma_start3A_97 = arith.constant 0 : i32
    %dma_start3A_98 = tpu.memref_slice %arg8[%dma_start3A_96, %dma_start3A_97] : memref<10112x128xf32, #tpu.memory_space<vmem_shared>> -> memref<10112x128xf32, #tpu.memory_space<vmem_shared>>
    %dma_start3A_99 = tpu.memref_slice %arg12[%dma_start3A_89] : memref<5x!tpu.dma_semaphore, #tpu.memory_space<semaphore_mem>> -> memref<1x!tpu.dma_semaphore, #tpu.memory_space<semaphore_mem>>
    %dma_start3A_100 = tpu.memref_squeeze %dma_start3A_99 : memref<1x!tpu.dma_semaphore, #tpu.memory_space<semaphore_mem>> -> memref<!tpu.dma_semaphore, #tpu.memory_space<semaphore_mem>>
    tpu.enqueue_indirect_dma source(%dma_start3A_92 : memref<64x128xf32, #tpu.memory_space<vmem>>) target(%dma_start3A_98 : memref<10112x128xf32, #tpu.memory_space<vmem_shared>>) offsets(%dma_start3A_95 : memref<64xi32, #tpu.memory_space<vmem>>) semaphore(%dma_start3A_100 : memref<!tpu.dma_semaphore, #tpu.memory_space<semaphore_mem>>) {add = true}
    %dma_start3A_101 = arith.constant 0 : i32
    %dma_start3A_102 = arith.constant 4 : i32
    %dma_start3A_103 = arith.constant 0 : i32
    %dma_start3A_104 = arith.constant 4 : i32
    %dma_start3A_105 = arith.constant 256 : i32
    %dma_start3A_106 = arith.constant 0 : i32
    %dma_start3A_107 = tpu.memref_slice %arg10[%dma_start3A_105, %dma_start3A_106] : memref<320x128xf32, #tpu.memory_space<vmem>> -> memref<64x128xf32, #tpu.memory_space<vmem>>
    %dma_start3A_108 = arith.constant 0 : i32
    %dma_start3A_109 = tpu.memref_slice %arg9[%dma_start3A_101, %dma_start3A_102, %dma_start3A_103, %dma_start3A_108] : memref<3x5x2x64xi32, #tpu.memory_space<vmem>> -> memref<1x1x1x64xi32, #tpu.memory_space<vmem>>
    %dma_start3A_110 = tpu.memref_squeeze %dma_start3A_109 : memref<1x1x1x64xi32, #tpu.memory_space<vmem>> -> memref<64xi32, #tpu.memory_space<vmem>>
    %dma_start3A_111 = arith.constant 0 : i32
    %dma_start3A_112 = arith.constant 0 : i32
    %dma_start3A_113 = tpu.memref_slice %arg2[%dma_start3A_111, %dma_start3A_112] : memref<10000x128xf32, #tpu.memory_space<hbm>> -> memref<10000x128xf32, #tpu.memory_space<hbm>>
    %dma_start3A_114 = tpu.memref_slice %arg11[%dma_start3A_104] : memref<5x!tpu.dma_semaphore, #tpu.memory_space<semaphore_mem>> -> memref<1x!tpu.dma_semaphore, #tpu.memory_space<semaphore_mem>>
    %dma_start3A_115 = tpu.memref_squeeze %dma_start3A_114 : memref<1x!tpu.dma_semaphore, #tpu.memory_space<semaphore_mem>> -> memref<!tpu.dma_semaphore, #tpu.memory_space<semaphore_mem>>
    tpu.enqueue_indirect_dma source(%dma_start3A_113 : memref<10000x128xf32, #tpu.memory_space<hbm>>) target(%dma_start3A_107 : memref<64x128xf32, #tpu.memory_space<vmem>>) offsets(%dma_start3A_110 : memref<64xi32, #tpu.memory_space<vmem>>) semaphore(%dma_start3A_115 : memref<!tpu.dma_semaphore, #tpu.memory_space<semaphore_mem>>)
    %dma_wait3A_116 = arith.constant 0 : i32
    %dma_wait3A_117 = arith.constant 1 : i32
    %dma_wait3A_118 = arith.constant 0 : i32
    %dma_wait3A_119 = arith.constant 1 : i32
    %dma_wait3A_120 = arith.constant 64 : i32
    %dma_wait3A_121 = arith.constant 0 : i32
    %dma_wait3A_122 = tpu.memref_slice %arg10[%dma_wait3A_120, %dma_wait3A_121] : memref<320x128xf32, #tpu.memory_space<vmem>> -> memref<64x128xf32, #tpu.memory_space<vmem>>
    %dma_wait3A_123 = arith.constant 0 : i32
    %dma_wait3A_124 = tpu.memref_slice %arg9[%dma_wait3A_116, %dma_wait3A_117, %dma_wait3A_118, %dma_wait3A_123] : memref<3x5x2x64xi32, #tpu.memory_space<vmem>> -> memref<1x1x1x64xi32, #tpu.memory_space<vmem>>
    %dma_wait3A_125 = tpu.memref_squeeze %dma_wait3A_124 : memref<1x1x1x64xi32, #tpu.memory_space<vmem>> -> memref<64xi32, #tpu.memory_space<vmem>>
    %dma_wait3A_126 = arith.constant 0 : i32
    %dma_wait3A_127 = arith.constant 0 : i32
    %dma_wait3A_128 = tpu.memref_slice %arg2[%dma_wait3A_126, %dma_wait3A_127] : memref<10000x128xf32, #tpu.memory_space<hbm>> -> memref<10000x128xf32, #tpu.memory_space<hbm>>
    %dma_wait3A_129 = tpu.memref_slice %arg11[%dma_wait3A_119] : memref<5x!tpu.dma_semaphore, #tpu.memory_space<semaphore_mem>> -> memref<1x!tpu.dma_semaphore, #tpu.memory_space<semaphore_mem>>
    %dma_wait3A_130 = tpu.memref_squeeze %dma_wait3A_129 : memref<1x!tpu.dma_semaphore, #tpu.memory_space<semaphore_mem>> -> memref<!tpu.dma_semaphore, #tpu.memory_space<semaphore_mem>>
    tpu.wait_indirect_dma semaphore(%dma_wait3A_130 : memref<!tpu.dma_semaphore, #tpu.memory_space<semaphore_mem>>) src(%dma_wait3A_128 : memref<10000x128xf32, #tpu.memory_space<hbm>>) dst(%dma_wait3A_122 : memref<64x128xf32, #tpu.memory_space<vmem>>)
    %dma_start3A_131 = arith.constant 0 : i32
    %dma_start3A_132 = arith.constant 1 : i32
    %dma_start3A_133 = arith.constant 1 : i32
    %dma_start3A_134 = arith.constant 1 : i32
    %dma_start3A_135 = arith.constant 64 : i32
    %dma_start3A_136 = arith.constant 0 : i32
    %dma_start3A_137 = tpu.memref_slice %arg10[%dma_start3A_135, %dma_start3A_136] : memref<320x128xf32, #tpu.memory_space<vmem>> -> memref<64x128xf32, #tpu.memory_space<vmem>>
    %dma_start3A_138 = arith.constant 0 : i32
    %dma_start3A_139 = tpu.memref_slice %arg9[%dma_start3A_131, %dma_start3A_132, %dma_start3A_133, %dma_start3A_138] : memref<3x5x2x64xi32, #tpu.memory_space<vmem>> -> memref<1x1x1x64xi32, #tpu.memory_space<vmem>>
    %dma_start3A_140 = tpu.memref_squeeze %dma_start3A_139 : memref<1x1x1x64xi32, #tpu.memory_space<vmem>> -> memref<64xi32, #tpu.memory_space<vmem>>
    %dma_start3A_141 = arith.constant 0 : i32
    %dma_start3A_142 = arith.constant 0 : i32
    %dma_start3A_143 = tpu.memref_slice %arg8[%dma_start3A_141, %dma_start3A_142] : memref<10112x128xf32, #tpu.memory_space<vmem_shared>> -> memref<10112x128xf32, #tpu.memory_space<vmem_shared>>
    %dma_start3A_144 = tpu.memref_slice %arg12[%dma_start3A_134] : memref<5x!tpu.dma_semaphore, #tpu.memory_space<semaphore_mem>> -> memref<1x!tpu.dma_semaphore, #tpu.memory_space<semaphore_mem>>
    %dma_start3A_145 = tpu.memref_squeeze %dma_start3A_144 : memref<1x!tpu.dma_semaphore, #tpu.memory_space<semaphore_mem>> -> memref<!tpu.dma_semaphore, #tpu.memory_space<semaphore_mem>>
    tpu.enqueue_indirect_dma source(%dma_start3A_137 : memref<64x128xf32, #tpu.memory_space<vmem>>) target(%dma_start3A_143 : memref<10112x128xf32, #tpu.memory_space<vmem_shared>>) offsets(%dma_start3A_140 : memref<64xi32, #tpu.memory_space<vmem>>) semaphore(%dma_start3A_145 : memref<!tpu.dma_semaphore, #tpu.memory_space<semaphore_mem>>) {add = true}
    %dma_wait3A_146 = arith.constant 0 : i32
    %dma_wait3A_147 = arith.constant 2 : i32
    %dma_wait3A_148 = arith.constant 1 : i32
    %dma_wait3A_149 = arith.constant 0 : i32
    %dma_wait3A_150 = arith.constant 0 : i32
    %dma_wait3A_151 = arith.constant 0 : i32
    %dma_wait3A_152 = tpu.memref_slice %arg10[%dma_wait3A_150, %dma_wait3A_151] : memref<320x128xf32, #tpu.memory_space<vmem>> -> memref<64x128xf32, #tpu.memory_space<vmem>>
    %dma_wait3A_153 = arith.constant 0 : i32
    %dma_wait3A_154 = tpu.memref_slice %arg9[%dma_wait3A_146, %dma_wait3A_147, %dma_wait3A_148, %dma_wait3A_153] : memref<3x5x2x64xi32, #tpu.memory_space<vmem>> -> memref<1x1x1x64xi32, #tpu.memory_space<vmem>>
    %dma_wait3A_155 = tpu.memref_squeeze %dma_wait3A_154 : memref<1x1x1x64xi32, #tpu.memory_space<vmem>> -> memref<64xi32, #tpu.memory_space<vmem>>
    %dma_wait3A_156 = arith.constant 0 : i32
    %dma_wait3A_157 = arith.constant 0 : i32
    %dma_wait3A_158 = tpu.memref_slice %arg8[%dma_wait3A_156, %dma_wait3A_157] : memref<10112x128xf32, #tpu.memory_space<vmem_shared>> -> memref<10112x128xf32, #tpu.memory_space<vmem_shared>>
    %dma_wait3A_159 = tpu.memref_slice %arg12[%dma_wait3A_149] : memref<5x!tpu.dma_semaphore, #tpu.memory_space<semaphore_mem>> -> memref<1x!tpu.dma_semaphore, #tpu.memory_space<semaphore_mem>>
    %dma_wait3A_160 = tpu.memref_squeeze %dma_wait3A_159 : memref<1x!tpu.dma_semaphore, #tpu.memory_space<semaphore_mem>> -> memref<!tpu.dma_semaphore, #tpu.memory_space<semaphore_mem>>
    tpu.wait_indirect_dma semaphore(%dma_wait3A_160 : memref<!tpu.dma_semaphore, #tpu.memory_space<semaphore_mem>>) src(%dma_wait3A_152 : memref<64x128xf32, #tpu.memory_space<vmem>>) dst(%dma_wait3A_158 : memref<10112x128xf32, #tpu.memory_space<vmem_shared>>)
    %dma_start3A_161 = arith.constant 1 : i32
    %dma_start3A_162 = arith.constant 0 : i32
    %dma_start3A_163 = arith.constant 0 : i32
    %dma_start3A_164 = arith.constant 0 : i32
    %dma_start3A_165 = arith.constant 0 : i32
    %dma_start3A_166 = arith.constant 0 : i32
    %dma_start3A_167 = tpu.memref_slice %arg10[%dma_start3A_165, %dma_start3A_166] : memref<320x128xf32, #tpu.memory_space<vmem>> -> memref<64x128xf32, #tpu.memory_space<vmem>>
    %dma_start3A_168 = arith.constant 0 : i32
    %dma_start3A_169 = tpu.memref_slice %arg9[%dma_start3A_161, %dma_start3A_162, %dma_start3A_163, %dma_start3A_168] : memref<3x5x2x64xi32, #tpu.memory_space<vmem>> -> memref<1x1x1x64xi32, #tpu.memory_space<vmem>>
    %dma_start3A_170 = tpu.memref_squeeze %dma_start3A_169 : memref<1x1x1x64xi32, #tpu.memory_space<vmem>> -> memref<64xi32, #tpu.memory_space<vmem>>
    %dma_start3A_171 = arith.constant 0 : i32
    %dma_start3A_172 = arith.constant 0 : i32
    %dma_start3A_173 = tpu.memref_slice %arg2[%dma_start3A_171, %dma_start3A_172] : memref<10000x128xf32, #tpu.memory_space<hbm>> -> memref<10000x128xf32, #tpu.memory_space<hbm>>
    %dma_start3A_174 = tpu.memref_slice %arg11[%dma_start3A_164] : memref<5x!tpu.dma_semaphore, #tpu.memory_space<semaphore_mem>> -> memref<1x!tpu.dma_semaphore, #tpu.memory_space<semaphore_mem>>
    %dma_start3A_175 = tpu.memref_squeeze %dma_start3A_174 : memref<1x!tpu.dma_semaphore, #tpu.memory_space<semaphore_mem>> -> memref<!tpu.dma_semaphore, #tpu.memory_space<semaphore_mem>>
    tpu.enqueue_indirect_dma source(%dma_start3A_173 : memref<10000x128xf32, #tpu.memory_space<hbm>>) target(%dma_start3A_167 : memref<64x128xf32, #tpu.memory_space<vmem>>) offsets(%dma_start3A_170 : memref<64xi32, #tpu.memory_space<vmem>>) semaphore(%dma_start3A_175 : memref<!tpu.dma_semaphore, #tpu.memory_space<semaphore_mem>>)
    %dma_wait3A_176 = arith.constant 0 : i32
    %dma_wait3A_177 = arith.constant 2 : i32
    %dma_wait3A_178 = arith.constant 0 : i32
    %dma_wait3A_179 = arith.constant 2 : i32
    %dma_wait3A_180 = arith.constant 128 : i32
    %dma_wait3A_181 = arith.constant 0 : i32
    %dma_wait3A_182 = tpu.memref_slice %arg10[%dma_wait3A_180, %dma_wait3A_181] : memref<320x128xf32, #tpu.memory_space<vmem>> -> memref<64x128xf32, #tpu.memory_space<vmem>>
    %dma_wait3A_183 = arith.constant 0 : i32
    %dma_wait3A_184 = tpu.memref_slice %arg9[%dma_wait3A_176, %dma_wait3A_177, %dma_wait3A_178, %dma_wait3A_183] : memref<3x5x2x64xi32, #tpu.memory_space<vmem>> -> memref<1x1x1x64xi32, #tpu.memory_space<vmem>>
    %dma_wait3A_185 = tpu.memref_squeeze %dma_wait3A_184 : memref<1x1x1x64xi32, #tpu.memory_space<vmem>> -> memref<64xi32, #tpu.memory_space<vmem>>
    %dma_wait3A_186 = arith.constant 0 : i32
    %dma_wait3A_187 = arith.constant 0 : i32
    %dma_wait3A_188 = tpu.memref_slice %arg2[%dma_wait3A_186, %dma_wait3A_187] : memref<10000x128xf32, #tpu.memory_space<hbm>> -> memref<10000x128xf32, #tpu.memory_space<hbm>>
    %dma_wait3A_189 = tpu.memref_slice %arg11[%dma_wait3A_179] : memref<5x!tpu.dma_semaphore, #tpu.memory_space<semaphore_mem>> -> memref<1x!tpu.dma_semaphore, #tpu.memory_space<semaphore_mem>>
    %dma_wait3A_190 = tpu.memref_squeeze %dma_wait3A_189 : memref<1x!tpu.dma_semaphore, #tpu.memory_space<semaphore_mem>> -> memref<!tpu.dma_semaphore, #tpu.memory_space<semaphore_mem>>
    tpu.wait_indirect_dma semaphore(%dma_wait3A_190 : memref<!tpu.dma_semaphore, #tpu.memory_space<semaphore_mem>>) src(%dma_wait3A_188 : memref<10000x128xf32, #tpu.memory_space<hbm>>) dst(%dma_wait3A_182 : memref<64x128xf32, #tpu.memory_space<vmem>>)
    %dma_start3A_191 = arith.constant 0 : i32
    %dma_start3A_192 = arith.constant 2 : i32
    %dma_start3A_193 = arith.constant 1 : i32
    %dma_start3A_194 = arith.constant 2 : i32
    %dma_start3A_195 = arith.constant 128 : i32
    %dma_start3A_196 = arith.constant 0 : i32
    %dma_start3A_197 = tpu.memref_slice %arg10[%dma_start3A_195, %dma_start3A_196] : memref<320x128xf32, #tpu.memory_space<vmem>> -> memref<64x128xf32, #tpu.memory_space<vmem>>
    %dma_start3A_198 = arith.constant 0 : i32
    %dma_start3A_199 = tpu.memref_slice %arg9[%dma_start3A_191, %dma_start3A_192, %dma_start3A_193, %dma_start3A_198] : memref<3x5x2x64xi32, #tpu.memory_space<vmem>> -> memref<1x1x1x64xi32, #tpu.memory_space<vmem>>
    %dma_start3A_200 = tpu.memref_squeeze %dma_start3A_199 : memref<1x1x1x64xi32, #tpu.memory_space<vmem>> -> memref<64xi32, #tpu.memory_space<vmem>>
    %dma_start3A_201 = arith.constant 0 : i32
    %dma_start3A_202 = arith.constant 0 : i32
    %dma_start3A_203 = tpu.memref_slice %arg8[%dma_start3A_201, %dma_start3A_202] : memref<10112x128xf32, #tpu.memory_space<vmem_shared>> -> memref<10112x128xf32, #tpu.memory_space<vmem_shared>>
    %dma_start3A_204 = tpu.memref_slice %arg12[%dma_start3A_194] : memref<5x!tpu.dma_semaphore, #tpu.memory_space<semaphore_mem>> -> memref<1x!tpu.dma_semaphore, #tpu.memory_space<semaphore_mem>>
    %dma_start3A_205 = tpu.memref_squeeze %dma_start3A_204 : memref<1x!tpu.dma_semaphore, #tpu.memory_space<semaphore_mem>> -> memref<!tpu.dma_semaphore, #tpu.memory_space<semaphore_mem>>
    tpu.enqueue_indirect_dma source(%dma_start3A_197 : memref<64x128xf32, #tpu.memory_space<vmem>>) target(%dma_start3A_203 : memref<10112x128xf32, #tpu.memory_space<vmem_shared>>) offsets(%dma_start3A_200 : memref<64xi32, #tpu.memory_space<vmem>>) semaphore(%dma_start3A_205 : memref<!tpu.dma_semaphore, #tpu.memory_space<semaphore_mem>>) {add = true}
    %dma_wait3A_206 = arith.constant 0 : i32
    %dma_wait3A_207 = arith.constant 3 : i32
    %dma_wait3A_208 = arith.constant 1 : i32
    %dma_wait3A_209 = arith.constant 1 : i32
    %dma_wait3A_210 = arith.constant 64 : i32
    %dma_wait3A_211 = arith.constant 0 : i32
    %dma_wait3A_212 = tpu.memref_slice %arg10[%dma_wait3A_210, %dma_wait3A_211] : memref<320x128xf32, #tpu.memory_space<vmem>> -> memref<64x128xf32, #tpu.memory_space<vmem>>
    %dma_wait3A_213 = arith.constant 0 : i32
    %dma_wait3A_214 = tpu.memref_slice %arg9[%dma_wait3A_206, %dma_wait3A_207, %dma_wait3A_208, %dma_wait3A_213] : memref<3x5x2x64xi32, #tpu.memory_space<vmem>> -> memref<1x1x1x64xi32, #tpu.memory_space<vmem>>
    %dma_wait3A_215 = tpu.memref_squeeze %dma_wait3A_214 : memref<1x1x1x64xi32, #tpu.memory_space<vmem>> -> memref<64xi32, #tpu.memory_space<vmem>>
    %dma_wait3A_216 = arith.constant 0 : i32
    %dma_wait3A_217 = arith.constant 0 : i32
    %dma_wait3A_218 = tpu.memref_slice %arg8[%dma_wait3A_216, %dma_wait3A_217] : memref<10112x128xf32, #tpu.memory_space<vmem_shared>> -> memref<10112x128xf32, #tpu.memory_space<vmem_shared>>
    %dma_wait3A_219 = tpu.memref_slice %arg12[%dma_wait3A_209] : memref<5x!tpu.dma_semaphore, #tpu.memory_space<semaphore_mem>> -> memref<1x!tpu.dma_semaphore, #tpu.memory_space<semaphore_mem>>
    %dma_wait3A_220 = tpu.memref_squeeze %dma_wait3A_219 : memref<1x!tpu.dma_semaphore, #tpu.memory_space<semaphore_mem>> -> memref<!tpu.dma_semaphore, #tpu.memory_space<semaphore_mem>>
    tpu.wait_indirect_dma semaphore(%dma_wait3A_220 : memref<!tpu.dma_semaphore, #tpu.memory_space<semaphore_mem>>) src(%dma_wait3A_212 : memref<64x128xf32, #tpu.memory_space<vmem>>) dst(%dma_wait3A_218 : memref<10112x128xf32, #tpu.memory_space<vmem_shared>>)
    %dma_start3A_221 = arith.constant 1 : i32
    %dma_start3A_222 = arith.constant 1 : i32
    %dma_start3A_223 = arith.constant 0 : i32
    %dma_start3A_224 = arith.constant 1 : i32
    %dma_start3A_225 = arith.constant 64 : i32
    %dma_start3A_226 = arith.constant 0 : i32
    %dma_start3A_227 = tpu.memref_slice %arg10[%dma_start3A_225, %dma_start3A_226] : memref<320x128xf32, #tpu.memory_space<vmem>> -> memref<64x128xf32, #tpu.memory_space<vmem>>
    %dma_start3A_228 = arith.constant 0 : i32
    %dma_start3A_229 = tpu.memref_slice %arg9[%dma_start3A_221, %dma_start3A_222, %dma_start3A_223, %dma_start3A_228] : memref<3x5x2x64xi32, #tpu.memory_space<vmem>> -> memref<1x1x1x64xi32, #tpu.memory_space<vmem>>
    %dma_start3A_230 = tpu.memref_squeeze %dma_start3A_229 : memref<1x1x1x64xi32, #tpu.memory_space<vmem>> -> memref<64xi32, #tpu.memory_space<vmem>>
    %dma_start3A_231 = arith.constant 0 : i32
    %dma_start3A_232 = arith.constant 0 : i32
    %dma_start3A_233 = tpu.memref_slice %arg2[%dma_start3A_231, %dma_start3A_232] : memref<10000x128xf32, #tpu.memory_space<hbm>> -> memref<10000x128xf32, #tpu.memory_space<hbm>>
    %dma_start3A_234 = tpu.memref_slice %arg11[%dma_start3A_224] : memref<5x!tpu.dma_semaphore, #tpu.memory_space<semaphore_mem>> -> memref<1x!tpu.dma_semaphore, #tpu.memory_space<semaphore_mem>>
    %dma_start3A_235 = tpu.memref_squeeze %dma_start3A_234 : memref<1x!tpu.dma_semaphore, #tpu.memory_space<semaphore_mem>> -> memref<!tpu.dma_semaphore, #tpu.memory_space<semaphore_mem>>
    tpu.enqueue_indirect_dma source(%dma_start3A_233 : memref<10000x128xf32, #tpu.memory_space<hbm>>) target(%dma_start3A_227 : memref<64x128xf32, #tpu.memory_space<vmem>>) offsets(%dma_start3A_230 : memref<64xi32, #tpu.memory_space<vmem>>) semaphore(%dma_start3A_235 : memref<!tpu.dma_semaphore, #tpu.memory_space<semaphore_mem>>)
    %dma_wait3A_236 = arith.constant 0 : i32
    %dma_wait3A_237 = arith.constant 3 : i32
    %dma_wait3A_238 = arith.constant 0 : i32
    %dma_wait3A_239 = arith.constant 3 : i32
    %dma_wait3A_240 = arith.constant 192 : i32
    %dma_wait3A_241 = arith.constant 0 : i32
    %dma_wait3A_242 = tpu.memref_slice %arg10[%dma_wait3A_240, %dma_wait3A_241] : memref<320x128xf32, #tpu.memory_space<vmem>> -> memref<64x128xf32, #tpu.memory_space<vmem>>
    %dma_wait3A_243 = arith.constant 0 : i32
    %dma_wait3A_244 = tpu.memref_slice %arg9[%dma_wait3A_236, %dma_wait3A_237, %dma_wait3A_238, %dma_wait3A_243] : memref<3x5x2x64xi32, #tpu.memory_space<vmem>> -> memref<1x1x1x64xi32, #tpu.memory_space<vmem>>
    %dma_wait3A_245 = tpu.memref_squeeze %dma_wait3A_244 : memref<1x1x1x64xi32, #tpu.memory_space<vmem>> -> memref<64xi32, #tpu.memory_space<vmem>>
    %dma_wait3A_246 = arith.constant 0 : i32
    %dma_wait3A_247 = arith.constant 0 : i32
    %dma_wait3A_248 = tpu.memref_slice %arg2[%dma_wait3A_246, %dma_wait3A_247] : memref<10000x128xf32, #tpu.memory_space<hbm>> -> memref<10000x128xf32, #tpu.memory_space<hbm>>
    %dma_wait3A_249 = tpu.memref_slice %arg11[%dma_wait3A_239] : memref<5x!tpu.dma_semaphore, #tpu.memory_space<semaphore_mem>> -> memref<1x!tpu.dma_semaphore, #tpu.memory_space<semaphore_mem>>
    %dma_wait3A_250 = tpu.memref_squeeze %dma_wait3A_249 : memref<1x!tpu.dma_semaphore, #tpu.memory_space<semaphore_mem>> -> memref<!tpu.dma_semaphore, #tpu.memory_space<semaphore_mem>>
    tpu.wait_indirect_dma semaphore(%dma_wait3A_250 : memref<!tpu.dma_semaphore, #tpu.memory_space<semaphore_mem>>) src(%dma_wait3A_248 : memref<10000x128xf32, #tpu.memory_space<hbm>>) dst(%dma_wait3A_242 : memref<64x128xf32, #tpu.memory_space<vmem>>)
    %dma_start3A_251 = arith.constant 0 : i32
    %dma_start3A_252 = arith.constant 3 : i32
    %dma_start3A_253 = arith.constant 1 : i32
    %dma_start3A_254 = arith.constant 3 : i32
    %dma_start3A_255 = arith.constant 192 : i32
    %dma_start3A_256 = arith.constant 0 : i32
    %dma_start3A_257 = tpu.memref_slice %arg10[%dma_start3A_255, %dma_start3A_256] : memref<320x128xf32, #tpu.memory_space<vmem>> -> memref<64x128xf32, #tpu.memory_space<vmem>>
    %dma_start3A_258 = arith.constant 0 : i32
    %dma_start3A_259 = tpu.memref_slice %arg9[%dma_start3A_251, %dma_start3A_252, %dma_start3A_253, %dma_start3A_258] : memref<3x5x2x64xi32, #tpu.memory_space<vmem>> -> memref<1x1x1x64xi32, #tpu.memory_space<vmem>>
    %dma_start3A_260 = tpu.memref_squeeze %dma_start3A_259 : memref<1x1x1x64xi32, #tpu.memory_space<vmem>> -> memref<64xi32, #tpu.memory_space<vmem>>
    %dma_start3A_261 = arith.constant 0 : i32
    %dma_start3A_262 = arith.constant 0 : i32
    %dma_start3A_263 = tpu.memref_slice %arg8[%dma_start3A_261, %dma_start3A_262] : memref<10112x128xf32, #tpu.memory_space<vmem_shared>> -> memref<10112x128xf32, #tpu.memory_space<vmem_shared>>
    %dma_start3A_264 = tpu.memref_slice %arg12[%dma_start3A_254] : memref<5x!tpu.dma_semaphore, #tpu.memory_space<semaphore_mem>> -> memref<1x!tpu.dma_semaphore, #tpu.memory_space<semaphore_mem>>
    %dma_start3A_265 = tpu.memref_squeeze %dma_start3A_264 : memref<1x!tpu.dma_semaphore, #tpu.memory_space<semaphore_mem>> -> memref<!tpu.dma_semaphore, #tpu.memory_space<semaphore_mem>>
    tpu.enqueue_indirect_dma source(%dma_start3A_257 : memref<64x128xf32, #tpu.memory_space<vmem>>) target(%dma_start3A_263 : memref<10112x128xf32, #tpu.memory_space<vmem_shared>>) offsets(%dma_start3A_260 : memref<64xi32, #tpu.memory_space<vmem>>) semaphore(%dma_start3A_265 : memref<!tpu.dma_semaphore, #tpu.memory_space<semaphore_mem>>) {add = true}
    %dma_wait3A_266 = arith.constant 0 : i32
    %dma_wait3A_267 = arith.constant 4 : i32
    %dma_wait3A_268 = arith.constant 1 : i32
    %dma_wait3A_269 = arith.constant 2 : i32
    %dma_wait3A_270 = arith.constant 128 : i32
    %dma_wait3A_271 = arith.constant 0 : i32
    %dma_wait3A_272 = tpu.memref_slice %arg10[%dma_wait3A_270, %dma_wait3A_271] : memref<320x128xf32, #tpu.memory_space<vmem>> -> memref<64x128xf32, #tpu.memory_space<vmem>>
    %dma_wait3A_273 = arith.constant 0 : i32
    %dma_wait3A_274 = tpu.memref_slice %arg9[%dma_wait3A_266, %dma_wait3A_267, %dma_wait3A_268, %dma_wait3A_273] : memref<3x5x2x64xi32, #tpu.memory_space<vmem>> -> memref<1x1x1x64xi32, #tpu.memory_space<vmem>>
    %dma_wait3A_275 = tpu.memref_squeeze %dma_wait3A_274 : memref<1x1x1x64xi32, #tpu.memory_space<vmem>> -> memref<64xi32, #tpu.memory_space<vmem>>
    %dma_wait3A_276 = arith.constant 0 : i32
    %dma_wait3A_277 = arith.constant 0 : i32
    %dma_wait3A_278 = tpu.memref_slice %arg8[%dma_wait3A_276, %dma_wait3A_277] : memref<10112x128xf32, #tpu.memory_space<vmem_shared>> -> memref<10112x128xf32, #tpu.memory_space<vmem_shared>>
    %dma_wait3A_279 = tpu.memref_slice %arg12[%dma_wait3A_269] : memref<5x!tpu.dma_semaphore, #tpu.memory_space<semaphore_mem>> -> memref<1x!tpu.dma_semaphore, #tpu.memory_space<semaphore_mem>>
    %dma_wait3A_280 = tpu.memref_squeeze %dma_wait3A_279 : memref<1x!tpu.dma_semaphore, #tpu.memory_space<semaphore_mem>> -> memref<!tpu.dma_semaphore, #tpu.memory_space<semaphore_mem>>
    tpu.wait_indirect_dma semaphore(%dma_wait3A_280 : memref<!tpu.dma_semaphore, #tpu.memory_space<semaphore_mem>>) src(%dma_wait3A_272 : memref<64x128xf32, #tpu.memory_space<vmem>>) dst(%dma_wait3A_278 : memref<10112x128xf32, #tpu.memory_space<vmem_shared>>)
    %dma_start3A_281 = arith.constant 1 : i32
    %dma_start3A_282 = arith.constant 2 : i32
    %dma_start3A_283 = arith.constant 0 : i32
    %dma_start3A_284 = arith.constant 2 : i32
    %dma_start3A_285 = arith.constant 128 : i32
    %dma_start3A_286 = arith.constant 0 : i32
    %dma_start3A_287 = tpu.memref_slice %arg10[%dma_start3A_285, %dma_start3A_286] : memref<320x128xf32, #tpu.memory_space<vmem>> -> memref<64x128xf32, #tpu.memory_space<vmem>>
    %dma_start3A_288 = arith.constant 0 : i32
    %dma_start3A_289 = tpu.memref_slice %arg9[%dma_start3A_281, %dma_start3A_282, %dma_start3A_283, %dma_start3A_288] : memref<3x5x2x64xi32, #tpu.memory_space<vmem>> -> memref<1x1x1x64xi32, #tpu.memory_space<vmem>>
    %dma_start3A_290 = tpu.memref_squeeze %dma_start3A_289 : memref<1x1x1x64xi32, #tpu.memory_space<vmem>> -> memref<64xi32, #tpu.memory_space<vmem>>
    %dma_start3A_291 = arith.constant 0 : i32
    %dma_start3A_292 = arith.constant 0 : i32
    %dma_start3A_293 = tpu.memref_slice %arg2[%dma_start3A_291, %dma_start3A_292] : memref<10000x128xf32, #tpu.memory_space<hbm>> -> memref<10000x128xf32, #tpu.memory_space<hbm>>
    %dma_start3A_294 = tpu.memref_slice %arg11[%dma_start3A_284] : memref<5x!tpu.dma_semaphore, #tpu.memory_space<semaphore_mem>> -> memref<1x!tpu.dma_semaphore, #tpu.memory_space<semaphore_mem>>
    %dma_start3A_295 = tpu.memref_squeeze %dma_start3A_294 : memref<1x!tpu.dma_semaphore, #tpu.memory_space<semaphore_mem>> -> memref<!tpu.dma_semaphore, #tpu.memory_space<semaphore_mem>>
    tpu.enqueue_indirect_dma source(%dma_start3A_293 : memref<10000x128xf32, #tpu.memory_space<hbm>>) target(%dma_start3A_287 : memref<64x128xf32, #tpu.memory_space<vmem>>) offsets(%dma_start3A_290 : memref<64xi32, #tpu.memory_space<vmem>>) semaphore(%dma_start3A_295 : memref<!tpu.dma_semaphore, #tpu.memory_space<semaphore_mem>>)
    %dma_wait3A_296 = arith.constant 0 : i32
    %dma_wait3A_297 = arith.constant 4 : i32
    %dma_wait3A_298 = arith.constant 0 : i32
    %dma_wait3A_299 = arith.constant 4 : i32
    %dma_wait3A_300 = arith.constant 256 : i32
    %dma_wait3A_301 = arith.constant 0 : i32
    %dma_wait3A_302 = tpu.memref_slice %arg10[%dma_wait3A_300, %dma_wait3A_301] : memref<320x128xf32, #tpu.memory_space<vmem>> -> memref<64x128xf32, #tpu.memory_space<vmem>>
    %dma_wait3A_303 = arith.constant 0 : i32
    %dma_wait3A_304 = tpu.memref_slice %arg9[%dma_wait3A_296, %dma_wait3A_297, %dma_wait3A_298, %dma_wait3A_303] : memref<3x5x2x64xi32, #tpu.memory_space<vmem>> -> memref<1x1x1x64xi32, #tpu.memory_space<vmem>>
    %dma_wait3A_305 = tpu.memref_squeeze %dma_wait3A_304 : memref<1x1x1x64xi32, #tpu.memory_space<vmem>> -> memref<64xi32, #tpu.memory_space<vmem>>
    %dma_wait3A_306 = arith.constant 0 : i32
    %dma_wait3A_307 = arith.constant 0 : i32
    %dma_wait3A_308 = tpu.memref_slice %arg2[%dma_wait3A_306, %dma_wait3A_307] : memref<10000x128xf32, #tpu.memory_space<hbm>> -> memref<10000x128xf32, #tpu.memory_space<hbm>>
    %dma_wait3A_309 = tpu.memref_slice %arg11[%dma_wait3A_299] : memref<5x!tpu.dma_semaphore, #tpu.memory_space<semaphore_mem>> -> memref<1x!tpu.dma_semaphore, #tpu.memory_space<semaphore_mem>>
    %dma_wait3A_310 = tpu.memref_squeeze %dma_wait3A_309 : memref<1x!tpu.dma_semaphore, #tpu.memory_space<semaphore_mem>> -> memref<!tpu.dma_semaphore, #tpu.memory_space<semaphore_mem>>
    tpu.wait_indirect_dma semaphore(%dma_wait3A_310 : memref<!tpu.dma_semaphore, #tpu.memory_space<semaphore_mem>>) src(%dma_wait3A_308 : memref<10000x128xf32, #tpu.memory_space<hbm>>) dst(%dma_wait3A_302 : memref<64x128xf32, #tpu.memory_space<vmem>>)
    %dma_start3A_311 = arith.constant 0 : i32
    %dma_start3A_312 = arith.constant 4 : i32
    %dma_start3A_313 = arith.constant 1 : i32
    %dma_start3A_314 = arith.constant 4 : i32
    %dma_start3A_315 = arith.constant 256 : i32
    %dma_start3A_316 = arith.constant 0 : i32
    %dma_start3A_317 = tpu.memref_slice %arg10[%dma_start3A_315, %dma_start3A_316] : memref<320x128xf32, #tpu.memory_space<vmem>> -> memref<64x128xf32, #tpu.memory_space<vmem>>
    %dma_start3A_318 = arith.constant 0 : i32
    %dma_start3A_319 = tpu.memref_slice %arg9[%dma_start3A_311, %dma_start3A_312, %dma_start3A_313, %dma_start3A_318] : memref<3x5x2x64xi32, #tpu.memory_space<vmem>> -> memref<1x1x1x64xi32, #tpu.memory_space<vmem>>
    %dma_start3A_320 = tpu.memref_squeeze %dma_start3A_319 : memref<1x1x1x64xi32, #tpu.memory_space<vmem>> -> memref<64xi32, #tpu.memory_space<vmem>>
    %dma_start3A_321 = arith.constant 0 : i32
    %dma_start3A_322 = arith.constant 0 : i32
    %dma_start3A_323 = tpu.memref_slice %arg8[%dma_start3A_321, %dma_start3A_322] : memref<10112x128xf32, #tpu.memory_space<vmem_shared>> -> memref<10112x128xf32, #tpu.memory_space<vmem_shared>>
    %dma_start3A_324 = tpu.memref_slice %arg12[%dma_start3A_314] : memref<5x!tpu.dma_semaphore, #tpu.memory_space<semaphore_mem>> -> memref<1x!tpu.dma_semaphore, #tpu.memory_space<semaphore_mem>>
    %dma_start3A_325 = tpu.memref_squeeze %dma_start3A_324 : memref<1x!tpu.dma_semaphore, #tpu.memory_space<semaphore_mem>> -> memref<!tpu.dma_semaphore, #tpu.memory_space<semaphore_mem>>
    tpu.enqueue_indirect_dma source(%dma_start3A_317 : memref<64x128xf32, #tpu.memory_space<vmem>>) target(%dma_start3A_323 : memref<10112x128xf32, #tpu.memory_space<vmem_shared>>) offsets(%dma_start3A_320 : memref<64xi32, #tpu.memory_space<vmem>>) semaphore(%dma_start3A_325 : memref<!tpu.dma_semaphore, #tpu.memory_space<semaphore_mem>>) {add = true}
    %scan3A = arith.constant 0 : i32
    %scan3A_326 = arith.constant 1 : i32
    %scan3A_327 = arith.constant 30 : i32
    %scan3A_328 = arith.addi %scan3A_326, %scan3A_327 : i32
    %scan3A_329 = arith.constant 1 : i32
    scf.for %scan3A_1243 = %scan3A_326 to %scan3A_328 step %scan3A_329  : i32 {
      %rem3A = arith.constant 3 : i32
      %rem3A_1244 = arith.remsi %scan3A_1243, %rem3A : i32
      %add3A_1245 = arith.constant 1 : i32
      %add3A_1246 = arith.addi %scan3A_1243, %add3A_1245 : i32
      %add3A_1247 = arith.constant 1 : i32
      %add3A_1248 = arith.addi %scan3A_1243, %add3A_1247 : i32
      %rem3A_1249 = arith.constant 3 : i32
      %rem3A_1250 = arith.remsi %add3A_1248, %rem3A_1249 : i32
      %mul3A_1251 = arith.constant 160 : i32
      %mul3A_1252 = arith.muli %add3A, %mul3A_1251 : i32
      %mul3A_1253 = arith.constant 5 : i32
      %mul3A_1254 = arith.muli %add3A_1246, %mul3A_1253 : i32
      %add3A_1255 = arith.addi %mul3A_1252, %mul3A_1254 : i32
      %multiple_of3A_1256 = tpu.assume_multiple %add3A_1255, 5 : i32
      "tpu.region"() ({
        %run_scoped3A_1549 = tpu.sem_alloc : memref<!tpu.dma_semaphore, #tpu.memory_space<semaphore_mem>>
        %dma_start3A_1550 = arith.constant 0 : i32
        %dma_start3A_1551 = arith.constant 0 : i32
        %dma_start3A_1552 = arith.constant 0 : i32
        %dma_start3A_1553 = tpu.memref_slice %arg9[%rem3A_1250, %dma_start3A_1550, %dma_start3A_1551, %dma_start3A_1552] : memref<3x5x2x64xi32, #tpu.memory_space<vmem>> -> memref<1x5x2x64xi32, #tpu.memory_space<vmem>>
        %dma_start3A_1554 = tpu.memref_squeeze %dma_start3A_1553 : memref<1x5x2x64xi32, #tpu.memory_space<vmem>> -> memref<5x2x64xi32, #tpu.memory_space<vmem>>
        %dma_start3A_1555 = arith.constant 0 : i32
        %dma_start3A_1556 = arith.constant 0 : i32
        %dma_start3A_1557 = tpu.memref_slice %arg3[%multiple_of3A_1256, %dma_start3A_1555, %dma_start3A_1556] : memref<5120x2x64xi32, #tpu.memory_space<hbm>> -> memref<5x2x64xi32, #tpu.memory_space<hbm>>
        %dma_start3A_1558 = arith.constant 0 : i32
        %dma_start3A_1559 = arith.constant 0 : i32
        %dma_start3A_1560 = arith.constant 0 : i32
        %dma_start3A_1561 = tpu.memref_slice %arg9[%rem3A_1250, %dma_start3A_1558, %dma_start3A_1559, %dma_start3A_1560] : memref<3x5x2x64xi32, #tpu.memory_space<vmem>> -> memref<1x5x2x64xi32, #tpu.memory_space<vmem>>
        %dma_start3A_1562 = tpu.memref_squeeze %dma_start3A_1561 : memref<1x5x2x64xi32, #tpu.memory_space<vmem>> -> memref<5x2x64xi32, #tpu.memory_space<vmem>>
        %dma_start3A_1563 = arith.constant 0 : i32
        %dma_start3A_1564 = arith.constant 0 : i32
        %dma_start3A_1565 = tpu.memref_slice %arg3[%multiple_of3A_1256, %dma_start3A_1563, %dma_start3A_1564] : memref<5120x2x64xi32, #tpu.memory_space<hbm>> -> memref<5x2x64xi32, #tpu.memory_space<hbm>>
        tpu.enqueue_dma source(%dma_start3A_1565 : memref<5x2x64xi32, #tpu.memory_space<hbm>>) target(%dma_start3A_1562 : memref<5x2x64xi32, #tpu.memory_space<vmem>>) target_semaphore(%run_scoped3A_1549 : memref<!tpu.dma_semaphore, #tpu.memory_space<semaphore_mem>>)
        %dma_wait3A_1566 = arith.constant 0 : i32
        %dma_wait3A_1567 = arith.constant 0 : i32
        %dma_wait3A_1568 = arith.constant 0 : i32
        %dma_wait3A_1569 = tpu.memref_slice %arg9[%rem3A_1250, %dma_wait3A_1566, %dma_wait3A_1567, %dma_wait3A_1568] : memref<3x5x2x64xi32, #tpu.memory_space<vmem>> -> memref<1x5x2x64xi32, #tpu.memory_space<vmem>>
        %dma_wait3A_1570 = tpu.memref_squeeze %dma_wait3A_1569 : memref<1x5x2x64xi32, #tpu.memory_space<vmem>> -> memref<5x2x64xi32, #tpu.memory_space<vmem>>
        %dma_wait3A_1571 = arith.constant 0 : i32
        %dma_wait3A_1572 = arith.constant 0 : i32
        %dma_wait3A_1573 = tpu.memref_slice %arg3[%multiple_of3A_1256, %dma_wait3A_1571, %dma_wait3A_1572] : memref<5120x2x64xi32, #tpu.memory_space<hbm>> -> memref<5x2x64xi32, #tpu.memory_space<hbm>>
        %dma_wait3A_1574 = arith.constant 0 : i32
        %dma_wait3A_1575 = arith.constant 0 : i32
        %dma_wait3A_1576 = arith.constant 0 : i32
        %dma_wait3A_1577 = tpu.memref_slice %arg9[%rem3A_1250, %dma_wait3A_1574, %dma_wait3A_1575, %dma_wait3A_1576] : memref<3x5x2x64xi32, #tpu.memory_space<vmem>> -> memref<1x5x2x64xi32, #tpu.memory_space<vmem>>
        %dma_wait3A_1578 = tpu.memref_squeeze %dma_wait3A_1577 : memref<1x5x2x64xi32, #tpu.memory_space<vmem>> -> memref<5x2x64xi32, #tpu.memory_space<vmem>>
        %dma_wait3A_1579 = arith.constant 0 : i32
        %dma_wait3A_1580 = arith.constant 0 : i32
        %dma_wait3A_1581 = tpu.memref_slice %arg3[%multiple_of3A_1256, %dma_wait3A_1579, %dma_wait3A_1580] : memref<5120x2x64xi32, #tpu.memory_space<hbm>> -> memref<5x2x64xi32, #tpu.memory_space<hbm>>
        tpu.wait_dma2 semaphore(%run_scoped3A_1549 : memref<!tpu.dma_semaphore, #tpu.memory_space<semaphore_mem>>) src(%dma_wait3A_1581 : memref<5x2x64xi32, #tpu.memory_space<hbm>>) dst(%dma_wait3A_1578 : memref<5x2x64xi32, #tpu.memory_space<vmem>>)
        tpu.yield
      }) : () -> ()
      %dma_wait3A_1257 = arith.constant 0 : i32
      %dma_wait3A_1258 = arith.constant 1 : i32
      %dma_wait3A_1259 = arith.constant 3 : i32
      %dma_wait3A_1260 = arith.constant 192 : i32
      %dma_wait3A_1261 = arith.constant 0 : i32
      %dma_wait3A_1262 = tpu.memref_slice %arg10[%dma_wait3A_1260, %dma_wait3A_1261] : memref<320x128xf32, #tpu.memory_space<vmem>> -> memref<64x128xf32, #tpu.memory_space<vmem>>
      %dma_wait3A_1263 = arith.constant 0 : i32
      %dma_wait3A_1264 = tpu.memref_slice %arg9[%rem3A_1244, %dma_wait3A_1257, %dma_wait3A_1258, %dma_wait3A_1263] : memref<3x5x2x64xi32, #tpu.memory_space<vmem>> -> memref<1x1x1x64xi32, #tpu.memory_space<vmem>>
      %dma_wait3A_1265 = tpu.memref_squeeze %dma_wait3A_1264 : memref<1x1x1x64xi32, #tpu.memory_space<vmem>> -> memref<64xi32, #tpu.memory_space<vmem>>
      %dma_wait3A_1266 = arith.constant 0 : i32
      %dma_wait3A_1267 = arith.constant 0 : i32
      %dma_wait3A_1268 = tpu.memref_slice %arg8[%dma_wait3A_1266, %dma_wait3A_1267] : memref<10112x128xf32, #tpu.memory_space<vmem_shared>> -> memref<10112x128xf32, #tpu.memory_space<vmem_shared>>
      %dma_wait3A_1269 = tpu.memref_slice %arg12[%dma_wait3A_1259] : memref<5x!tpu.dma_semaphore, #tpu.memory_space<semaphore_mem>> -> memref<1x!tpu.dma_semaphore, #tpu.memory_space<semaphore_mem>>
      %dma_wait3A_1270 = tpu.memref_squeeze %dma_wait3A_1269 : memref<1x!tpu.dma_semaphore, #tpu.memory_space<semaphore_mem>> -> memref<!tpu.dma_semaphore, #tpu.memory_space<semaphore_mem>>
      tpu.wait_indirect_dma semaphore(%dma_wait3A_1270 : memref<!tpu.dma_semaphore, #tpu.memory_space<semaphore_mem>>) src(%dma_wait3A_1262 : memref<64x128xf32, #tpu.memory_space<vmem>>) dst(%dma_wait3A_1268 : memref<10112x128xf32, #tpu.memory_space<vmem_shared>>)
      %dma_start3A_1271 = arith.constant 3 : i32
      %dma_start3A_1272 = arith.constant 0 : i32
      %dma_start3A_1273 = arith.constant 3 : i32
      %dma_start3A_1274 = arith.constant 192 : i32
      %dma_start3A_1275 = arith.constant 0 : i32
      %dma_start3A_1276 = tpu.memref_slice %arg10[%dma_start3A_1274, %dma_start3A_1275] : memref<320x128xf32, #tpu.memory_space<vmem>> -> memref<64x128xf32, #tpu.memory_space<vmem>>
      %dma_start3A_1277 = arith.constant 0 : i32
      %dma_start3A_1278 = tpu.memref_slice %arg9[%rem3A_1244, %dma_start3A_1271, %dma_start3A_1272, %dma_start3A_1277] : memref<3x5x2x64xi32, #tpu.memory_space<vmem>> -> memref<1x1x1x64xi32, #tpu.memory_space<vmem>>
      %dma_start3A_1279 = tpu.memref_squeeze %dma_start3A_1278 : memref<1x1x1x64xi32, #tpu.memory_space<vmem>> -> memref<64xi32, #tpu.memory_space<vmem>>
      %dma_start3A_1280 = arith.constant 0 : i32
      %dma_start3A_1281 = arith.constant 0 : i32
      %dma_start3A_1282 = tpu.memref_slice %arg2[%dma_start3A_1280, %dma_start3A_1281] : memref<10000x128xf32, #tpu.memory_space<hbm>> -> memref<10000x128xf32, #tpu.memory_space<hbm>>
      %dma_start3A_1283 = tpu.memref_slice %arg11[%dma_start3A_1273] : memref<5x!tpu.dma_semaphore, #tpu.memory_space<semaphore_mem>> -> memref<1x!tpu.dma_semaphore, #tpu.memory_space<semaphore_mem>>
      %dma_start3A_1284 = tpu.memref_squeeze %dma_start3A_1283 : memref<1x!tpu.dma_semaphore, #tpu.memory_space<semaphore_mem>> -> memref<!tpu.dma_semaphore, #tpu.memory_space<semaphore_mem>>
      tpu.enqueue_indirect_dma source(%dma_start3A_1282 : memref<10000x128xf32, #tpu.memory_space<hbm>>) target(%dma_start3A_1276 : memref<64x128xf32, #tpu.memory_space<vmem>>) offsets(%dma_start3A_1279 : memref<64xi32, #tpu.memory_space<vmem>>) semaphore(%dma_start3A_1284 : memref<!tpu.dma_semaphore, #tpu.memory_space<semaphore_mem>>)
      %dma_wait3A_1285 = arith.constant 0 : i32
      %dma_wait3A_1286 = arith.constant 0 : i32
      %dma_wait3A_1287 = arith.constant 0 : i32
      %dma_wait3A_1288 = arith.constant 0 : i32
      %dma_wait3A_1289 = arith.constant 0 : i32
      %dma_wait3A_1290 = tpu.memref_slice %arg10[%dma_wait3A_1288, %dma_wait3A_1289] : memref<320x128xf32, #tpu.memory_space<vmem>> -> memref<64x128xf32, #tpu.memory_space<vmem>>
      %dma_wait3A_1291 = arith.constant 0 : i32
      %dma_wait3A_1292 = tpu.memref_slice %arg9[%rem3A_1244, %dma_wait3A_1285, %dma_wait3A_1286, %dma_wait3A_1291] : memref<3x5x2x64xi32, #tpu.memory_space<vmem>> -> memref<1x1x1x64xi32, #tpu.memory_space<vmem>>
      %dma_wait3A_1293 = tpu.memref_squeeze %dma_wait3A_1292 : memref<1x1x1x64xi32, #tpu.memory_space<vmem>> -> memref<64xi32, #tpu.memory_space<vmem>>
      %dma_wait3A_1294 = arith.constant 0 : i32
      %dma_wait3A_1295 = arith.constant 0 : i32
      %dma_wait3A_1296 = tpu.memref_slice %arg2[%dma_wait3A_1294, %dma_wait3A_1295] : memref<10000x128xf32, #tpu.memory_space<hbm>> -> memref<10000x128xf32, #tpu.memory_space<hbm>>
      %dma_wait3A_1297 = tpu.memref_slice %arg11[%dma_wait3A_1287] : memref<5x!tpu.dma_semaphore, #tpu.memory_space<semaphore_mem>> -> memref<1x!tpu.dma_semaphore, #tpu.memory_space<semaphore_mem>>
      %dma_wait3A_1298 = tpu.memref_squeeze %dma_wait3A_1297 : memref<1x!tpu.dma_semaphore, #tpu.memory_space<semaphore_mem>> -> memref<!tpu.dma_semaphore, #tpu.memory_space<semaphore_mem>>
      tpu.wait_indirect_dma semaphore(%dma_wait3A_1298 : memref<!tpu.dma_semaphore, #tpu.memory_space<semaphore_mem>>) src(%dma_wait3A_1296 : memref<10000x128xf32, #tpu.memory_space<hbm>>) dst(%dma_wait3A_1290 : memref<64x128xf32, #tpu.memory_space<vmem>>)
      %dma_start3A_1299 = arith.constant 0 : i32
      %dma_start3A_1300 = arith.constant 1 : i32
      %dma_start3A_1301 = arith.constant 0 : i32
      %dma_start3A_1302 = arith.constant 0 : i32
      %dma_start3A_1303 = arith.constant 0 : i32
      %dma_start3A_1304 = tpu.memref_slice %arg10[%dma_start3A_1302, %dma_start3A_1303] : memref<320x128xf32, #tpu.memory_space<vmem>> -> memref<64x128xf32, #tpu.memory_space<vmem>>
      %dma_start3A_1305 = arith.constant 0 : i32
      %dma_start3A_1306 = tpu.memref_slice %arg9[%rem3A_1244, %dma_start3A_1299, %dma_start3A_1300, %dma_start3A_1305] : memref<3x5x2x64xi32, #tpu.memory_space<vmem>> -> memref<1x1x1x64xi32, #tpu.memory_space<vmem>>
      %dma_start3A_1307 = tpu.memref_squeeze %dma_start3A_1306 : memref<1x1x1x64xi32, #tpu.memory_space<vmem>> -> memref<64xi32, #tpu.memory_space<vmem>>
      %dma_start3A_1308 = arith.constant 0 : i32
      %dma_start3A_1309 = arith.constant 0 : i32
      %dma_start3A_1310 = tpu.memref_slice %arg8[%dma_start3A_1308, %dma_start3A_1309] : memref<10112x128xf32, #tpu.memory_space<vmem_shared>> -> memref<10112x128xf32, #tpu.memory_space<vmem_shared>>
      %dma_start3A_1311 = tpu.memref_slice %arg12[%dma_start3A_1301] : memref<5x!tpu.dma_semaphore, #tpu.memory_space<semaphore_mem>> -> memref<1x!tpu.dma_semaphore, #tpu.memory_space<semaphore_mem>>
      %dma_start3A_1312 = tpu.memref_squeeze %dma_start3A_1311 : memref<1x!tpu.dma_semaphore, #tpu.memory_space<semaphore_mem>> -> memref<!tpu.dma_semaphore, #tpu.memory_space<semaphore_mem>>
      tpu.enqueue_indirect_dma source(%dma_start3A_1304 : memref<64x128xf32, #tpu.memory_space<vmem>>) target(%dma_start3A_1310 : memref<10112x128xf32, #tpu.memory_space<vmem_shared>>) offsets(%dma_start3A_1307 : memref<64xi32, #tpu.memory_space<vmem>>) semaphore(%dma_start3A_1312 : memref<!tpu.dma_semaphore, #tpu.memory_space<semaphore_mem>>) {add = true}
      %dma_wait3A_1313 = arith.constant 1 : i32
      %dma_wait3A_1314 = arith.constant 1 : i32
      %dma_wait3A_1315 = arith.constant 4 : i32
      %dma_wait3A_1316 = arith.constant 256 : i32
      %dma_wait3A_1317 = arith.constant 0 : i32
      %dma_wait3A_1318 = tpu.memref_slice %arg10[%dma_wait3A_1316, %dma_wait3A_1317] : memref<320x128xf32, #tpu.memory_space<vmem>> -> memref<64x128xf32, #tpu.memory_space<vmem>>
      %dma_wait3A_1319 = arith.constant 0 : i32
      %dma_wait3A_1320 = tpu.memref_slice %arg9[%rem3A_1244, %dma_wait3A_1313, %dma_wait3A_1314, %dma_wait3A_1319] : memref<3x5x2x64xi32, #tpu.memory_space<vmem>> -> memref<1x1x1x64xi32, #tpu.memory_space<vmem>>
      %dma_wait3A_1321 = tpu.memref_squeeze %dma_wait3A_1320 : memref<1x1x1x64xi32, #tpu.memory_space<vmem>> -> memref<64xi32, #tpu.memory_space<vmem>>
      %dma_wait3A_1322 = arith.constant 0 : i32
      %dma_wait3A_1323 = arith.constant 0 : i32
      %dma_wait3A_1324 = tpu.memref_slice %arg8[%dma_wait3A_1322, %dma_wait3A_1323] : memref<10112x128xf32, #tpu.memory_space<vmem_shared>> -> memref<10112x128xf32, #tpu.memory_space<vmem_shared>>
      %dma_wait3A_1325 = tpu.memref_slice %arg12[%dma_wait3A_1315] : memref<5x!tpu.dma_semaphore, #tpu.memory_space<semaphore_mem>> -> memref<1x!tpu.dma_semaphore, #tpu.memory_space<semaphore_mem>>
      %dma_wait3A_1326 = tpu.memref_squeeze %dma_wait3A_1325 : memref<1x!tpu.dma_semaphore, #tpu.memory_space<semaphore_mem>> -> memref<!tpu.dma_semaphore, #tpu.memory_space<semaphore_mem>>
      tpu.wait_indirect_dma semaphore(%dma_wait3A_1326 : memref<!tpu.dma_semaphore, #tpu.memory_space<semaphore_mem>>) src(%dma_wait3A_1318 : memref<64x128xf32, #tpu.memory_space<vmem>>) dst(%dma_wait3A_1324 : memref<10112x128xf32, #tpu.memory_space<vmem_shared>>)
      %dma_start3A_1327 = arith.constant 4 : i32
      %dma_start3A_1328 = arith.constant 0 : i32
      %dma_start3A_1329 = arith.constant 4 : i32
      %dma_start3A_1330 = arith.constant 256 : i32
      %dma_start3A_1331 = arith.constant 0 : i32
      %dma_start3A_1332 = tpu.memref_slice %arg10[%dma_start3A_1330, %dma_start3A_1331] : memref<320x128xf32, #tpu.memory_space<vmem>> -> memref<64x128xf32, #tpu.memory_space<vmem>>
      %dma_start3A_1333 = arith.constant 0 : i32
      %dma_start3A_1334 = tpu.memref_slice %arg9[%rem3A_1244, %dma_start3A_1327, %dma_start3A_1328, %dma_start3A_1333] : memref<3x5x2x64xi32, #tpu.memory_space<vmem>> -> memref<1x1x1x64xi32, #tpu.memory_space<vmem>>
      %dma_start3A_1335 = tpu.memref_squeeze %dma_start3A_1334 : memref<1x1x1x64xi32, #tpu.memory_space<vmem>> -> memref<64xi32, #tpu.memory_space<vmem>>
      %dma_start3A_1336 = arith.constant 0 : i32
      %dma_start3A_1337 = arith.constant 0 : i32
      %dma_start3A_1338 = tpu.memref_slice %arg2[%dma_start3A_1336, %dma_start3A_1337] : memref<10000x128xf32, #tpu.memory_space<hbm>> -> memref<10000x128xf32, #tpu.memory_space<hbm>>
      %dma_start3A_1339 = tpu.memref_slice %arg11[%dma_start3A_1329] : memref<5x!tpu.dma_semaphore, #tpu.memory_space<semaphore_mem>> -> memref<1x!tpu.dma_semaphore, #tpu.memory_space<semaphore_mem>>
      %dma_start3A_1340 = tpu.memref_squeeze %dma_start3A_1339 : memref<1x!tpu.dma_semaphore, #tpu.memory_space<semaphore_mem>> -> memref<!tpu.dma_semaphore, #tpu.memory_space<semaphore_mem>>
      tpu.enqueue_indirect_dma source(%dma_start3A_1338 : memref<10000x128xf32, #tpu.memory_space<hbm>>) target(%dma_start3A_1332 : memref<64x128xf32, #tpu.memory_space<vmem>>) offsets(%dma_start3A_1335 : memref<64xi32, #tpu.memory_space<vmem>>) semaphore(%dma_start3A_1340 : memref<!tpu.dma_semaphore, #tpu.memory_space<semaphore_mem>>)
      %dma_wait3A_1341 = arith.constant 1 : i32
      %dma_wait3A_1342 = arith.constant 0 : i32
      %dma_wait3A_1343 = arith.constant 1 : i32
      %dma_wait3A_1344 = arith.constant 64 : i32
      %dma_wait3A_1345 = arith.constant 0 : i32
      %dma_wait3A_1346 = tpu.memref_slice %arg10[%dma_wait3A_1344, %dma_wait3A_1345] : memref<320x128xf32, #tpu.memory_space<vmem>> -> memref<64x128xf32, #tpu.memory_space<vmem>>
      %dma_wait3A_1347 = arith.constant 0 : i32
      %dma_wait3A_1348 = tpu.memref_slice %arg9[%rem3A_1244, %dma_wait3A_1341, %dma_wait3A_1342, %dma_wait3A_1347] : memref<3x5x2x64xi32, #tpu.memory_space<vmem>> -> memref<1x1x1x64xi32, #tpu.memory_space<vmem>>
      %dma_wait3A_1349 = tpu.memref_squeeze %dma_wait3A_1348 : memref<1x1x1x64xi32, #tpu.memory_space<vmem>> -> memref<64xi32, #tpu.memory_space<vmem>>
      %dma_wait3A_1350 = arith.constant 0 : i32
      %dma_wait3A_1351 = arith.constant 0 : i32
      %dma_wait3A_1352 = tpu.memref_slice %arg2[%dma_wait3A_1350, %dma_wait3A_1351] : memref<10000x128xf32, #tpu.memory_space<hbm>> -> memref<10000x128xf32, #tpu.memory_space<hbm>>
      %dma_wait3A_1353 = tpu.memref_slice %arg11[%dma_wait3A_1343] : memref<5x!tpu.dma_semaphore, #tpu.memory_space<semaphore_mem>> -> memref<1x!tpu.dma_semaphore, #tpu.memory_space<semaphore_mem>>
      %dma_wait3A_1354 = tpu.memref_squeeze %dma_wait3A_1353 : memref<1x!tpu.dma_semaphore, #tpu.memory_space<semaphore_mem>> -> memref<!tpu.dma_semaphore, #tpu.memory_space<semaphore_mem>>
      tpu.wait_indirect_dma semaphore(%dma_wait3A_1354 : memref<!tpu.dma_semaphore, #tpu.memory_space<semaphore_mem>>) src(%dma_wait3A_1352 : memref<10000x128xf32, #tpu.memory_space<hbm>>) dst(%dma_wait3A_1346 : memref<64x128xf32, #tpu.memory_space<vmem>>)
      %dma_start3A_1355 = arith.constant 1 : i32
      %dma_start3A_1356 = arith.constant 1 : i32
      %dma_start3A_1357 = arith.constant 1 : i32
      %dma_start3A_1358 = arith.constant 64 : i32
      %dma_start3A_1359 = arith.constant 0 : i32
      %dma_start3A_1360 = tpu.memref_slice %arg10[%dma_start3A_1358, %dma_start3A_1359] : memref<320x128xf32, #tpu.memory_space<vmem>> -> memref<64x128xf32, #tpu.memory_space<vmem>>
      %dma_start3A_1361 = arith.constant 0 : i32
      %dma_start3A_1362 = tpu.memref_slice %arg9[%rem3A_1244, %dma_start3A_1355, %dma_start3A_1356, %dma_start3A_1361] : memref<3x5x2x64xi32, #tpu.memory_space<vmem>> -> memref<1x1x1x64xi32, #tpu.memory_space<vmem>>
      %dma_start3A_1363 = tpu.memref_squeeze %dma_start3A_1362 : memref<1x1x1x64xi32, #tpu.memory_space<vmem>> -> memref<64xi32, #tpu.memory_space<vmem>>
      %dma_start3A_1364 = arith.constant 0 : i32
      %dma_start3A_1365 = arith.constant 0 : i32
      %dma_start3A_1366 = tpu.memref_slice %arg8[%dma_start3A_1364, %dma_start3A_1365] : memref<10112x128xf32, #tpu.memory_space<vmem_shared>> -> memref<10112x128xf32, #tpu.memory_space<vmem_shared>>
      %dma_start3A_1367 = tpu.memref_slice %arg12[%dma_start3A_1357] : memref<5x!tpu.dma_semaphore, #tpu.memory_space<semaphore_mem>> -> memref<1x!tpu.dma_semaphore, #tpu.memory_space<semaphore_mem>>
      %dma_start3A_1368 = tpu.memref_squeeze %dma_start3A_1367 : memref<1x!tpu.dma_semaphore, #tpu.memory_space<semaphore_mem>> -> memref<!tpu.dma_semaphore, #tpu.memory_space<semaphore_mem>>
      tpu.enqueue_indirect_dma source(%dma_start3A_1360 : memref<64x128xf32, #tpu.memory_space<vmem>>) target(%dma_start3A_1366 : memref<10112x128xf32, #tpu.memory_space<vmem_shared>>) offsets(%dma_start3A_1363 : memref<64xi32, #tpu.memory_space<vmem>>) semaphore(%dma_start3A_1368 : memref<!tpu.dma_semaphore, #tpu.memory_space<semaphore_mem>>) {add = true}
      %add3A_1369 = arith.constant 1 : i32
      %add3A_1370 = arith.addi %rem3A_1244, %add3A_1369 : i32
      %rem3A_1371 = arith.constant 3 : i32
      %rem3A_1372 = arith.remsi %add3A_1370, %rem3A_1371 : i32
      %dma_wait3A_1373 = arith.constant 2 : i32
      %dma_wait3A_1374 = arith.constant 1 : i32
      %dma_wait3A_1375 = arith.constant 0 : i32
      %dma_wait3A_1376 = arith.constant 0 : i32
      %dma_wait3A_1377 = arith.constant 0 : i32
      %dma_wait3A_1378 = tpu.memref_slice %arg10[%dma_wait3A_1376, %dma_wait3A_1377] : memref<320x128xf32, #tpu.memory_space<vmem>> -> memref<64x128xf32, #tpu.memory_space<vmem>>
      %dma_wait3A_1379 = arith.constant 0 : i32
      %dma_wait3A_1380 = tpu.memref_slice %arg9[%rem3A_1244, %dma_wait3A_1373, %dma_wait3A_1374, %dma_wait3A_1379] : memref<3x5x2x64xi32, #tpu.memory_space<vmem>> -> memref<1x1x1x64xi32, #tpu.memory_space<vmem>>
      %dma_wait3A_1381 = tpu.memref_squeeze %dma_wait3A_1380 : memref<1x1x1x64xi32, #tpu.memory_space<vmem>> -> memref<64xi32, #tpu.memory_space<vmem>>
      %dma_wait3A_1382 = arith.constant 0 : i32
      %dma_wait3A_1383 = arith.constant 0 : i32
      %dma_wait3A_1384 = tpu.memref_slice %arg8[%dma_wait3A_1382, %dma_wait3A_1383] : memref<10112x128xf32, #tpu.memory_space<vmem_shared>> -> memref<10112x128xf32, #tpu.memory_space<vmem_shared>>
      %dma_wait3A_1385 = tpu.memref_slice %arg12[%dma_wait3A_1375] : memref<5x!tpu.dma_semaphore, #tpu.memory_space<semaphore_mem>> -> memref<1x!tpu.dma_semaphore, #tpu.memory_space<semaphore_mem>>
      %dma_wait3A_1386 = tpu.memref_squeeze %dma_wait3A_1385 : memref<1x!tpu.dma_semaphore, #tpu.memory_space<semaphore_mem>> -> memref<!tpu.dma_semaphore, #tpu.memory_space<semaphore_mem>>
      tpu.wait_indirect_dma semaphore(%dma_wait3A_1386 : memref<!tpu.dma_semaphore, #tpu.memory_space<semaphore_mem>>) src(%dma_wait3A_1378 : memref<64x128xf32, #tpu.memory_space<vmem>>) dst(%dma_wait3A_1384 : memref<10112x128xf32, #tpu.memory_space<vmem_shared>>)
      %dma_start3A_1387 = arith.constant 0 : i32
      %dma_start3A_1388 = arith.constant 0 : i32
      %dma_start3A_1389 = arith.constant 0 : i32
      %dma_start3A_1390 = arith.constant 0 : i32
      %dma_start3A_1391 = arith.constant 0 : i32
      %dma_start3A_1392 = tpu.memref_slice %arg10[%dma_start3A_1390, %dma_start3A_1391] : memref<320x128xf32, #tpu.memory_space<vmem>> -> memref<64x128xf32, #tpu.memory_space<vmem>>
      %dma_start3A_1393 = arith.constant 0 : i32
      %dma_start3A_1394 = tpu.memref_slice %arg9[%rem3A_1372, %dma_start3A_1387, %dma_start3A_1388, %dma_start3A_1393] : memref<3x5x2x64xi32, #tpu.memory_space<vmem>> -> memref<1x1x1x64xi32, #tpu.memory_space<vmem>>
      %dma_start3A_1395 = tpu.memref_squeeze %dma_start3A_1394 : memref<1x1x1x64xi32, #tpu.memory_space<vmem>> -> memref<64xi32, #tpu.memory_space<vmem>>
      %dma_start3A_1396 = arith.constant 0 : i32
      %dma_start3A_1397 = arith.constant 0 : i32
      %dma_start3A_1398 = tpu.memref_slice %arg2[%dma_start3A_1396, %dma_start3A_1397] : memref<10000x128xf32, #tpu.memory_space<hbm>> -> memref<10000x128xf32, #tpu.memory_space<hbm>>
      %dma_start3A_1399 = tpu.memref_slice %arg11[%dma_start3A_1389] : memref<5x!tpu.dma_semaphore, #tpu.memory_space<semaphore_mem>> -> memref<1x!tpu.dma_semaphore, #tpu.memory_space<semaphore_mem>>
      %dma_start3A_1400 = tpu.memref_squeeze %dma_start3A_1399 : memref<1x!tpu.dma_semaphore, #tpu.memory_space<semaphore_mem>> -> memref<!tpu.dma_semaphore, #tpu.memory_space<semaphore_mem>>
      tpu.enqueue_indirect_dma source(%dma_start3A_1398 : memref<10000x128xf32, #tpu.memory_space<hbm>>) target(%dma_start3A_1392 : memref<64x128xf32, #tpu.memory_space<vmem>>) offsets(%dma_start3A_1395 : memref<64xi32, #tpu.memory_space<vmem>>) semaphore(%dma_start3A_1400 : memref<!tpu.dma_semaphore, #tpu.memory_space<semaphore_mem>>)
      %dma_wait3A_1401 = arith.constant 2 : i32
      %dma_wait3A_1402 = arith.constant 0 : i32
      %dma_wait3A_1403 = arith.constant 2 : i32
      %dma_wait3A_1404 = arith.constant 128 : i32
      %dma_wait3A_1405 = arith.constant 0 : i32
      %dma_wait3A_1406 = tpu.memref_slice %arg10[%dma_wait3A_1404, %dma_wait3A_1405] : memref<320x128xf32, #tpu.memory_space<vmem>> -> memref<64x128xf32, #tpu.memory_space<vmem>>
      %dma_wait3A_1407 = arith.constant 0 : i32
      %dma_wait3A_1408 = tpu.memref_slice %arg9[%rem3A_1244, %dma_wait3A_1401, %dma_wait3A_1402, %dma_wait3A_1407] : memref<3x5x2x64xi32, #tpu.memory_space<vmem>> -> memref<1x1x1x64xi32, #tpu.memory_space<vmem>>
      %dma_wait3A_1409 = tpu.memref_squeeze %dma_wait3A_1408 : memref<1x1x1x64xi32, #tpu.memory_space<vmem>> -> memref<64xi32, #tpu.memory_space<vmem>>
      %dma_wait3A_1410 = arith.constant 0 : i32
      %dma_wait3A_1411 = arith.constant 0 : i32
      %dma_wait3A_1412 = tpu.memref_slice %arg2[%dma_wait3A_1410, %dma_wait3A_1411] : memref<10000x128xf32, #tpu.memory_space<hbm>> -> memref<10000x128xf32, #tpu.memory_space<hbm>>
      %dma_wait3A_1413 = tpu.memref_slice %arg11[%dma_wait3A_1403] : memref<5x!tpu.dma_semaphore, #tpu.memory_space<semaphore_mem>> -> memref<1x!tpu.dma_semaphore, #tpu.memory_space<semaphore_mem>>
      %dma_wait3A_1414 = tpu.memref_squeeze %dma_wait3A_1413 : memref<1x!tpu.dma_semaphore, #tpu.memory_space<semaphore_mem>> -> memref<!tpu.dma_semaphore, #tpu.memory_space<semaphore_mem>>
      tpu.wait_indirect_dma semaphore(%dma_wait3A_1414 : memref<!tpu.dma_semaphore, #tpu.memory_space<semaphore_mem>>) src(%dma_wait3A_1412 : memref<10000x128xf32, #tpu.memory_space<hbm>>) dst(%dma_wait3A_1406 : memref<64x128xf32, #tpu.memory_space<vmem>>)
      %dma_start3A_1415 = arith.constant 2 : i32
      %dma_start3A_1416 = arith.constant 1 : i32
      %dma_start3A_1417 = arith.constant 2 : i32
      %dma_start3A_1418 = arith.constant 128 : i32
      %dma_start3A_1419 = arith.constant 0 : i32
      %dma_start3A_1420 = tpu.memref_slice %arg10[%dma_start3A_1418, %dma_start3A_1419] : memref<320x128xf32, #tpu.memory_space<vmem>> -> memref<64x128xf32, #tpu.memory_space<vmem>>
      %dma_start3A_1421 = arith.constant 0 : i32
      %dma_start3A_1422 = tpu.memref_slice %arg9[%rem3A_1244, %dma_start3A_1415, %dma_start3A_1416, %dma_start3A_1421] : memref<3x5x2x64xi32, #tpu.memory_space<vmem>> -> memref<1x1x1x64xi32, #tpu.memory_space<vmem>>
      %dma_start3A_1423 = tpu.memref_squeeze %dma_start3A_1422 : memref<1x1x1x64xi32, #tpu.memory_space<vmem>> -> memref<64xi32, #tpu.memory_space<vmem>>
      %dma_start3A_1424 = arith.constant 0 : i32
      %dma_start3A_1425 = arith.constant 0 : i32
      %dma_start3A_1426 = tpu.memref_slice %arg8[%dma_start3A_1424, %dma_start3A_1425] : memref<10112x128xf32, #tpu.memory_space<vmem_shared>> -> memref<10112x128xf32, #tpu.memory_space<vmem_shared>>
      %dma_start3A_1427 = tpu.memref_slice %arg12[%dma_start3A_1417] : memref<5x!tpu.dma_semaphore, #tpu.memory_space<semaphore_mem>> -> memref<1x!tpu.dma_semaphore, #tpu.memory_space<semaphore_mem>>
      %dma_start3A_1428 = tpu.memref_squeeze %dma_start3A_1427 : memref<1x!tpu.dma_semaphore, #tpu.memory_space<semaphore_mem>> -> memref<!tpu.dma_semaphore, #tpu.memory_space<semaphore_mem>>
      tpu.enqueue_indirect_dma source(%dma_start3A_1420 : memref<64x128xf32, #tpu.memory_space<vmem>>) target(%dma_start3A_1426 : memref<10112x128xf32, #tpu.memory_space<vmem_shared>>) offsets(%dma_start3A_1423 : memref<64xi32, #tpu.memory_space<vmem>>) semaphore(%dma_start3A_1428 : memref<!tpu.dma_semaphore, #tpu.memory_space<semaphore_mem>>) {add = true}
      %add3A_1429 = arith.constant 1 : i32
      %add3A_1430 = arith.addi %rem3A_1244, %add3A_1429 : i32
      %rem3A_1431 = arith.constant 3 : i32
      %rem3A_1432 = arith.remsi %add3A_1430, %rem3A_1431 : i32
      %dma_wait3A_1433 = arith.constant 3 : i32
      %dma_wait3A_1434 = arith.constant 1 : i32
      %dma_wait3A_1435 = arith.constant 1 : i32
      %dma_wait3A_1436 = arith.constant 64 : i32
      %dma_wait3A_1437 = arith.constant 0 : i32
      %dma_wait3A_1438 = tpu.memref_slice %arg10[%dma_wait3A_1436, %dma_wait3A_1437] : memref<320x128xf32, #tpu.memory_space<vmem>> -> memref<64x128xf32, #tpu.memory_space<vmem>>
      %dma_wait3A_1439 = arith.constant 0 : i32
      %dma_wait3A_1440 = tpu.memref_slice %arg9[%rem3A_1244, %dma_wait3A_1433, %dma_wait3A_1434, %dma_wait3A_1439] : memref<3x5x2x64xi32, #tpu.memory_space<vmem>> -> memref<1x1x1x64xi32, #tpu.memory_space<vmem>>
      %dma_wait3A_1441 = tpu.memref_squeeze %dma_wait3A_1440 : memref<1x1x1x64xi32, #tpu.memory_space<vmem>> -> memref<64xi32, #tpu.memory_space<vmem>>
      %dma_wait3A_1442 = arith.constant 0 : i32
      %dma_wait3A_1443 = arith.constant 0 : i32
      %dma_wait3A_1444 = tpu.memref_slice %arg8[%dma_wait3A_1442, %dma_wait3A_1443] : memref<10112x128xf32, #tpu.memory_space<vmem_shared>> -> memref<10112x128xf32, #tpu.memory_space<vmem_shared>>
      %dma_wait3A_1445 = tpu.memref_slice %arg12[%dma_wait3A_1435] : memref<5x!tpu.dma_semaphore, #tpu.memory_space<semaphore_mem>> -> memref<1x!tpu.dma_semaphore, #tpu.memory_space<semaphore_mem>>
      %dma_wait3A_1446 = tpu.memref_squeeze %dma_wait3A_1445 : memref<1x!tpu.dma_semaphore, #tpu.memory_space<semaphore_mem>> -> memref<!tpu.dma_semaphore, #tpu.memory_space<semaphore_mem>>
      tpu.wait_indirect_dma semaphore(%dma_wait3A_1446 : memref<!tpu.dma_semaphore, #tpu.memory_space<semaphore_mem>>) src(%dma_wait3A_1438 : memref<64x128xf32, #tpu.memory_space<vmem>>) dst(%dma_wait3A_1444 : memref<10112x128xf32, #tpu.memory_space<vmem_shared>>)
      %dma_start3A_1447 = arith.constant 1 : i32
      %dma_start3A_1448 = arith.constant 0 : i32
      %dma_start3A_1449 = arith.constant 1 : i32
      %dma_start3A_1450 = arith.constant 64 : i32
      %dma_start3A_1451 = arith.constant 0 : i32
      %dma_start3A_1452 = tpu.memref_slice %arg10[%dma_start3A_1450, %dma_start3A_1451] : memref<320x128xf32, #tpu.memory_space<vmem>> -> memref<64x128xf32, #tpu.memory_space<vmem>>
      %dma_start3A_1453 = arith.constant 0 : i32
      %dma_start3A_1454 = tpu.memref_slice %arg9[%rem3A_1432, %dma_start3A_1447, %dma_start3A_1448, %dma_start3A_1453] : memref<3x5x2x64xi32, #tpu.memory_space<vmem>> -> memref<1x1x1x64xi32, #tpu.memory_space<vmem>>
      %dma_start3A_1455 = tpu.memref_squeeze %dma_start3A_1454 : memref<1x1x1x64xi32, #tpu.memory_space<vmem>> -> memref<64xi32, #tpu.memory_space<vmem>>
      %dma_start3A_1456 = arith.constant 0 : i32
      %dma_start3A_1457 = arith.constant 0 : i32
      %dma_start3A_1458 = tpu.memref_slice %arg2[%dma_start3A_1456, %dma_start3A_1457] : memref<10000x128xf32, #tpu.memory_space<hbm>> -> memref<10000x128xf32, #tpu.memory_space<hbm>>
      %dma_start3A_1459 = tpu.memref_slice %arg11[%dma_start3A_1449] : memref<5x!tpu.dma_semaphore, #tpu.memory_space<semaphore_mem>> -> memref<1x!tpu.dma_semaphore, #tpu.memory_space<semaphore_mem>>
      %dma_start3A_1460 = tpu.memref_squeeze %dma_start3A_1459 : memref<1x!tpu.dma_semaphore, #tpu.memory_space<semaphore_mem>> -> memref<!tpu.dma_semaphore, #tpu.memory_space<semaphore_mem>>
      tpu.enqueue_indirect_dma source(%dma_start3A_1458 : memref<10000x128xf32, #tpu.memory_space<hbm>>) target(%dma_start3A_1452 : memref<64x128xf32, #tpu.memory_space<vmem>>) offsets(%dma_start3A_1455 : memref<64xi32, #tpu.memory_space<vmem>>) semaphore(%dma_start3A_1460 : memref<!tpu.dma_semaphore, #tpu.memory_space<semaphore_mem>>)
      %dma_wait3A_1461 = arith.constant 3 : i32
      %dma_wait3A_1462 = arith.constant 0 : i32
      %dma_wait3A_1463 = arith.constant 3 : i32
      %dma_wait3A_1464 = arith.constant 192 : i32
      %dma_wait3A_1465 = arith.constant 0 : i32
      %dma_wait3A_1466 = tpu.memref_slice %arg10[%dma_wait3A_1464, %dma_wait3A_1465] : memref<320x128xf32, #tpu.memory_space<vmem>> -> memref<64x128xf32, #tpu.memory_space<vmem>>
      %dma_wait3A_1467 = arith.constant 0 : i32
      %dma_wait3A_1468 = tpu.memref_slice %arg9[%rem3A_1244, %dma_wait3A_1461, %dma_wait3A_1462, %dma_wait3A_1467] : memref<3x5x2x64xi32, #tpu.memory_space<vmem>> -> memref<1x1x1x64xi32, #tpu.memory_space<vmem>>
      %dma_wait3A_1469 = tpu.memref_squeeze %dma_wait3A_1468 : memref<1x1x1x64xi32, #tpu.memory_space<vmem>> -> memref<64xi32, #tpu.memory_space<vmem>>
      %dma_wait3A_1470 = arith.constant 0 : i32
      %dma_wait3A_1471 = arith.constant 0 : i32
      %dma_wait3A_1472 = tpu.memref_slice %arg2[%dma_wait3A_1470, %dma_wait3A_1471] : memref<10000x128xf32, #tpu.memory_space<hbm>> -> memref<10000x128xf32, #tpu.memory_space<hbm>>
      %dma_wait3A_1473 = tpu.memref_slice %arg11[%dma_wait3A_1463] : memref<5x!tpu.dma_semaphore, #tpu.memory_space<semaphore_mem>> -> memref<1x!tpu.dma_semaphore, #tpu.memory_space<semaphore_mem>>
      %dma_wait3A_1474 = tpu.memref_squeeze %dma_wait3A_1473 : memref<1x!tpu.dma_semaphore, #tpu.memory_space<semaphore_mem>> -> memref<!tpu.dma_semaphore, #tpu.memory_space<semaphore_mem>>
      tpu.wait_indirect_dma semaphore(%dma_wait3A_1474 : memref<!tpu.dma_semaphore, #tpu.memory_space<semaphore_mem>>) src(%dma_wait3A_1472 : memref<10000x128xf32, #tpu.memory_space<hbm>>) dst(%dma_wait3A_1466 : memref<64x128xf32, #tpu.memory_space<vmem>>)
      %dma_start3A_1475 = arith.constant 3 : i32
      %dma_start3A_1476 = arith.constant 1 : i32
      %dma_start3A_1477 = arith.constant 3 : i32
      %dma_start3A_1478 = arith.constant 192 : i32
      %dma_start3A_1479 = arith.constant 0 : i32
      %dma_start3A_1480 = tpu.memref_slice %arg10[%dma_start3A_1478, %dma_start3A_1479] : memref<320x128xf32, #tpu.memory_space<vmem>> -> memref<64x128xf32, #tpu.memory_space<vmem>>
      %dma_start3A_1481 = arith.constant 0 : i32
      %dma_start3A_1482 = tpu.memref_slice %arg9[%rem3A_1244, %dma_start3A_1475, %dma_start3A_1476, %dma_start3A_1481] : memref<3x5x2x64xi32, #tpu.memory_space<vmem>> -> memref<1x1x1x64xi32, #tpu.memory_space<vmem>>
      %dma_start3A_1483 = tpu.memref_squeeze %dma_start3A_1482 : memref<1x1x1x64xi32, #tpu.memory_space<vmem>> -> memref<64xi32, #tpu.memory_space<vmem>>
      %dma_start3A_1484 = arith.constant 0 : i32
      %dma_start3A_1485 = arith.constant 0 : i32
      %dma_start3A_1486 = tpu.memref_slice %arg8[%dma_start3A_1484, %dma_start3A_1485] : memref<10112x128xf32, #tpu.memory_space<vmem_shared>> -> memref<10112x128xf32, #tpu.memory_space<vmem_shared>>
      %dma_start3A_1487 = tpu.memref_slice %arg12[%dma_start3A_1477] : memref<5x!tpu.dma_semaphore, #tpu.memory_space<semaphore_mem>> -> memref<1x!tpu.dma_semaphore, #tpu.memory_space<semaphore_mem>>
      %dma_start3A_1488 = tpu.memref_squeeze %dma_start3A_1487 : memref<1x!tpu.dma_semaphore, #tpu.memory_space<semaphore_mem>> -> memref<!tpu.dma_semaphore, #tpu.memory_space<semaphore_mem>>
      tpu.enqueue_indirect_dma source(%dma_start3A_1480 : memref<64x128xf32, #tpu.memory_space<vmem>>) target(%dma_start3A_1486 : memref<10112x128xf32, #tpu.memory_space<vmem_shared>>) offsets(%dma_start3A_1483 : memref<64xi32, #tpu.memory_space<vmem>>) semaphore(%dma_start3A_1488 : memref<!tpu.dma_semaphore, #tpu.memory_space<semaphore_mem>>) {add = true}
      %add3A_1489 = arith.constant 1 : i32
      %add3A_1490 = arith.addi %rem3A_1244, %add3A_1489 : i32
      %rem3A_1491 = arith.constant 3 : i32
      %rem3A_1492 = arith.remsi %add3A_1490, %rem3A_1491 : i32
      %dma_wait3A_1493 = arith.constant 4 : i32
      %dma_wait3A_1494 = arith.constant 1 : i32
      %dma_wait3A_1495 = arith.constant 2 : i32
      %dma_wait3A_1496 = arith.constant 128 : i32
      %dma_wait3A_1497 = arith.constant 0 : i32
      %dma_wait3A_1498 = tpu.memref_slice %arg10[%dma_wait3A_1496, %dma_wait3A_1497] : memref<320x128xf32, #tpu.memory_space<vmem>> -> memref<64x128xf32, #tpu.memory_space<vmem>>
      %dma_wait3A_1499 = arith.constant 0 : i32
      %dma_wait3A_1500 = tpu.memref_slice %arg9[%rem3A_1244, %dma_wait3A_1493, %dma_wait3A_1494, %dma_wait3A_1499] : memref<3x5x2x64xi32, #tpu.memory_space<vmem>> -> memref<1x1x1x64xi32, #tpu.memory_space<vmem>>
      %dma_wait3A_1501 = tpu.memref_squeeze %dma_wait3A_1500 : memref<1x1x1x64xi32, #tpu.memory_space<vmem>> -> memref<64xi32, #tpu.memory_space<vmem>>
      %dma_wait3A_1502 = arith.constant 0 : i32
      %dma_wait3A_1503 = arith.constant 0 : i32
      %dma_wait3A_1504 = tpu.memref_slice %arg8[%dma_wait3A_1502, %dma_wait3A_1503] : memref<10112x128xf32, #tpu.memory_space<vmem_shared>> -> memref<10112x128xf32, #tpu.memory_space<vmem_shared>>
      %dma_wait3A_1505 = tpu.memref_slice %arg12[%dma_wait3A_1495] : memref<5x!tpu.dma_semaphore, #tpu.memory_space<semaphore_mem>> -> memref<1x!tpu.dma_semaphore, #tpu.memory_space<semaphore_mem>>
      %dma_wait3A_1506 = tpu.memref_squeeze %dma_wait3A_1505 : memref<1x!tpu.dma_semaphore, #tpu.memory_space<semaphore_mem>> -> memref<!tpu.dma_semaphore, #tpu.memory_space<semaphore_mem>>
      tpu.wait_indirect_dma semaphore(%dma_wait3A_1506 : memref<!tpu.dma_semaphore, #tpu.memory_space<semaphore_mem>>) src(%dma_wait3A_1498 : memref<64x128xf32, #tpu.memory_space<vmem>>) dst(%dma_wait3A_1504 : memref<10112x128xf32, #tpu.memory_space<vmem_shared>>)
      %dma_start3A_1507 = arith.constant 2 : i32
      %dma_start3A_1508 = arith.constant 0 : i32
      %dma_start3A_1509 = arith.constant 2 : i32
      %dma_start3A_1510 = arith.constant 128 : i32
      %dma_start3A_1511 = arith.constant 0 : i32
      %dma_start3A_1512 = tpu.memref_slice %arg10[%dma_start3A_1510, %dma_start3A_1511] : memref<320x128xf32, #tpu.memory_space<vmem>> -> memref<64x128xf32, #tpu.memory_space<vmem>>
      %dma_start3A_1513 = arith.constant 0 : i32
      %dma_start3A_1514 = tpu.memref_slice %arg9[%rem3A_1492, %dma_start3A_1507, %dma_start3A_1508, %dma_start3A_1513] : memref<3x5x2x64xi32, #tpu.memory_space<vmem>> -> memref<1x1x1x64xi32, #tpu.memory_space<vmem>>
      %dma_start3A_1515 = tpu.memref_squeeze %dma_start3A_1514 : memref<1x1x1x64xi32, #tpu.memory_space<vmem>> -> memref<64xi32, #tpu.memory_space<vmem>>
      %dma_start3A_1516 = arith.constant 0 : i32
      %dma_start3A_1517 = arith.constant 0 : i32
      %dma_start3A_1518 = tpu.memref_slice %arg2[%dma_start3A_1516, %dma_start3A_1517] : memref<10000x128xf32, #tpu.memory_space<hbm>> -> memref<10000x128xf32, #tpu.memory_space<hbm>>
      %dma_start3A_1519 = tpu.memref_slice %arg11[%dma_start3A_1509] : memref<5x!tpu.dma_semaphore, #tpu.memory_space<semaphore_mem>> -> memref<1x!tpu.dma_semaphore, #tpu.memory_space<semaphore_mem>>
      %dma_start3A_1520 = tpu.memref_squeeze %dma_start3A_1519 : memref<1x!tpu.dma_semaphore, #tpu.memory_space<semaphore_mem>> -> memref<!tpu.dma_semaphore, #tpu.memory_space<semaphore_mem>>
      tpu.enqueue_indirect_dma source(%dma_start3A_1518 : memref<10000x128xf32, #tpu.memory_space<hbm>>) target(%dma_start3A_1512 : memref<64x128xf32, #tpu.memory_space<vmem>>) offsets(%dma_start3A_1515 : memref<64xi32, #tpu.memory_space<vmem>>) semaphore(%dma_start3A_1520 : memref<!tpu.dma_semaphore, #tpu.memory_space<semaphore_mem>>)
      %dma_wait3A_1521 = arith.constant 4 : i32
      %dma_wait3A_1522 = arith.constant 0 : i32
      %dma_wait3A_1523 = arith.constant 4 : i32
      %dma_wait3A_1524 = arith.constant 256 : i32
      %dma_wait3A_1525 = arith.constant 0 : i32
      %dma_wait3A_1526 = tpu.memref_slice %arg10[%dma_wait3A_1524, %dma_wait3A_1525] : memref<320x128xf32, #tpu.memory_space<vmem>> -> memref<64x128xf32, #tpu.memory_space<vmem>>
      %dma_wait3A_1527 = arith.constant 0 : i32
      %dma_wait3A_1528 = tpu.memref_slice %arg9[%rem3A_1244, %dma_wait3A_1521, %dma_wait3A_1522, %dma_wait3A_1527] : memref<3x5x2x64xi32, #tpu.memory_space<vmem>> -> memref<1x1x1x64xi32, #tpu.memory_space<vmem>>
      %dma_wait3A_1529 = tpu.memref_squeeze %dma_wait3A_1528 : memref<1x1x1x64xi32, #tpu.memory_space<vmem>> -> memref<64xi32, #tpu.memory_space<vmem>>
      %dma_wait3A_1530 = arith.constant 0 : i32
      %dma_wait3A_1531 = arith.constant 0 : i32
      %dma_wait3A_1532 = tpu.memref_slice %arg2[%dma_wait3A_1530, %dma_wait3A_1531] : memref<10000x128xf32, #tpu.memory_space<hbm>> -> memref<10000x128xf32, #tpu.memory_space<hbm>>
      %dma_wait3A_1533 = tpu.memref_slice %arg11[%dma_wait3A_1523] : memref<5x!tpu.dma_semaphore, #tpu.memory_space<semaphore_mem>> -> memref<1x!tpu.dma_semaphore, #tpu.memory_space<semaphore_mem>>
      %dma_wait3A_1534 = tpu.memref_squeeze %dma_wait3A_1533 : memref<1x!tpu.dma_semaphore, #tpu.memory_space<semaphore_mem>> -> memref<!tpu.dma_semaphore, #tpu.memory_space<semaphore_mem>>
      tpu.wait_indirect_dma semaphore(%dma_wait3A_1534 : memref<!tpu.dma_semaphore, #tpu.memory_space<semaphore_mem>>) src(%dma_wait3A_1532 : memref<10000x128xf32, #tpu.memory_space<hbm>>) dst(%dma_wait3A_1526 : memref<64x128xf32, #tpu.memory_space<vmem>>)
      %dma_start3A_1535 = arith.constant 4 : i32
      %dma_start3A_1536 = arith.constant 1 : i32
      %dma_start3A_1537 = arith.constant 4 : i32
      %dma_start3A_1538 = arith.constant 256 : i32
      %dma_start3A_1539 = arith.constant 0 : i32
      %dma_start3A_1540 = tpu.memref_slice %arg10[%dma_start3A_1538, %dma_start3A_1539] : memref<320x128xf32, #tpu.memory_space<vmem>> -> memref<64x128xf32, #tpu.memory_space<vmem>>
      %dma_start3A_1541 = arith.constant 0 : i32
      %dma_start3A_1542 = tpu.memref_slice %arg9[%rem3A_1244, %dma_start3A_1535, %dma_start3A_1536, %dma_start3A_1541] : memref<3x5x2x64xi32, #tpu.memory_space<vmem>> -> memref<1x1x1x64xi32, #tpu.memory_space<vmem>>
      %dma_start3A_1543 = tpu.memref_squeeze %dma_start3A_1542 : memref<1x1x1x64xi32, #tpu.memory_space<vmem>> -> memref<64xi32, #tpu.memory_space<vmem>>
      %dma_start3A_1544 = arith.constant 0 : i32
      %dma_start3A_1545 = arith.constant 0 : i32
      %dma_start3A_1546 = tpu.memref_slice %arg8[%dma_start3A_1544, %dma_start3A_1545] : memref<10112x128xf32, #tpu.memory_space<vmem_shared>> -> memref<10112x128xf32, #tpu.memory_space<vmem_shared>>
      %dma_start3A_1547 = tpu.memref_slice %arg12[%dma_start3A_1537] : memref<5x!tpu.dma_semaphore, #tpu.memory_space<semaphore_mem>> -> memref<1x!tpu.dma_semaphore, #tpu.memory_space<semaphore_mem>>
      %dma_start3A_1548 = tpu.memref_squeeze %dma_start3A_1547 : memref<1x!tpu.dma_semaphore, #tpu.memory_space<semaphore_mem>> -> memref<!tpu.dma_semaphore, #tpu.memory_space<semaphore_mem>>
      tpu.enqueue_indirect_dma source(%dma_start3A_1540 : memref<64x128xf32, #tpu.memory_space<vmem>>) target(%dma_start3A_1546 : memref<10112x128xf32, #tpu.memory_space<vmem_shared>>) offsets(%dma_start3A_1543 : memref<64xi32, #tpu.memory_space<vmem>>) semaphore(%dma_start3A_1548 : memref<!tpu.dma_semaphore, #tpu.memory_space<semaphore_mem>>) {add = true}
    }
    %scan3A_330 = arith.constant 30 : i32
    %dma_wait3A_331 = arith.constant 1 : i32
    %dma_wait3A_332 = arith.constant 0 : i32
    %dma_wait3A_333 = arith.constant 1 : i32
    %dma_wait3A_334 = arith.constant 3 : i32
    %dma_wait3A_335 = arith.constant 192 : i32
    %dma_wait3A_336 = arith.constant 0 : i32
    %dma_wait3A_337 = tpu.memref_slice %arg10[%dma_wait3A_335, %dma_wait3A_336] : memref<320x128xf32, #tpu.memory_space<vmem>> -> memref<64x128xf32, #tpu.memory_space<vmem>>
    %dma_wait3A_338 = arith.constant 0 : i32
    %dma_wait3A_339 = tpu.memref_slice %arg9[%dma_wait3A_331, %dma_wait3A_332, %dma_wait3A_333, %dma_wait3A_338] : memref<3x5x2x64xi32, #tpu.memory_space<vmem>> -> memref<1x1x1x64xi32, #tpu.memory_space<vmem>>
    %dma_wait3A_340 = tpu.memref_squeeze %dma_wait3A_339 : memref<1x1x1x64xi32, #tpu.memory_space<vmem>> -> memref<64xi32, #tpu.memory_space<vmem>>
    %dma_wait3A_341 = arith.constant 0 : i32
    %dma_wait3A_342 = arith.constant 0 : i32
    %dma_wait3A_343 = tpu.memref_slice %arg8[%dma_wait3A_341, %dma_wait3A_342] : memref<10112x128xf32, #tpu.memory_space<vmem_shared>> -> memref<10112x128xf32, #tpu.memory_space<vmem_shared>>
    %dma_wait3A_344 = tpu.memref_slice %arg12[%dma_wait3A_334] : memref<5x!tpu.dma_semaphore, #tpu.memory_space<semaphore_mem>> -> memref<1x!tpu.dma_semaphore, #tpu.memory_space<semaphore_mem>>
    %dma_wait3A_345 = tpu.memref_squeeze %dma_wait3A_344 : memref<1x!tpu.dma_semaphore, #tpu.memory_space<semaphore_mem>> -> memref<!tpu.dma_semaphore, #tpu.memory_space<semaphore_mem>>
    tpu.wait_indirect_dma semaphore(%dma_wait3A_345 : memref<!tpu.dma_semaphore, #tpu.memory_space<semaphore_mem>>) src(%dma_wait3A_337 : memref<64x128xf32, #tpu.memory_space<vmem>>) dst(%dma_wait3A_343 : memref<10112x128xf32, #tpu.memory_space<vmem_shared>>)
    %dma_start3A_346 = arith.constant 1 : i32
    %dma_start3A_347 = arith.constant 3 : i32
    %dma_start3A_348 = arith.constant 0 : i32
    %dma_start3A_349 = arith.constant 3 : i32
    %dma_start3A_350 = arith.constant 192 : i32
    %dma_start3A_351 = arith.constant 0 : i32
    %dma_start3A_352 = tpu.memref_slice %arg10[%dma_start3A_350, %dma_start3A_351] : memref<320x128xf32, #tpu.memory_space<vmem>> -> memref<64x128xf32, #tpu.memory_space<vmem>>
    %dma_start3A_353 = arith.constant 0 : i32
    %dma_start3A_354 = tpu.memref_slice %arg9[%dma_start3A_346, %dma_start3A_347, %dma_start3A_348, %dma_start3A_353] : memref<3x5x2x64xi32, #tpu.memory_space<vmem>> -> memref<1x1x1x64xi32, #tpu.memory_space<vmem>>
    %dma_start3A_355 = tpu.memref_squeeze %dma_start3A_354 : memref<1x1x1x64xi32, #tpu.memory_space<vmem>> -> memref<64xi32, #tpu.memory_space<vmem>>
    %dma_start3A_356 = arith.constant 0 : i32
    %dma_start3A_357 = arith.constant 0 : i32
    %dma_start3A_358 = tpu.memref_slice %arg2[%dma_start3A_356, %dma_start3A_357] : memref<10000x128xf32, #tpu.memory_space<hbm>> -> memref<10000x128xf32, #tpu.memory_space<hbm>>
    %dma_start3A_359 = tpu.memref_slice %arg11[%dma_start3A_349] : memref<5x!tpu.dma_semaphore, #tpu.memory_space<semaphore_mem>> -> memref<1x!tpu.dma_semaphore, #tpu.memory_space<semaphore_mem>>
    %dma_start3A_360 = tpu.memref_squeeze %dma_start3A_359 : memref<1x!tpu.dma_semaphore, #tpu.memory_space<semaphore_mem>> -> memref<!tpu.dma_semaphore, #tpu.memory_space<semaphore_mem>>
    tpu.enqueue_indirect_dma source(%dma_start3A_358 : memref<10000x128xf32, #tpu.memory_space<hbm>>) target(%dma_start3A_352 : memref<64x128xf32, #tpu.memory_space<vmem>>) offsets(%dma_start3A_355 : memref<64xi32, #tpu.memory_space<vmem>>) semaphore(%dma_start3A_360 : memref<!tpu.dma_semaphore, #tpu.memory_space<semaphore_mem>>)
    %dma_wait3A_361 = arith.constant 1 : i32
    %dma_wait3A_362 = arith.constant 0 : i32
    %dma_wait3A_363 = arith.constant 0 : i32
    %dma_wait3A_364 = arith.constant 0 : i32
    %dma_wait3A_365 = arith.constant 0 : i32
    %dma_wait3A_366 = arith.constant 0 : i32
    %dma_wait3A_367 = tpu.memref_slice %arg10[%dma_wait3A_365, %dma_wait3A_366] : memref<320x128xf32, #tpu.memory_space<vmem>> -> memref<64x128xf32, #tpu.memory_space<vmem>>
    %dma_wait3A_368 = arith.constant 0 : i32
    %dma_wait3A_369 = tpu.memref_slice %arg9[%dma_wait3A_361, %dma_wait3A_362, %dma_wait3A_363, %dma_wait3A_368] : memref<3x5x2x64xi32, #tpu.memory_space<vmem>> -> memref<1x1x1x64xi32, #tpu.memory_space<vmem>>
    %dma_wait3A_370 = tpu.memref_squeeze %dma_wait3A_369 : memref<1x1x1x64xi32, #tpu.memory_space<vmem>> -> memref<64xi32, #tpu.memory_space<vmem>>
    %dma_wait3A_371 = arith.constant 0 : i32
    %dma_wait3A_372 = arith.constant 0 : i32
    %dma_wait3A_373 = tpu.memref_slice %arg2[%dma_wait3A_371, %dma_wait3A_372] : memref<10000x128xf32, #tpu.memory_space<hbm>> -> memref<10000x128xf32, #tpu.memory_space<hbm>>
    %dma_wait3A_374 = tpu.memref_slice %arg11[%dma_wait3A_364] : memref<5x!tpu.dma_semaphore, #tpu.memory_space<semaphore_mem>> -> memref<1x!tpu.dma_semaphore, #tpu.memory_space<semaphore_mem>>
    %dma_wait3A_375 = tpu.memref_squeeze %dma_wait3A_374 : memref<1x!tpu.dma_semaphore, #tpu.memory_space<semaphore_mem>> -> memref<!tpu.dma_semaphore, #tpu.memory_space<semaphore_mem>>
    tpu.wait_indirect_dma semaphore(%dma_wait3A_375 : memref<!tpu.dma_semaphore, #tpu.memory_space<semaphore_mem>>) src(%dma_wait3A_373 : memref<10000x128xf32, #tpu.memory_space<hbm>>) dst(%dma_wait3A_367 : memref<64x128xf32, #tpu.memory_space<vmem>>)
    %dma_start3A_376 = arith.constant 1 : i32
    %dma_start3A_377 = arith.constant 0 : i32
    %dma_start3A_378 = arith.constant 1 : i32
    %dma_start3A_379 = arith.constant 0 : i32
    %dma_start3A_380 = arith.constant 0 : i32
    %dma_start3A_381 = arith.constant 0 : i32
    %dma_start3A_382 = tpu.memref_slice %arg10[%dma_start3A_380, %dma_start3A_381] : memref<320x128xf32, #tpu.memory_space<vmem>> -> memref<64x128xf32, #tpu.memory_space<vmem>>
    %dma_start3A_383 = arith.constant 0 : i32
    %dma_start3A_384 = tpu.memref_slice %arg9[%dma_start3A_376, %dma_start3A_377, %dma_start3A_378, %dma_start3A_383] : memref<3x5x2x64xi32, #tpu.memory_space<vmem>> -> memref<1x1x1x64xi32, #tpu.memory_space<vmem>>
    %dma_start3A_385 = tpu.memref_squeeze %dma_start3A_384 : memref<1x1x1x64xi32, #tpu.memory_space<vmem>> -> memref<64xi32, #tpu.memory_space<vmem>>
    %dma_start3A_386 = arith.constant 0 : i32
    %dma_start3A_387 = arith.constant 0 : i32
    %dma_start3A_388 = tpu.memref_slice %arg8[%dma_start3A_386, %dma_start3A_387] : memref<10112x128xf32, #tpu.memory_space<vmem_shared>> -> memref<10112x128xf32, #tpu.memory_space<vmem_shared>>
    %dma_start3A_389 = tpu.memref_slice %arg12[%dma_start3A_379] : memref<5x!tpu.dma_semaphore, #tpu.memory_space<semaphore_mem>> -> memref<1x!tpu.dma_semaphore, #tpu.memory_space<semaphore_mem>>
    %dma_start3A_390 = tpu.memref_squeeze %dma_start3A_389 : memref<1x!tpu.dma_semaphore, #tpu.memory_space<semaphore_mem>> -> memref<!tpu.dma_semaphore, #tpu.memory_space<semaphore_mem>>
    tpu.enqueue_indirect_dma source(%dma_start3A_382 : memref<64x128xf32, #tpu.memory_space<vmem>>) target(%dma_start3A_388 : memref<10112x128xf32, #tpu.memory_space<vmem_shared>>) offsets(%dma_start3A_385 : memref<64xi32, #tpu.memory_space<vmem>>) semaphore(%dma_start3A_390 : memref<!tpu.dma_semaphore, #tpu.memory_space<semaphore_mem>>) {add = true}
    %dma_wait3A_391 = arith.constant 1 : i32
    %dma_wait3A_392 = arith.constant 1 : i32
    %dma_wait3A_393 = arith.constant 1 : i32
    %dma_wait3A_394 = arith.constant 4 : i32
    %dma_wait3A_395 = arith.constant 256 : i32
    %dma_wait3A_396 = arith.constant 0 : i32
    %dma_wait3A_397 = tpu.memref_slice %arg10[%dma_wait3A_395, %dma_wait3A_396] : memref<320x128xf32, #tpu.memory_space<vmem>> -> memref<64x128xf32, #tpu.memory_space<vmem>>
    %dma_wait3A_398 = arith.constant 0 : i32
    %dma_wait3A_399 = tpu.memref_slice %arg9[%dma_wait3A_391, %dma_wait3A_392, %dma_wait3A_393, %dma_wait3A_398] : memref<3x5x2x64xi32, #tpu.memory_space<vmem>> -> memref<1x1x1x64xi32, #tpu.memory_space<vmem>>
    %dma_wait3A_400 = tpu.memref_squeeze %dma_wait3A_399 : memref<1x1x1x64xi32, #tpu.memory_space<vmem>> -> memref<64xi32, #tpu.memory_space<vmem>>
    %dma_wait3A_401 = arith.constant 0 : i32
    %dma_wait3A_402 = arith.constant 0 : i32
    %dma_wait3A_403 = tpu.memref_slice %arg8[%dma_wait3A_401, %dma_wait3A_402] : memref<10112x128xf32, #tpu.memory_space<vmem_shared>> -> memref<10112x128xf32, #tpu.memory_space<vmem_shared>>
    %dma_wait3A_404 = tpu.memref_slice %arg12[%dma_wait3A_394] : memref<5x!tpu.dma_semaphore, #tpu.memory_space<semaphore_mem>> -> memref<1x!tpu.dma_semaphore, #tpu.memory_space<semaphore_mem>>
    %dma_wait3A_405 = tpu.memref_squeeze %dma_wait3A_404 : memref<1x!tpu.dma_semaphore, #tpu.memory_space<semaphore_mem>> -> memref<!tpu.dma_semaphore, #tpu.memory_space<semaphore_mem>>
    tpu.wait_indirect_dma semaphore(%dma_wait3A_405 : memref<!tpu.dma_semaphore, #tpu.memory_space<semaphore_mem>>) src(%dma_wait3A_397 : memref<64x128xf32, #tpu.memory_space<vmem>>) dst(%dma_wait3A_403 : memref<10112x128xf32, #tpu.memory_space<vmem_shared>>)
    %dma_start3A_406 = arith.constant 1 : i32
    %dma_start3A_407 = arith.constant 4 : i32
    %dma_start3A_408 = arith.constant 0 : i32
    %dma_start3A_409 = arith.constant 4 : i32
    %dma_start3A_410 = arith.constant 256 : i32
    %dma_start3A_411 = arith.constant 0 : i32
    %dma_start3A_412 = tpu.memref_slice %arg10[%dma_start3A_410, %dma_start3A_411] : memref<320x128xf32, #tpu.memory_space<vmem>> -> memref<64x128xf32, #tpu.memory_space<vmem>>
    %dma_start3A_413 = arith.constant 0 : i32
    %dma_start3A_414 = tpu.memref_slice %arg9[%dma_start3A_406, %dma_start3A_407, %dma_start3A_408, %dma_start3A_413] : memref<3x5x2x64xi32, #tpu.memory_space<vmem>> -> memref<1x1x1x64xi32, #tpu.memory_space<vmem>>
    %dma_start3A_415 = tpu.memref_squeeze %dma_start3A_414 : memref<1x1x1x64xi32, #tpu.memory_space<vmem>> -> memref<64xi32, #tpu.memory_space<vmem>>
    %dma_start3A_416 = arith.constant 0 : i32
    %dma_start3A_417 = arith.constant 0 : i32
    %dma_start3A_418 = tpu.memref_slice %arg2[%dma_start3A_416, %dma_start3A_417] : memref<10000x128xf32, #tpu.memory_space<hbm>> -> memref<10000x128xf32, #tpu.memory_space<hbm>>
    %dma_start3A_419 = tpu.memref_slice %arg11[%dma_start3A_409] : memref<5x!tpu.dma_semaphore, #tpu.memory_space<semaphore_mem>> -> memref<1x!tpu.dma_semaphore, #tpu.memory_space<semaphore_mem>>
    %dma_start3A_420 = tpu.memref_squeeze %dma_start3A_419 : memref<1x!tpu.dma_semaphore, #tpu.memory_space<semaphore_mem>> -> memref<!tpu.dma_semaphore, #tpu.memory_space<semaphore_mem>>
    tpu.enqueue_indirect_dma source(%dma_start3A_418 : memref<10000x128xf32, #tpu.memory_space<hbm>>) target(%dma_start3A_412 : memref<64x128xf32, #tpu.memory_space<vmem>>) offsets(%dma_start3A_415 : memref<64xi32, #tpu.memory_space<vmem>>) semaphore(%dma_start3A_420 : memref<!tpu.dma_semaphore, #tpu.memory_space<semaphore_mem>>)
    %dma_wait3A_421 = arith.constant 1 : i32
    %dma_wait3A_422 = arith.constant 1 : i32
    %dma_wait3A_423 = arith.constant 0 : i32
    %dma_wait3A_424 = arith.constant 1 : i32
    %dma_wait3A_425 = arith.constant 64 : i32
    %dma_wait3A_426 = arith.constant 0 : i32
    %dma_wait3A_427 = tpu.memref_slice %arg10[%dma_wait3A_425, %dma_wait3A_426] : memref<320x128xf32, #tpu.memory_space<vmem>> -> memref<64x128xf32, #tpu.memory_space<vmem>>
    %dma_wait3A_428 = arith.constant 0 : i32
    %dma_wait3A_429 = tpu.memref_slice %arg9[%dma_wait3A_421, %dma_wait3A_422, %dma_wait3A_423, %dma_wait3A_428] : memref<3x5x2x64xi32, #tpu.memory_space<vmem>> -> memref<1x1x1x64xi32, #tpu.memory_space<vmem>>
    %dma_wait3A_430 = tpu.memref_squeeze %dma_wait3A_429 : memref<1x1x1x64xi32, #tpu.memory_space<vmem>> -> memref<64xi32, #tpu.memory_space<vmem>>
    %dma_wait3A_431 = arith.constant 0 : i32
    %dma_wait3A_432 = arith.constant 0 : i32
    %dma_wait3A_433 = tpu.memref_slice %arg2[%dma_wait3A_431, %dma_wait3A_432] : memref<10000x128xf32, #tpu.memory_space<hbm>> -> memref<10000x128xf32, #tpu.memory_space<hbm>>
    %dma_wait3A_434 = tpu.memref_slice %arg11[%dma_wait3A_424] : memref<5x!tpu.dma_semaphore, #tpu.memory_space<semaphore_mem>> -> memref<1x!tpu.dma_semaphore, #tpu.memory_space<semaphore_mem>>
    %dma_wait3A_435 = tpu.memref_squeeze %dma_wait3A_434 : memref<1x!tpu.dma_semaphore, #tpu.memory_space<semaphore_mem>> -> memref<!tpu.dma_semaphore, #tpu.memory_space<semaphore_mem>>
    tpu.wait_indirect_dma semaphore(%dma_wait3A_435 : memref<!tpu.dma_semaphore, #tpu.memory_space<semaphore_mem>>) src(%dma_wait3A_433 : memref<10000x128xf32, #tpu.memory_space<hbm>>) dst(%dma_wait3A_427 : memref<64x128xf32, #tpu.memory_space<vmem>>)
    %dma_start3A_436 = arith.constant 1 : i32
    %dma_start3A_437 = arith.constant 1 : i32
    %dma_start3A_438 = arith.constant 1 : i32
    %dma_start3A_439 = arith.constant 1 : i32
    %dma_start3A_440 = arith.constant 64 : i32
    %dma_start3A_441 = arith.constant 0 : i32
    %dma_start3A_442 = tpu.memref_slice %arg10[%dma_start3A_440, %dma_start3A_441] : memref<320x128xf32, #tpu.memory_space<vmem>> -> memref<64x128xf32, #tpu.memory_space<vmem>>
    %dma_start3A_443 = arith.constant 0 : i32
    %dma_start3A_444 = tpu.memref_slice %arg9[%dma_start3A_436, %dma_start3A_437, %dma_start3A_438, %dma_start3A_443] : memref<3x5x2x64xi32, #tpu.memory_space<vmem>> -> memref<1x1x1x64xi32, #tpu.memory_space<vmem>>
    %dma_start3A_445 = tpu.memref_squeeze %dma_start3A_444 : memref<1x1x1x64xi32, #tpu.memory_space<vmem>> -> memref<64xi32, #tpu.memory_space<vmem>>
    %dma_start3A_446 = arith.constant 0 : i32
    %dma_start3A_447 = arith.constant 0 : i32
    %dma_start3A_448 = tpu.memref_slice %arg8[%dma_start3A_446, %dma_start3A_447] : memref<10112x128xf32, #tpu.memory_space<vmem_shared>> -> memref<10112x128xf32, #tpu.memory_space<vmem_shared>>
    %dma_start3A_449 = tpu.memref_slice %arg12[%dma_start3A_439] : memref<5x!tpu.dma_semaphore, #tpu.memory_space<semaphore_mem>> -> memref<1x!tpu.dma_semaphore, #tpu.memory_space<semaphore_mem>>
    %dma_start3A_450 = tpu.memref_squeeze %dma_start3A_449 : memref<1x!tpu.dma_semaphore, #tpu.memory_space<semaphore_mem>> -> memref<!tpu.dma_semaphore, #tpu.memory_space<semaphore_mem>>
    tpu.enqueue_indirect_dma source(%dma_start3A_442 : memref<64x128xf32, #tpu.memory_space<vmem>>) target(%dma_start3A_448 : memref<10112x128xf32, #tpu.memory_space<vmem_shared>>) offsets(%dma_start3A_445 : memref<64xi32, #tpu.memory_space<vmem>>) semaphore(%dma_start3A_450 : memref<!tpu.dma_semaphore, #tpu.memory_space<semaphore_mem>>) {add = true}
    %dma_wait3A_451 = arith.constant 1 : i32
    %dma_wait3A_452 = arith.constant 2 : i32
    %dma_wait3A_453 = arith.constant 0 : i32
    %dma_wait3A_454 = arith.constant 2 : i32
    %dma_wait3A_455 = arith.constant 128 : i32
    %dma_wait3A_456 = arith.constant 0 : i32
    %dma_wait3A_457 = tpu.memref_slice %arg10[%dma_wait3A_455, %dma_wait3A_456] : memref<320x128xf32, #tpu.memory_space<vmem>> -> memref<64x128xf32, #tpu.memory_space<vmem>>
    %dma_wait3A_458 = arith.constant 0 : i32
    %dma_wait3A_459 = tpu.memref_slice %arg9[%dma_wait3A_451, %dma_wait3A_452, %dma_wait3A_453, %dma_wait3A_458] : memref<3x5x2x64xi32, #tpu.memory_space<vmem>> -> memref<1x1x1x64xi32, #tpu.memory_space<vmem>>
    %dma_wait3A_460 = tpu.memref_squeeze %dma_wait3A_459 : memref<1x1x1x64xi32, #tpu.memory_space<vmem>> -> memref<64xi32, #tpu.memory_space<vmem>>
    %dma_wait3A_461 = arith.constant 0 : i32
    %dma_wait3A_462 = arith.constant 0 : i32
    %dma_wait3A_463 = tpu.memref_slice %arg2[%dma_wait3A_461, %dma_wait3A_462] : memref<10000x128xf32, #tpu.memory_space<hbm>> -> memref<10000x128xf32, #tpu.memory_space<hbm>>
    %dma_wait3A_464 = tpu.memref_slice %arg11[%dma_wait3A_454] : memref<5x!tpu.dma_semaphore, #tpu.memory_space<semaphore_mem>> -> memref<1x!tpu.dma_semaphore, #tpu.memory_space<semaphore_mem>>
    %dma_wait3A_465 = tpu.memref_squeeze %dma_wait3A_464 : memref<1x!tpu.dma_semaphore, #tpu.memory_space<semaphore_mem>> -> memref<!tpu.dma_semaphore, #tpu.memory_space<semaphore_mem>>
    tpu.wait_indirect_dma semaphore(%dma_wait3A_465 : memref<!tpu.dma_semaphore, #tpu.memory_space<semaphore_mem>>) src(%dma_wait3A_463 : memref<10000x128xf32, #tpu.memory_space<hbm>>) dst(%dma_wait3A_457 : memref<64x128xf32, #tpu.memory_space<vmem>>)
    %dma_start3A_466 = arith.constant 1 : i32
    %dma_start3A_467 = arith.constant 2 : i32
    %dma_start3A_468 = arith.constant 1 : i32
    %dma_start3A_469 = arith.constant 2 : i32
    %dma_start3A_470 = arith.constant 128 : i32
    %dma_start3A_471 = arith.constant 0 : i32
    %dma_start3A_472 = tpu.memref_slice %arg10[%dma_start3A_470, %dma_start3A_471] : memref<320x128xf32, #tpu.memory_space<vmem>> -> memref<64x128xf32, #tpu.memory_space<vmem>>
    %dma_start3A_473 = arith.constant 0 : i32
    %dma_start3A_474 = tpu.memref_slice %arg9[%dma_start3A_466, %dma_start3A_467, %dma_start3A_468, %dma_start3A_473] : memref<3x5x2x64xi32, #tpu.memory_space<vmem>> -> memref<1x1x1x64xi32, #tpu.memory_space<vmem>>
    %dma_start3A_475 = tpu.memref_squeeze %dma_start3A_474 : memref<1x1x1x64xi32, #tpu.memory_space<vmem>> -> memref<64xi32, #tpu.memory_space<vmem>>
    %dma_start3A_476 = arith.constant 0 : i32
    %dma_start3A_477 = arith.constant 0 : i32
    %dma_start3A_478 = tpu.memref_slice %arg8[%dma_start3A_476, %dma_start3A_477] : memref<10112x128xf32, #tpu.memory_space<vmem_shared>> -> memref<10112x128xf32, #tpu.memory_space<vmem_shared>>
    %dma_start3A_479 = tpu.memref_slice %arg12[%dma_start3A_469] : memref<5x!tpu.dma_semaphore, #tpu.memory_space<semaphore_mem>> -> memref<1x!tpu.dma_semaphore, #tpu.memory_space<semaphore_mem>>
    %dma_start3A_480 = tpu.memref_squeeze %dma_start3A_479 : memref<1x!tpu.dma_semaphore, #tpu.memory_space<semaphore_mem>> -> memref<!tpu.dma_semaphore, #tpu.memory_space<semaphore_mem>>
    tpu.enqueue_indirect_dma source(%dma_start3A_472 : memref<64x128xf32, #tpu.memory_space<vmem>>) target(%dma_start3A_478 : memref<10112x128xf32, #tpu.memory_space<vmem_shared>>) offsets(%dma_start3A_475 : memref<64xi32, #tpu.memory_space<vmem>>) semaphore(%dma_start3A_480 : memref<!tpu.dma_semaphore, #tpu.memory_space<semaphore_mem>>) {add = true}
    %dma_wait3A_481 = arith.constant 1 : i32
    %dma_wait3A_482 = arith.constant 3 : i32
    %dma_wait3A_483 = arith.constant 0 : i32
    %dma_wait3A_484 = arith.constant 3 : i32
    %dma_wait3A_485 = arith.constant 192 : i32
    %dma_wait3A_486 = arith.constant 0 : i32
    %dma_wait3A_487 = tpu.memref_slice %arg10[%dma_wait3A_485, %dma_wait3A_486] : memref<320x128xf32, #tpu.memory_space<vmem>> -> memref<64x128xf32, #tpu.memory_space<vmem>>
    %dma_wait3A_488 = arith.constant 0 : i32
    %dma_wait3A_489 = tpu.memref_slice %arg9[%dma_wait3A_481, %dma_wait3A_482, %dma_wait3A_483, %dma_wait3A_488] : memref<3x5x2x64xi32, #tpu.memory_space<vmem>> -> memref<1x1x1x64xi32, #tpu.memory_space<vmem>>
    %dma_wait3A_490 = tpu.memref_squeeze %dma_wait3A_489 : memref<1x1x1x64xi32, #tpu.memory_space<vmem>> -> memref<64xi32, #tpu.memory_space<vmem>>
    %dma_wait3A_491 = arith.constant 0 : i32
    %dma_wait3A_492 = arith.constant 0 : i32
    %dma_wait3A_493 = tpu.memref_slice %arg2[%dma_wait3A_491, %dma_wait3A_492] : memref<10000x128xf32, #tpu.memory_space<hbm>> -> memref<10000x128xf32, #tpu.memory_space<hbm>>
    %dma_wait3A_494 = tpu.memref_slice %arg11[%dma_wait3A_484] : memref<5x!tpu.dma_semaphore, #tpu.memory_space<semaphore_mem>> -> memref<1x!tpu.dma_semaphore, #tpu.memory_space<semaphore_mem>>
    %dma_wait3A_495 = tpu.memref_squeeze %dma_wait3A_494 : memref<1x!tpu.dma_semaphore, #tpu.memory_space<semaphore_mem>> -> memref<!tpu.dma_semaphore, #tpu.memory_space<semaphore_mem>>
    tpu.wait_indirect_dma semaphore(%dma_wait3A_495 : memref<!tpu.dma_semaphore, #tpu.memory_space<semaphore_mem>>) src(%dma_wait3A_493 : memref<10000x128xf32, #tpu.memory_space<hbm>>) dst(%dma_wait3A_487 : memref<64x128xf32, #tpu.memory_space<vmem>>)
    %dma_start3A_496 = arith.constant 1 : i32
    %dma_start3A_497 = arith.constant 3 : i32
    %dma_start3A_498 = arith.constant 1 : i32
    %dma_start3A_499 = arith.constant 3 : i32
    %dma_start3A_500 = arith.constant 192 : i32
    %dma_start3A_501 = arith.constant 0 : i32
    %dma_start3A_502 = tpu.memref_slice %arg10[%dma_start3A_500, %dma_start3A_501] : memref<320x128xf32, #tpu.memory_space<vmem>> -> memref<64x128xf32, #tpu.memory_space<vmem>>
    %dma_start3A_503 = arith.constant 0 : i32
    %dma_start3A_504 = tpu.memref_slice %arg9[%dma_start3A_496, %dma_start3A_497, %dma_start3A_498, %dma_start3A_503] : memref<3x5x2x64xi32, #tpu.memory_space<vmem>> -> memref<1x1x1x64xi32, #tpu.memory_space<vmem>>
    %dma_start3A_505 = tpu.memref_squeeze %dma_start3A_504 : memref<1x1x1x64xi32, #tpu.memory_space<vmem>> -> memref<64xi32, #tpu.memory_space<vmem>>
    %dma_start3A_506 = arith.constant 0 : i32
    %dma_start3A_507 = arith.constant 0 : i32
    %dma_start3A_508 = tpu.memref_slice %arg8[%dma_start3A_506, %dma_start3A_507] : memref<10112x128xf32, #tpu.memory_space<vmem_shared>> -> memref<10112x128xf32, #tpu.memory_space<vmem_shared>>
    %dma_start3A_509 = tpu.memref_slice %arg12[%dma_start3A_499] : memref<5x!tpu.dma_semaphore, #tpu.memory_space<semaphore_mem>> -> memref<1x!tpu.dma_semaphore, #tpu.memory_space<semaphore_mem>>
    %dma_start3A_510 = tpu.memref_squeeze %dma_start3A_509 : memref<1x!tpu.dma_semaphore, #tpu.memory_space<semaphore_mem>> -> memref<!tpu.dma_semaphore, #tpu.memory_space<semaphore_mem>>
    tpu.enqueue_indirect_dma source(%dma_start3A_502 : memref<64x128xf32, #tpu.memory_space<vmem>>) target(%dma_start3A_508 : memref<10112x128xf32, #tpu.memory_space<vmem_shared>>) offsets(%dma_start3A_505 : memref<64xi32, #tpu.memory_space<vmem>>) semaphore(%dma_start3A_510 : memref<!tpu.dma_semaphore, #tpu.memory_space<semaphore_mem>>) {add = true}
    %dma_wait3A_511 = arith.constant 1 : i32
    %dma_wait3A_512 = arith.constant 4 : i32
    %dma_wait3A_513 = arith.constant 0 : i32
    %dma_wait3A_514 = arith.constant 4 : i32
    %dma_wait3A_515 = arith.constant 256 : i32
    %dma_wait3A_516 = arith.constant 0 : i32
    %dma_wait3A_517 = tpu.memref_slice %arg10[%dma_wait3A_515, %dma_wait3A_516] : memref<320x128xf32, #tpu.memory_space<vmem>> -> memref<64x128xf32, #tpu.memory_space<vmem>>
    %dma_wait3A_518 = arith.constant 0 : i32
    %dma_wait3A_519 = tpu.memref_slice %arg9[%dma_wait3A_511, %dma_wait3A_512, %dma_wait3A_513, %dma_wait3A_518] : memref<3x5x2x64xi32, #tpu.memory_space<vmem>> -> memref<1x1x1x64xi32, #tpu.memory_space<vmem>>
    %dma_wait3A_520 = tpu.memref_squeeze %dma_wait3A_519 : memref<1x1x1x64xi32, #tpu.memory_space<vmem>> -> memref<64xi32, #tpu.memory_space<vmem>>
    %dma_wait3A_521 = arith.constant 0 : i32
    %dma_wait3A_522 = arith.constant 0 : i32
    %dma_wait3A_523 = tpu.memref_slice %arg2[%dma_wait3A_521, %dma_wait3A_522] : memref<10000x128xf32, #tpu.memory_space<hbm>> -> memref<10000x128xf32, #tpu.memory_space<hbm>>
    %dma_wait3A_524 = tpu.memref_slice %arg11[%dma_wait3A_514] : memref<5x!tpu.dma_semaphore, #tpu.memory_space<semaphore_mem>> -> memref<1x!tpu.dma_semaphore, #tpu.memory_space<semaphore_mem>>
    %dma_wait3A_525 = tpu.memref_squeeze %dma_wait3A_524 : memref<1x!tpu.dma_semaphore, #tpu.memory_space<semaphore_mem>> -> memref<!tpu.dma_semaphore, #tpu.memory_space<semaphore_mem>>
    tpu.wait_indirect_dma semaphore(%dma_wait3A_525 : memref<!tpu.dma_semaphore, #tpu.memory_space<semaphore_mem>>) src(%dma_wait3A_523 : memref<10000x128xf32, #tpu.memory_space<hbm>>) dst(%dma_wait3A_517 : memref<64x128xf32, #tpu.memory_space<vmem>>)
    %dma_start3A_526 = arith.constant 1 : i32
    %dma_start3A_527 = arith.constant 4 : i32
    %dma_start3A_528 = arith.constant 1 : i32
    %dma_start3A_529 = arith.constant 4 : i32
    %dma_start3A_530 = arith.constant 256 : i32
    %dma_start3A_531 = arith.constant 0 : i32
    %dma_start3A_532 = tpu.memref_slice %arg10[%dma_start3A_530, %dma_start3A_531] : memref<320x128xf32, #tpu.memory_space<vmem>> -> memref<64x128xf32, #tpu.memory_space<vmem>>
    %dma_start3A_533 = arith.constant 0 : i32
    %dma_start3A_534 = tpu.memref_slice %arg9[%dma_start3A_526, %dma_start3A_527, %dma_start3A_528, %dma_start3A_533] : memref<3x5x2x64xi32, #tpu.memory_space<vmem>> -> memref<1x1x1x64xi32, #tpu.memory_space<vmem>>
    %dma_start3A_535 = tpu.memref_squeeze %dma_start3A_534 : memref<1x1x1x64xi32, #tpu.memory_space<vmem>> -> memref<64xi32, #tpu.memory_space<vmem>>
    %dma_start3A_536 = arith.constant 0 : i32
    %dma_start3A_537 = arith.constant 0 : i32
    %dma_start3A_538 = tpu.memref_slice %arg8[%dma_start3A_536, %dma_start3A_537] : memref<10112x128xf32, #tpu.memory_space<vmem_shared>> -> memref<10112x128xf32, #tpu.memory_space<vmem_shared>>
    %dma_start3A_539 = tpu.memref_slice %arg12[%dma_start3A_529] : memref<5x!tpu.dma_semaphore, #tpu.memory_space<semaphore_mem>> -> memref<1x!tpu.dma_semaphore, #tpu.memory_space<semaphore_mem>>
    %dma_start3A_540 = tpu.memref_squeeze %dma_start3A_539 : memref<1x!tpu.dma_semaphore, #tpu.memory_space<semaphore_mem>> -> memref<!tpu.dma_semaphore, #tpu.memory_space<semaphore_mem>>
    tpu.enqueue_indirect_dma source(%dma_start3A_532 : memref<64x128xf32, #tpu.memory_space<vmem>>) target(%dma_start3A_538 : memref<10112x128xf32, #tpu.memory_space<vmem_shared>>) offsets(%dma_start3A_535 : memref<64xi32, #tpu.memory_space<vmem>>) semaphore(%dma_start3A_540 : memref<!tpu.dma_semaphore, #tpu.memory_space<semaphore_mem>>) {add = true}
    %dma_wait3A_541 = arith.constant 0 : i32
    %dma_wait3A_542 = arith.constant 0 : i32
    %dma_wait3A_543 = arith.constant 1 : i32
    %dma_wait3A_544 = arith.constant 0 : i32
    %dma_wait3A_545 = arith.constant 0 : i32
    %dma_wait3A_546 = arith.constant 0 : i32
    %dma_wait3A_547 = tpu.memref_slice %arg10[%dma_wait3A_545, %dma_wait3A_546] : memref<320x128xf32, #tpu.memory_space<vmem>> -> memref<64x128xf32, #tpu.memory_space<vmem>>
    %dma_wait3A_548 = arith.constant 0 : i32
    %dma_wait3A_549 = tpu.memref_slice %arg9[%dma_wait3A_541, %dma_wait3A_542, %dma_wait3A_543, %dma_wait3A_548] : memref<3x5x2x64xi32, #tpu.memory_space<vmem>> -> memref<1x1x1x64xi32, #tpu.memory_space<vmem>>
    %dma_wait3A_550 = tpu.memref_squeeze %dma_wait3A_549 : memref<1x1x1x64xi32, #tpu.memory_space<vmem>> -> memref<64xi32, #tpu.memory_space<vmem>>
    %dma_wait3A_551 = arith.constant 0 : i32
    %dma_wait3A_552 = arith.constant 0 : i32
    %dma_wait3A_553 = tpu.memref_slice %arg8[%dma_wait3A_551, %dma_wait3A_552] : memref<10112x128xf32, #tpu.memory_space<vmem_shared>> -> memref<10112x128xf32, #tpu.memory_space<vmem_shared>>
    %dma_wait3A_554 = tpu.memref_slice %arg12[%dma_wait3A_544] : memref<5x!tpu.dma_semaphore, #tpu.memory_space<semaphore_mem>> -> memref<1x!tpu.dma_semaphore, #tpu.memory_space<semaphore_mem>>
    %dma_wait3A_555 = tpu.memref_squeeze %dma_wait3A_554 : memref<1x!tpu.dma_semaphore, #tpu.memory_space<semaphore_mem>> -> memref<!tpu.dma_semaphore, #tpu.memory_space<semaphore_mem>>
    tpu.wait_indirect_dma semaphore(%dma_wait3A_555 : memref<!tpu.dma_semaphore, #tpu.memory_space<semaphore_mem>>) src(%dma_wait3A_547 : memref<64x128xf32, #tpu.memory_space<vmem>>) dst(%dma_wait3A_553 : memref<10112x128xf32, #tpu.memory_space<vmem_shared>>)
    %dma_wait3A_556 = arith.constant 0 : i32
    %dma_wait3A_557 = arith.constant 0 : i32
    %dma_wait3A_558 = arith.constant 1 : i32
    %dma_wait3A_559 = arith.constant 1 : i32
    %dma_wait3A_560 = arith.constant 64 : i32
    %dma_wait3A_561 = arith.constant 0 : i32
    %dma_wait3A_562 = tpu.memref_slice %arg10[%dma_wait3A_560, %dma_wait3A_561] : memref<320x128xf32, #tpu.memory_space<vmem>> -> memref<64x128xf32, #tpu.memory_space<vmem>>
    %dma_wait3A_563 = arith.constant 0 : i32
    %dma_wait3A_564 = tpu.memref_slice %arg9[%dma_wait3A_556, %dma_wait3A_557, %dma_wait3A_558, %dma_wait3A_563] : memref<3x5x2x64xi32, #tpu.memory_space<vmem>> -> memref<1x1x1x64xi32, #tpu.memory_space<vmem>>
    %dma_wait3A_565 = tpu.memref_squeeze %dma_wait3A_564 : memref<1x1x1x64xi32, #tpu.memory_space<vmem>> -> memref<64xi32, #tpu.memory_space<vmem>>
    %dma_wait3A_566 = arith.constant 0 : i32
    %dma_wait3A_567 = arith.constant 0 : i32
    %dma_wait3A_568 = tpu.memref_slice %arg8[%dma_wait3A_566, %dma_wait3A_567] : memref<10112x128xf32, #tpu.memory_space<vmem_shared>> -> memref<10112x128xf32, #tpu.memory_space<vmem_shared>>
    %dma_wait3A_569 = tpu.memref_slice %arg12[%dma_wait3A_559] : memref<5x!tpu.dma_semaphore, #tpu.memory_space<semaphore_mem>> -> memref<1x!tpu.dma_semaphore, #tpu.memory_space<semaphore_mem>>
    %dma_wait3A_570 = tpu.memref_squeeze %dma_wait3A_569 : memref<1x!tpu.dma_semaphore, #tpu.memory_space<semaphore_mem>> -> memref<!tpu.dma_semaphore, #tpu.memory_space<semaphore_mem>>
    tpu.wait_indirect_dma semaphore(%dma_wait3A_570 : memref<!tpu.dma_semaphore, #tpu.memory_space<semaphore_mem>>) src(%dma_wait3A_562 : memref<64x128xf32, #tpu.memory_space<vmem>>) dst(%dma_wait3A_568 : memref<10112x128xf32, #tpu.memory_space<vmem_shared>>)
    %dma_wait3A_571 = arith.constant 0 : i32
    %dma_wait3A_572 = arith.constant 0 : i32
    %dma_wait3A_573 = arith.constant 1 : i32
    %dma_wait3A_574 = arith.constant 2 : i32
    %dma_wait3A_575 = arith.constant 128 : i32
    %dma_wait3A_576 = arith.constant 0 : i32
    %dma_wait3A_577 = tpu.memref_slice %arg10[%dma_wait3A_575, %dma_wait3A_576] : memref<320x128xf32, #tpu.memory_space<vmem>> -> memref<64x128xf32, #tpu.memory_space<vmem>>
    %dma_wait3A_578 = arith.constant 0 : i32
    %dma_wait3A_579 = tpu.memref_slice %arg9[%dma_wait3A_571, %dma_wait3A_572, %dma_wait3A_573, %dma_wait3A_578] : memref<3x5x2x64xi32, #tpu.memory_space<vmem>> -> memref<1x1x1x64xi32, #tpu.memory_space<vmem>>
    %dma_wait3A_580 = tpu.memref_squeeze %dma_wait3A_579 : memref<1x1x1x64xi32, #tpu.memory_space<vmem>> -> memref<64xi32, #tpu.memory_space<vmem>>
    %dma_wait3A_581 = arith.constant 0 : i32
    %dma_wait3A_582 = arith.constant 0 : i32
    %dma_wait3A_583 = tpu.memref_slice %arg8[%dma_wait3A_581, %dma_wait3A_582] : memref<10112x128xf32, #tpu.memory_space<vmem_shared>> -> memref<10112x128xf32, #tpu.memory_space<vmem_shared>>
    %dma_wait3A_584 = tpu.memref_slice %arg12[%dma_wait3A_574] : memref<5x!tpu.dma_semaphore, #tpu.memory_space<semaphore_mem>> -> memref<1x!tpu.dma_semaphore, #tpu.memory_space<semaphore_mem>>
    %dma_wait3A_585 = tpu.memref_squeeze %dma_wait3A_584 : memref<1x!tpu.dma_semaphore, #tpu.memory_space<semaphore_mem>> -> memref<!tpu.dma_semaphore, #tpu.memory_space<semaphore_mem>>
    tpu.wait_indirect_dma semaphore(%dma_wait3A_585 : memref<!tpu.dma_semaphore, #tpu.memory_space<semaphore_mem>>) src(%dma_wait3A_577 : memref<64x128xf32, #tpu.memory_space<vmem>>) dst(%dma_wait3A_583 : memref<10112x128xf32, #tpu.memory_space<vmem_shared>>)
    %dma_wait3A_586 = arith.constant 0 : i32
    %dma_wait3A_587 = arith.constant 0 : i32
    %dma_wait3A_588 = arith.constant 1 : i32
    %dma_wait3A_589 = arith.constant 3 : i32
    %dma_wait3A_590 = arith.constant 192 : i32
    %dma_wait3A_591 = arith.constant 0 : i32
    %dma_wait3A_592 = tpu.memref_slice %arg10[%dma_wait3A_590, %dma_wait3A_591] : memref<320x128xf32, #tpu.memory_space<vmem>> -> memref<64x128xf32, #tpu.memory_space<vmem>>
    %dma_wait3A_593 = arith.constant 0 : i32
    %dma_wait3A_594 = tpu.memref_slice %arg9[%dma_wait3A_586, %dma_wait3A_587, %dma_wait3A_588, %dma_wait3A_593] : memref<3x5x2x64xi32, #tpu.memory_space<vmem>> -> memref<1x1x1x64xi32, #tpu.memory_space<vmem>>
    %dma_wait3A_595 = tpu.memref_squeeze %dma_wait3A_594 : memref<1x1x1x64xi32, #tpu.memory_space<vmem>> -> memref<64xi32, #tpu.memory_space<vmem>>
    %dma_wait3A_596 = arith.constant 0 : i32
    %dma_wait3A_597 = arith.constant 0 : i32
    %dma_wait3A_598 = tpu.memref_slice %arg8[%dma_wait3A_596, %dma_wait3A_597] : memref<10112x128xf32, #tpu.memory_space<vmem_shared>> -> memref<10112x128xf32, #tpu.memory_space<vmem_shared>>
    %dma_wait3A_599 = tpu.memref_slice %arg12[%dma_wait3A_589] : memref<5x!tpu.dma_semaphore, #tpu.memory_space<semaphore_mem>> -> memref<1x!tpu.dma_semaphore, #tpu.memory_space<semaphore_mem>>
    %dma_wait3A_600 = tpu.memref_squeeze %dma_wait3A_599 : memref<1x!tpu.dma_semaphore, #tpu.memory_space<semaphore_mem>> -> memref<!tpu.dma_semaphore, #tpu.memory_space<semaphore_mem>>
    tpu.wait_indirect_dma semaphore(%dma_wait3A_600 : memref<!tpu.dma_semaphore, #tpu.memory_space<semaphore_mem>>) src(%dma_wait3A_592 : memref<64x128xf32, #tpu.memory_space<vmem>>) dst(%dma_wait3A_598 : memref<10112x128xf32, #tpu.memory_space<vmem_shared>>)
    %dma_wait3A_601 = arith.constant 0 : i32
    %dma_wait3A_602 = arith.constant 0 : i32
    %dma_wait3A_603 = arith.constant 1 : i32
    %dma_wait3A_604 = arith.constant 4 : i32
    %dma_wait3A_605 = arith.constant 256 : i32
    %dma_wait3A_606 = arith.constant 0 : i32
    %dma_wait3A_607 = tpu.memref_slice %arg10[%dma_wait3A_605, %dma_wait3A_606] : memref<320x128xf32, #tpu.memory_space<vmem>> -> memref<64x128xf32, #tpu.memory_space<vmem>>
    %dma_wait3A_608 = arith.constant 0 : i32
    %dma_wait3A_609 = tpu.memref_slice %arg9[%dma_wait3A_601, %dma_wait3A_602, %dma_wait3A_603, %dma_wait3A_608] : memref<3x5x2x64xi32, #tpu.memory_space<vmem>> -> memref<1x1x1x64xi32, #tpu.memory_space<vmem>>
    %dma_wait3A_610 = tpu.memref_squeeze %dma_wait3A_609 : memref<1x1x1x64xi32, #tpu.memory_space<vmem>> -> memref<64xi32, #tpu.memory_space<vmem>>
    %dma_wait3A_611 = arith.constant 0 : i32
    %dma_wait3A_612 = arith.constant 0 : i32
    %dma_wait3A_613 = tpu.memref_slice %arg8[%dma_wait3A_611, %dma_wait3A_612] : memref<10112x128xf32, #tpu.memory_space<vmem_shared>> -> memref<10112x128xf32, #tpu.memory_space<vmem_shared>>
    %dma_wait3A_614 = tpu.memref_slice %arg12[%dma_wait3A_604] : memref<5x!tpu.dma_semaphore, #tpu.memory_space<semaphore_mem>> -> memref<1x!tpu.dma_semaphore, #tpu.memory_space<semaphore_mem>>
    %dma_wait3A_615 = tpu.memref_squeeze %dma_wait3A_614 : memref<1x!tpu.dma_semaphore, #tpu.memory_space<semaphore_mem>> -> memref<!tpu.dma_semaphore, #tpu.memory_space<semaphore_mem>>
    tpu.wait_indirect_dma semaphore(%dma_wait3A_615 : memref<!tpu.dma_semaphore, #tpu.memory_space<semaphore_mem>>) src(%dma_wait3A_607 : memref<64x128xf32, #tpu.memory_space<vmem>>) dst(%dma_wait3A_613 : memref<10112x128xf32, #tpu.memory_space<vmem_shared>>)
    %mul3A_616 = arith.constant 30 : i32
    %mul3A_617 = arith.muli %add3A, %mul3A_616 : i32
    %add3A_618 = arith.constant 0 : i32
    %add3A_619 = arith.addi %mul3A_617, %add3A_618 : i32
    %multiple_of3A_620 = tpu.assume_multiple %add3A_619, 5 : i32
    %run_scoped3A_621 = arith.constant 0 : i32
    "tpu.region"() ({
      %run_scoped3A_1243 = tpu.sem_alloc : memref<!tpu.dma_semaphore, #tpu.memory_space<semaphore_mem>>
      %dma_start3A_1244 = arith.constant 0 : i32
      %dma_start3A_1245 = arith.constant 0 : i32
      %dma_start3A_1246 = arith.constant 0 : i32
      %dma_start3A_1247 = tpu.memref_slice %arg9[%run_scoped3A_621, %dma_start3A_1244, %dma_start3A_1245, %dma_start3A_1246] : memref<3x5x2x64xi32, #tpu.memory_space<vmem>> -> memref<1x5x2x64xi32, #tpu.memory_space<vmem>>
      %dma_start3A_1248 = tpu.memref_squeeze %dma_start3A_1247 : memref<1x5x2x64xi32, #tpu.memory_space<vmem>> -> memref<5x2x64xi32, #tpu.memory_space<vmem>>
      %dma_start3A_1249 = arith.constant 0 : i32
      %dma_start3A_1250 = arith.constant 0 : i32
      %dma_start3A_1251 = tpu.memref_slice %arg5[%multiple_of3A_620, %dma_start3A_1249, %dma_start3A_1250] : memref<960x2x64xi32, #tpu.memory_space<hbm>> -> memref<5x2x64xi32, #tpu.memory_space<hbm>>
      %dma_start3A_1252 = arith.constant 0 : i32
      %dma_start3A_1253 = arith.constant 0 : i32
      %dma_start3A_1254 = arith.constant 0 : i32
      %dma_start3A_1255 = tpu.memref_slice %arg9[%run_scoped3A_621, %dma_start3A_1252, %dma_start3A_1253, %dma_start3A_1254] : memref<3x5x2x64xi32, #tpu.memory_space<vmem>> -> memref<1x5x2x64xi32, #tpu.memory_space<vmem>>
      %dma_start3A_1256 = tpu.memref_squeeze %dma_start3A_1255 : memref<1x5x2x64xi32, #tpu.memory_space<vmem>> -> memref<5x2x64xi32, #tpu.memory_space<vmem>>
      %dma_start3A_1257 = arith.constant 0 : i32
      %dma_start3A_1258 = arith.constant 0 : i32
      %dma_start3A_1259 = tpu.memref_slice %arg5[%multiple_of3A_620, %dma_start3A_1257, %dma_start3A_1258] : memref<960x2x64xi32, #tpu.memory_space<hbm>> -> memref<5x2x64xi32, #tpu.memory_space<hbm>>
      tpu.enqueue_dma source(%dma_start3A_1259 : memref<5x2x64xi32, #tpu.memory_space<hbm>>) target(%dma_start3A_1256 : memref<5x2x64xi32, #tpu.memory_space<vmem>>) target_semaphore(%run_scoped3A_1243 : memref<!tpu.dma_semaphore, #tpu.memory_space<semaphore_mem>>)
      %dma_wait3A_1260 = arith.constant 0 : i32
      %dma_wait3A_1261 = arith.constant 0 : i32
      %dma_wait3A_1262 = arith.constant 0 : i32
      %dma_wait3A_1263 = tpu.memref_slice %arg9[%run_scoped3A_621, %dma_wait3A_1260, %dma_wait3A_1261, %dma_wait3A_1262] : memref<3x5x2x64xi32, #tpu.memory_space<vmem>> -> memref<1x5x2x64xi32, #tpu.memory_space<vmem>>
      %dma_wait3A_1264 = tpu.memref_squeeze %dma_wait3A_1263 : memref<1x5x2x64xi32, #tpu.memory_space<vmem>> -> memref<5x2x64xi32, #tpu.memory_space<vmem>>
      %dma_wait3A_1265 = arith.constant 0 : i32
      %dma_wait3A_1266 = arith.constant 0 : i32
      %dma_wait3A_1267 = tpu.memref_slice %arg5[%multiple_of3A_620, %dma_wait3A_1265, %dma_wait3A_1266] : memref<960x2x64xi32, #tpu.memory_space<hbm>> -> memref<5x2x64xi32, #tpu.memory_space<hbm>>
      %dma_wait3A_1268 = arith.constant 0 : i32
      %dma_wait3A_1269 = arith.constant 0 : i32
      %dma_wait3A_1270 = arith.constant 0 : i32
      %dma_wait3A_1271 = tpu.memref_slice %arg9[%run_scoped3A_621, %dma_wait3A_1268, %dma_wait3A_1269, %dma_wait3A_1270] : memref<3x5x2x64xi32, #tpu.memory_space<vmem>> -> memref<1x5x2x64xi32, #tpu.memory_space<vmem>>
      %dma_wait3A_1272 = tpu.memref_squeeze %dma_wait3A_1271 : memref<1x5x2x64xi32, #tpu.memory_space<vmem>> -> memref<5x2x64xi32, #tpu.memory_space<vmem>>
      %dma_wait3A_1273 = arith.constant 0 : i32
      %dma_wait3A_1274 = arith.constant 0 : i32
      %dma_wait3A_1275 = tpu.memref_slice %arg5[%multiple_of3A_620, %dma_wait3A_1273, %dma_wait3A_1274] : memref<960x2x64xi32, #tpu.memory_space<hbm>> -> memref<5x2x64xi32, #tpu.memory_space<hbm>>
      tpu.wait_dma2 semaphore(%run_scoped3A_1243 : memref<!tpu.dma_semaphore, #tpu.memory_space<semaphore_mem>>) src(%dma_wait3A_1275 : memref<5x2x64xi32, #tpu.memory_space<hbm>>) dst(%dma_wait3A_1272 : memref<5x2x64xi32, #tpu.memory_space<vmem>>)
      tpu.yield
    }) : () -> ()
    %mul3A_622 = arith.constant 30 : i32
    %mul3A_623 = arith.muli %add3A, %mul3A_622 : i32
    %add3A_624 = arith.constant 5 : i32
    %add3A_625 = arith.addi %mul3A_623, %add3A_624 : i32
    %multiple_of3A_626 = tpu.assume_multiple %add3A_625, 5 : i32
    %run_scoped3A_627 = arith.constant 1 : i32
    "tpu.region"() ({
      %run_scoped3A_1243 = tpu.sem_alloc : memref<!tpu.dma_semaphore, #tpu.memory_space<semaphore_mem>>
      %dma_start3A_1244 = arith.constant 0 : i32
      %dma_start3A_1245 = arith.constant 0 : i32
      %dma_start3A_1246 = arith.constant 0 : i32
      %dma_start3A_1247 = tpu.memref_slice %arg9[%run_scoped3A_627, %dma_start3A_1244, %dma_start3A_1245, %dma_start3A_1246] : memref<3x5x2x64xi32, #tpu.memory_space<vmem>> -> memref<1x5x2x64xi32, #tpu.memory_space<vmem>>
      %dma_start3A_1248 = tpu.memref_squeeze %dma_start3A_1247 : memref<1x5x2x64xi32, #tpu.memory_space<vmem>> -> memref<5x2x64xi32, #tpu.memory_space<vmem>>
      %dma_start3A_1249 = arith.constant 0 : i32
      %dma_start3A_1250 = arith.constant 0 : i32
      %dma_start3A_1251 = tpu.memref_slice %arg5[%multiple_of3A_626, %dma_start3A_1249, %dma_start3A_1250] : memref<960x2x64xi32, #tpu.memory_space<hbm>> -> memref<5x2x64xi32, #tpu.memory_space<hbm>>
      %dma_start3A_1252 = arith.constant 0 : i32
      %dma_start3A_1253 = arith.constant 0 : i32
      %dma_start3A_1254 = arith.constant 0 : i32
      %dma_start3A_1255 = tpu.memref_slice %arg9[%run_scoped3A_627, %dma_start3A_1252, %dma_start3A_1253, %dma_start3A_1254] : memref<3x5x2x64xi32, #tpu.memory_space<vmem>> -> memref<1x5x2x64xi32, #tpu.memory_space<vmem>>
      %dma_start3A_1256 = tpu.memref_squeeze %dma_start3A_1255 : memref<1x5x2x64xi32, #tpu.memory_space<vmem>> -> memref<5x2x64xi32, #tpu.memory_space<vmem>>
      %dma_start3A_1257 = arith.constant 0 : i32
      %dma_start3A_1258 = arith.constant 0 : i32
      %dma_start3A_1259 = tpu.memref_slice %arg5[%multiple_of3A_626, %dma_start3A_1257, %dma_start3A_1258] : memref<960x2x64xi32, #tpu.memory_space<hbm>> -> memref<5x2x64xi32, #tpu.memory_space<hbm>>
      tpu.enqueue_dma source(%dma_start3A_1259 : memref<5x2x64xi32, #tpu.memory_space<hbm>>) target(%dma_start3A_1256 : memref<5x2x64xi32, #tpu.memory_space<vmem>>) target_semaphore(%run_scoped3A_1243 : memref<!tpu.dma_semaphore, #tpu.memory_space<semaphore_mem>>)
      %dma_wait3A_1260 = arith.constant 0 : i32
      %dma_wait3A_1261 = arith.constant 0 : i32
      %dma_wait3A_1262 = arith.constant 0 : i32
      %dma_wait3A_1263 = tpu.memref_slice %arg9[%run_scoped3A_627, %dma_wait3A_1260, %dma_wait3A_1261, %dma_wait3A_1262] : memref<3x5x2x64xi32, #tpu.memory_space<vmem>> -> memref<1x5x2x64xi32, #tpu.memory_space<vmem>>
      %dma_wait3A_1264 = tpu.memref_squeeze %dma_wait3A_1263 : memref<1x5x2x64xi32, #tpu.memory_space<vmem>> -> memref<5x2x64xi32, #tpu.memory_space<vmem>>
      %dma_wait3A_1265 = arith.constant 0 : i32
      %dma_wait3A_1266 = arith.constant 0 : i32
      %dma_wait3A_1267 = tpu.memref_slice %arg5[%multiple_of3A_626, %dma_wait3A_1265, %dma_wait3A_1266] : memref<960x2x64xi32, #tpu.memory_space<hbm>> -> memref<5x2x64xi32, #tpu.memory_space<hbm>>
      %dma_wait3A_1268 = arith.constant 0 : i32
      %dma_wait3A_1269 = arith.constant 0 : i32
      %dma_wait3A_1270 = arith.constant 0 : i32
      %dma_wait3A_1271 = tpu.memref_slice %arg9[%run_scoped3A_627, %dma_wait3A_1268, %dma_wait3A_1269, %dma_wait3A_1270] : memref<3x5x2x64xi32, #tpu.memory_space<vmem>> -> memref<1x5x2x64xi32, #tpu.memory_space<vmem>>
      %dma_wait3A_1272 = tpu.memref_squeeze %dma_wait3A_1271 : memref<1x5x2x64xi32, #tpu.memory_space<vmem>> -> memref<5x2x64xi32, #tpu.memory_space<vmem>>
      %dma_wait3A_1273 = arith.constant 0 : i32
      %dma_wait3A_1274 = arith.constant 0 : i32
      %dma_wait3A_1275 = tpu.memref_slice %arg5[%multiple_of3A_626, %dma_wait3A_1273, %dma_wait3A_1274] : memref<960x2x64xi32, #tpu.memory_space<hbm>> -> memref<5x2x64xi32, #tpu.memory_space<hbm>>
      tpu.wait_dma2 semaphore(%run_scoped3A_1243 : memref<!tpu.dma_semaphore, #tpu.memory_space<semaphore_mem>>) src(%dma_wait3A_1275 : memref<5x2x64xi32, #tpu.memory_space<hbm>>) dst(%dma_wait3A_1272 : memref<5x2x64xi32, #tpu.memory_space<vmem>>)
      tpu.yield
    }) : () -> ()
    %dma_start3A_628 = arith.constant 0 : i32
    %dma_start3A_629 = arith.constant 0 : i32
    %dma_start3A_630 = arith.constant 0 : i32
    %dma_start3A_631 = arith.constant 0 : i32
    %dma_start3A_632 = arith.constant 0 : i32
    %dma_start3A_633 = arith.constant 0 : i32
    %dma_start3A_634 = tpu.memref_slice %arg10[%dma_start3A_632, %dma_start3A_633] : memref<320x128xf32, #tpu.memory_space<vmem>> -> memref<64x128xf32, #tpu.memory_space<vmem>>
    %dma_start3A_635 = arith.constant 0 : i32
    %dma_start3A_636 = tpu.memref_slice %arg9[%dma_start3A_628, %dma_start3A_629, %dma_start3A_630, %dma_start3A_635] : memref<3x5x2x64xi32, #tpu.memory_space<vmem>> -> memref<1x1x1x64xi32, #tpu.memory_space<vmem>>
    %dma_start3A_637 = tpu.memref_squeeze %dma_start3A_636 : memref<1x1x1x64xi32, #tpu.memory_space<vmem>> -> memref<64xi32, #tpu.memory_space<vmem>>
    %dma_start3A_638 = arith.constant 0 : i32
    %dma_start3A_639 = arith.constant 0 : i32
    %dma_start3A_640 = tpu.memref_slice %arg4[%dma_start3A_638, %dma_start3A_639] : memref<10112x128xf32, #tpu.memory_space<hbm>> -> memref<10112x128xf32, #tpu.memory_space<hbm>>
    %dma_start3A_641 = tpu.memref_slice %arg11[%dma_start3A_631] : memref<5x!tpu.dma_semaphore, #tpu.memory_space<semaphore_mem>> -> memref<1x!tpu.dma_semaphore, #tpu.memory_space<semaphore_mem>>
    %dma_start3A_642 = tpu.memref_squeeze %dma_start3A_641 : memref<1x!tpu.dma_semaphore, #tpu.memory_space<semaphore_mem>> -> memref<!tpu.dma_semaphore, #tpu.memory_space<semaphore_mem>>
    tpu.enqueue_indirect_dma source(%dma_start3A_640 : memref<10112x128xf32, #tpu.memory_space<hbm>>) target(%dma_start3A_634 : memref<64x128xf32, #tpu.memory_space<vmem>>) offsets(%dma_start3A_637 : memref<64xi32, #tpu.memory_space<vmem>>) semaphore(%dma_start3A_642 : memref<!tpu.dma_semaphore, #tpu.memory_space<semaphore_mem>>)
    %dma_start3A_643 = arith.constant 0 : i32
    %dma_start3A_644 = arith.constant 1 : i32
    %dma_start3A_645 = arith.constant 0 : i32
    %dma_start3A_646 = arith.constant 1 : i32
    %dma_start3A_647 = arith.constant 64 : i32
    %dma_start3A_648 = arith.constant 0 : i32
    %dma_start3A_649 = tpu.memref_slice %arg10[%dma_start3A_647, %dma_start3A_648] : memref<320x128xf32, #tpu.memory_space<vmem>> -> memref<64x128xf32, #tpu.memory_space<vmem>>
    %dma_start3A_650 = arith.constant 0 : i32
    %dma_start3A_651 = tpu.memref_slice %arg9[%dma_start3A_643, %dma_start3A_644, %dma_start3A_645, %dma_start3A_650] : memref<3x5x2x64xi32, #tpu.memory_space<vmem>> -> memref<1x1x1x64xi32, #tpu.memory_space<vmem>>
    %dma_start3A_652 = tpu.memref_squeeze %dma_start3A_651 : memref<1x1x1x64xi32, #tpu.memory_space<vmem>> -> memref<64xi32, #tpu.memory_space<vmem>>
    %dma_start3A_653 = arith.constant 0 : i32
    %dma_start3A_654 = arith.constant 0 : i32
    %dma_start3A_655 = tpu.memref_slice %arg4[%dma_start3A_653, %dma_start3A_654] : memref<10112x128xf32, #tpu.memory_space<hbm>> -> memref<10112x128xf32, #tpu.memory_space<hbm>>
    %dma_start3A_656 = tpu.memref_slice %arg11[%dma_start3A_646] : memref<5x!tpu.dma_semaphore, #tpu.memory_space<semaphore_mem>> -> memref<1x!tpu.dma_semaphore, #tpu.memory_space<semaphore_mem>>
    %dma_start3A_657 = tpu.memref_squeeze %dma_start3A_656 : memref<1x!tpu.dma_semaphore, #tpu.memory_space<semaphore_mem>> -> memref<!tpu.dma_semaphore, #tpu.memory_space<semaphore_mem>>
    tpu.enqueue_indirect_dma source(%dma_start3A_655 : memref<10112x128xf32, #tpu.memory_space<hbm>>) target(%dma_start3A_649 : memref<64x128xf32, #tpu.memory_space<vmem>>) offsets(%dma_start3A_652 : memref<64xi32, #tpu.memory_space<vmem>>) semaphore(%dma_start3A_657 : memref<!tpu.dma_semaphore, #tpu.memory_space<semaphore_mem>>)
    %dma_start3A_658 = arith.constant 0 : i32
    %dma_start3A_659 = arith.constant 2 : i32
    %dma_start3A_660 = arith.constant 0 : i32
    %dma_start3A_661 = arith.constant 2 : i32
    %dma_start3A_662 = arith.constant 128 : i32
    %dma_start3A_663 = arith.constant 0 : i32
    %dma_start3A_664 = tpu.memref_slice %arg10[%dma_start3A_662, %dma_start3A_663] : memref<320x128xf32, #tpu.memory_space<vmem>> -> memref<64x128xf32, #tpu.memory_space<vmem>>
    %dma_start3A_665 = arith.constant 0 : i32
    %dma_start3A_666 = tpu.memref_slice %arg9[%dma_start3A_658, %dma_start3A_659, %dma_start3A_660, %dma_start3A_665] : memref<3x5x2x64xi32, #tpu.memory_space<vmem>> -> memref<1x1x1x64xi32, #tpu.memory_space<vmem>>
    %dma_start3A_667 = tpu.memref_squeeze %dma_start3A_666 : memref<1x1x1x64xi32, #tpu.memory_space<vmem>> -> memref<64xi32, #tpu.memory_space<vmem>>
    %dma_start3A_668 = arith.constant 0 : i32
    %dma_start3A_669 = arith.constant 0 : i32
    %dma_start3A_670 = tpu.memref_slice %arg4[%dma_start3A_668, %dma_start3A_669] : memref<10112x128xf32, #tpu.memory_space<hbm>> -> memref<10112x128xf32, #tpu.memory_space<hbm>>
    %dma_start3A_671 = tpu.memref_slice %arg11[%dma_start3A_661] : memref<5x!tpu.dma_semaphore, #tpu.memory_space<semaphore_mem>> -> memref<1x!tpu.dma_semaphore, #tpu.memory_space<semaphore_mem>>
    %dma_start3A_672 = tpu.memref_squeeze %dma_start3A_671 : memref<1x!tpu.dma_semaphore, #tpu.memory_space<semaphore_mem>> -> memref<!tpu.dma_semaphore, #tpu.memory_space<semaphore_mem>>
    tpu.enqueue_indirect_dma source(%dma_start3A_670 : memref<10112x128xf32, #tpu.memory_space<hbm>>) target(%dma_start3A_664 : memref<64x128xf32, #tpu.memory_space<vmem>>) offsets(%dma_start3A_667 : memref<64xi32, #tpu.memory_space<vmem>>) semaphore(%dma_start3A_672 : memref<!tpu.dma_semaphore, #tpu.memory_space<semaphore_mem>>)
    %dma_start3A_673 = arith.constant 0 : i32
    %dma_start3A_674 = arith.constant 3 : i32
    %dma_start3A_675 = arith.constant 0 : i32
    %dma_start3A_676 = arith.constant 3 : i32
    %dma_start3A_677 = arith.constant 192 : i32
    %dma_start3A_678 = arith.constant 0 : i32
    %dma_start3A_679 = tpu.memref_slice %arg10[%dma_start3A_677, %dma_start3A_678] : memref<320x128xf32, #tpu.memory_space<vmem>> -> memref<64x128xf32, #tpu.memory_space<vmem>>
    %dma_start3A_680 = arith.constant 0 : i32
    %dma_start3A_681 = tpu.memref_slice %arg9[%dma_start3A_673, %dma_start3A_674, %dma_start3A_675, %dma_start3A_680] : memref<3x5x2x64xi32, #tpu.memory_space<vmem>> -> memref<1x1x1x64xi32, #tpu.memory_space<vmem>>
    %dma_start3A_682 = tpu.memref_squeeze %dma_start3A_681 : memref<1x1x1x64xi32, #tpu.memory_space<vmem>> -> memref<64xi32, #tpu.memory_space<vmem>>
    %dma_start3A_683 = arith.constant 0 : i32
    %dma_start3A_684 = arith.constant 0 : i32
    %dma_start3A_685 = tpu.memref_slice %arg4[%dma_start3A_683, %dma_start3A_684] : memref<10112x128xf32, #tpu.memory_space<hbm>> -> memref<10112x128xf32, #tpu.memory_space<hbm>>
    %dma_start3A_686 = tpu.memref_slice %arg11[%dma_start3A_676] : memref<5x!tpu.dma_semaphore, #tpu.memory_space<semaphore_mem>> -> memref<1x!tpu.dma_semaphore, #tpu.memory_space<semaphore_mem>>
    %dma_start3A_687 = tpu.memref_squeeze %dma_start3A_686 : memref<1x!tpu.dma_semaphore, #tpu.memory_space<semaphore_mem>> -> memref<!tpu.dma_semaphore, #tpu.memory_space<semaphore_mem>>
    tpu.enqueue_indirect_dma source(%dma_start3A_685 : memref<10112x128xf32, #tpu.memory_space<hbm>>) target(%dma_start3A_679 : memref<64x128xf32, #tpu.memory_space<vmem>>) offsets(%dma_start3A_682 : memref<64xi32, #tpu.memory_space<vmem>>) semaphore(%dma_start3A_687 : memref<!tpu.dma_semaphore, #tpu.memory_space<semaphore_mem>>)
    %dma_wait3A_688 = arith.constant 0 : i32
    %dma_wait3A_689 = arith.constant 0 : i32
    %dma_wait3A_690 = arith.constant 0 : i32
    %dma_wait3A_691 = arith.constant 0 : i32
    %dma_wait3A_692 = arith.constant 0 : i32
    %dma_wait3A_693 = arith.constant 0 : i32
    %dma_wait3A_694 = tpu.memref_slice %arg10[%dma_wait3A_692, %dma_wait3A_693] : memref<320x128xf32, #tpu.memory_space<vmem>> -> memref<64x128xf32, #tpu.memory_space<vmem>>
    %dma_wait3A_695 = arith.constant 0 : i32
    %dma_wait3A_696 = tpu.memref_slice %arg9[%dma_wait3A_688, %dma_wait3A_689, %dma_wait3A_690, %dma_wait3A_695] : memref<3x5x2x64xi32, #tpu.memory_space<vmem>> -> memref<1x1x1x64xi32, #tpu.memory_space<vmem>>
    %dma_wait3A_697 = tpu.memref_squeeze %dma_wait3A_696 : memref<1x1x1x64xi32, #tpu.memory_space<vmem>> -> memref<64xi32, #tpu.memory_space<vmem>>
    %dma_wait3A_698 = arith.constant 0 : i32
    %dma_wait3A_699 = arith.constant 0 : i32
    %dma_wait3A_700 = tpu.memref_slice %arg4[%dma_wait3A_698, %dma_wait3A_699] : memref<10112x128xf32, #tpu.memory_space<hbm>> -> memref<10112x128xf32, #tpu.memory_space<hbm>>
    %dma_wait3A_701 = tpu.memref_slice %arg11[%dma_wait3A_691] : memref<5x!tpu.dma_semaphore, #tpu.memory_space<semaphore_mem>> -> memref<1x!tpu.dma_semaphore, #tpu.memory_space<semaphore_mem>>
    %dma_wait3A_702 = tpu.memref_squeeze %dma_wait3A_701 : memref<1x!tpu.dma_semaphore, #tpu.memory_space<semaphore_mem>> -> memref<!tpu.dma_semaphore, #tpu.memory_space<semaphore_mem>>
    tpu.wait_indirect_dma semaphore(%dma_wait3A_702 : memref<!tpu.dma_semaphore, #tpu.memory_space<semaphore_mem>>) src(%dma_wait3A_700 : memref<10112x128xf32, #tpu.memory_space<hbm>>) dst(%dma_wait3A_694 : memref<64x128xf32, #tpu.memory_space<vmem>>)
    %dma_start3A_703 = arith.constant 0 : i32
    %dma_start3A_704 = arith.constant 0 : i32
    %dma_start3A_705 = arith.constant 1 : i32
    %dma_start3A_706 = arith.constant 0 : i32
    %dma_start3A_707 = arith.constant 0 : i32
    %dma_start3A_708 = arith.constant 0 : i32
    %dma_start3A_709 = tpu.memref_slice %arg10[%dma_start3A_707, %dma_start3A_708] : memref<320x128xf32, #tpu.memory_space<vmem>> -> memref<64x128xf32, #tpu.memory_space<vmem>>
    %dma_start3A_710 = arith.constant 0 : i32
    %dma_start3A_711 = tpu.memref_slice %arg9[%dma_start3A_703, %dma_start3A_704, %dma_start3A_705, %dma_start3A_710] : memref<3x5x2x64xi32, #tpu.memory_space<vmem>> -> memref<1x1x1x64xi32, #tpu.memory_space<vmem>>
    %dma_start3A_712 = tpu.memref_squeeze %dma_start3A_711 : memref<1x1x1x64xi32, #tpu.memory_space<vmem>> -> memref<64xi32, #tpu.memory_space<vmem>>
    %dma_start3A_713 = arith.constant 0 : i32
    %dma_start3A_714 = arith.constant 0 : i32
    %dma_start3A_715 = tpu.memref_slice %arg8[%dma_start3A_713, %dma_start3A_714] : memref<10112x128xf32, #tpu.memory_space<vmem_shared>> -> memref<10112x128xf32, #tpu.memory_space<vmem_shared>>
    %dma_start3A_716 = tpu.memref_slice %arg12[%dma_start3A_706] : memref<5x!tpu.dma_semaphore, #tpu.memory_space<semaphore_mem>> -> memref<1x!tpu.dma_semaphore, #tpu.memory_space<semaphore_mem>>
    %dma_start3A_717 = tpu.memref_squeeze %dma_start3A_716 : memref<1x!tpu.dma_semaphore, #tpu.memory_space<semaphore_mem>> -> memref<!tpu.dma_semaphore, #tpu.memory_space<semaphore_mem>>
    tpu.enqueue_indirect_dma source(%dma_start3A_709 : memref<64x128xf32, #tpu.memory_space<vmem>>) target(%dma_start3A_715 : memref<10112x128xf32, #tpu.memory_space<vmem_shared>>) offsets(%dma_start3A_712 : memref<64xi32, #tpu.memory_space<vmem>>) semaphore(%dma_start3A_717 : memref<!tpu.dma_semaphore, #tpu.memory_space<semaphore_mem>>) {add = true}
    %dma_start3A_718 = arith.constant 0 : i32
    %dma_start3A_719 = arith.constant 4 : i32
    %dma_start3A_720 = arith.constant 0 : i32
    %dma_start3A_721 = arith.constant 4 : i32
    %dma_start3A_722 = arith.constant 256 : i32
    %dma_start3A_723 = arith.constant 0 : i32
    %dma_start3A_724 = tpu.memref_slice %arg10[%dma_start3A_722, %dma_start3A_723] : memref<320x128xf32, #tpu.memory_space<vmem>> -> memref<64x128xf32, #tpu.memory_space<vmem>>
    %dma_start3A_725 = arith.constant 0 : i32
    %dma_start3A_726 = tpu.memref_slice %arg9[%dma_start3A_718, %dma_start3A_719, %dma_start3A_720, %dma_start3A_725] : memref<3x5x2x64xi32, #tpu.memory_space<vmem>> -> memref<1x1x1x64xi32, #tpu.memory_space<vmem>>
    %dma_start3A_727 = tpu.memref_squeeze %dma_start3A_726 : memref<1x1x1x64xi32, #tpu.memory_space<vmem>> -> memref<64xi32, #tpu.memory_space<vmem>>
    %dma_start3A_728 = arith.constant 0 : i32
    %dma_start3A_729 = arith.constant 0 : i32
    %dma_start3A_730 = tpu.memref_slice %arg4[%dma_start3A_728, %dma_start3A_729] : memref<10112x128xf32, #tpu.memory_space<hbm>> -> memref<10112x128xf32, #tpu.memory_space<hbm>>
    %dma_start3A_731 = tpu.memref_slice %arg11[%dma_start3A_721] : memref<5x!tpu.dma_semaphore, #tpu.memory_space<semaphore_mem>> -> memref<1x!tpu.dma_semaphore, #tpu.memory_space<semaphore_mem>>
    %dma_start3A_732 = tpu.memref_squeeze %dma_start3A_731 : memref<1x!tpu.dma_semaphore, #tpu.memory_space<semaphore_mem>> -> memref<!tpu.dma_semaphore, #tpu.memory_space<semaphore_mem>>
    tpu.enqueue_indirect_dma source(%dma_start3A_730 : memref<10112x128xf32, #tpu.memory_space<hbm>>) target(%dma_start3A_724 : memref<64x128xf32, #tpu.memory_space<vmem>>) offsets(%dma_start3A_727 : memref<64xi32, #tpu.memory_space<vmem>>) semaphore(%dma_start3A_732 : memref<!tpu.dma_semaphore, #tpu.memory_space<semaphore_mem>>)
    %dma_wait3A_733 = arith.constant 0 : i32
    %dma_wait3A_734 = arith.constant 1 : i32
    %dma_wait3A_735 = arith.constant 0 : i32
    %dma_wait3A_736 = arith.constant 1 : i32
    %dma_wait3A_737 = arith.constant 64 : i32
    %dma_wait3A_738 = arith.constant 0 : i32
    %dma_wait3A_739 = tpu.memref_slice %arg10[%dma_wait3A_737, %dma_wait3A_738] : memref<320x128xf32, #tpu.memory_space<vmem>> -> memref<64x128xf32, #tpu.memory_space<vmem>>
    %dma_wait3A_740 = arith.constant 0 : i32
    %dma_wait3A_741 = tpu.memref_slice %arg9[%dma_wait3A_733, %dma_wait3A_734, %dma_wait3A_735, %dma_wait3A_740] : memref<3x5x2x64xi32, #tpu.memory_space<vmem>> -> memref<1x1x1x64xi32, #tpu.memory_space<vmem>>
    %dma_wait3A_742 = tpu.memref_squeeze %dma_wait3A_741 : memref<1x1x1x64xi32, #tpu.memory_space<vmem>> -> memref<64xi32, #tpu.memory_space<vmem>>
    %dma_wait3A_743 = arith.constant 0 : i32
    %dma_wait3A_744 = arith.constant 0 : i32
    %dma_wait3A_745 = tpu.memref_slice %arg4[%dma_wait3A_743, %dma_wait3A_744] : memref<10112x128xf32, #tpu.memory_space<hbm>> -> memref<10112x128xf32, #tpu.memory_space<hbm>>
    %dma_wait3A_746 = tpu.memref_slice %arg11[%dma_wait3A_736] : memref<5x!tpu.dma_semaphore, #tpu.memory_space<semaphore_mem>> -> memref<1x!tpu.dma_semaphore, #tpu.memory_space<semaphore_mem>>
    %dma_wait3A_747 = tpu.memref_squeeze %dma_wait3A_746 : memref<1x!tpu.dma_semaphore, #tpu.memory_space<semaphore_mem>> -> memref<!tpu.dma_semaphore, #tpu.memory_space<semaphore_mem>>
    tpu.wait_indirect_dma semaphore(%dma_wait3A_747 : memref<!tpu.dma_semaphore, #tpu.memory_space<semaphore_mem>>) src(%dma_wait3A_745 : memref<10112x128xf32, #tpu.memory_space<hbm>>) dst(%dma_wait3A_739 : memref<64x128xf32, #tpu.memory_space<vmem>>)
    %dma_start3A_748 = arith.constant 0 : i32
    %dma_start3A_749 = arith.constant 1 : i32
    %dma_start3A_750 = arith.constant 1 : i32
    %dma_start3A_751 = arith.constant 1 : i32
    %dma_start3A_752 = arith.constant 64 : i32
    %dma_start3A_753 = arith.constant 0 : i32
    %dma_start3A_754 = tpu.memref_slice %arg10[%dma_start3A_752, %dma_start3A_753] : memref<320x128xf32, #tpu.memory_space<vmem>> -> memref<64x128xf32, #tpu.memory_space<vmem>>
    %dma_start3A_755 = arith.constant 0 : i32
    %dma_start3A_756 = tpu.memref_slice %arg9[%dma_start3A_748, %dma_start3A_749, %dma_start3A_750, %dma_start3A_755] : memref<3x5x2x64xi32, #tpu.memory_space<vmem>> -> memref<1x1x1x64xi32, #tpu.memory_space<vmem>>
    %dma_start3A_757 = tpu.memref_squeeze %dma_start3A_756 : memref<1x1x1x64xi32, #tpu.memory_space<vmem>> -> memref<64xi32, #tpu.memory_space<vmem>>
    %dma_start3A_758 = arith.constant 0 : i32
    %dma_start3A_759 = arith.constant 0 : i32
    %dma_start3A_760 = tpu.memref_slice %arg8[%dma_start3A_758, %dma_start3A_759] : memref<10112x128xf32, #tpu.memory_space<vmem_shared>> -> memref<10112x128xf32, #tpu.memory_space<vmem_shared>>
    %dma_start3A_761 = tpu.memref_slice %arg12[%dma_start3A_751] : memref<5x!tpu.dma_semaphore, #tpu.memory_space<semaphore_mem>> -> memref<1x!tpu.dma_semaphore, #tpu.memory_space<semaphore_mem>>
    %dma_start3A_762 = tpu.memref_squeeze %dma_start3A_761 : memref<1x!tpu.dma_semaphore, #tpu.memory_space<semaphore_mem>> -> memref<!tpu.dma_semaphore, #tpu.memory_space<semaphore_mem>>
    tpu.enqueue_indirect_dma source(%dma_start3A_754 : memref<64x128xf32, #tpu.memory_space<vmem>>) target(%dma_start3A_760 : memref<10112x128xf32, #tpu.memory_space<vmem_shared>>) offsets(%dma_start3A_757 : memref<64xi32, #tpu.memory_space<vmem>>) semaphore(%dma_start3A_762 : memref<!tpu.dma_semaphore, #tpu.memory_space<semaphore_mem>>) {add = true}
    %dma_wait3A_763 = arith.constant 0 : i32
    %dma_wait3A_764 = arith.constant 2 : i32
    %dma_wait3A_765 = arith.constant 1 : i32
    %dma_wait3A_766 = arith.constant 0 : i32
    %dma_wait3A_767 = arith.constant 0 : i32
    %dma_wait3A_768 = arith.constant 0 : i32
    %dma_wait3A_769 = tpu.memref_slice %arg10[%dma_wait3A_767, %dma_wait3A_768] : memref<320x128xf32, #tpu.memory_space<vmem>> -> memref<64x128xf32, #tpu.memory_space<vmem>>
    %dma_wait3A_770 = arith.constant 0 : i32
    %dma_wait3A_771 = tpu.memref_slice %arg9[%dma_wait3A_763, %dma_wait3A_764, %dma_wait3A_765, %dma_wait3A_770] : memref<3x5x2x64xi32, #tpu.memory_space<vmem>> -> memref<1x1x1x64xi32, #tpu.memory_space<vmem>>
    %dma_wait3A_772 = tpu.memref_squeeze %dma_wait3A_771 : memref<1x1x1x64xi32, #tpu.memory_space<vmem>> -> memref<64xi32, #tpu.memory_space<vmem>>
    %dma_wait3A_773 = arith.constant 0 : i32
    %dma_wait3A_774 = arith.constant 0 : i32
    %dma_wait3A_775 = tpu.memref_slice %arg8[%dma_wait3A_773, %dma_wait3A_774] : memref<10112x128xf32, #tpu.memory_space<vmem_shared>> -> memref<10112x128xf32, #tpu.memory_space<vmem_shared>>
    %dma_wait3A_776 = tpu.memref_slice %arg12[%dma_wait3A_766] : memref<5x!tpu.dma_semaphore, #tpu.memory_space<semaphore_mem>> -> memref<1x!tpu.dma_semaphore, #tpu.memory_space<semaphore_mem>>
    %dma_wait3A_777 = tpu.memref_squeeze %dma_wait3A_776 : memref<1x!tpu.dma_semaphore, #tpu.memory_space<semaphore_mem>> -> memref<!tpu.dma_semaphore, #tpu.memory_space<semaphore_mem>>
    tpu.wait_indirect_dma semaphore(%dma_wait3A_777 : memref<!tpu.dma_semaphore, #tpu.memory_space<semaphore_mem>>) src(%dma_wait3A_769 : memref<64x128xf32, #tpu.memory_space<vmem>>) dst(%dma_wait3A_775 : memref<10112x128xf32, #tpu.memory_space<vmem_shared>>)
    %dma_start3A_778 = arith.constant 1 : i32
    %dma_start3A_779 = arith.constant 0 : i32
    %dma_start3A_780 = arith.constant 0 : i32
    %dma_start3A_781 = arith.constant 0 : i32
    %dma_start3A_782 = arith.constant 0 : i32
    %dma_start3A_783 = arith.constant 0 : i32
    %dma_start3A_784 = tpu.memref_slice %arg10[%dma_start3A_782, %dma_start3A_783] : memref<320x128xf32, #tpu.memory_space<vmem>> -> memref<64x128xf32, #tpu.memory_space<vmem>>
    %dma_start3A_785 = arith.constant 0 : i32
    %dma_start3A_786 = tpu.memref_slice %arg9[%dma_start3A_778, %dma_start3A_779, %dma_start3A_780, %dma_start3A_785] : memref<3x5x2x64xi32, #tpu.memory_space<vmem>> -> memref<1x1x1x64xi32, #tpu.memory_space<vmem>>
    %dma_start3A_787 = tpu.memref_squeeze %dma_start3A_786 : memref<1x1x1x64xi32, #tpu.memory_space<vmem>> -> memref<64xi32, #tpu.memory_space<vmem>>
    %dma_start3A_788 = arith.constant 0 : i32
    %dma_start3A_789 = arith.constant 0 : i32
    %dma_start3A_790 = tpu.memref_slice %arg4[%dma_start3A_788, %dma_start3A_789] : memref<10112x128xf32, #tpu.memory_space<hbm>> -> memref<10112x128xf32, #tpu.memory_space<hbm>>
    %dma_start3A_791 = tpu.memref_slice %arg11[%dma_start3A_781] : memref<5x!tpu.dma_semaphore, #tpu.memory_space<semaphore_mem>> -> memref<1x!tpu.dma_semaphore, #tpu.memory_space<semaphore_mem>>
    %dma_start3A_792 = tpu.memref_squeeze %dma_start3A_791 : memref<1x!tpu.dma_semaphore, #tpu.memory_space<semaphore_mem>> -> memref<!tpu.dma_semaphore, #tpu.memory_space<semaphore_mem>>
    tpu.enqueue_indirect_dma source(%dma_start3A_790 : memref<10112x128xf32, #tpu.memory_space<hbm>>) target(%dma_start3A_784 : memref<64x128xf32, #tpu.memory_space<vmem>>) offsets(%dma_start3A_787 : memref<64xi32, #tpu.memory_space<vmem>>) semaphore(%dma_start3A_792 : memref<!tpu.dma_semaphore, #tpu.memory_space<semaphore_mem>>)
    %dma_wait3A_793 = arith.constant 0 : i32
    %dma_wait3A_794 = arith.constant 2 : i32
    %dma_wait3A_795 = arith.constant 0 : i32
    %dma_wait3A_796 = arith.constant 2 : i32
    %dma_wait3A_797 = arith.constant 128 : i32
    %dma_wait3A_798 = arith.constant 0 : i32
    %dma_wait3A_799 = tpu.memref_slice %arg10[%dma_wait3A_797, %dma_wait3A_798] : memref<320x128xf32, #tpu.memory_space<vmem>> -> memref<64x128xf32, #tpu.memory_space<vmem>>
    %dma_wait3A_800 = arith.constant 0 : i32
    %dma_wait3A_801 = tpu.memref_slice %arg9[%dma_wait3A_793, %dma_wait3A_794, %dma_wait3A_795, %dma_wait3A_800] : memref<3x5x2x64xi32, #tpu.memory_space<vmem>> -> memref<1x1x1x64xi32, #tpu.memory_space<vmem>>
    %dma_wait3A_802 = tpu.memref_squeeze %dma_wait3A_801 : memref<1x1x1x64xi32, #tpu.memory_space<vmem>> -> memref<64xi32, #tpu.memory_space<vmem>>
    %dma_wait3A_803 = arith.constant 0 : i32
    %dma_wait3A_804 = arith.constant 0 : i32
    %dma_wait3A_805 = tpu.memref_slice %arg4[%dma_wait3A_803, %dma_wait3A_804] : memref<10112x128xf32, #tpu.memory_space<hbm>> -> memref<10112x128xf32, #tpu.memory_space<hbm>>
    %dma_wait3A_806 = tpu.memref_slice %arg11[%dma_wait3A_796] : memref<5x!tpu.dma_semaphore, #tpu.memory_space<semaphore_mem>> -> memref<1x!tpu.dma_semaphore, #tpu.memory_space<semaphore_mem>>
    %dma_wait3A_807 = tpu.memref_squeeze %dma_wait3A_806 : memref<1x!tpu.dma_semaphore, #tpu.memory_space<semaphore_mem>> -> memref<!tpu.dma_semaphore, #tpu.memory_space<semaphore_mem>>
    tpu.wait_indirect_dma semaphore(%dma_wait3A_807 : memref<!tpu.dma_semaphore, #tpu.memory_space<semaphore_mem>>) src(%dma_wait3A_805 : memref<10112x128xf32, #tpu.memory_space<hbm>>) dst(%dma_wait3A_799 : memref<64x128xf32, #tpu.memory_space<vmem>>)
    %dma_start3A_808 = arith.constant 0 : i32
    %dma_start3A_809 = arith.constant 2 : i32
    %dma_start3A_810 = arith.constant 1 : i32
    %dma_start3A_811 = arith.constant 2 : i32
    %dma_start3A_812 = arith.constant 128 : i32
    %dma_start3A_813 = arith.constant 0 : i32
    %dma_start3A_814 = tpu.memref_slice %arg10[%dma_start3A_812, %dma_start3A_813] : memref<320x128xf32, #tpu.memory_space<vmem>> -> memref<64x128xf32, #tpu.memory_space<vmem>>
    %dma_start3A_815 = arith.constant 0 : i32
    %dma_start3A_816 = tpu.memref_slice %arg9[%dma_start3A_808, %dma_start3A_809, %dma_start3A_810, %dma_start3A_815] : memref<3x5x2x64xi32, #tpu.memory_space<vmem>> -> memref<1x1x1x64xi32, #tpu.memory_space<vmem>>
    %dma_start3A_817 = tpu.memref_squeeze %dma_start3A_816 : memref<1x1x1x64xi32, #tpu.memory_space<vmem>> -> memref<64xi32, #tpu.memory_space<vmem>>
    %dma_start3A_818 = arith.constant 0 : i32
    %dma_start3A_819 = arith.constant 0 : i32
    %dma_start3A_820 = tpu.memref_slice %arg8[%dma_start3A_818, %dma_start3A_819] : memref<10112x128xf32, #tpu.memory_space<vmem_shared>> -> memref<10112x128xf32, #tpu.memory_space<vmem_shared>>
    %dma_start3A_821 = tpu.memref_slice %arg12[%dma_start3A_811] : memref<5x!tpu.dma_semaphore, #tpu.memory_space<semaphore_mem>> -> memref<1x!tpu.dma_semaphore, #tpu.memory_space<semaphore_mem>>
    %dma_start3A_822 = tpu.memref_squeeze %dma_start3A_821 : memref<1x!tpu.dma_semaphore, #tpu.memory_space<semaphore_mem>> -> memref<!tpu.dma_semaphore, #tpu.memory_space<semaphore_mem>>
    tpu.enqueue_indirect_dma source(%dma_start3A_814 : memref<64x128xf32, #tpu.memory_space<vmem>>) target(%dma_start3A_820 : memref<10112x128xf32, #tpu.memory_space<vmem_shared>>) offsets(%dma_start3A_817 : memref<64xi32, #tpu.memory_space<vmem>>) semaphore(%dma_start3A_822 : memref<!tpu.dma_semaphore, #tpu.memory_space<semaphore_mem>>) {add = true}
    %dma_wait3A_823 = arith.constant 0 : i32
    %dma_wait3A_824 = arith.constant 3 : i32
    %dma_wait3A_825 = arith.constant 1 : i32
    %dma_wait3A_826 = arith.constant 1 : i32
    %dma_wait3A_827 = arith.constant 64 : i32
    %dma_wait3A_828 = arith.constant 0 : i32
    %dma_wait3A_829 = tpu.memref_slice %arg10[%dma_wait3A_827, %dma_wait3A_828] : memref<320x128xf32, #tpu.memory_space<vmem>> -> memref<64x128xf32, #tpu.memory_space<vmem>>
    %dma_wait3A_830 = arith.constant 0 : i32
    %dma_wait3A_831 = tpu.memref_slice %arg9[%dma_wait3A_823, %dma_wait3A_824, %dma_wait3A_825, %dma_wait3A_830] : memref<3x5x2x64xi32, #tpu.memory_space<vmem>> -> memref<1x1x1x64xi32, #tpu.memory_space<vmem>>
    %dma_wait3A_832 = tpu.memref_squeeze %dma_wait3A_831 : memref<1x1x1x64xi32, #tpu.memory_space<vmem>> -> memref<64xi32, #tpu.memory_space<vmem>>
    %dma_wait3A_833 = arith.constant 0 : i32
    %dma_wait3A_834 = arith.constant 0 : i32
    %dma_wait3A_835 = tpu.memref_slice %arg8[%dma_wait3A_833, %dma_wait3A_834] : memref<10112x128xf32, #tpu.memory_space<vmem_shared>> -> memref<10112x128xf32, #tpu.memory_space<vmem_shared>>
    %dma_wait3A_836 = tpu.memref_slice %arg12[%dma_wait3A_826] : memref<5x!tpu.dma_semaphore, #tpu.memory_space<semaphore_mem>> -> memref<1x!tpu.dma_semaphore, #tpu.memory_space<semaphore_mem>>
    %dma_wait3A_837 = tpu.memref_squeeze %dma_wait3A_836 : memref<1x!tpu.dma_semaphore, #tpu.memory_space<semaphore_mem>> -> memref<!tpu.dma_semaphore, #tpu.memory_space<semaphore_mem>>
    tpu.wait_indirect_dma semaphore(%dma_wait3A_837 : memref<!tpu.dma_semaphore, #tpu.memory_space<semaphore_mem>>) src(%dma_wait3A_829 : memref<64x128xf32, #tpu.memory_space<vmem>>) dst(%dma_wait3A_835 : memref<10112x128xf32, #tpu.memory_space<vmem_shared>>)
    %dma_start3A_838 = arith.constant 1 : i32
    %dma_start3A_839 = arith.constant 1 : i32
    %dma_start3A_840 = arith.constant 0 : i32
    %dma_start3A_841 = arith.constant 1 : i32
    %dma_start3A_842 = arith.constant 64 : i32
    %dma_start3A_843 = arith.constant 0 : i32
    %dma_start3A_844 = tpu.memref_slice %arg10[%dma_start3A_842, %dma_start3A_843] : memref<320x128xf32, #tpu.memory_space<vmem>> -> memref<64x128xf32, #tpu.memory_space<vmem>>
    %dma_start3A_845 = arith.constant 0 : i32
    %dma_start3A_846 = tpu.memref_slice %arg9[%dma_start3A_838, %dma_start3A_839, %dma_start3A_840, %dma_start3A_845] : memref<3x5x2x64xi32, #tpu.memory_space<vmem>> -> memref<1x1x1x64xi32, #tpu.memory_space<vmem>>
    %dma_start3A_847 = tpu.memref_squeeze %dma_start3A_846 : memref<1x1x1x64xi32, #tpu.memory_space<vmem>> -> memref<64xi32, #tpu.memory_space<vmem>>
    %dma_start3A_848 = arith.constant 0 : i32
    %dma_start3A_849 = arith.constant 0 : i32
    %dma_start3A_850 = tpu.memref_slice %arg4[%dma_start3A_848, %dma_start3A_849] : memref<10112x128xf32, #tpu.memory_space<hbm>> -> memref<10112x128xf32, #tpu.memory_space<hbm>>
    %dma_start3A_851 = tpu.memref_slice %arg11[%dma_start3A_841] : memref<5x!tpu.dma_semaphore, #tpu.memory_space<semaphore_mem>> -> memref<1x!tpu.dma_semaphore, #tpu.memory_space<semaphore_mem>>
    %dma_start3A_852 = tpu.memref_squeeze %dma_start3A_851 : memref<1x!tpu.dma_semaphore, #tpu.memory_space<semaphore_mem>> -> memref<!tpu.dma_semaphore, #tpu.memory_space<semaphore_mem>>
    tpu.enqueue_indirect_dma source(%dma_start3A_850 : memref<10112x128xf32, #tpu.memory_space<hbm>>) target(%dma_start3A_844 : memref<64x128xf32, #tpu.memory_space<vmem>>) offsets(%dma_start3A_847 : memref<64xi32, #tpu.memory_space<vmem>>) semaphore(%dma_start3A_852 : memref<!tpu.dma_semaphore, #tpu.memory_space<semaphore_mem>>)
    %dma_wait3A_853 = arith.constant 0 : i32
    %dma_wait3A_854 = arith.constant 3 : i32
    %dma_wait3A_855 = arith.constant 0 : i32
    %dma_wait3A_856 = arith.constant 3 : i32
    %dma_wait3A_857 = arith.constant 192 : i32
    %dma_wait3A_858 = arith.constant 0 : i32
    %dma_wait3A_859 = tpu.memref_slice %arg10[%dma_wait3A_857, %dma_wait3A_858] : memref<320x128xf32, #tpu.memory_space<vmem>> -> memref<64x128xf32, #tpu.memory_space<vmem>>
    %dma_wait3A_860 = arith.constant 0 : i32
    %dma_wait3A_861 = tpu.memref_slice %arg9[%dma_wait3A_853, %dma_wait3A_854, %dma_wait3A_855, %dma_wait3A_860] : memref<3x5x2x64xi32, #tpu.memory_space<vmem>> -> memref<1x1x1x64xi32, #tpu.memory_space<vmem>>
    %dma_wait3A_862 = tpu.memref_squeeze %dma_wait3A_861 : memref<1x1x1x64xi32, #tpu.memory_space<vmem>> -> memref<64xi32, #tpu.memory_space<vmem>>
    %dma_wait3A_863 = arith.constant 0 : i32
    %dma_wait3A_864 = arith.constant 0 : i32
    %dma_wait3A_865 = tpu.memref_slice %arg4[%dma_wait3A_863, %dma_wait3A_864] : memref<10112x128xf32, #tpu.memory_space<hbm>> -> memref<10112x128xf32, #tpu.memory_space<hbm>>
    %dma_wait3A_866 = tpu.memref_slice %arg11[%dma_wait3A_856] : memref<5x!tpu.dma_semaphore, #tpu.memory_space<semaphore_mem>> -> memref<1x!tpu.dma_semaphore, #tpu.memory_space<semaphore_mem>>
    %dma_wait3A_867 = tpu.memref_squeeze %dma_wait3A_866 : memref<1x!tpu.dma_semaphore, #tpu.memory_space<semaphore_mem>> -> memref<!tpu.dma_semaphore, #tpu.memory_space<semaphore_mem>>
    tpu.wait_indirect_dma semaphore(%dma_wait3A_867 : memref<!tpu.dma_semaphore, #tpu.memory_space<semaphore_mem>>) src(%dma_wait3A_865 : memref<10112x128xf32, #tpu.memory_space<hbm>>) dst(%dma_wait3A_859 : memref<64x128xf32, #tpu.memory_space<vmem>>)
    %dma_start3A_868 = arith.constant 0 : i32
    %dma_start3A_869 = arith.constant 3 : i32
    %dma_start3A_870 = arith.constant 1 : i32
    %dma_start3A_871 = arith.constant 3 : i32
    %dma_start3A_872 = arith.constant 192 : i32
    %dma_start3A_873 = arith.constant 0 : i32
    %dma_start3A_874 = tpu.memref_slice %arg10[%dma_start3A_872, %dma_start3A_873] : memref<320x128xf32, #tpu.memory_space<vmem>> -> memref<64x128xf32, #tpu.memory_space<vmem>>
    %dma_start3A_875 = arith.constant 0 : i32
    %dma_start3A_876 = tpu.memref_slice %arg9[%dma_start3A_868, %dma_start3A_869, %dma_start3A_870, %dma_start3A_875] : memref<3x5x2x64xi32, #tpu.memory_space<vmem>> -> memref<1x1x1x64xi32, #tpu.memory_space<vmem>>
    %dma_start3A_877 = tpu.memref_squeeze %dma_start3A_876 : memref<1x1x1x64xi32, #tpu.memory_space<vmem>> -> memref<64xi32, #tpu.memory_space<vmem>>
    %dma_start3A_878 = arith.constant 0 : i32
    %dma_start3A_879 = arith.constant 0 : i32
    %dma_start3A_880 = tpu.memref_slice %arg8[%dma_start3A_878, %dma_start3A_879] : memref<10112x128xf32, #tpu.memory_space<vmem_shared>> -> memref<10112x128xf32, #tpu.memory_space<vmem_shared>>
    %dma_start3A_881 = tpu.memref_slice %arg12[%dma_start3A_871] : memref<5x!tpu.dma_semaphore, #tpu.memory_space<semaphore_mem>> -> memref<1x!tpu.dma_semaphore, #tpu.memory_space<semaphore_mem>>
    %dma_start3A_882 = tpu.memref_squeeze %dma_start3A_881 : memref<1x!tpu.dma_semaphore, #tpu.memory_space<semaphore_mem>> -> memref<!tpu.dma_semaphore, #tpu.memory_space<semaphore_mem>>
    tpu.enqueue_indirect_dma source(%dma_start3A_874 : memref<64x128xf32, #tpu.memory_space<vmem>>) target(%dma_start3A_880 : memref<10112x128xf32, #tpu.memory_space<vmem_shared>>) offsets(%dma_start3A_877 : memref<64xi32, #tpu.memory_space<vmem>>) semaphore(%dma_start3A_882 : memref<!tpu.dma_semaphore, #tpu.memory_space<semaphore_mem>>) {add = true}
    %dma_wait3A_883 = arith.constant 0 : i32
    %dma_wait3A_884 = arith.constant 4 : i32
    %dma_wait3A_885 = arith.constant 1 : i32
    %dma_wait3A_886 = arith.constant 2 : i32
    %dma_wait3A_887 = arith.constant 128 : i32
    %dma_wait3A_888 = arith.constant 0 : i32
    %dma_wait3A_889 = tpu.memref_slice %arg10[%dma_wait3A_887, %dma_wait3A_888] : memref<320x128xf32, #tpu.memory_space<vmem>> -> memref<64x128xf32, #tpu.memory_space<vmem>>
    %dma_wait3A_890 = arith.constant 0 : i32
    %dma_wait3A_891 = tpu.memref_slice %arg9[%dma_wait3A_883, %dma_wait3A_884, %dma_wait3A_885, %dma_wait3A_890] : memref<3x5x2x64xi32, #tpu.memory_space<vmem>> -> memref<1x1x1x64xi32, #tpu.memory_space<vmem>>
    %dma_wait3A_892 = tpu.memref_squeeze %dma_wait3A_891 : memref<1x1x1x64xi32, #tpu.memory_space<vmem>> -> memref<64xi32, #tpu.memory_space<vmem>>
    %dma_wait3A_893 = arith.constant 0 : i32
    %dma_wait3A_894 = arith.constant 0 : i32
    %dma_wait3A_895 = tpu.memref_slice %arg8[%dma_wait3A_893, %dma_wait3A_894] : memref<10112x128xf32, #tpu.memory_space<vmem_shared>> -> memref<10112x128xf32, #tpu.memory_space<vmem_shared>>
    %dma_wait3A_896 = tpu.memref_slice %arg12[%dma_wait3A_886] : memref<5x!tpu.dma_semaphore, #tpu.memory_space<semaphore_mem>> -> memref<1x!tpu.dma_semaphore, #tpu.memory_space<semaphore_mem>>
    %dma_wait3A_897 = tpu.memref_squeeze %dma_wait3A_896 : memref<1x!tpu.dma_semaphore, #tpu.memory_space<semaphore_mem>> -> memref<!tpu.dma_semaphore, #tpu.memory_space<semaphore_mem>>
    tpu.wait_indirect_dma semaphore(%dma_wait3A_897 : memref<!tpu.dma_semaphore, #tpu.memory_space<semaphore_mem>>) src(%dma_wait3A_889 : memref<64x128xf32, #tpu.memory_space<vmem>>) dst(%dma_wait3A_895 : memref<10112x128xf32, #tpu.memory_space<vmem_shared>>)
    %dma_start3A_898 = arith.constant 1 : i32
    %dma_start3A_899 = arith.constant 2 : i32
    %dma_start3A_900 = arith.constant 0 : i32
    %dma_start3A_901 = arith.constant 2 : i32
    %dma_start3A_902 = arith.constant 128 : i32
    %dma_start3A_903 = arith.constant 0 : i32
    %dma_start3A_904 = tpu.memref_slice %arg10[%dma_start3A_902, %dma_start3A_903] : memref<320x128xf32, #tpu.memory_space<vmem>> -> memref<64x128xf32, #tpu.memory_space<vmem>>
    %dma_start3A_905 = arith.constant 0 : i32
    %dma_start3A_906 = tpu.memref_slice %arg9[%dma_start3A_898, %dma_start3A_899, %dma_start3A_900, %dma_start3A_905] : memref<3x5x2x64xi32, #tpu.memory_space<vmem>> -> memref<1x1x1x64xi32, #tpu.memory_space<vmem>>
    %dma_start3A_907 = tpu.memref_squeeze %dma_start3A_906 : memref<1x1x1x64xi32, #tpu.memory_space<vmem>> -> memref<64xi32, #tpu.memory_space<vmem>>
    %dma_start3A_908 = arith.constant 0 : i32
    %dma_start3A_909 = arith.constant 0 : i32
    %dma_start3A_910 = tpu.memref_slice %arg4[%dma_start3A_908, %dma_start3A_909] : memref<10112x128xf32, #tpu.memory_space<hbm>> -> memref<10112x128xf32, #tpu.memory_space<hbm>>
    %dma_start3A_911 = tpu.memref_slice %arg11[%dma_start3A_901] : memref<5x!tpu.dma_semaphore, #tpu.memory_space<semaphore_mem>> -> memref<1x!tpu.dma_semaphore, #tpu.memory_space<semaphore_mem>>
    %dma_start3A_912 = tpu.memref_squeeze %dma_start3A_911 : memref<1x!tpu.dma_semaphore, #tpu.memory_space<semaphore_mem>> -> memref<!tpu.dma_semaphore, #tpu.memory_space<semaphore_mem>>
    tpu.enqueue_indirect_dma source(%dma_start3A_910 : memref<10112x128xf32, #tpu.memory_space<hbm>>) target(%dma_start3A_904 : memref<64x128xf32, #tpu.memory_space<vmem>>) offsets(%dma_start3A_907 : memref<64xi32, #tpu.memory_space<vmem>>) semaphore(%dma_start3A_912 : memref<!tpu.dma_semaphore, #tpu.memory_space<semaphore_mem>>)
    %dma_wait3A_913 = arith.constant 0 : i32
    %dma_wait3A_914 = arith.constant 4 : i32
    %dma_wait3A_915 = arith.constant 0 : i32
    %dma_wait3A_916 = arith.constant 4 : i32
    %dma_wait3A_917 = arith.constant 256 : i32
    %dma_wait3A_918 = arith.constant 0 : i32
    %dma_wait3A_919 = tpu.memref_slice %arg10[%dma_wait3A_917, %dma_wait3A_918] : memref<320x128xf32, #tpu.memory_space<vmem>> -> memref<64x128xf32, #tpu.memory_space<vmem>>
    %dma_wait3A_920 = arith.constant 0 : i32
    %dma_wait3A_921 = tpu.memref_slice %arg9[%dma_wait3A_913, %dma_wait3A_914, %dma_wait3A_915, %dma_wait3A_920] : memref<3x5x2x64xi32, #tpu.memory_space<vmem>> -> memref<1x1x1x64xi32, #tpu.memory_space<vmem>>
    %dma_wait3A_922 = tpu.memref_squeeze %dma_wait3A_921 : memref<1x1x1x64xi32, #tpu.memory_space<vmem>> -> memref<64xi32, #tpu.memory_space<vmem>>
    %dma_wait3A_923 = arith.constant 0 : i32
    %dma_wait3A_924 = arith.constant 0 : i32
    %dma_wait3A_925 = tpu.memref_slice %arg4[%dma_wait3A_923, %dma_wait3A_924] : memref<10112x128xf32, #tpu.memory_space<hbm>> -> memref<10112x128xf32, #tpu.memory_space<hbm>>
    %dma_wait3A_926 = tpu.memref_slice %arg11[%dma_wait3A_916] : memref<5x!tpu.dma_semaphore, #tpu.memory_space<semaphore_mem>> -> memref<1x!tpu.dma_semaphore, #tpu.memory_space<semaphore_mem>>
    %dma_wait3A_927 = tpu.memref_squeeze %dma_wait3A_926 : memref<1x!tpu.dma_semaphore, #tpu.memory_space<semaphore_mem>> -> memref<!tpu.dma_semaphore, #tpu.memory_space<semaphore_mem>>
    tpu.wait_indirect_dma semaphore(%dma_wait3A_927 : memref<!tpu.dma_semaphore, #tpu.memory_space<semaphore_mem>>) src(%dma_wait3A_925 : memref<10112x128xf32, #tpu.memory_space<hbm>>) dst(%dma_wait3A_919 : memref<64x128xf32, #tpu.memory_space<vmem>>)
    %dma_start3A_928 = arith.constant 0 : i32
    %dma_start3A_929 = arith.constant 4 : i32
    %dma_start3A_930 = arith.constant 1 : i32
    %dma_start3A_931 = arith.constant 4 : i32
    %dma_start3A_932 = arith.constant 256 : i32
    %dma_start3A_933 = arith.constant 0 : i32
    %dma_start3A_934 = tpu.memref_slice %arg10[%dma_start3A_932, %dma_start3A_933] : memref<320x128xf32, #tpu.memory_space<vmem>> -> memref<64x128xf32, #tpu.memory_space<vmem>>
    %dma_start3A_935 = arith.constant 0 : i32
    %dma_start3A_936 = tpu.memref_slice %arg9[%dma_start3A_928, %dma_start3A_929, %dma_start3A_930, %dma_start3A_935] : memref<3x5x2x64xi32, #tpu.memory_space<vmem>> -> memref<1x1x1x64xi32, #tpu.memory_space<vmem>>
    %dma_start3A_937 = tpu.memref_squeeze %dma_start3A_936 : memref<1x1x1x64xi32, #tpu.memory_space<vmem>> -> memref<64xi32, #tpu.memory_space<vmem>>
    %dma_start3A_938 = arith.constant 0 : i32
    %dma_start3A_939 = arith.constant 0 : i32
    %dma_start3A_940 = tpu.memref_slice %arg8[%dma_start3A_938, %dma_start3A_939] : memref<10112x128xf32, #tpu.memory_space<vmem_shared>> -> memref<10112x128xf32, #tpu.memory_space<vmem_shared>>
    %dma_start3A_941 = tpu.memref_slice %arg12[%dma_start3A_931] : memref<5x!tpu.dma_semaphore, #tpu.memory_space<semaphore_mem>> -> memref<1x!tpu.dma_semaphore, #tpu.memory_space<semaphore_mem>>
    %dma_start3A_942 = tpu.memref_squeeze %dma_start3A_941 : memref<1x!tpu.dma_semaphore, #tpu.memory_space<semaphore_mem>> -> memref<!tpu.dma_semaphore, #tpu.memory_space<semaphore_mem>>
    tpu.enqueue_indirect_dma source(%dma_start3A_934 : memref<64x128xf32, #tpu.memory_space<vmem>>) target(%dma_start3A_940 : memref<10112x128xf32, #tpu.memory_space<vmem_shared>>) offsets(%dma_start3A_937 : memref<64xi32, #tpu.memory_space<vmem>>) semaphore(%dma_start3A_942 : memref<!tpu.dma_semaphore, #tpu.memory_space<semaphore_mem>>) {add = true}
    %scan3A_943 = arith.constant 0 : i32
    %scan3A_944 = arith.constant 1 : i32
    %scan3A_945 = arith.constant 4 : i32
    %scan3A_946 = arith.addi %scan3A_944, %scan3A_945 : i32
    %scan3A_947 = arith.constant 1 : i32
    scf.for %scan3A_1243 = %scan3A_944 to %scan3A_946 step %scan3A_947  : i32 {
      %rem3A = arith.constant 3 : i32
      %rem3A_1244 = arith.remsi %scan3A_1243, %rem3A : i32
      %add3A_1245 = arith.constant 1 : i32
      %add3A_1246 = arith.addi %scan3A_1243, %add3A_1245 : i32
      %add3A_1247 = arith.constant 1 : i32
      %add3A_1248 = arith.addi %scan3A_1243, %add3A_1247 : i32
      %rem3A_1249 = arith.constant 3 : i32
      %rem3A_1250 = arith.remsi %add3A_1248, %rem3A_1249 : i32
      %mul3A_1251 = arith.constant 30 : i32
      %mul3A_1252 = arith.muli %add3A, %mul3A_1251 : i32
      %mul3A_1253 = arith.constant 5 : i32
      %mul3A_1254 = arith.muli %add3A_1246, %mul3A_1253 : i32
      %add3A_1255 = arith.addi %mul3A_1252, %mul3A_1254 : i32
      %multiple_of3A_1256 = tpu.assume_multiple %add3A_1255, 5 : i32
      "tpu.region"() ({
        %run_scoped3A_1549 = tpu.sem_alloc : memref<!tpu.dma_semaphore, #tpu.memory_space<semaphore_mem>>
        %dma_start3A_1550 = arith.constant 0 : i32
        %dma_start3A_1551 = arith.constant 0 : i32
        %dma_start3A_1552 = arith.constant 0 : i32
        %dma_start3A_1553 = tpu.memref_slice %arg9[%rem3A_1250, %dma_start3A_1550, %dma_start3A_1551, %dma_start3A_1552] : memref<3x5x2x64xi32, #tpu.memory_space<vmem>> -> memref<1x5x2x64xi32, #tpu.memory_space<vmem>>
        %dma_start3A_1554 = tpu.memref_squeeze %dma_start3A_1553 : memref<1x5x2x64xi32, #tpu.memory_space<vmem>> -> memref<5x2x64xi32, #tpu.memory_space<vmem>>
        %dma_start3A_1555 = arith.constant 0 : i32
        %dma_start3A_1556 = arith.constant 0 : i32
        %dma_start3A_1557 = tpu.memref_slice %arg5[%multiple_of3A_1256, %dma_start3A_1555, %dma_start3A_1556] : memref<960x2x64xi32, #tpu.memory_space<hbm>> -> memref<5x2x64xi32, #tpu.memory_space<hbm>>
        %dma_start3A_1558 = arith.constant 0 : i32
        %dma_start3A_1559 = arith.constant 0 : i32
        %dma_start3A_1560 = arith.constant 0 : i32
        %dma_start3A_1561 = tpu.memref_slice %arg9[%rem3A_1250, %dma_start3A_1558, %dma_start3A_1559, %dma_start3A_1560] : memref<3x5x2x64xi32, #tpu.memory_space<vmem>> -> memref<1x5x2x64xi32, #tpu.memory_space<vmem>>
        %dma_start3A_1562 = tpu.memref_squeeze %dma_start3A_1561 : memref<1x5x2x64xi32, #tpu.memory_space<vmem>> -> memref<5x2x64xi32, #tpu.memory_space<vmem>>
        %dma_start3A_1563 = arith.constant 0 : i32
        %dma_start3A_1564 = arith.constant 0 : i32
        %dma_start3A_1565 = tpu.memref_slice %arg5[%multiple_of3A_1256, %dma_start3A_1563, %dma_start3A_1564] : memref<960x2x64xi32, #tpu.memory_space<hbm>> -> memref<5x2x64xi32, #tpu.memory_space<hbm>>
        tpu.enqueue_dma source(%dma_start3A_1565 : memref<5x2x64xi32, #tpu.memory_space<hbm>>) target(%dma_start3A_1562 : memref<5x2x64xi32, #tpu.memory_space<vmem>>) target_semaphore(%run_scoped3A_1549 : memref<!tpu.dma_semaphore, #tpu.memory_space<semaphore_mem>>)
        %dma_wait3A_1566 = arith.constant 0 : i32
        %dma_wait3A_1567 = arith.constant 0 : i32
        %dma_wait3A_1568 = arith.constant 0 : i32
        %dma_wait3A_1569 = tpu.memref_slice %arg9[%rem3A_1250, %dma_wait3A_1566, %dma_wait3A_1567, %dma_wait3A_1568] : memref<3x5x2x64xi32, #tpu.memory_space<vmem>> -> memref<1x5x2x64xi32, #tpu.memory_space<vmem>>
        %dma_wait3A_1570 = tpu.memref_squeeze %dma_wait3A_1569 : memref<1x5x2x64xi32, #tpu.memory_space<vmem>> -> memref<5x2x64xi32, #tpu.memory_space<vmem>>
        %dma_wait3A_1571 = arith.constant 0 : i32
        %dma_wait3A_1572 = arith.constant 0 : i32
        %dma_wait3A_1573 = tpu.memref_slice %arg5[%multiple_of3A_1256, %dma_wait3A_1571, %dma_wait3A_1572] : memref<960x2x64xi32, #tpu.memory_space<hbm>> -> memref<5x2x64xi32, #tpu.memory_space<hbm>>
        %dma_wait3A_1574 = arith.constant 0 : i32
        %dma_wait3A_1575 = arith.constant 0 : i32
        %dma_wait3A_1576 = arith.constant 0 : i32
        %dma_wait3A_1577 = tpu.memref_slice %arg9[%rem3A_1250, %dma_wait3A_1574, %dma_wait3A_1575, %dma_wait3A_1576] : memref<3x5x2x64xi32, #tpu.memory_space<vmem>> -> memref<1x5x2x64xi32, #tpu.memory_space<vmem>>
        %dma_wait3A_1578 = tpu.memref_squeeze %dma_wait3A_1577 : memref<1x5x2x64xi32, #tpu.memory_space<vmem>> -> memref<5x2x64xi32, #tpu.memory_space<vmem>>
        %dma_wait3A_1579 = arith.constant 0 : i32
        %dma_wait3A_1580 = arith.constant 0 : i32
        %dma_wait3A_1581 = tpu.memref_slice %arg5[%multiple_of3A_1256, %dma_wait3A_1579, %dma_wait3A_1580] : memref<960x2x64xi32, #tpu.memory_space<hbm>> -> memref<5x2x64xi32, #tpu.memory_space<hbm>>
        tpu.wait_dma2 semaphore(%run_scoped3A_1549 : memref<!tpu.dma_semaphore, #tpu.memory_space<semaphore_mem>>) src(%dma_wait3A_1581 : memref<5x2x64xi32, #tpu.memory_space<hbm>>) dst(%dma_wait3A_1578 : memref<5x2x64xi32, #tpu.memory_space<vmem>>)
        tpu.yield
      }) : () -> ()
      %dma_wait3A_1257 = arith.constant 0 : i32
      %dma_wait3A_1258 = arith.constant 1 : i32
      %dma_wait3A_1259 = arith.constant 3 : i32
      %dma_wait3A_1260 = arith.constant 192 : i32
      %dma_wait3A_1261 = arith.constant 0 : i32
      %dma_wait3A_1262 = tpu.memref_slice %arg10[%dma_wait3A_1260, %dma_wait3A_1261] : memref<320x128xf32, #tpu.memory_space<vmem>> -> memref<64x128xf32, #tpu.memory_space<vmem>>
      %dma_wait3A_1263 = arith.constant 0 : i32
      %dma_wait3A_1264 = tpu.memref_slice %arg9[%rem3A_1244, %dma_wait3A_1257, %dma_wait3A_1258, %dma_wait3A_1263] : memref<3x5x2x64xi32, #tpu.memory_space<vmem>> -> memref<1x1x1x64xi32, #tpu.memory_space<vmem>>
      %dma_wait3A_1265 = tpu.memref_squeeze %dma_wait3A_1264 : memref<1x1x1x64xi32, #tpu.memory_space<vmem>> -> memref<64xi32, #tpu.memory_space<vmem>>
      %dma_wait3A_1266 = arith.constant 0 : i32
      %dma_wait3A_1267 = arith.constant 0 : i32
      %dma_wait3A_1268 = tpu.memref_slice %arg8[%dma_wait3A_1266, %dma_wait3A_1267] : memref<10112x128xf32, #tpu.memory_space<vmem_shared>> -> memref<10112x128xf32, #tpu.memory_space<vmem_shared>>
      %dma_wait3A_1269 = tpu.memref_slice %arg12[%dma_wait3A_1259] : memref<5x!tpu.dma_semaphore, #tpu.memory_space<semaphore_mem>> -> memref<1x!tpu.dma_semaphore, #tpu.memory_space<semaphore_mem>>
      %dma_wait3A_1270 = tpu.memref_squeeze %dma_wait3A_1269 : memref<1x!tpu.dma_semaphore, #tpu.memory_space<semaphore_mem>> -> memref<!tpu.dma_semaphore, #tpu.memory_space<semaphore_mem>>
      tpu.wait_indirect_dma semaphore(%dma_wait3A_1270 : memref<!tpu.dma_semaphore, #tpu.memory_space<semaphore_mem>>) src(%dma_wait3A_1262 : memref<64x128xf32, #tpu.memory_space<vmem>>) dst(%dma_wait3A_1268 : memref<10112x128xf32, #tpu.memory_space<vmem_shared>>)
      %dma_start3A_1271 = arith.constant 3 : i32
      %dma_start3A_1272 = arith.constant 0 : i32
      %dma_start3A_1273 = arith.constant 3 : i32
      %dma_start3A_1274 = arith.constant 192 : i32
      %dma_start3A_1275 = arith.constant 0 : i32
      %dma_start3A_1276 = tpu.memref_slice %arg10[%dma_start3A_1274, %dma_start3A_1275] : memref<320x128xf32, #tpu.memory_space<vmem>> -> memref<64x128xf32, #tpu.memory_space<vmem>>
      %dma_start3A_1277 = arith.constant 0 : i32
      %dma_start3A_1278 = tpu.memref_slice %arg9[%rem3A_1244, %dma_start3A_1271, %dma_start3A_1272, %dma_start3A_1277] : memref<3x5x2x64xi32, #tpu.memory_space<vmem>> -> memref<1x1x1x64xi32, #tpu.memory_space<vmem>>
      %dma_start3A_1279 = tpu.memref_squeeze %dma_start3A_1278 : memref<1x1x1x64xi32, #tpu.memory_space<vmem>> -> memref<64xi32, #tpu.memory_space<vmem>>
      %dma_start3A_1280 = arith.constant 0 : i32
      %dma_start3A_1281 = arith.constant 0 : i32
      %dma_start3A_1282 = tpu.memref_slice %arg4[%dma_start3A_1280, %dma_start3A_1281] : memref<10112x128xf32, #tpu.memory_space<hbm>> -> memref<10112x128xf32, #tpu.memory_space<hbm>>
      %dma_start3A_1283 = tpu.memref_slice %arg11[%dma_start3A_1273] : memref<5x!tpu.dma_semaphore, #tpu.memory_space<semaphore_mem>> -> memref<1x!tpu.dma_semaphore, #tpu.memory_space<semaphore_mem>>
      %dma_start3A_1284 = tpu.memref_squeeze %dma_start3A_1283 : memref<1x!tpu.dma_semaphore, #tpu.memory_space<semaphore_mem>> -> memref<!tpu.dma_semaphore, #tpu.memory_space<semaphore_mem>>
      tpu.enqueue_indirect_dma source(%dma_start3A_1282 : memref<10112x128xf32, #tpu.memory_space<hbm>>) target(%dma_start3A_1276 : memref<64x128xf32, #tpu.memory_space<vmem>>) offsets(%dma_start3A_1279 : memref<64xi32, #tpu.memory_space<vmem>>) semaphore(%dma_start3A_1284 : memref<!tpu.dma_semaphore, #tpu.memory_space<semaphore_mem>>)
      %dma_wait3A_1285 = arith.constant 0 : i32
      %dma_wait3A_1286 = arith.constant 0 : i32
      %dma_wait3A_1287 = arith.constant 0 : i32
      %dma_wait3A_1288 = arith.constant 0 : i32
      %dma_wait3A_1289 = arith.constant 0 : i32
      %dma_wait3A_1290 = tpu.memref_slice %arg10[%dma_wait3A_1288, %dma_wait3A_1289] : memref<320x128xf32, #tpu.memory_space<vmem>> -> memref<64x128xf32, #tpu.memory_space<vmem>>
      %dma_wait3A_1291 = arith.constant 0 : i32
      %dma_wait3A_1292 = tpu.memref_slice %arg9[%rem3A_1244, %dma_wait3A_1285, %dma_wait3A_1286, %dma_wait3A_1291] : memref<3x5x2x64xi32, #tpu.memory_space<vmem>> -> memref<1x1x1x64xi32, #tpu.memory_space<vmem>>
      %dma_wait3A_1293 = tpu.memref_squeeze %dma_wait3A_1292 : memref<1x1x1x64xi32, #tpu.memory_space<vmem>> -> memref<64xi32, #tpu.memory_space<vmem>>
      %dma_wait3A_1294 = arith.constant 0 : i32
      %dma_wait3A_1295 = arith.constant 0 : i32
      %dma_wait3A_1296 = tpu.memref_slice %arg4[%dma_wait3A_1294, %dma_wait3A_1295] : memref<10112x128xf32, #tpu.memory_space<hbm>> -> memref<10112x128xf32, #tpu.memory_space<hbm>>
      %dma_wait3A_1297 = tpu.memref_slice %arg11[%dma_wait3A_1287] : memref<5x!tpu.dma_semaphore, #tpu.memory_space<semaphore_mem>> -> memref<1x!tpu.dma_semaphore, #tpu.memory_space<semaphore_mem>>
      %dma_wait3A_1298 = tpu.memref_squeeze %dma_wait3A_1297 : memref<1x!tpu.dma_semaphore, #tpu.memory_space<semaphore_mem>> -> memref<!tpu.dma_semaphore, #tpu.memory_space<semaphore_mem>>
      tpu.wait_indirect_dma semaphore(%dma_wait3A_1298 : memref<!tpu.dma_semaphore, #tpu.memory_space<semaphore_mem>>) src(%dma_wait3A_1296 : memref<10112x128xf32, #tpu.memory_space<hbm>>) dst(%dma_wait3A_1290 : memref<64x128xf32, #tpu.memory_space<vmem>>)
      %dma_start3A_1299 = arith.constant 0 : i32
      %dma_start3A_1300 = arith.constant 1 : i32
      %dma_start3A_1301 = arith.constant 0 : i32
      %dma_start3A_1302 = arith.constant 0 : i32
      %dma_start3A_1303 = arith.constant 0 : i32
      %dma_start3A_1304 = tpu.memref_slice %arg10[%dma_start3A_1302, %dma_start3A_1303] : memref<320x128xf32, #tpu.memory_space<vmem>> -> memref<64x128xf32, #tpu.memory_space<vmem>>
      %dma_start3A_1305 = arith.constant 0 : i32
      %dma_start3A_1306 = tpu.memref_slice %arg9[%rem3A_1244, %dma_start3A_1299, %dma_start3A_1300, %dma_start3A_1305] : memref<3x5x2x64xi32, #tpu.memory_space<vmem>> -> memref<1x1x1x64xi32, #tpu.memory_space<vmem>>
      %dma_start3A_1307 = tpu.memref_squeeze %dma_start3A_1306 : memref<1x1x1x64xi32, #tpu.memory_space<vmem>> -> memref<64xi32, #tpu.memory_space<vmem>>
      %dma_start3A_1308 = arith.constant 0 : i32
      %dma_start3A_1309 = arith.constant 0 : i32
      %dma_start3A_1310 = tpu.memref_slice %arg8[%dma_start3A_1308, %dma_start3A_1309] : memref<10112x128xf32, #tpu.memory_space<vmem_shared>> -> memref<10112x128xf32, #tpu.memory_space<vmem_shared>>
      %dma_start3A_1311 = tpu.memref_slice %arg12[%dma_start3A_1301] : memref<5x!tpu.dma_semaphore, #tpu.memory_space<semaphore_mem>> -> memref<1x!tpu.dma_semaphore, #tpu.memory_space<semaphore_mem>>
      %dma_start3A_1312 = tpu.memref_squeeze %dma_start3A_1311 : memref<1x!tpu.dma_semaphore, #tpu.memory_space<semaphore_mem>> -> memref<!tpu.dma_semaphore, #tpu.memory_space<semaphore_mem>>
      tpu.enqueue_indirect_dma source(%dma_start3A_1304 : memref<64x128xf32, #tpu.memory_space<vmem>>) target(%dma_start3A_1310 : memref<10112x128xf32, #tpu.memory_space<vmem_shared>>) offsets(%dma_start3A_1307 : memref<64xi32, #tpu.memory_space<vmem>>) semaphore(%dma_start3A_1312 : memref<!tpu.dma_semaphore, #tpu.memory_space<semaphore_mem>>) {add = true}
      %dma_wait3A_1313 = arith.constant 1 : i32
      %dma_wait3A_1314 = arith.constant 1 : i32
      %dma_wait3A_1315 = arith.constant 4 : i32
      %dma_wait3A_1316 = arith.constant 256 : i32
      %dma_wait3A_1317 = arith.constant 0 : i32
      %dma_wait3A_1318 = tpu.memref_slice %arg10[%dma_wait3A_1316, %dma_wait3A_1317] : memref<320x128xf32, #tpu.memory_space<vmem>> -> memref<64x128xf32, #tpu.memory_space<vmem>>
      %dma_wait3A_1319 = arith.constant 0 : i32
      %dma_wait3A_1320 = tpu.memref_slice %arg9[%rem3A_1244, %dma_wait3A_1313, %dma_wait3A_1314, %dma_wait3A_1319] : memref<3x5x2x64xi32, #tpu.memory_space<vmem>> -> memref<1x1x1x64xi32, #tpu.memory_space<vmem>>
      %dma_wait3A_1321 = tpu.memref_squeeze %dma_wait3A_1320 : memref<1x1x1x64xi32, #tpu.memory_space<vmem>> -> memref<64xi32, #tpu.memory_space<vmem>>
      %dma_wait3A_1322 = arith.constant 0 : i32
      %dma_wait3A_1323 = arith.constant 0 : i32
      %dma_wait3A_1324 = tpu.memref_slice %arg8[%dma_wait3A_1322, %dma_wait3A_1323] : memref<10112x128xf32, #tpu.memory_space<vmem_shared>> -> memref<10112x128xf32, #tpu.memory_space<vmem_shared>>
      %dma_wait3A_1325 = tpu.memref_slice %arg12[%dma_wait3A_1315] : memref<5x!tpu.dma_semaphore, #tpu.memory_space<semaphore_mem>> -> memref<1x!tpu.dma_semaphore, #tpu.memory_space<semaphore_mem>>
      %dma_wait3A_1326 = tpu.memref_squeeze %dma_wait3A_1325 : memref<1x!tpu.dma_semaphore, #tpu.memory_space<semaphore_mem>> -> memref<!tpu.dma_semaphore, #tpu.memory_space<semaphore_mem>>
      tpu.wait_indirect_dma semaphore(%dma_wait3A_1326 : memref<!tpu.dma_semaphore, #tpu.memory_space<semaphore_mem>>) src(%dma_wait3A_1318 : memref<64x128xf32, #tpu.memory_space<vmem>>) dst(%dma_wait3A_1324 : memref<10112x128xf32, #tpu.memory_space<vmem_shared>>)
      %dma_start3A_1327 = arith.constant 4 : i32
      %dma_start3A_1328 = arith.constant 0 : i32
      %dma_start3A_1329 = arith.constant 4 : i32
      %dma_start3A_1330 = arith.constant 256 : i32
      %dma_start3A_1331 = arith.constant 0 : i32
      %dma_start3A_1332 = tpu.memref_slice %arg10[%dma_start3A_1330, %dma_start3A_1331] : memref<320x128xf32, #tpu.memory_space<vmem>> -> memref<64x128xf32, #tpu.memory_space<vmem>>
      %dma_start3A_1333 = arith.constant 0 : i32
      %dma_start3A_1334 = tpu.memref_slice %arg9[%rem3A_1244, %dma_start3A_1327, %dma_start3A_1328, %dma_start3A_1333] : memref<3x5x2x64xi32, #tpu.memory_space<vmem>> -> memref<1x1x1x64xi32, #tpu.memory_space<vmem>>
      %dma_start3A_1335 = tpu.memref_squeeze %dma_start3A_1334 : memref<1x1x1x64xi32, #tpu.memory_space<vmem>> -> memref<64xi32, #tpu.memory_space<vmem>>
      %dma_start3A_1336 = arith.constant 0 : i32
      %dma_start3A_1337 = arith.constant 0 : i32
      %dma_start3A_1338 = tpu.memref_slice %arg4[%dma_start3A_1336, %dma_start3A_1337] : memref<10112x128xf32, #tpu.memory_space<hbm>> -> memref<10112x128xf32, #tpu.memory_space<hbm>>
      %dma_start3A_1339 = tpu.memref_slice %arg11[%dma_start3A_1329] : memref<5x!tpu.dma_semaphore, #tpu.memory_space<semaphore_mem>> -> memref<1x!tpu.dma_semaphore, #tpu.memory_space<semaphore_mem>>
      %dma_start3A_1340 = tpu.memref_squeeze %dma_start3A_1339 : memref<1x!tpu.dma_semaphore, #tpu.memory_space<semaphore_mem>> -> memref<!tpu.dma_semaphore, #tpu.memory_space<semaphore_mem>>
      tpu.enqueue_indirect_dma source(%dma_start3A_1338 : memref<10112x128xf32, #tpu.memory_space<hbm>>) target(%dma_start3A_1332 : memref<64x128xf32, #tpu.memory_space<vmem>>) offsets(%dma_start3A_1335 : memref<64xi32, #tpu.memory_space<vmem>>) semaphore(%dma_start3A_1340 : memref<!tpu.dma_semaphore, #tpu.memory_space<semaphore_mem>>)
      %dma_wait3A_1341 = arith.constant 1 : i32
      %dma_wait3A_1342 = arith.constant 0 : i32
      %dma_wait3A_1343 = arith.constant 1 : i32
      %dma_wait3A_1344 = arith.constant 64 : i32
      %dma_wait3A_1345 = arith.constant 0 : i32
      %dma_wait3A_1346 = tpu.memref_slice %arg10[%dma_wait3A_1344, %dma_wait3A_1345] : memref<320x128xf32, #tpu.memory_space<vmem>> -> memref<64x128xf32, #tpu.memory_space<vmem>>
      %dma_wait3A_1347 = arith.constant 0 : i32
      %dma_wait3A_1348 = tpu.memref_slice %arg9[%rem3A_1244, %dma_wait3A_1341, %dma_wait3A_1342, %dma_wait3A_1347] : memref<3x5x2x64xi32, #tpu.memory_space<vmem>> -> memref<1x1x1x64xi32, #tpu.memory_space<vmem>>
      %dma_wait3A_1349 = tpu.memref_squeeze %dma_wait3A_1348 : memref<1x1x1x64xi32, #tpu.memory_space<vmem>> -> memref<64xi32, #tpu.memory_space<vmem>>
      %dma_wait3A_1350 = arith.constant 0 : i32
      %dma_wait3A_1351 = arith.constant 0 : i32
      %dma_wait3A_1352 = tpu.memref_slice %arg4[%dma_wait3A_1350, %dma_wait3A_1351] : memref<10112x128xf32, #tpu.memory_space<hbm>> -> memref<10112x128xf32, #tpu.memory_space<hbm>>
      %dma_wait3A_1353 = tpu.memref_slice %arg11[%dma_wait3A_1343] : memref<5x!tpu.dma_semaphore, #tpu.memory_space<semaphore_mem>> -> memref<1x!tpu.dma_semaphore, #tpu.memory_space<semaphore_mem>>
      %dma_wait3A_1354 = tpu.memref_squeeze %dma_wait3A_1353 : memref<1x!tpu.dma_semaphore, #tpu.memory_space<semaphore_mem>> -> memref<!tpu.dma_semaphore, #tpu.memory_space<semaphore_mem>>
      tpu.wait_indirect_dma semaphore(%dma_wait3A_1354 : memref<!tpu.dma_semaphore, #tpu.memory_space<semaphore_mem>>) src(%dma_wait3A_1352 : memref<10112x128xf32, #tpu.memory_space<hbm>>) dst(%dma_wait3A_1346 : memref<64x128xf32, #tpu.memory_space<vmem>>)
      %dma_start3A_1355 = arith.constant 1 : i32
      %dma_start3A_1356 = arith.constant 1 : i32
      %dma_start3A_1357 = arith.constant 1 : i32
      %dma_start3A_1358 = arith.constant 64 : i32
      %dma_start3A_1359 = arith.constant 0 : i32
      %dma_start3A_1360 = tpu.memref_slice %arg10[%dma_start3A_1358, %dma_start3A_1359] : memref<320x128xf32, #tpu.memory_space<vmem>> -> memref<64x128xf32, #tpu.memory_space<vmem>>
      %dma_start3A_1361 = arith.constant 0 : i32
      %dma_start3A_1362 = tpu.memref_slice %arg9[%rem3A_1244, %dma_start3A_1355, %dma_start3A_1356, %dma_start3A_1361] : memref<3x5x2x64xi32, #tpu.memory_space<vmem>> -> memref<1x1x1x64xi32, #tpu.memory_space<vmem>>
      %dma_start3A_1363 = tpu.memref_squeeze %dma_start3A_1362 : memref<1x1x1x64xi32, #tpu.memory_space<vmem>> -> memref<64xi32, #tpu.memory_space<vmem>>
      %dma_start3A_1364 = arith.constant 0 : i32
      %dma_start3A_1365 = arith.constant 0 : i32
      %dma_start3A_1366 = tpu.memref_slice %arg8[%dma_start3A_1364, %dma_start3A_1365] : memref<10112x128xf32, #tpu.memory_space<vmem_shared>> -> memref<10112x128xf32, #tpu.memory_space<vmem_shared>>
      %dma_start3A_1367 = tpu.memref_slice %arg12[%dma_start3A_1357] : memref<5x!tpu.dma_semaphore, #tpu.memory_space<semaphore_mem>> -> memref<1x!tpu.dma_semaphore, #tpu.memory_space<semaphore_mem>>
      %dma_start3A_1368 = tpu.memref_squeeze %dma_start3A_1367 : memref<1x!tpu.dma_semaphore, #tpu.memory_space<semaphore_mem>> -> memref<!tpu.dma_semaphore, #tpu.memory_space<semaphore_mem>>
      tpu.enqueue_indirect_dma source(%dma_start3A_1360 : memref<64x128xf32, #tpu.memory_space<vmem>>) target(%dma_start3A_1366 : memref<10112x128xf32, #tpu.memory_space<vmem_shared>>) offsets(%dma_start3A_1363 : memref<64xi32, #tpu.memory_space<vmem>>) semaphore(%dma_start3A_1368 : memref<!tpu.dma_semaphore, #tpu.memory_space<semaphore_mem>>) {add = true}
      %add3A_1369 = arith.constant 1 : i32
      %add3A_1370 = arith.addi %rem3A_1244, %add3A_1369 : i32
      %rem3A_1371 = arith.constant 3 : i32
      %rem3A_1372 = arith.remsi %add3A_1370, %rem3A_1371 : i32
      %dma_wait3A_1373 = arith.constant 2 : i32
      %dma_wait3A_1374 = arith.constant 1 : i32
      %dma_wait3A_1375 = arith.constant 0 : i32
      %dma_wait3A_1376 = arith.constant 0 : i32
      %dma_wait3A_1377 = arith.constant 0 : i32
      %dma_wait3A_1378 = tpu.memref_slice %arg10[%dma_wait3A_1376, %dma_wait3A_1377] : memref<320x128xf32, #tpu.memory_space<vmem>> -> memref<64x128xf32, #tpu.memory_space<vmem>>
      %dma_wait3A_1379 = arith.constant 0 : i32
      %dma_wait3A_1380 = tpu.memref_slice %arg9[%rem3A_1244, %dma_wait3A_1373, %dma_wait3A_1374, %dma_wait3A_1379] : memref<3x5x2x64xi32, #tpu.memory_space<vmem>> -> memref<1x1x1x64xi32, #tpu.memory_space<vmem>>
      %dma_wait3A_1381 = tpu.memref_squeeze %dma_wait3A_1380 : memref<1x1x1x64xi32, #tpu.memory_space<vmem>> -> memref<64xi32, #tpu.memory_space<vmem>>
      %dma_wait3A_1382 = arith.constant 0 : i32
      %dma_wait3A_1383 = arith.constant 0 : i32
      %dma_wait3A_1384 = tpu.memref_slice %arg8[%dma_wait3A_1382, %dma_wait3A_1383] : memref<10112x128xf32, #tpu.memory_space<vmem_shared>> -> memref<10112x128xf32, #tpu.memory_space<vmem_shared>>
      %dma_wait3A_1385 = tpu.memref_slice %arg12[%dma_wait3A_1375] : memref<5x!tpu.dma_semaphore, #tpu.memory_space<semaphore_mem>> -> memref<1x!tpu.dma_semaphore, #tpu.memory_space<semaphore_mem>>
      %dma_wait3A_1386 = tpu.memref_squeeze %dma_wait3A_1385 : memref<1x!tpu.dma_semaphore, #tpu.memory_space<semaphore_mem>> -> memref<!tpu.dma_semaphore, #tpu.memory_space<semaphore_mem>>
      tpu.wait_indirect_dma semaphore(%dma_wait3A_1386 : memref<!tpu.dma_semaphore, #tpu.memory_space<semaphore_mem>>) src(%dma_wait3A_1378 : memref<64x128xf32, #tpu.memory_space<vmem>>) dst(%dma_wait3A_1384 : memref<10112x128xf32, #tpu.memory_space<vmem_shared>>)
      %dma_start3A_1387 = arith.constant 0 : i32
      %dma_start3A_1388 = arith.constant 0 : i32
      %dma_start3A_1389 = arith.constant 0 : i32
      %dma_start3A_1390 = arith.constant 0 : i32
      %dma_start3A_1391 = arith.constant 0 : i32
      %dma_start3A_1392 = tpu.memref_slice %arg10[%dma_start3A_1390, %dma_start3A_1391] : memref<320x128xf32, #tpu.memory_space<vmem>> -> memref<64x128xf32, #tpu.memory_space<vmem>>
      %dma_start3A_1393 = arith.constant 0 : i32
      %dma_start3A_1394 = tpu.memref_slice %arg9[%rem3A_1372, %dma_start3A_1387, %dma_start3A_1388, %dma_start3A_1393] : memref<3x5x2x64xi32, #tpu.memory_space<vmem>> -> memref<1x1x1x64xi32, #tpu.memory_space<vmem>>
      %dma_start3A_1395 = tpu.memref_squeeze %dma_start3A_1394 : memref<1x1x1x64xi32, #tpu.memory_space<vmem>> -> memref<64xi32, #tpu.memory_space<vmem>>
      %dma_start3A_1396 = arith.constant 0 : i32
      %dma_start3A_1397 = arith.constant 0 : i32
      %dma_start3A_1398 = tpu.memref_slice %arg4[%dma_start3A_1396, %dma_start3A_1397] : memref<10112x128xf32, #tpu.memory_space<hbm>> -> memref<10112x128xf32, #tpu.memory_space<hbm>>
      %dma_start3A_1399 = tpu.memref_slice %arg11[%dma_start3A_1389] : memref<5x!tpu.dma_semaphore, #tpu.memory_space<semaphore_mem>> -> memref<1x!tpu.dma_semaphore, #tpu.memory_space<semaphore_mem>>
      %dma_start3A_1400 = tpu.memref_squeeze %dma_start3A_1399 : memref<1x!tpu.dma_semaphore, #tpu.memory_space<semaphore_mem>> -> memref<!tpu.dma_semaphore, #tpu.memory_space<semaphore_mem>>
      tpu.enqueue_indirect_dma source(%dma_start3A_1398 : memref<10112x128xf32, #tpu.memory_space<hbm>>) target(%dma_start3A_1392 : memref<64x128xf32, #tpu.memory_space<vmem>>) offsets(%dma_start3A_1395 : memref<64xi32, #tpu.memory_space<vmem>>) semaphore(%dma_start3A_1400 : memref<!tpu.dma_semaphore, #tpu.memory_space<semaphore_mem>>)
      %dma_wait3A_1401 = arith.constant 2 : i32
      %dma_wait3A_1402 = arith.constant 0 : i32
      %dma_wait3A_1403 = arith.constant 2 : i32
      %dma_wait3A_1404 = arith.constant 128 : i32
      %dma_wait3A_1405 = arith.constant 0 : i32
      %dma_wait3A_1406 = tpu.memref_slice %arg10[%dma_wait3A_1404, %dma_wait3A_1405] : memref<320x128xf32, #tpu.memory_space<vmem>> -> memref<64x128xf32, #tpu.memory_space<vmem>>
      %dma_wait3A_1407 = arith.constant 0 : i32
      %dma_wait3A_1408 = tpu.memref_slice %arg9[%rem3A_1244, %dma_wait3A_1401, %dma_wait3A_1402, %dma_wait3A_1407] : memref<3x5x2x64xi32, #tpu.memory_space<vmem>> -> memref<1x1x1x64xi32, #tpu.memory_space<vmem>>
      %dma_wait3A_1409 = tpu.memref_squeeze %dma_wait3A_1408 : memref<1x1x1x64xi32, #tpu.memory_space<vmem>> -> memref<64xi32, #tpu.memory_space<vmem>>
      %dma_wait3A_1410 = arith.constant 0 : i32
      %dma_wait3A_1411 = arith.constant 0 : i32
      %dma_wait3A_1412 = tpu.memref_slice %arg4[%dma_wait3A_1410, %dma_wait3A_1411] : memref<10112x128xf32, #tpu.memory_space<hbm>> -> memref<10112x128xf32, #tpu.memory_space<hbm>>
      %dma_wait3A_1413 = tpu.memref_slice %arg11[%dma_wait3A_1403] : memref<5x!tpu.dma_semaphore, #tpu.memory_space<semaphore_mem>> -> memref<1x!tpu.dma_semaphore, #tpu.memory_space<semaphore_mem>>
      %dma_wait3A_1414 = tpu.memref_squeeze %dma_wait3A_1413 : memref<1x!tpu.dma_semaphore, #tpu.memory_space<semaphore_mem>> -> memref<!tpu.dma_semaphore, #tpu.memory_space<semaphore_mem>>
      tpu.wait_indirect_dma semaphore(%dma_wait3A_1414 : memref<!tpu.dma_semaphore, #tpu.memory_space<semaphore_mem>>) src(%dma_wait3A_1412 : memref<10112x128xf32, #tpu.memory_space<hbm>>) dst(%dma_wait3A_1406 : memref<64x128xf32, #tpu.memory_space<vmem>>)
      %dma_start3A_1415 = arith.constant 2 : i32
      %dma_start3A_1416 = arith.constant 1 : i32
      %dma_start3A_1417 = arith.constant 2 : i32
      %dma_start3A_1418 = arith.constant 128 : i32
      %dma_start3A_1419 = arith.constant 0 : i32
      %dma_start3A_1420 = tpu.memref_slice %arg10[%dma_start3A_1418, %dma_start3A_1419] : memref<320x128xf32, #tpu.memory_space<vmem>> -> memref<64x128xf32, #tpu.memory_space<vmem>>
      %dma_start3A_1421 = arith.constant 0 : i32
      %dma_start3A_1422 = tpu.memref_slice %arg9[%rem3A_1244, %dma_start3A_1415, %dma_start3A_1416, %dma_start3A_1421] : memref<3x5x2x64xi32, #tpu.memory_space<vmem>> -> memref<1x1x1x64xi32, #tpu.memory_space<vmem>>
      %dma_start3A_1423 = tpu.memref_squeeze %dma_start3A_1422 : memref<1x1x1x64xi32, #tpu.memory_space<vmem>> -> memref<64xi32, #tpu.memory_space<vmem>>
      %dma_start3A_1424 = arith.constant 0 : i32
      %dma_start3A_1425 = arith.constant 0 : i32
      %dma_start3A_1426 = tpu.memref_slice %arg8[%dma_start3A_1424, %dma_start3A_1425] : memref<10112x128xf32, #tpu.memory_space<vmem_shared>> -> memref<10112x128xf32, #tpu.memory_space<vmem_shared>>
      %dma_start3A_1427 = tpu.memref_slice %arg12[%dma_start3A_1417] : memref<5x!tpu.dma_semaphore, #tpu.memory_space<semaphore_mem>> -> memref<1x!tpu.dma_semaphore, #tpu.memory_space<semaphore_mem>>
      %dma_start3A_1428 = tpu.memref_squeeze %dma_start3A_1427 : memref<1x!tpu.dma_semaphore, #tpu.memory_space<semaphore_mem>> -> memref<!tpu.dma_semaphore, #tpu.memory_space<semaphore_mem>>
      tpu.enqueue_indirect_dma source(%dma_start3A_1420 : memref<64x128xf32, #tpu.memory_space<vmem>>) target(%dma_start3A_1426 : memref<10112x128xf32, #tpu.memory_space<vmem_shared>>) offsets(%dma_start3A_1423 : memref<64xi32, #tpu.memory_space<vmem>>) semaphore(%dma_start3A_1428 : memref<!tpu.dma_semaphore, #tpu.memory_space<semaphore_mem>>) {add = true}
      %add3A_1429 = arith.constant 1 : i32
      %add3A_1430 = arith.addi %rem3A_1244, %add3A_1429 : i32
      %rem3A_1431 = arith.constant 3 : i32
      %rem3A_1432 = arith.remsi %add3A_1430, %rem3A_1431 : i32
      %dma_wait3A_1433 = arith.constant 3 : i32
      %dma_wait3A_1434 = arith.constant 1 : i32
      %dma_wait3A_1435 = arith.constant 1 : i32
      %dma_wait3A_1436 = arith.constant 64 : i32
      %dma_wait3A_1437 = arith.constant 0 : i32
      %dma_wait3A_1438 = tpu.memref_slice %arg10[%dma_wait3A_1436, %dma_wait3A_1437] : memref<320x128xf32, #tpu.memory_space<vmem>> -> memref<64x128xf32, #tpu.memory_space<vmem>>
      %dma_wait3A_1439 = arith.constant 0 : i32
      %dma_wait3A_1440 = tpu.memref_slice %arg9[%rem3A_1244, %dma_wait3A_1433, %dma_wait3A_1434, %dma_wait3A_1439] : memref<3x5x2x64xi32, #tpu.memory_space<vmem>> -> memref<1x1x1x64xi32, #tpu.memory_space<vmem>>
      %dma_wait3A_1441 = tpu.memref_squeeze %dma_wait3A_1440 : memref<1x1x1x64xi32, #tpu.memory_space<vmem>> -> memref<64xi32, #tpu.memory_space<vmem>>
      %dma_wait3A_1442 = arith.constant 0 : i32
      %dma_wait3A_1443 = arith.constant 0 : i32
      %dma_wait3A_1444 = tpu.memref_slice %arg8[%dma_wait3A_1442, %dma_wait3A_1443] : memref<10112x128xf32, #tpu.memory_space<vmem_shared>> -> memref<10112x128xf32, #tpu.memory_space<vmem_shared>>
      %dma_wait3A_1445 = tpu.memref_slice %arg12[%dma_wait3A_1435] : memref<5x!tpu.dma_semaphore, #tpu.memory_space<semaphore_mem>> -> memref<1x!tpu.dma_semaphore, #tpu.memory_space<semaphore_mem>>
      %dma_wait3A_1446 = tpu.memref_squeeze %dma_wait3A_1445 : memref<1x!tpu.dma_semaphore, #tpu.memory_space<semaphore_mem>> -> memref<!tpu.dma_semaphore, #tpu.memory_space<semaphore_mem>>
      tpu.wait_indirect_dma semaphore(%dma_wait3A_1446 : memref<!tpu.dma_semaphore, #tpu.memory_space<semaphore_mem>>) src(%dma_wait3A_1438 : memref<64x128xf32, #tpu.memory_space<vmem>>) dst(%dma_wait3A_1444 : memref<10112x128xf32, #tpu.memory_space<vmem_shared>>)
      %dma_start3A_1447 = arith.constant 1 : i32
      %dma_start3A_1448 = arith.constant 0 : i32
      %dma_start3A_1449 = arith.constant 1 : i32
      %dma_start3A_1450 = arith.constant 64 : i32
      %dma_start3A_1451 = arith.constant 0 : i32
      %dma_start3A_1452 = tpu.memref_slice %arg10[%dma_start3A_1450, %dma_start3A_1451] : memref<320x128xf32, #tpu.memory_space<vmem>> -> memref<64x128xf32, #tpu.memory_space<vmem>>
      %dma_start3A_1453 = arith.constant 0 : i32
      %dma_start3A_1454 = tpu.memref_slice %arg9[%rem3A_1432, %dma_start3A_1447, %dma_start3A_1448, %dma_start3A_1453] : memref<3x5x2x64xi32, #tpu.memory_space<vmem>> -> memref<1x1x1x64xi32, #tpu.memory_space<vmem>>
      %dma_start3A_1455 = tpu.memref_squeeze %dma_start3A_1454 : memref<1x1x1x64xi32, #tpu.memory_space<vmem>> -> memref<64xi32, #tpu.memory_space<vmem>>
      %dma_start3A_1456 = arith.constant 0 : i32
      %dma_start3A_1457 = arith.constant 0 : i32
      %dma_start3A_1458 = tpu.memref_slice %arg4[%dma_start3A_1456, %dma_start3A_1457] : memref<10112x128xf32, #tpu.memory_space<hbm>> -> memref<10112x128xf32, #tpu.memory_space<hbm>>
      %dma_start3A_1459 = tpu.memref_slice %arg11[%dma_start3A_1449] : memref<5x!tpu.dma_semaphore, #tpu.memory_space<semaphore_mem>> -> memref<1x!tpu.dma_semaphore, #tpu.memory_space<semaphore_mem>>
      %dma_start3A_1460 = tpu.memref_squeeze %dma_start3A_1459 : memref<1x!tpu.dma_semaphore, #tpu.memory_space<semaphore_mem>> -> memref<!tpu.dma_semaphore, #tpu.memory_space<semaphore_mem>>
      tpu.enqueue_indirect_dma source(%dma_start3A_1458 : memref<10112x128xf32, #tpu.memory_space<hbm>>) target(%dma_start3A_1452 : memref<64x128xf32, #tpu.memory_space<vmem>>) offsets(%dma_start3A_1455 : memref<64xi32, #tpu.memory_space<vmem>>) semaphore(%dma_start3A_1460 : memref<!tpu.dma_semaphore, #tpu.memory_space<semaphore_mem>>)
      %dma_wait3A_1461 = arith.constant 3 : i32
      %dma_wait3A_1462 = arith.constant 0 : i32
      %dma_wait3A_1463 = arith.constant 3 : i32
      %dma_wait3A_1464 = arith.constant 192 : i32
      %dma_wait3A_1465 = arith.constant 0 : i32
      %dma_wait3A_1466 = tpu.memref_slice %arg10[%dma_wait3A_1464, %dma_wait3A_1465] : memref<320x128xf32, #tpu.memory_space<vmem>> -> memref<64x128xf32, #tpu.memory_space<vmem>>
      %dma_wait3A_1467 = arith.constant 0 : i32
      %dma_wait3A_1468 = tpu.memref_slice %arg9[%rem3A_1244, %dma_wait3A_1461, %dma_wait3A_1462, %dma_wait3A_1467] : memref<3x5x2x64xi32, #tpu.memory_space<vmem>> -> memref<1x1x1x64xi32, #tpu.memory_space<vmem>>
      %dma_wait3A_1469 = tpu.memref_squeeze %dma_wait3A_1468 : memref<1x1x1x64xi32, #tpu.memory_space<vmem>> -> memref<64xi32, #tpu.memory_space<vmem>>
      %dma_wait3A_1470 = arith.constant 0 : i32
      %dma_wait3A_1471 = arith.constant 0 : i32
      %dma_wait3A_1472 = tpu.memref_slice %arg4[%dma_wait3A_1470, %dma_wait3A_1471] : memref<10112x128xf32, #tpu.memory_space<hbm>> -> memref<10112x128xf32, #tpu.memory_space<hbm>>
      %dma_wait3A_1473 = tpu.memref_slice %arg11[%dma_wait3A_1463] : memref<5x!tpu.dma_semaphore, #tpu.memory_space<semaphore_mem>> -> memref<1x!tpu.dma_semaphore, #tpu.memory_space<semaphore_mem>>
      %dma_wait3A_1474 = tpu.memref_squeeze %dma_wait3A_1473 : memref<1x!tpu.dma_semaphore, #tpu.memory_space<semaphore_mem>> -> memref<!tpu.dma_semaphore, #tpu.memory_space<semaphore_mem>>
      tpu.wait_indirect_dma semaphore(%dma_wait3A_1474 : memref<!tpu.dma_semaphore, #tpu.memory_space<semaphore_mem>>) src(%dma_wait3A_1472 : memref<10112x128xf32, #tpu.memory_space<hbm>>) dst(%dma_wait3A_1466 : memref<64x128xf32, #tpu.memory_space<vmem>>)
      %dma_start3A_1475 = arith.constant 3 : i32
      %dma_start3A_1476 = arith.constant 1 : i32
      %dma_start3A_1477 = arith.constant 3 : i32
      %dma_start3A_1478 = arith.constant 192 : i32
      %dma_start3A_1479 = arith.constant 0 : i32
      %dma_start3A_1480 = tpu.memref_slice %arg10[%dma_start3A_1478, %dma_start3A_1479] : memref<320x128xf32, #tpu.memory_space<vmem>> -> memref<64x128xf32, #tpu.memory_space<vmem>>
      %dma_start3A_1481 = arith.constant 0 : i32
      %dma_start3A_1482 = tpu.memref_slice %arg9[%rem3A_1244, %dma_start3A_1475, %dma_start3A_1476, %dma_start3A_1481] : memref<3x5x2x64xi32, #tpu.memory_space<vmem>> -> memref<1x1x1x64xi32, #tpu.memory_space<vmem>>
      %dma_start3A_1483 = tpu.memref_squeeze %dma_start3A_1482 : memref<1x1x1x64xi32, #tpu.memory_space<vmem>> -> memref<64xi32, #tpu.memory_space<vmem>>
      %dma_start3A_1484 = arith.constant 0 : i32
      %dma_start3A_1485 = arith.constant 0 : i32
      %dma_start3A_1486 = tpu.memref_slice %arg8[%dma_start3A_1484, %dma_start3A_1485] : memref<10112x128xf32, #tpu.memory_space<vmem_shared>> -> memref<10112x128xf32, #tpu.memory_space<vmem_shared>>
      %dma_start3A_1487 = tpu.memref_slice %arg12[%dma_start3A_1477] : memref<5x!tpu.dma_semaphore, #tpu.memory_space<semaphore_mem>> -> memref<1x!tpu.dma_semaphore, #tpu.memory_space<semaphore_mem>>
      %dma_start3A_1488 = tpu.memref_squeeze %dma_start3A_1487 : memref<1x!tpu.dma_semaphore, #tpu.memory_space<semaphore_mem>> -> memref<!tpu.dma_semaphore, #tpu.memory_space<semaphore_mem>>
      tpu.enqueue_indirect_dma source(%dma_start3A_1480 : memref<64x128xf32, #tpu.memory_space<vmem>>) target(%dma_start3A_1486 : memref<10112x128xf32, #tpu.memory_space<vmem_shared>>) offsets(%dma_start3A_1483 : memref<64xi32, #tpu.memory_space<vmem>>) semaphore(%dma_start3A_1488 : memref<!tpu.dma_semaphore, #tpu.memory_space<semaphore_mem>>) {add = true}
      %add3A_1489 = arith.constant 1 : i32
      %add3A_1490 = arith.addi %rem3A_1244, %add3A_1489 : i32
      %rem3A_1491 = arith.constant 3 : i32
      %rem3A_1492 = arith.remsi %add3A_1490, %rem3A_1491 : i32
      %dma_wait3A_1493 = arith.constant 4 : i32
      %dma_wait3A_1494 = arith.constant 1 : i32
      %dma_wait3A_1495 = arith.constant 2 : i32
      %dma_wait3A_1496 = arith.constant 128 : i32
      %dma_wait3A_1497 = arith.constant 0 : i32
      %dma_wait3A_1498 = tpu.memref_slice %arg10[%dma_wait3A_1496, %dma_wait3A_1497] : memref<320x128xf32, #tpu.memory_space<vmem>> -> memref<64x128xf32, #tpu.memory_space<vmem>>
      %dma_wait3A_1499 = arith.constant 0 : i32
      %dma_wait3A_1500 = tpu.memref_slice %arg9[%rem3A_1244, %dma_wait3A_1493, %dma_wait3A_1494, %dma_wait3A_1499] : memref<3x5x2x64xi32, #tpu.memory_space<vmem>> -> memref<1x1x1x64xi32, #tpu.memory_space<vmem>>
      %dma_wait3A_1501 = tpu.memref_squeeze %dma_wait3A_1500 : memref<1x1x1x64xi32, #tpu.memory_space<vmem>> -> memref<64xi32, #tpu.memory_space<vmem>>
      %dma_wait3A_1502 = arith.constant 0 : i32
      %dma_wait3A_1503 = arith.constant 0 : i32
      %dma_wait3A_1504 = tpu.memref_slice %arg8[%dma_wait3A_1502, %dma_wait3A_1503] : memref<10112x128xf32, #tpu.memory_space<vmem_shared>> -> memref<10112x128xf32, #tpu.memory_space<vmem_shared>>
      %dma_wait3A_1505 = tpu.memref_slice %arg12[%dma_wait3A_1495] : memref<5x!tpu.dma_semaphore, #tpu.memory_space<semaphore_mem>> -> memref<1x!tpu.dma_semaphore, #tpu.memory_space<semaphore_mem>>
      %dma_wait3A_1506 = tpu.memref_squeeze %dma_wait3A_1505 : memref<1x!tpu.dma_semaphore, #tpu.memory_space<semaphore_mem>> -> memref<!tpu.dma_semaphore, #tpu.memory_space<semaphore_mem>>
      tpu.wait_indirect_dma semaphore(%dma_wait3A_1506 : memref<!tpu.dma_semaphore, #tpu.memory_space<semaphore_mem>>) src(%dma_wait3A_1498 : memref<64x128xf32, #tpu.memory_space<vmem>>) dst(%dma_wait3A_1504 : memref<10112x128xf32, #tpu.memory_space<vmem_shared>>)
      %dma_start3A_1507 = arith.constant 2 : i32
      %dma_start3A_1508 = arith.constant 0 : i32
      %dma_start3A_1509 = arith.constant 2 : i32
      %dma_start3A_1510 = arith.constant 128 : i32
      %dma_start3A_1511 = arith.constant 0 : i32
      %dma_start3A_1512 = tpu.memref_slice %arg10[%dma_start3A_1510, %dma_start3A_1511] : memref<320x128xf32, #tpu.memory_space<vmem>> -> memref<64x128xf32, #tpu.memory_space<vmem>>
      %dma_start3A_1513 = arith.constant 0 : i32
      %dma_start3A_1514 = tpu.memref_slice %arg9[%rem3A_1492, %dma_start3A_1507, %dma_start3A_1508, %dma_start3A_1513] : memref<3x5x2x64xi32, #tpu.memory_space<vmem>> -> memref<1x1x1x64xi32, #tpu.memory_space<vmem>>
      %dma_start3A_1515 = tpu.memref_squeeze %dma_start3A_1514 : memref<1x1x1x64xi32, #tpu.memory_space<vmem>> -> memref<64xi32, #tpu.memory_space<vmem>>
      %dma_start3A_1516 = arith.constant 0 : i32
      %dma_start3A_1517 = arith.constant 0 : i32
      %dma_start3A_1518 = tpu.memref_slice %arg4[%dma_start3A_1516, %dma_start3A_1517] : memref<10112x128xf32, #tpu.memory_space<hbm>> -> memref<10112x128xf32, #tpu.memory_space<hbm>>
      %dma_start3A_1519 = tpu.memref_slice %arg11[%dma_start3A_1509] : memref<5x!tpu.dma_semaphore, #tpu.memory_space<semaphore_mem>> -> memref<1x!tpu.dma_semaphore, #tpu.memory_space<semaphore_mem>>
      %dma_start3A_1520 = tpu.memref_squeeze %dma_start3A_1519 : memref<1x!tpu.dma_semaphore, #tpu.memory_space<semaphore_mem>> -> memref<!tpu.dma_semaphore, #tpu.memory_space<semaphore_mem>>
      tpu.enqueue_indirect_dma source(%dma_start3A_1518 : memref<10112x128xf32, #tpu.memory_space<hbm>>) target(%dma_start3A_1512 : memref<64x128xf32, #tpu.memory_space<vmem>>) offsets(%dma_start3A_1515 : memref<64xi32, #tpu.memory_space<vmem>>) semaphore(%dma_start3A_1520 : memref<!tpu.dma_semaphore, #tpu.memory_space<semaphore_mem>>)
      %dma_wait3A_1521 = arith.constant 4 : i32
      %dma_wait3A_1522 = arith.constant 0 : i32
      %dma_wait3A_1523 = arith.constant 4 : i32
      %dma_wait3A_1524 = arith.constant 256 : i32
      %dma_wait3A_1525 = arith.constant 0 : i32
      %dma_wait3A_1526 = tpu.memref_slice %arg10[%dma_wait3A_1524, %dma_wait3A_1525] : memref<320x128xf32, #tpu.memory_space<vmem>> -> memref<64x128xf32, #tpu.memory_space<vmem>>
      %dma_wait3A_1527 = arith.constant 0 : i32
      %dma_wait3A_1528 = tpu.memref_slice %arg9[%rem3A_1244, %dma_wait3A_1521, %dma_wait3A_1522, %dma_wait3A_1527] : memref<3x5x2x64xi32, #tpu.memory_space<vmem>> -> memref<1x1x1x64xi32, #tpu.memory_space<vmem>>
      %dma_wait3A_1529 = tpu.memref_squeeze %dma_wait3A_1528 : memref<1x1x1x64xi32, #tpu.memory_space<vmem>> -> memref<64xi32, #tpu.memory_space<vmem>>
      %dma_wait3A_1530 = arith.constant 0 : i32
      %dma_wait3A_1531 = arith.constant 0 : i32
      %dma_wait3A_1532 = tpu.memref_slice %arg4[%dma_wait3A_1530, %dma_wait3A_1531] : memref<10112x128xf32, #tpu.memory_space<hbm>> -> memref<10112x128xf32, #tpu.memory_space<hbm>>
      %dma_wait3A_1533 = tpu.memref_slice %arg11[%dma_wait3A_1523] : memref<5x!tpu.dma_semaphore, #tpu.memory_space<semaphore_mem>> -> memref<1x!tpu.dma_semaphore, #tpu.memory_space<semaphore_mem>>
      %dma_wait3A_1534 = tpu.memref_squeeze %dma_wait3A_1533 : memref<1x!tpu.dma_semaphore, #tpu.memory_space<semaphore_mem>> -> memref<!tpu.dma_semaphore, #tpu.memory_space<semaphore_mem>>
      tpu.wait_indirect_dma semaphore(%dma_wait3A_1534 : memref<!tpu.dma_semaphore, #tpu.memory_space<semaphore_mem>>) src(%dma_wait3A_1532 : memref<10112x128xf32, #tpu.memory_space<hbm>>) dst(%dma_wait3A_1526 : memref<64x128xf32, #tpu.memory_space<vmem>>)
      %dma_start3A_1535 = arith.constant 4 : i32
      %dma_start3A_1536 = arith.constant 1 : i32
      %dma_start3A_1537 = arith.constant 4 : i32
      %dma_start3A_1538 = arith.constant 256 : i32
      %dma_start3A_1539 = arith.constant 0 : i32
      %dma_start3A_1540 = tpu.memref_slice %arg10[%dma_start3A_1538, %dma_start3A_1539] : memref<320x128xf32, #tpu.memory_space<vmem>> -> memref<64x128xf32, #tpu.memory_space<vmem>>
      %dma_start3A_1541 = arith.constant 0 : i32
      %dma_start3A_1542 = tpu.memref_slice %arg9[%rem3A_1244, %dma_start3A_1535, %dma_start3A_1536, %dma_start3A_1541] : memref<3x5x2x64xi32, #tpu.memory_space<vmem>> -> memref<1x1x1x64xi32, #tpu.memory_space<vmem>>
      %dma_start3A_1543 = tpu.memref_squeeze %dma_start3A_1542 : memref<1x1x1x64xi32, #tpu.memory_space<vmem>> -> memref<64xi32, #tpu.memory_space<vmem>>
      %dma_start3A_1544 = arith.constant 0 : i32
      %dma_start3A_1545 = arith.constant 0 : i32
      %dma_start3A_1546 = tpu.memref_slice %arg8[%dma_start3A_1544, %dma_start3A_1545] : memref<10112x128xf32, #tpu.memory_space<vmem_shared>> -> memref<10112x128xf32, #tpu.memory_space<vmem_shared>>
      %dma_start3A_1547 = tpu.memref_slice %arg12[%dma_start3A_1537] : memref<5x!tpu.dma_semaphore, #tpu.memory_space<semaphore_mem>> -> memref<1x!tpu.dma_semaphore, #tpu.memory_space<semaphore_mem>>
      %dma_start3A_1548 = tpu.memref_squeeze %dma_start3A_1547 : memref<1x!tpu.dma_semaphore, #tpu.memory_space<semaphore_mem>> -> memref<!tpu.dma_semaphore, #tpu.memory_space<semaphore_mem>>
      tpu.enqueue_indirect_dma source(%dma_start3A_1540 : memref<64x128xf32, #tpu.memory_space<vmem>>) target(%dma_start3A_1546 : memref<10112x128xf32, #tpu.memory_space<vmem_shared>>) offsets(%dma_start3A_1543 : memref<64xi32, #tpu.memory_space<vmem>>) semaphore(%dma_start3A_1548 : memref<!tpu.dma_semaphore, #tpu.memory_space<semaphore_mem>>) {add = true}
    }
    %scan3A_948 = arith.constant 4 : i32
    %dma_wait3A_949 = arith.constant 2 : i32
    %dma_wait3A_950 = arith.constant 0 : i32
    %dma_wait3A_951 = arith.constant 1 : i32
    %dma_wait3A_952 = arith.constant 3 : i32
    %dma_wait3A_953 = arith.constant 192 : i32
    %dma_wait3A_954 = arith.constant 0 : i32
    %dma_wait3A_955 = tpu.memref_slice %arg10[%dma_wait3A_953, %dma_wait3A_954] : memref<320x128xf32, #tpu.memory_space<vmem>> -> memref<64x128xf32, #tpu.memory_space<vmem>>
    %dma_wait3A_956 = arith.constant 0 : i32
    %dma_wait3A_957 = tpu.memref_slice %arg9[%dma_wait3A_949, %dma_wait3A_950, %dma_wait3A_951, %dma_wait3A_956] : memref<3x5x2x64xi32, #tpu.memory_space<vmem>> -> memref<1x1x1x64xi32, #tpu.memory_space<vmem>>
    %dma_wait3A_958 = tpu.memref_squeeze %dma_wait3A_957 : memref<1x1x1x64xi32, #tpu.memory_space<vmem>> -> memref<64xi32, #tpu.memory_space<vmem>>
    %dma_wait3A_959 = arith.constant 0 : i32
    %dma_wait3A_960 = arith.constant 0 : i32
    %dma_wait3A_961 = tpu.memref_slice %arg8[%dma_wait3A_959, %dma_wait3A_960] : memref<10112x128xf32, #tpu.memory_space<vmem_shared>> -> memref<10112x128xf32, #tpu.memory_space<vmem_shared>>
    %dma_wait3A_962 = tpu.memref_slice %arg12[%dma_wait3A_952] : memref<5x!tpu.dma_semaphore, #tpu.memory_space<semaphore_mem>> -> memref<1x!tpu.dma_semaphore, #tpu.memory_space<semaphore_mem>>
    %dma_wait3A_963 = tpu.memref_squeeze %dma_wait3A_962 : memref<1x!tpu.dma_semaphore, #tpu.memory_space<semaphore_mem>> -> memref<!tpu.dma_semaphore, #tpu.memory_space<semaphore_mem>>
    tpu.wait_indirect_dma semaphore(%dma_wait3A_963 : memref<!tpu.dma_semaphore, #tpu.memory_space<semaphore_mem>>) src(%dma_wait3A_955 : memref<64x128xf32, #tpu.memory_space<vmem>>) dst(%dma_wait3A_961 : memref<10112x128xf32, #tpu.memory_space<vmem_shared>>)
    %dma_start3A_964 = arith.constant 2 : i32
    %dma_start3A_965 = arith.constant 3 : i32
    %dma_start3A_966 = arith.constant 0 : i32
    %dma_start3A_967 = arith.constant 3 : i32
    %dma_start3A_968 = arith.constant 192 : i32
    %dma_start3A_969 = arith.constant 0 : i32
    %dma_start3A_970 = tpu.memref_slice %arg10[%dma_start3A_968, %dma_start3A_969] : memref<320x128xf32, #tpu.memory_space<vmem>> -> memref<64x128xf32, #tpu.memory_space<vmem>>
    %dma_start3A_971 = arith.constant 0 : i32
    %dma_start3A_972 = tpu.memref_slice %arg9[%dma_start3A_964, %dma_start3A_965, %dma_start3A_966, %dma_start3A_971] : memref<3x5x2x64xi32, #tpu.memory_space<vmem>> -> memref<1x1x1x64xi32, #tpu.memory_space<vmem>>
    %dma_start3A_973 = tpu.memref_squeeze %dma_start3A_972 : memref<1x1x1x64xi32, #tpu.memory_space<vmem>> -> memref<64xi32, #tpu.memory_space<vmem>>
    %dma_start3A_974 = arith.constant 0 : i32
    %dma_start3A_975 = arith.constant 0 : i32
    %dma_start3A_976 = tpu.memref_slice %arg4[%dma_start3A_974, %dma_start3A_975] : memref<10112x128xf32, #tpu.memory_space<hbm>> -> memref<10112x128xf32, #tpu.memory_space<hbm>>
    %dma_start3A_977 = tpu.memref_slice %arg11[%dma_start3A_967] : memref<5x!tpu.dma_semaphore, #tpu.memory_space<semaphore_mem>> -> memref<1x!tpu.dma_semaphore, #tpu.memory_space<semaphore_mem>>
    %dma_start3A_978 = tpu.memref_squeeze %dma_start3A_977 : memref<1x!tpu.dma_semaphore, #tpu.memory_space<semaphore_mem>> -> memref<!tpu.dma_semaphore, #tpu.memory_space<semaphore_mem>>
    tpu.enqueue_indirect_dma source(%dma_start3A_976 : memref<10112x128xf32, #tpu.memory_space<hbm>>) target(%dma_start3A_970 : memref<64x128xf32, #tpu.memory_space<vmem>>) offsets(%dma_start3A_973 : memref<64xi32, #tpu.memory_space<vmem>>) semaphore(%dma_start3A_978 : memref<!tpu.dma_semaphore, #tpu.memory_space<semaphore_mem>>)
    %dma_wait3A_979 = arith.constant 2 : i32
    %dma_wait3A_980 = arith.constant 0 : i32
    %dma_wait3A_981 = arith.constant 0 : i32
    %dma_wait3A_982 = arith.constant 0 : i32
    %dma_wait3A_983 = arith.constant 0 : i32
    %dma_wait3A_984 = arith.constant 0 : i32
    %dma_wait3A_985 = tpu.memref_slice %arg10[%dma_wait3A_983, %dma_wait3A_984] : memref<320x128xf32, #tpu.memory_space<vmem>> -> memref<64x128xf32, #tpu.memory_space<vmem>>
    %dma_wait3A_986 = arith.constant 0 : i32
    %dma_wait3A_987 = tpu.memref_slice %arg9[%dma_wait3A_979, %dma_wait3A_980, %dma_wait3A_981, %dma_wait3A_986] : memref<3x5x2x64xi32, #tpu.memory_space<vmem>> -> memref<1x1x1x64xi32, #tpu.memory_space<vmem>>
    %dma_wait3A_988 = tpu.memref_squeeze %dma_wait3A_987 : memref<1x1x1x64xi32, #tpu.memory_space<vmem>> -> memref<64xi32, #tpu.memory_space<vmem>>
    %dma_wait3A_989 = arith.constant 0 : i32
    %dma_wait3A_990 = arith.constant 0 : i32
    %dma_wait3A_991 = tpu.memref_slice %arg4[%dma_wait3A_989, %dma_wait3A_990] : memref<10112x128xf32, #tpu.memory_space<hbm>> -> memref<10112x128xf32, #tpu.memory_space<hbm>>
    %dma_wait3A_992 = tpu.memref_slice %arg11[%dma_wait3A_982] : memref<5x!tpu.dma_semaphore, #tpu.memory_space<semaphore_mem>> -> memref<1x!tpu.dma_semaphore, #tpu.memory_space<semaphore_mem>>
    %dma_wait3A_993 = tpu.memref_squeeze %dma_wait3A_992 : memref<1x!tpu.dma_semaphore, #tpu.memory_space<semaphore_mem>> -> memref<!tpu.dma_semaphore, #tpu.memory_space<semaphore_mem>>
    tpu.wait_indirect_dma semaphore(%dma_wait3A_993 : memref<!tpu.dma_semaphore, #tpu.memory_space<semaphore_mem>>) src(%dma_wait3A_991 : memref<10112x128xf32, #tpu.memory_space<hbm>>) dst(%dma_wait3A_985 : memref<64x128xf32, #tpu.memory_space<vmem>>)
    %dma_start3A_994 = arith.constant 2 : i32
    %dma_start3A_995 = arith.constant 0 : i32
    %dma_start3A_996 = arith.constant 1 : i32
    %dma_start3A_997 = arith.constant 0 : i32
    %dma_start3A_998 = arith.constant 0 : i32
    %dma_start3A_999 = arith.constant 0 : i32
    %dma_start3A_1000 = tpu.memref_slice %arg10[%dma_start3A_998, %dma_start3A_999] : memref<320x128xf32, #tpu.memory_space<vmem>> -> memref<64x128xf32, #tpu.memory_space<vmem>>
    %dma_start3A_1001 = arith.constant 0 : i32
    %dma_start3A_1002 = tpu.memref_slice %arg9[%dma_start3A_994, %dma_start3A_995, %dma_start3A_996, %dma_start3A_1001] : memref<3x5x2x64xi32, #tpu.memory_space<vmem>> -> memref<1x1x1x64xi32, #tpu.memory_space<vmem>>
    %dma_start3A_1003 = tpu.memref_squeeze %dma_start3A_1002 : memref<1x1x1x64xi32, #tpu.memory_space<vmem>> -> memref<64xi32, #tpu.memory_space<vmem>>
    %dma_start3A_1004 = arith.constant 0 : i32
    %dma_start3A_1005 = arith.constant 0 : i32
    %dma_start3A_1006 = tpu.memref_slice %arg8[%dma_start3A_1004, %dma_start3A_1005] : memref<10112x128xf32, #tpu.memory_space<vmem_shared>> -> memref<10112x128xf32, #tpu.memory_space<vmem_shared>>
    %dma_start3A_1007 = tpu.memref_slice %arg12[%dma_start3A_997] : memref<5x!tpu.dma_semaphore, #tpu.memory_space<semaphore_mem>> -> memref<1x!tpu.dma_semaphore, #tpu.memory_space<semaphore_mem>>
    %dma_start3A_1008 = tpu.memref_squeeze %dma_start3A_1007 : memref<1x!tpu.dma_semaphore, #tpu.memory_space<semaphore_mem>> -> memref<!tpu.dma_semaphore, #tpu.memory_space<semaphore_mem>>
    tpu.enqueue_indirect_dma source(%dma_start3A_1000 : memref<64x128xf32, #tpu.memory_space<vmem>>) target(%dma_start3A_1006 : memref<10112x128xf32, #tpu.memory_space<vmem_shared>>) offsets(%dma_start3A_1003 : memref<64xi32, #tpu.memory_space<vmem>>) semaphore(%dma_start3A_1008 : memref<!tpu.dma_semaphore, #tpu.memory_space<semaphore_mem>>) {add = true}
    %dma_wait3A_1009 = arith.constant 2 : i32
    %dma_wait3A_1010 = arith.constant 1 : i32
    %dma_wait3A_1011 = arith.constant 1 : i32
    %dma_wait3A_1012 = arith.constant 4 : i32
    %dma_wait3A_1013 = arith.constant 256 : i32
    %dma_wait3A_1014 = arith.constant 0 : i32
    %dma_wait3A_1015 = tpu.memref_slice %arg10[%dma_wait3A_1013, %dma_wait3A_1014] : memref<320x128xf32, #tpu.memory_space<vmem>> -> memref<64x128xf32, #tpu.memory_space<vmem>>
    %dma_wait3A_1016 = arith.constant 0 : i32
    %dma_wait3A_1017 = tpu.memref_slice %arg9[%dma_wait3A_1009, %dma_wait3A_1010, %dma_wait3A_1011, %dma_wait3A_1016] : memref<3x5x2x64xi32, #tpu.memory_space<vmem>> -> memref<1x1x1x64xi32, #tpu.memory_space<vmem>>
    %dma_wait3A_1018 = tpu.memref_squeeze %dma_wait3A_1017 : memref<1x1x1x64xi32, #tpu.memory_space<vmem>> -> memref<64xi32, #tpu.memory_space<vmem>>
    %dma_wait3A_1019 = arith.constant 0 : i32
    %dma_wait3A_1020 = arith.constant 0 : i32
    %dma_wait3A_1021 = tpu.memref_slice %arg8[%dma_wait3A_1019, %dma_wait3A_1020] : memref<10112x128xf32, #tpu.memory_space<vmem_shared>> -> memref<10112x128xf32, #tpu.memory_space<vmem_shared>>
    %dma_wait3A_1022 = tpu.memref_slice %arg12[%dma_wait3A_1012] : memref<5x!tpu.dma_semaphore, #tpu.memory_space<semaphore_mem>> -> memref<1x!tpu.dma_semaphore, #tpu.memory_space<semaphore_mem>>
    %dma_wait3A_1023 = tpu.memref_squeeze %dma_wait3A_1022 : memref<1x!tpu.dma_semaphore, #tpu.memory_space<semaphore_mem>> -> memref<!tpu.dma_semaphore, #tpu.memory_space<semaphore_mem>>
    tpu.wait_indirect_dma semaphore(%dma_wait3A_1023 : memref<!tpu.dma_semaphore, #tpu.memory_space<semaphore_mem>>) src(%dma_wait3A_1015 : memref<64x128xf32, #tpu.memory_space<vmem>>) dst(%dma_wait3A_1021 : memref<10112x128xf32, #tpu.memory_space<vmem_shared>>)
    %dma_start3A_1024 = arith.constant 2 : i32
    %dma_start3A_1025 = arith.constant 4 : i32
    %dma_start3A_1026 = arith.constant 0 : i32
    %dma_start3A_1027 = arith.constant 4 : i32
    %dma_start3A_1028 = arith.constant 256 : i32
    %dma_start3A_1029 = arith.constant 0 : i32
    %dma_start3A_1030 = tpu.memref_slice %arg10[%dma_start3A_1028, %dma_start3A_1029] : memref<320x128xf32, #tpu.memory_space<vmem>> -> memref<64x128xf32, #tpu.memory_space<vmem>>
    %dma_start3A_1031 = arith.constant 0 : i32
    %dma_start3A_1032 = tpu.memref_slice %arg9[%dma_start3A_1024, %dma_start3A_1025, %dma_start3A_1026, %dma_start3A_1031] : memref<3x5x2x64xi32, #tpu.memory_space<vmem>> -> memref<1x1x1x64xi32, #tpu.memory_space<vmem>>
    %dma_start3A_1033 = tpu.memref_squeeze %dma_start3A_1032 : memref<1x1x1x64xi32, #tpu.memory_space<vmem>> -> memref<64xi32, #tpu.memory_space<vmem>>
    %dma_start3A_1034 = arith.constant 0 : i32
    %dma_start3A_1035 = arith.constant 0 : i32
    %dma_start3A_1036 = tpu.memref_slice %arg4[%dma_start3A_1034, %dma_start3A_1035] : memref<10112x128xf32, #tpu.memory_space<hbm>> -> memref<10112x128xf32, #tpu.memory_space<hbm>>
    %dma_start3A_1037 = tpu.memref_slice %arg11[%dma_start3A_1027] : memref<5x!tpu.dma_semaphore, #tpu.memory_space<semaphore_mem>> -> memref<1x!tpu.dma_semaphore, #tpu.memory_space<semaphore_mem>>
    %dma_start3A_1038 = tpu.memref_squeeze %dma_start3A_1037 : memref<1x!tpu.dma_semaphore, #tpu.memory_space<semaphore_mem>> -> memref<!tpu.dma_semaphore, #tpu.memory_space<semaphore_mem>>
    tpu.enqueue_indirect_dma source(%dma_start3A_1036 : memref<10112x128xf32, #tpu.memory_space<hbm>>) target(%dma_start3A_1030 : memref<64x128xf32, #tpu.memory_space<vmem>>) offsets(%dma_start3A_1033 : memref<64xi32, #tpu.memory_space<vmem>>) semaphore(%dma_start3A_1038 : memref<!tpu.dma_semaphore, #tpu.memory_space<semaphore_mem>>)
    %dma_wait3A_1039 = arith.constant 2 : i32
    %dma_wait3A_1040 = arith.constant 1 : i32
    %dma_wait3A_1041 = arith.constant 0 : i32
    %dma_wait3A_1042 = arith.constant 1 : i32
    %dma_wait3A_1043 = arith.constant 64 : i32
    %dma_wait3A_1044 = arith.constant 0 : i32
    %dma_wait3A_1045 = tpu.memref_slice %arg10[%dma_wait3A_1043, %dma_wait3A_1044] : memref<320x128xf32, #tpu.memory_space<vmem>> -> memref<64x128xf32, #tpu.memory_space<vmem>>
    %dma_wait3A_1046 = arith.constant 0 : i32
    %dma_wait3A_1047 = tpu.memref_slice %arg9[%dma_wait3A_1039, %dma_wait3A_1040, %dma_wait3A_1041, %dma_wait3A_1046] : memref<3x5x2x64xi32, #tpu.memory_space<vmem>> -> memref<1x1x1x64xi32, #tpu.memory_space<vmem>>
    %dma_wait3A_1048 = tpu.memref_squeeze %dma_wait3A_1047 : memref<1x1x1x64xi32, #tpu.memory_space<vmem>> -> memref<64xi32, #tpu.memory_space<vmem>>
    %dma_wait3A_1049 = arith.constant 0 : i32
    %dma_wait3A_1050 = arith.constant 0 : i32
    %dma_wait3A_1051 = tpu.memref_slice %arg4[%dma_wait3A_1049, %dma_wait3A_1050] : memref<10112x128xf32, #tpu.memory_space<hbm>> -> memref<10112x128xf32, #tpu.memory_space<hbm>>
    %dma_wait3A_1052 = tpu.memref_slice %arg11[%dma_wait3A_1042] : memref<5x!tpu.dma_semaphore, #tpu.memory_space<semaphore_mem>> -> memref<1x!tpu.dma_semaphore, #tpu.memory_space<semaphore_mem>>
    %dma_wait3A_1053 = tpu.memref_squeeze %dma_wait3A_1052 : memref<1x!tpu.dma_semaphore, #tpu.memory_space<semaphore_mem>> -> memref<!tpu.dma_semaphore, #tpu.memory_space<semaphore_mem>>
    tpu.wait_indirect_dma semaphore(%dma_wait3A_1053 : memref<!tpu.dma_semaphore, #tpu.memory_space<semaphore_mem>>) src(%dma_wait3A_1051 : memref<10112x128xf32, #tpu.memory_space<hbm>>) dst(%dma_wait3A_1045 : memref<64x128xf32, #tpu.memory_space<vmem>>)
    %dma_start3A_1054 = arith.constant 2 : i32
    %dma_start3A_1055 = arith.constant 1 : i32
    %dma_start3A_1056 = arith.constant 1 : i32
    %dma_start3A_1057 = arith.constant 1 : i32
    %dma_start3A_1058 = arith.constant 64 : i32
    %dma_start3A_1059 = arith.constant 0 : i32
    %dma_start3A_1060 = tpu.memref_slice %arg10[%dma_start3A_1058, %dma_start3A_1059] : memref<320x128xf32, #tpu.memory_space<vmem>> -> memref<64x128xf32, #tpu.memory_space<vmem>>
    %dma_start3A_1061 = arith.constant 0 : i32
    %dma_start3A_1062 = tpu.memref_slice %arg9[%dma_start3A_1054, %dma_start3A_1055, %dma_start3A_1056, %dma_start3A_1061] : memref<3x5x2x64xi32, #tpu.memory_space<vmem>> -> memref<1x1x1x64xi32, #tpu.memory_space<vmem>>
    %dma_start3A_1063 = tpu.memref_squeeze %dma_start3A_1062 : memref<1x1x1x64xi32, #tpu.memory_space<vmem>> -> memref<64xi32, #tpu.memory_space<vmem>>
    %dma_start3A_1064 = arith.constant 0 : i32
    %dma_start3A_1065 = arith.constant 0 : i32
    %dma_start3A_1066 = tpu.memref_slice %arg8[%dma_start3A_1064, %dma_start3A_1065] : memref<10112x128xf32, #tpu.memory_space<vmem_shared>> -> memref<10112x128xf32, #tpu.memory_space<vmem_shared>>
    %dma_start3A_1067 = tpu.memref_slice %arg12[%dma_start3A_1057] : memref<5x!tpu.dma_semaphore, #tpu.memory_space<semaphore_mem>> -> memref<1x!tpu.dma_semaphore, #tpu.memory_space<semaphore_mem>>
    %dma_start3A_1068 = tpu.memref_squeeze %dma_start3A_1067 : memref<1x!tpu.dma_semaphore, #tpu.memory_space<semaphore_mem>> -> memref<!tpu.dma_semaphore, #tpu.memory_space<semaphore_mem>>
    tpu.enqueue_indirect_dma source(%dma_start3A_1060 : memref<64x128xf32, #tpu.memory_space<vmem>>) target(%dma_start3A_1066 : memref<10112x128xf32, #tpu.memory_space<vmem_shared>>) offsets(%dma_start3A_1063 : memref<64xi32, #tpu.memory_space<vmem>>) semaphore(%dma_start3A_1068 : memref<!tpu.dma_semaphore, #tpu.memory_space<semaphore_mem>>) {add = true}
    %dma_wait3A_1069 = arith.constant 2 : i32
    %dma_wait3A_1070 = arith.constant 2 : i32
    %dma_wait3A_1071 = arith.constant 0 : i32
    %dma_wait3A_1072 = arith.constant 2 : i32
    %dma_wait3A_1073 = arith.constant 128 : i32
    %dma_wait3A_1074 = arith.constant 0 : i32
    %dma_wait3A_1075 = tpu.memref_slice %arg10[%dma_wait3A_1073, %dma_wait3A_1074] : memref<320x128xf32, #tpu.memory_space<vmem>> -> memref<64x128xf32, #tpu.memory_space<vmem>>
    %dma_wait3A_1076 = arith.constant 0 : i32
    %dma_wait3A_1077 = tpu.memref_slice %arg9[%dma_wait3A_1069, %dma_wait3A_1070, %dma_wait3A_1071, %dma_wait3A_1076] : memref<3x5x2x64xi32, #tpu.memory_space<vmem>> -> memref<1x1x1x64xi32, #tpu.memory_space<vmem>>
    %dma_wait3A_1078 = tpu.memref_squeeze %dma_wait3A_1077 : memref<1x1x1x64xi32, #tpu.memory_space<vmem>> -> memref<64xi32, #tpu.memory_space<vmem>>
    %dma_wait3A_1079 = arith.constant 0 : i32
    %dma_wait3A_1080 = arith.constant 0 : i32
    %dma_wait3A_1081 = tpu.memref_slice %arg4[%dma_wait3A_1079, %dma_wait3A_1080] : memref<10112x128xf32, #tpu.memory_space<hbm>> -> memref<10112x128xf32, #tpu.memory_space<hbm>>
    %dma_wait3A_1082 = tpu.memref_slice %arg11[%dma_wait3A_1072] : memref<5x!tpu.dma_semaphore, #tpu.memory_space<semaphore_mem>> -> memref<1x!tpu.dma_semaphore, #tpu.memory_space<semaphore_mem>>
    %dma_wait3A_1083 = tpu.memref_squeeze %dma_wait3A_1082 : memref<1x!tpu.dma_semaphore, #tpu.memory_space<semaphore_mem>> -> memref<!tpu.dma_semaphore, #tpu.memory_space<semaphore_mem>>
    tpu.wait_indirect_dma semaphore(%dma_wait3A_1083 : memref<!tpu.dma_semaphore, #tpu.memory_space<semaphore_mem>>) src(%dma_wait3A_1081 : memref<10112x128xf32, #tpu.memory_space<hbm>>) dst(%dma_wait3A_1075 : memref<64x128xf32, #tpu.memory_space<vmem>>)
    %dma_start3A_1084 = arith.constant 2 : i32
    %dma_start3A_1085 = arith.constant 2 : i32
    %dma_start3A_1086 = arith.constant 1 : i32
    %dma_start3A_1087 = arith.constant 2 : i32
    %dma_start3A_1088 = arith.constant 128 : i32
    %dma_start3A_1089 = arith.constant 0 : i32
    %dma_start3A_1090 = tpu.memref_slice %arg10[%dma_start3A_1088, %dma_start3A_1089] : memref<320x128xf32, #tpu.memory_space<vmem>> -> memref<64x128xf32, #tpu.memory_space<vmem>>
    %dma_start3A_1091 = arith.constant 0 : i32
    %dma_start3A_1092 = tpu.memref_slice %arg9[%dma_start3A_1084, %dma_start3A_1085, %dma_start3A_1086, %dma_start3A_1091] : memref<3x5x2x64xi32, #tpu.memory_space<vmem>> -> memref<1x1x1x64xi32, #tpu.memory_space<vmem>>
    %dma_start3A_1093 = tpu.memref_squeeze %dma_start3A_1092 : memref<1x1x1x64xi32, #tpu.memory_space<vmem>> -> memref<64xi32, #tpu.memory_space<vmem>>
    %dma_start3A_1094 = arith.constant 0 : i32
    %dma_start3A_1095 = arith.constant 0 : i32
    %dma_start3A_1096 = tpu.memref_slice %arg8[%dma_start3A_1094, %dma_start3A_1095] : memref<10112x128xf32, #tpu.memory_space<vmem_shared>> -> memref<10112x128xf32, #tpu.memory_space<vmem_shared>>
    %dma_start3A_1097 = tpu.memref_slice %arg12[%dma_start3A_1087] : memref<5x!tpu.dma_semaphore, #tpu.memory_space<semaphore_mem>> -> memref<1x!tpu.dma_semaphore, #tpu.memory_space<semaphore_mem>>
    %dma_start3A_1098 = tpu.memref_squeeze %dma_start3A_1097 : memref<1x!tpu.dma_semaphore, #tpu.memory_space<semaphore_mem>> -> memref<!tpu.dma_semaphore, #tpu.memory_space<semaphore_mem>>
    tpu.enqueue_indirect_dma source(%dma_start3A_1090 : memref<64x128xf32, #tpu.memory_space<vmem>>) target(%dma_start3A_1096 : memref<10112x128xf32, #tpu.memory_space<vmem_shared>>) offsets(%dma_start3A_1093 : memref<64xi32, #tpu.memory_space<vmem>>) semaphore(%dma_start3A_1098 : memref<!tpu.dma_semaphore, #tpu.memory_space<semaphore_mem>>) {add = true}
    %dma_wait3A_1099 = arith.constant 2 : i32
    %dma_wait3A_1100 = arith.constant 3 : i32
    %dma_wait3A_1101 = arith.constant 0 : i32
    %dma_wait3A_1102 = arith.constant 3 : i32
    %dma_wait3A_1103 = arith.constant 192 : i32
    %dma_wait3A_1104 = arith.constant 0 : i32
    %dma_wait3A_1105 = tpu.memref_slice %arg10[%dma_wait3A_1103, %dma_wait3A_1104] : memref<320x128xf32, #tpu.memory_space<vmem>> -> memref<64x128xf32, #tpu.memory_space<vmem>>
    %dma_wait3A_1106 = arith.constant 0 : i32
    %dma_wait3A_1107 = tpu.memref_slice %arg9[%dma_wait3A_1099, %dma_wait3A_1100, %dma_wait3A_1101, %dma_wait3A_1106] : memref<3x5x2x64xi32, #tpu.memory_space<vmem>> -> memref<1x1x1x64xi32, #tpu.memory_space<vmem>>
    %dma_wait3A_1108 = tpu.memref_squeeze %dma_wait3A_1107 : memref<1x1x1x64xi32, #tpu.memory_space<vmem>> -> memref<64xi32, #tpu.memory_space<vmem>>
    %dma_wait3A_1109 = arith.constant 0 : i32
    %dma_wait3A_1110 = arith.constant 0 : i32
    %dma_wait3A_1111 = tpu.memref_slice %arg4[%dma_wait3A_1109, %dma_wait3A_1110] : memref<10112x128xf32, #tpu.memory_space<hbm>> -> memref<10112x128xf32, #tpu.memory_space<hbm>>
    %dma_wait3A_1112 = tpu.memref_slice %arg11[%dma_wait3A_1102] : memref<5x!tpu.dma_semaphore, #tpu.memory_space<semaphore_mem>> -> memref<1x!tpu.dma_semaphore, #tpu.memory_space<semaphore_mem>>
    %dma_wait3A_1113 = tpu.memref_squeeze %dma_wait3A_1112 : memref<1x!tpu.dma_semaphore, #tpu.memory_space<semaphore_mem>> -> memref<!tpu.dma_semaphore, #tpu.memory_space<semaphore_mem>>
    tpu.wait_indirect_dma semaphore(%dma_wait3A_1113 : memref<!tpu.dma_semaphore, #tpu.memory_space<semaphore_mem>>) src(%dma_wait3A_1111 : memref<10112x128xf32, #tpu.memory_space<hbm>>) dst(%dma_wait3A_1105 : memref<64x128xf32, #tpu.memory_space<vmem>>)
    %dma_start3A_1114 = arith.constant 2 : i32
    %dma_start3A_1115 = arith.constant 3 : i32
    %dma_start3A_1116 = arith.constant 1 : i32
    %dma_start3A_1117 = arith.constant 3 : i32
    %dma_start3A_1118 = arith.constant 192 : i32
    %dma_start3A_1119 = arith.constant 0 : i32
    %dma_start3A_1120 = tpu.memref_slice %arg10[%dma_start3A_1118, %dma_start3A_1119] : memref<320x128xf32, #tpu.memory_space<vmem>> -> memref<64x128xf32, #tpu.memory_space<vmem>>
    %dma_start3A_1121 = arith.constant 0 : i32
    %dma_start3A_1122 = tpu.memref_slice %arg9[%dma_start3A_1114, %dma_start3A_1115, %dma_start3A_1116, %dma_start3A_1121] : memref<3x5x2x64xi32, #tpu.memory_space<vmem>> -> memref<1x1x1x64xi32, #tpu.memory_space<vmem>>
    %dma_start3A_1123 = tpu.memref_squeeze %dma_start3A_1122 : memref<1x1x1x64xi32, #tpu.memory_space<vmem>> -> memref<64xi32, #tpu.memory_space<vmem>>
    %dma_start3A_1124 = arith.constant 0 : i32
    %dma_start3A_1125 = arith.constant 0 : i32
    %dma_start3A_1126 = tpu.memref_slice %arg8[%dma_start3A_1124, %dma_start3A_1125] : memref<10112x128xf32, #tpu.memory_space<vmem_shared>> -> memref<10112x128xf32, #tpu.memory_space<vmem_shared>>
    %dma_start3A_1127 = tpu.memref_slice %arg12[%dma_start3A_1117] : memref<5x!tpu.dma_semaphore, #tpu.memory_space<semaphore_mem>> -> memref<1x!tpu.dma_semaphore, #tpu.memory_space<semaphore_mem>>
    %dma_start3A_1128 = tpu.memref_squeeze %dma_start3A_1127 : memref<1x!tpu.dma_semaphore, #tpu.memory_space<semaphore_mem>> -> memref<!tpu.dma_semaphore, #tpu.memory_space<semaphore_mem>>
    tpu.enqueue_indirect_dma source(%dma_start3A_1120 : memref<64x128xf32, #tpu.memory_space<vmem>>) target(%dma_start3A_1126 : memref<10112x128xf32, #tpu.memory_space<vmem_shared>>) offsets(%dma_start3A_1123 : memref<64xi32, #tpu.memory_space<vmem>>) semaphore(%dma_start3A_1128 : memref<!tpu.dma_semaphore, #tpu.memory_space<semaphore_mem>>) {add = true}
    %dma_wait3A_1129 = arith.constant 2 : i32
    %dma_wait3A_1130 = arith.constant 4 : i32
    %dma_wait3A_1131 = arith.constant 0 : i32
    %dma_wait3A_1132 = arith.constant 4 : i32
    %dma_wait3A_1133 = arith.constant 256 : i32
    %dma_wait3A_1134 = arith.constant 0 : i32
    %dma_wait3A_1135 = tpu.memref_slice %arg10[%dma_wait3A_1133, %dma_wait3A_1134] : memref<320x128xf32, #tpu.memory_space<vmem>> -> memref<64x128xf32, #tpu.memory_space<vmem>>
    %dma_wait3A_1136 = arith.constant 0 : i32
    %dma_wait3A_1137 = tpu.memref_slice %arg9[%dma_wait3A_1129, %dma_wait3A_1130, %dma_wait3A_1131, %dma_wait3A_1136] : memref<3x5x2x64xi32, #tpu.memory_space<vmem>> -> memref<1x1x1x64xi32, #tpu.memory_space<vmem>>
    %dma_wait3A_1138 = tpu.memref_squeeze %dma_wait3A_1137 : memref<1x1x1x64xi32, #tpu.memory_space<vmem>> -> memref<64xi32, #tpu.memory_space<vmem>>
    %dma_wait3A_1139 = arith.constant 0 : i32
    %dma_wait3A_1140 = arith.constant 0 : i32
    %dma_wait3A_1141 = tpu.memref_slice %arg4[%dma_wait3A_1139, %dma_wait3A_1140] : memref<10112x128xf32, #tpu.memory_space<hbm>> -> memref<10112x128xf32, #tpu.memory_space<hbm>>
    %dma_wait3A_1142 = tpu.memref_slice %arg11[%dma_wait3A_1132] : memref<5x!tpu.dma_semaphore, #tpu.memory_space<semaphore_mem>> -> memref<1x!tpu.dma_semaphore, #tpu.memory_space<semaphore_mem>>
    %dma_wait3A_1143 = tpu.memref_squeeze %dma_wait3A_1142 : memref<1x!tpu.dma_semaphore, #tpu.memory_space<semaphore_mem>> -> memref<!tpu.dma_semaphore, #tpu.memory_space<semaphore_mem>>
    tpu.wait_indirect_dma semaphore(%dma_wait3A_1143 : memref<!tpu.dma_semaphore, #tpu.memory_space<semaphore_mem>>) src(%dma_wait3A_1141 : memref<10112x128xf32, #tpu.memory_space<hbm>>) dst(%dma_wait3A_1135 : memref<64x128xf32, #tpu.memory_space<vmem>>)
    %dma_start3A_1144 = arith.constant 2 : i32
    %dma_start3A_1145 = arith.constant 4 : i32
    %dma_start3A_1146 = arith.constant 1 : i32
    %dma_start3A_1147 = arith.constant 4 : i32
    %dma_start3A_1148 = arith.constant 256 : i32
    %dma_start3A_1149 = arith.constant 0 : i32
    %dma_start3A_1150 = tpu.memref_slice %arg10[%dma_start3A_1148, %dma_start3A_1149] : memref<320x128xf32, #tpu.memory_space<vmem>> -> memref<64x128xf32, #tpu.memory_space<vmem>>
    %dma_start3A_1151 = arith.constant 0 : i32
    %dma_start3A_1152 = tpu.memref_slice %arg9[%dma_start3A_1144, %dma_start3A_1145, %dma_start3A_1146, %dma_start3A_1151] : memref<3x5x2x64xi32, #tpu.memory_space<vmem>> -> memref<1x1x1x64xi32, #tpu.memory_space<vmem>>
    %dma_start3A_1153 = tpu.memref_squeeze %dma_start3A_1152 : memref<1x1x1x64xi32, #tpu.memory_space<vmem>> -> memref<64xi32, #tpu.memory_space<vmem>>
    %dma_start3A_1154 = arith.constant 0 : i32
    %dma_start3A_1155 = arith.constant 0 : i32
    %dma_start3A_1156 = tpu.memref_slice %arg8[%dma_start3A_1154, %dma_start3A_1155] : memref<10112x128xf32, #tpu.memory_space<vmem_shared>> -> memref<10112x128xf32, #tpu.memory_space<vmem_shared>>
    %dma_start3A_1157 = tpu.memref_slice %arg12[%dma_start3A_1147] : memref<5x!tpu.dma_semaphore, #tpu.memory_space<semaphore_mem>> -> memref<1x!tpu.dma_semaphore, #tpu.memory_space<semaphore_mem>>
    %dma_start3A_1158 = tpu.memref_squeeze %dma_start3A_1157 : memref<1x!tpu.dma_semaphore, #tpu.memory_space<semaphore_mem>> -> memref<!tpu.dma_semaphore, #tpu.memory_space<semaphore_mem>>
    tpu.enqueue_indirect_dma source(%dma_start3A_1150 : memref<64x128xf32, #tpu.memory_space<vmem>>) target(%dma_start3A_1156 : memref<10112x128xf32, #tpu.memory_space<vmem_shared>>) offsets(%dma_start3A_1153 : memref<64xi32, #tpu.memory_space<vmem>>) semaphore(%dma_start3A_1158 : memref<!tpu.dma_semaphore, #tpu.memory_space<semaphore_mem>>) {add = true}
    %dma_wait3A_1159 = arith.constant 0 : i32
    %dma_wait3A_1160 = arith.constant 0 : i32
    %dma_wait3A_1161 = arith.constant 1 : i32
    %dma_wait3A_1162 = arith.constant 0 : i32
    %dma_wait3A_1163 = arith.constant 0 : i32
    %dma_wait3A_1164 = arith.constant 0 : i32
    %dma_wait3A_1165 = tpu.memref_slice %arg10[%dma_wait3A_1163, %dma_wait3A_1164] : memref<320x128xf32, #tpu.memory_space<vmem>> -> memref<64x128xf32, #tpu.memory_space<vmem>>
    %dma_wait3A_1166 = arith.constant 0 : i32
    %dma_wait3A_1167 = tpu.memref_slice %arg9[%dma_wait3A_1159, %dma_wait3A_1160, %dma_wait3A_1161, %dma_wait3A_1166] : memref<3x5x2x64xi32, #tpu.memory_space<vmem>> -> memref<1x1x1x64xi32, #tpu.memory_space<vmem>>
    %dma_wait3A_1168 = tpu.memref_squeeze %dma_wait3A_1167 : memref<1x1x1x64xi32, #tpu.memory_space<vmem>> -> memref<64xi32, #tpu.memory_space<vmem>>
    %dma_wait3A_1169 = arith.constant 0 : i32
    %dma_wait3A_1170 = arith.constant 0 : i32
    %dma_wait3A_1171 = tpu.memref_slice %arg8[%dma_wait3A_1169, %dma_wait3A_1170] : memref<10112x128xf32, #tpu.memory_space<vmem_shared>> -> memref<10112x128xf32, #tpu.memory_space<vmem_shared>>
    %dma_wait3A_1172 = tpu.memref_slice %arg12[%dma_wait3A_1162] : memref<5x!tpu.dma_semaphore, #tpu.memory_space<semaphore_mem>> -> memref<1x!tpu.dma_semaphore, #tpu.memory_space<semaphore_mem>>
    %dma_wait3A_1173 = tpu.memref_squeeze %dma_wait3A_1172 : memref<1x!tpu.dma_semaphore, #tpu.memory_space<semaphore_mem>> -> memref<!tpu.dma_semaphore, #tpu.memory_space<semaphore_mem>>
    tpu.wait_indirect_dma semaphore(%dma_wait3A_1173 : memref<!tpu.dma_semaphore, #tpu.memory_space<semaphore_mem>>) src(%dma_wait3A_1165 : memref<64x128xf32, #tpu.memory_space<vmem>>) dst(%dma_wait3A_1171 : memref<10112x128xf32, #tpu.memory_space<vmem_shared>>)
    %dma_wait3A_1174 = arith.constant 0 : i32
    %dma_wait3A_1175 = arith.constant 0 : i32
    %dma_wait3A_1176 = arith.constant 1 : i32
    %dma_wait3A_1177 = arith.constant 1 : i32
    %dma_wait3A_1178 = arith.constant 64 : i32
    %dma_wait3A_1179 = arith.constant 0 : i32
    %dma_wait3A_1180 = tpu.memref_slice %arg10[%dma_wait3A_1178, %dma_wait3A_1179] : memref<320x128xf32, #tpu.memory_space<vmem>> -> memref<64x128xf32, #tpu.memory_space<vmem>>
    %dma_wait3A_1181 = arith.constant 0 : i32
    %dma_wait3A_1182 = tpu.memref_slice %arg9[%dma_wait3A_1174, %dma_wait3A_1175, %dma_wait3A_1176, %dma_wait3A_1181] : memref<3x5x2x64xi32, #tpu.memory_space<vmem>> -> memref<1x1x1x64xi32, #tpu.memory_space<vmem>>
    %dma_wait3A_1183 = tpu.memref_squeeze %dma_wait3A_1182 : memref<1x1x1x64xi32, #tpu.memory_space<vmem>> -> memref<64xi32, #tpu.memory_space<vmem>>
    %dma_wait3A_1184 = arith.constant 0 : i32
    %dma_wait3A_1185 = arith.constant 0 : i32
    %dma_wait3A_1186 = tpu.memref_slice %arg8[%dma_wait3A_1184, %dma_wait3A_1185] : memref<10112x128xf32, #tpu.memory_space<vmem_shared>> -> memref<10112x128xf32, #tpu.memory_space<vmem_shared>>
    %dma_wait3A_1187 = tpu.memref_slice %arg12[%dma_wait3A_1177] : memref<5x!tpu.dma_semaphore, #tpu.memory_space<semaphore_mem>> -> memref<1x!tpu.dma_semaphore, #tpu.memory_space<semaphore_mem>>
    %dma_wait3A_1188 = tpu.memref_squeeze %dma_wait3A_1187 : memref<1x!tpu.dma_semaphore, #tpu.memory_space<semaphore_mem>> -> memref<!tpu.dma_semaphore, #tpu.memory_space<semaphore_mem>>
    tpu.wait_indirect_dma semaphore(%dma_wait3A_1188 : memref<!tpu.dma_semaphore, #tpu.memory_space<semaphore_mem>>) src(%dma_wait3A_1180 : memref<64x128xf32, #tpu.memory_space<vmem>>) dst(%dma_wait3A_1186 : memref<10112x128xf32, #tpu.memory_space<vmem_shared>>)
    %dma_wait3A_1189 = arith.constant 0 : i32
    %dma_wait3A_1190 = arith.constant 0 : i32
    %dma_wait3A_1191 = arith.constant 1 : i32
    %dma_wait3A_1192 = arith.constant 2 : i32
    %dma_wait3A_1193 = arith.constant 128 : i32
    %dma_wait3A_1194 = arith.constant 0 : i32
    %dma_wait3A_1195 = tpu.memref_slice %arg10[%dma_wait3A_1193, %dma_wait3A_1194] : memref<320x128xf32, #tpu.memory_space<vmem>> -> memref<64x128xf32, #tpu.memory_space<vmem>>
    %dma_wait3A_1196 = arith.constant 0 : i32
    %dma_wait3A_1197 = tpu.memref_slice %arg9[%dma_wait3A_1189, %dma_wait3A_1190, %dma_wait3A_1191, %dma_wait3A_1196] : memref<3x5x2x64xi32, #tpu.memory_space<vmem>> -> memref<1x1x1x64xi32, #tpu.memory_space<vmem>>
    %dma_wait3A_1198 = tpu.memref_squeeze %dma_wait3A_1197 : memref<1x1x1x64xi32, #tpu.memory_space<vmem>> -> memref<64xi32, #tpu.memory_space<vmem>>
    %dma_wait3A_1199 = arith.constant 0 : i32
    %dma_wait3A_1200 = arith.constant 0 : i32
    %dma_wait3A_1201 = tpu.memref_slice %arg8[%dma_wait3A_1199, %dma_wait3A_1200] : memref<10112x128xf32, #tpu.memory_space<vmem_shared>> -> memref<10112x128xf32, #tpu.memory_space<vmem_shared>>
    %dma_wait3A_1202 = tpu.memref_slice %arg12[%dma_wait3A_1192] : memref<5x!tpu.dma_semaphore, #tpu.memory_space<semaphore_mem>> -> memref<1x!tpu.dma_semaphore, #tpu.memory_space<semaphore_mem>>
    %dma_wait3A_1203 = tpu.memref_squeeze %dma_wait3A_1202 : memref<1x!tpu.dma_semaphore, #tpu.memory_space<semaphore_mem>> -> memref<!tpu.dma_semaphore, #tpu.memory_space<semaphore_mem>>
    tpu.wait_indirect_dma semaphore(%dma_wait3A_1203 : memref<!tpu.dma_semaphore, #tpu.memory_space<semaphore_mem>>) src(%dma_wait3A_1195 : memref<64x128xf32, #tpu.memory_space<vmem>>) dst(%dma_wait3A_1201 : memref<10112x128xf32, #tpu.memory_space<vmem_shared>>)
    %dma_wait3A_1204 = arith.constant 0 : i32
    %dma_wait3A_1205 = arith.constant 0 : i32
    %dma_wait3A_1206 = arith.constant 1 : i32
    %dma_wait3A_1207 = arith.constant 3 : i32
    %dma_wait3A_1208 = arith.constant 192 : i32
    %dma_wait3A_1209 = arith.constant 0 : i32
    %dma_wait3A_1210 = tpu.memref_slice %arg10[%dma_wait3A_1208, %dma_wait3A_1209] : memref<320x128xf32, #tpu.memory_space<vmem>> -> memref<64x128xf32, #tpu.memory_space<vmem>>
    %dma_wait3A_1211 = arith.constant 0 : i32
    %dma_wait3A_1212 = tpu.memref_slice %arg9[%dma_wait3A_1204, %dma_wait3A_1205, %dma_wait3A_1206, %dma_wait3A_1211] : memref<3x5x2x64xi32, #tpu.memory_space<vmem>> -> memref<1x1x1x64xi32, #tpu.memory_space<vmem>>
    %dma_wait3A_1213 = tpu.memref_squeeze %dma_wait3A_1212 : memref<1x1x1x64xi32, #tpu.memory_space<vmem>> -> memref<64xi32, #tpu.memory_space<vmem>>
    %dma_wait3A_1214 = arith.constant 0 : i32
    %dma_wait3A_1215 = arith.constant 0 : i32
    %dma_wait3A_1216 = tpu.memref_slice %arg8[%dma_wait3A_1214, %dma_wait3A_1215] : memref<10112x128xf32, #tpu.memory_space<vmem_shared>> -> memref<10112x128xf32, #tpu.memory_space<vmem_shared>>
    %dma_wait3A_1217 = tpu.memref_slice %arg12[%dma_wait3A_1207] : memref<5x!tpu.dma_semaphore, #tpu.memory_space<semaphore_mem>> -> memref<1x!tpu.dma_semaphore, #tpu.memory_space<semaphore_mem>>
    %dma_wait3A_1218 = tpu.memref_squeeze %dma_wait3A_1217 : memref<1x!tpu.dma_semaphore, #tpu.memory_space<semaphore_mem>> -> memref<!tpu.dma_semaphore, #tpu.memory_space<semaphore_mem>>
    tpu.wait_indirect_dma semaphore(%dma_wait3A_1218 : memref<!tpu.dma_semaphore, #tpu.memory_space<semaphore_mem>>) src(%dma_wait3A_1210 : memref<64x128xf32, #tpu.memory_space<vmem>>) dst(%dma_wait3A_1216 : memref<10112x128xf32, #tpu.memory_space<vmem_shared>>)
    %dma_wait3A_1219 = arith.constant 0 : i32
    %dma_wait3A_1220 = arith.constant 0 : i32
    %dma_wait3A_1221 = arith.constant 1 : i32
    %dma_wait3A_1222 = arith.constant 4 : i32
    %dma_wait3A_1223 = arith.constant 256 : i32
    %dma_wait3A_1224 = arith.constant 0 : i32
    %dma_wait3A_1225 = tpu.memref_slice %arg10[%dma_wait3A_1223, %dma_wait3A_1224] : memref<320x128xf32, #tpu.memory_space<vmem>> -> memref<64x128xf32, #tpu.memory_space<vmem>>
    %dma_wait3A_1226 = arith.constant 0 : i32
    %dma_wait3A_1227 = tpu.memref_slice %arg9[%dma_wait3A_1219, %dma_wait3A_1220, %dma_wait3A_1221, %dma_wait3A_1226] : memref<3x5x2x64xi32, #tpu.memory_space<vmem>> -> memref<1x1x1x64xi32, #tpu.memory_space<vmem>>
    %dma_wait3A_1228 = tpu.memref_squeeze %dma_wait3A_1227 : memref<1x1x1x64xi32, #tpu.memory_space<vmem>> -> memref<64xi32, #tpu.memory_space<vmem>>
    %dma_wait3A_1229 = arith.constant 0 : i32
    %dma_wait3A_1230 = arith.constant 0 : i32
    %dma_wait3A_1231 = tpu.memref_slice %arg8[%dma_wait3A_1229, %dma_wait3A_1230] : memref<10112x128xf32, #tpu.memory_space<vmem_shared>> -> memref<10112x128xf32, #tpu.memory_space<vmem_shared>>
    %dma_wait3A_1232 = tpu.memref_slice %arg12[%dma_wait3A_1222] : memref<5x!tpu.dma_semaphore, #tpu.memory_space<semaphore_mem>> -> memref<1x!tpu.dma_semaphore, #tpu.memory_space<semaphore_mem>>
    %dma_wait3A_1233 = tpu.memref_squeeze %dma_wait3A_1232 : memref<1x!tpu.dma_semaphore, #tpu.memory_space<semaphore_mem>> -> memref<!tpu.dma_semaphore, #tpu.memory_space<semaphore_mem>>
    tpu.wait_indirect_dma semaphore(%dma_wait3A_1233 : memref<!tpu.dma_semaphore, #tpu.memory_space<semaphore_mem>>) src(%dma_wait3A_1225 : memref<64x128xf32, #tpu.memory_space<vmem>>) dst(%dma_wait3A_1231 : memref<10112x128xf32, #tpu.memory_space<vmem_shared>>)
    %barrier3A_1234 = arith.constant 0 : index
    tpu.barrier barrier_id(%barrier3A_1234)
    %mul3A_1235 = arith.constant 10112 : i32
    %mul3A_1236 = arith.muli %arg0, %mul3A_1235 : i32
    %mul3A_1237 = arith.constant 632 : i32
    %mul3A_1238 = arith.muli %arg1, %mul3A_1237 : i32
    %add3A_1239 = arith.addi %mul3A_1236, %mul3A_1238 : i32
    %multiple_of3A_1240 = tpu.assume_multiple %add3A_1239, 8 : i32
    %mul3A_1241 = arith.constant 632 : i32
    %mul3A_1242 = arith.muli %arg1, %mul3A_1241 : i32
    "tpu.region"() ({
      %run_scoped3A_1243 = tpu.sem_alloc : memref<!tpu.dma_semaphore, #tpu.memory_space<semaphore_mem>>
      %dma_start3A_1244 = arith.constant 0 : i32
      %dma_start3A_1245 = tpu.memref_slice %arg7[%multiple_of3A_1240, %dma_start3A_1244] : memref<20224x128xf32, #tpu.memory_space<hbm>> -> memref<632x128xf32, #tpu.memory_space<hbm>>
      %dma_start3A_1246 = arith.constant 0 : i32
      %dma_start3A_1247 = tpu.memref_slice %arg8[%mul3A_1242, %dma_start3A_1246] : memref<10112x128xf32, #tpu.memory_space<vmem_shared>> -> memref<632x128xf32, #tpu.memory_space<vmem_shared>>
      tpu.enqueue_dma source(%dma_start3A_1247 : memref<632x128xf32, #tpu.memory_space<vmem_shared>>) target(%dma_start3A_1245 : memref<632x128xf32, #tpu.memory_space<hbm>>) target_semaphore(%run_scoped3A_1243 : memref<!tpu.dma_semaphore, #tpu.memory_space<semaphore_mem>>)
      %dma_wait3A_1248 = arith.constant 0 : i32
      %dma_wait3A_1249 = tpu.memref_slice %arg7[%multiple_of3A_1240, %dma_wait3A_1248] : memref<20224x128xf32, #tpu.memory_space<hbm>> -> memref<632x128xf32, #tpu.memory_space<hbm>>
      %dma_wait3A_1250 = arith.constant 0 : i32
      %dma_wait3A_1251 = tpu.memref_slice %arg8[%mul3A_1242, %dma_wait3A_1250] : memref<10112x128xf32, #tpu.memory_space<vmem_shared>> -> memref<632x128xf32, #tpu.memory_space<vmem_shared>>
      tpu.wait_dma2 semaphore(%run_scoped3A_1243 : memref<!tpu.dma_semaphore, #tpu.memory_space<semaphore_mem>>) src(%dma_wait3A_1251 : memref<632x128xf32, #tpu.memory_space<vmem_shared>>) dst(%dma_wait3A_1249 : memref<632x128xf32, #tpu.memory_space<hbm>>)
      tpu.yield
    }) : () -> ()
    return
  }
}

module attributes {stable_mosaic.version = 14 : i64} {
  func.func @_tc1_body(%arg0: i32, %arg1: memref<1000x128xf32, #tpu.memory_space<vmem>>, %arg2: memref<128x128xf32, #tpu.memory_space<vmem>>, %arg3: memref<1x128xf32, #tpu.memory_space<vmem>>, %arg4: memref<1000x128xf32, #tpu.memory_space<vmem>>, %arg5: memref<1000x128xf32, #tpu.memory_space<vmem>>) attributes {dimension_semantics = [#tpu.dimension_semantics<arbitrary>], iteration_bounds = array<i64: 10>, scalar_prefetch = 0 : i64, scratch_operands = 0 : i64, tpu.core_type = #tpu.core_type<tc>, window_params = [{transform_indices = @transform_0, window_bounds = array<i64: 1000, 128>}, {pipeline_mode = #tpu.pipeline_mode<synchronous>, transform_indices = @transform_1, window_bounds = array<i64: 128, 128>}, {pipeline_mode = #tpu.pipeline_mode<synchronous>, transform_indices = @transform_2, window_bounds = array<i64: 1, 128>}, {transform_indices = @transform_3, window_bounds = array<i64: 1000, 128>}, {transform_indices = @transform_4, window_bounds = array<i64: 1000, 128>}]} {
    %get3A = arith.constant 0 : index
    %get3A_0 = arith.constant 0 : index
    %get3A_1 = vector.load %arg1[%get3A, %get3A_0] : memref<1000x128xf32, #tpu.memory_space<vmem>>, vector<1000x128xf32>
    %get3A_2 = arith.constant 0 : index
    %get3A_3 = arith.constant 0 : index
    %get3A_4 = vector.load %arg2[%get3A_2, %get3A_3] : memref<128x128xf32, #tpu.memory_space<vmem>>, vector<128x128xf32>
    %dot_general3A = arith.constant dense<0.000000e+00> : vector<1000x128xf32>
    %dot_general3A_5 = tpu.matmul %get3A_1, %get3A_4, %dot_general3A {dimension_numbers = #tpu.dot_dimension_numbers<[1], [1], [0], [0], [0, 0, 1, 0], [], []>, precision = #tpu.contract_precision<fp32>, transpose_lhs_hint = false} : vector<1000x128xf32>, vector<128x128xf32>, vector<1000x128xf32> -> vector<1000x128xf32>
    %get3A_6 = arith.constant 0 : index
    %get3A_7 = arith.constant 0 : index
    %get3A_8 = vector.load %arg3[%get3A_6, %get3A_7] : memref<1x128xf32, #tpu.memory_space<vmem>>, vector<1x128xf32>
    %add3A = vector.broadcast %get3A_8 : vector<1x128xf32> to vector<1000x128xf32>
    %add3A_9 = arith.addf %dot_general3A_5, %add3A : vector<1000x128xf32>
    %swap3A = arith.constant 0 : index
    %swap3A_10 = arith.constant 0 : index
    %swap3A_11 = vector.load %arg4[%swap3A, %swap3A_10] : memref<1000x128xf32, #tpu.memory_space<vmem>>, vector<1000x128xf32>
    tpu.vector_store %arg4[%swap3A, %swap3A_10], %add3A_9 {strides = array<i32>} : memref<1000x128xf32, #tpu.memory_space<vmem>>, vector<1000x128xf32>,
    %mul3A = arith.constant 5.000000e-01 : f32
    %mul3A_12 = vector.broadcast %mul3A : f32 to vector<1000x128xf32>
    %mul3A_13 = arith.mulf %add3A_9, %mul3A_12 : vector<1000x128xf32>
    %swap3A_14 = arith.constant 0 : index
    %swap3A_15 = arith.constant 0 : index
    %swap3A_16 = vector.load %arg5[%swap3A_14, %swap3A_15] : memref<1000x128xf32, #tpu.memory_space<vmem>>, vector<1000x128xf32>
    tpu.vector_store %arg5[%swap3A_14, %swap3A_15], %mul3A_13 {strides = array<i32>} : memref<1000x128xf32, #tpu.memory_space<vmem>>, vector<1000x128xf32>,
    return
  }
  func.func @transform_0(%arg0: i32) -> (i32, i32) {
    %c0_i32 = arith.constant 0 : i32
    %c0_i32_0 = arith.constant 0 : i32
    return %arg0, %c0_i32 : i32, i32
  }
  func.func @transform_1(%arg0: i32) -> (i32, i32) {
    %c0_i32 = arith.constant 0 : i32
    %c0_i32_0 = arith.constant 0 : i32
    %c0_i32_1 = arith.constant 0 : i32
    return %c0_i32, %c0_i32_0 : i32, i32
  }
  func.func @transform_2(%arg0: i32) -> (i32, i32) {
    %c0_i32 = arith.constant 0 : i32
    %c0_i32_0 = arith.constant 0 : i32
    %c0_i32_1 = arith.constant 0 : i32
    return %c0_i32, %c0_i32_0 : i32, i32
  }
  func.func @transform_3(%arg0: i32) -> (i32, i32) {
    %c0_i32 = arith.constant 0 : i32
    %c0_i32_0 = arith.constant 0 : i32
    return %arg0, %c0_i32 : i32, i32
  }
  func.func @transform_4(%arg0: i32) -> (i32, i32) {
    %c0_i32 = arith.constant 0 : i32
    %c0_i32_0 = arith.constant 0 : i32
    return %arg0, %c0_i32 : i32, i32
  }
}

module attributes {stable_mosaic.version = 14 : i64} {
  func.func @_sum_body(%arg0: i32, %arg1: memref<632x128xf32, #tpu.memory_space<vmem>>, %arg2: memref<632x128xf32, #tpu.memory_space<vmem>>, %arg3: memref<632x128xf32, #tpu.memory_space<vmem>>) attributes {dimension_semantics = [#tpu.dimension_semantics<arbitrary>], iteration_bounds = array<i64: 16>, scalar_prefetch = 0 : i64, scratch_operands = 0 : i64, tpu.core_type = #tpu.core_type<tc>, window_params = [{transform_indices = @transform_0, window_bounds = array<i64: 632, 128>}, {transform_indices = @transform_1, window_bounds = array<i64: 632, 128>}, {transform_indices = @transform_2, window_bounds = array<i64: 632, 128>}]} {
    %get3A = arith.constant 0 : index
    %get3A_0 = arith.constant 0 : index
    %get3A_1 = vector.load %arg1[%get3A, %get3A_0] : memref<632x128xf32, #tpu.memory_space<vmem>>, vector<632x128xf32>
    %get3A_2 = arith.constant 0 : index
    %get3A_3 = arith.constant 0 : index
    %get3A_4 = vector.load %arg2[%get3A_2, %get3A_3] : memref<632x128xf32, #tpu.memory_space<vmem>>, vector<632x128xf32>
    %add3A = arith.addf %get3A_1, %get3A_4 : vector<632x128xf32>
    %swap3A = arith.constant 0 : index
    %swap3A_5 = arith.constant 0 : index
    %swap3A_6 = vector.load %arg3[%swap3A, %swap3A_5] : memref<632x128xf32, #tpu.memory_space<vmem>>, vector<632x128xf32>
    tpu.vector_store %arg3[%swap3A, %swap3A_5], %add3A {strides = array<i32>} : memref<632x128xf32, #tpu.memory_space<vmem>>, vector<632x128xf32>,
    return
  }
  func.func @transform_0(%arg0: i32) -> (i32, i32) {
    %c0_i32 = arith.constant 0 : i32
    %c0_i32_0 = arith.constant 0 : i32
    return %arg0, %c0_i32 : i32, i32
  }
  func.func @transform_1(%arg0: i32) -> (i32, i32) {
    %add3A = arith.constant 16 : i32
    %add3A_0 = arith.addi %arg0, %add3A : i32
    %c0_i32 = arith.constant 0 : i32
    %c0_i32_1 = arith.constant 0 : i32
    return %add3A_0, %c0_i32 : i32, i32
  }
  func.func @transform_2(%arg0: i32) -> (i32, i32) {
    %c0_i32 = arith.constant 0 : i32
    %c0_i32_0 = arith.constant 0 : i32
    return %arg0, %c0_i32 : i32, i32
  }
}

module attributes {stable_mosaic.version = 14 : i64} {
  func.func @_tc2_body(%arg0: i32, %arg1: memref<632x128xf32, #tpu.memory_space<vmem>>, %arg2: memref<632x128xf32, #tpu.memory_space<vmem>>, %arg3: memref<1x128xf32, #tpu.memory_space<vmem>>, %arg4: memref<128x128xf32, #tpu.memory_space<vmem>>, %arg5: memref<1x128xf32, #tpu.memory_space<vmem>>, %arg6: memref<1x1xf32, #tpu.memory_space<vmem>>, %arg7: memref<128x128xf32, #tpu.memory_space<vmem>>, %arg8: memref<1x128xf32, #tpu.memory_space<vmem>>, %arg9: memref<632x128xf32, #tpu.memory_space<vmem>>, %arg10: memref<632x128xf32, #tpu.memory_space<vmem>>) attributes {dimension_semantics = [#tpu.dimension_semantics<arbitrary>], iteration_bounds = array<i64: 16>, scalar_prefetch = 0 : i64, scratch_operands = 0 : i64, tpu.core_type = #tpu.core_type<tc>, window_params = [{transform_indices = @transform_0, window_bounds = array<i64: 632, 128>}, {transform_indices = @transform_1, window_bounds = array<i64: 632, 128>}, {pipeline_mode = #tpu.pipeline_mode<synchronous>, transform_indices = @transform_2, window_bounds = array<i64: 1, 128>}, {pipeline_mode = #tpu.pipeline_mode<synchronous>, transform_indices = @transform_3, window_bounds = array<i64: 128, 128>}, {pipeline_mode = #tpu.pipeline_mode<synchronous>, transform_indices = @transform_4, window_bounds = array<i64: 1, 128>}, {pipeline_mode = #tpu.pipeline_mode<synchronous>, transform_indices = @transform_5, window_bounds = array<i64: 1, 1>}, {pipeline_mode = #tpu.pipeline_mode<synchronous>, transform_indices = @transform_6, window_bounds = array<i64: 128, 128>}, {pipeline_mode = #tpu.pipeline_mode<synchronous>, transform_indices = @transform_7, window_bounds = array<i64: 1, 128>}, {transform_indices = @transform_8, window_bounds = array<i64: 632, 128>}, {transform_indices = @transform_9, window_bounds = array<i64: 632, 128>}]} {
    %get3A = arith.constant 0 : index
    %get3A_0 = arith.constant 0 : index
    %get3A_1 = vector.load %arg1[%get3A, %get3A_0] : memref<632x128xf32, #tpu.memory_space<vmem>>, vector<632x128xf32>
    %get3A_2 = arith.constant 0 : index
    %get3A_3 = arith.constant 0 : index
    %get3A_4 = vector.load %arg2[%get3A_2, %get3A_3] : memref<632x128xf32, #tpu.memory_space<vmem>>, vector<632x128xf32>
    %add3A = arith.addf %get3A_1, %get3A_4 : vector<632x128xf32>
    %get3A_5 = arith.constant 0 : index
    %get3A_6 = arith.constant 0 : index
    %get3A_7 = vector.load %arg3[%get3A_5, %get3A_6] : memref<1x128xf32, #tpu.memory_space<vmem>>, vector<1x128xf32>
    %mul3A = vector.broadcast %get3A_7 : vector<1x128xf32> to vector<632x128xf32>
    %mul3A_8 = arith.mulf %add3A, %mul3A : vector<632x128xf32>
    %reduce_sum3A = arith.constant dense<0.000000e+00> : vector<632xf32>
    %reduce_sum3A_9 = vector.multi_reduction <add>, %mul3A_8, %reduce_sum3A [1] : vector<632x128xf32> to vector<632xf32>
    %broadcast_in_dim3A = vector.shape_cast %reduce_sum3A_9 : vector<632xf32> to vector<632x1xf32>
    %logistic3A = arith.negf %broadcast_in_dim3A : vector<632x1xf32>
    %logistic3A_10 = math.exp %logistic3A : vector<632x1xf32>
    %logistic3A_11 = arith.constant 1.000000e+00 : f32
    %logistic3A_12 = vector.broadcast %logistic3A_11 : f32 to vector<632x1xf32>
    %logistic3A_13 = arith.addf %logistic3A_12, %logistic3A_10 : vector<632x1xf32>
    %logistic3A_14 = arith.divf %logistic3A_12, %logistic3A_13 : vector<632x1xf32>
    %mul3A_15 = vector.broadcast %logistic3A_14 : vector<632x1xf32> to vector<632x128xf32>
    %mul3A_16 = arith.mulf %mul3A_15, %add3A : vector<632x128xf32>
    %swap3A = arith.constant 0 : index
    %swap3A_17 = arith.constant 0 : index
    %swap3A_18 = vector.load %arg9[%swap3A, %swap3A_17] : memref<632x128xf32, #tpu.memory_space<vmem>>, vector<632x128xf32>
    tpu.vector_store %arg9[%swap3A, %swap3A_17], %mul3A_16 {strides = array<i32>} : memref<632x128xf32, #tpu.memory_space<vmem>>, vector<632x128xf32>,
    %get3A_19 = arith.constant 0 : index
    %get3A_20 = arith.constant 0 : index
    %get3A_21 = vector.load %arg4[%get3A_19, %get3A_20] : memref<128x128xf32, #tpu.memory_space<vmem>>, vector<128x128xf32>
    %dot_general3A = arith.constant dense<0.000000e+00> : vector<632x128xf32>
    %dot_general3A_22 = tpu.matmul %mul3A_16, %get3A_21, %dot_general3A {dimension_numbers = #tpu.dot_dimension_numbers<[1], [1], [0], [0], [0, 0, 1, 0], [], []>, precision = #tpu.contract_precision<fp32>, transpose_lhs_hint = false} : vector<632x128xf32>, vector<128x128xf32>, vector<632x128xf32> -> vector<632x128xf32>
    %get3A_23 = arith.constant 0 : index
    %get3A_24 = arith.constant 0 : index
    %get3A_25 = vector.load %arg5[%get3A_23, %get3A_24] : memref<1x128xf32, #tpu.memory_space<vmem>>, vector<1x128xf32>
    %add3A_26 = vector.broadcast %get3A_25 : vector<1x128xf32> to vector<632x128xf32>
    %add3A_27 = arith.addf %dot_general3A_22, %add3A_26 : vector<632x128xf32>
    %ge3A = arith.constant 0.000000e+00 : f32
    %ge3A_28 = vector.broadcast %ge3A : f32 to vector<632x128xf32>
    %ge3A_29 = arith.cmpf oge, %add3A_27, %ge3A_28 : vector<632x128xf32>
    %get3A_30 = arith.constant 0 : index
    %get3A_31 = arith.constant 0 : index
    %get3A_32 = vector.load %arg6[%get3A_30, %get3A_31] : memref<1x1xf32, #tpu.memory_space<vmem>>, vector<1x1xf32>
    %mul3A_33 = vector.broadcast %get3A_32 : vector<1x1xf32> to vector<632x128xf32>
    %mul3A_34 = arith.mulf %add3A_27, %mul3A_33 : vector<632x128xf32>
    %select_n3A = arith.select %ge3A_29, %add3A_27, %mul3A_34 : vector<632x128xi1>, vector<632x128xf32>
    %get3A_35 = arith.constant 0 : index
    %get3A_36 = arith.constant 0 : index
    %get3A_37 = vector.load %arg7[%get3A_35, %get3A_36] : memref<128x128xf32, #tpu.memory_space<vmem>>, vector<128x128xf32>
    %dot_general3A_38 = arith.constant dense<0.000000e+00> : vector<632x128xf32>
    %dot_general3A_39 = tpu.matmul %select_n3A, %get3A_37, %dot_general3A_38 {dimension_numbers = #tpu.dot_dimension_numbers<[1], [1], [0], [0], [0, 0, 1, 0], [], []>, precision = #tpu.contract_precision<fp32>, transpose_lhs_hint = false} : vector<632x128xf32>, vector<128x128xf32>, vector<632x128xf32> -> vector<632x128xf32>
    %get3A_40 = arith.constant 0 : index
    %get3A_41 = arith.constant 0 : index
    %get3A_42 = vector.load %arg8[%get3A_40, %get3A_41] : memref<1x128xf32, #tpu.memory_space<vmem>>, vector<1x128xf32>
    %add3A_43 = vector.broadcast %get3A_42 : vector<1x128xf32> to vector<632x128xf32>
    %add3A_44 = arith.addf %dot_general3A_39, %add3A_43 : vector<632x128xf32>
    %swap3A_45 = arith.constant 0 : index
    %swap3A_46 = arith.constant 0 : index
    %swap3A_47 = vector.load %arg10[%swap3A_45, %swap3A_46] : memref<632x128xf32, #tpu.memory_space<vmem>>, vector<632x128xf32>
    tpu.vector_store %arg10[%swap3A_45, %swap3A_46], %add3A_44 {strides = array<i32>} : memref<632x128xf32, #tpu.memory_space<vmem>>, vector<632x128xf32>,
    return
  }
  func.func @transform_0(%arg0: i32) -> (i32, i32) {
    %c0_i32 = arith.constant 0 : i32
    %c0_i32_0 = arith.constant 0 : i32
    return %arg0, %c0_i32 : i32, i32
  }
  func.func @transform_1(%arg0: i32) -> (i32, i32) {
    %add3A = arith.constant 16 : i32
    %add3A_0 = arith.addi %arg0, %add3A : i32
    %c0_i32 = arith.constant 0 : i32
    %c0_i32_1 = arith.constant 0 : i32
    return %add3A_0, %c0_i32 : i32, i32
  }
  func.func @transform_2(%arg0: i32) -> (i32, i32) {
    %c0_i32 = arith.constant 0 : i32
    %c0_i32_0 = arith.constant 0 : i32
    %c0_i32_1 = arith.constant 0 : i32
    return %c0_i32, %c0_i32_0 : i32, i32
  }
  func.func @transform_3(%arg0: i32) -> (i32, i32) {
    %c0_i32 = arith.constant 0 : i32
    %c0_i32_0 = arith.constant 0 : i32
    %c0_i32_1 = arith.constant 0 : i32
    return %c0_i32, %c0_i32_0 : i32, i32
  }
  func.func @transform_4(%arg0: i32) -> (i32, i32) {
    %c0_i32 = arith.constant 0 : i32
    %c0_i32_0 = arith.constant 0 : i32
    %c0_i32_1 = arith.constant 0 : i32
    return %c0_i32, %c0_i32_0 : i32, i32
  }
  func.func @transform_5(%arg0: i32) -> (i32, i32) {
    %c0_i32 = arith.constant 0 : i32
    %c0_i32_0 = arith.constant 0 : i32
    %c0_i32_1 = arith.constant 0 : i32
    return %c0_i32, %c0_i32_0 : i32, i32
  }
  func.func @transform_6(%arg0: i32) -> (i32, i32) {
    %c0_i32 = arith.constant 0 : i32
    %c0_i32_0 = arith.constant 0 : i32
    %c0_i32_1 = arith.constant 0 : i32
    return %c0_i32, %c0_i32_0 : i32, i32
  }
  func.func @transform_7(%arg0: i32) -> (i32, i32) {
    %c0_i32 = arith.constant 0 : i32
    %c0_i32_0 = arith.constant 0 : i32
    %c0_i32_1 = arith.constant 0 : i32
    return %c0_i32, %c0_i32_0 : i32, i32
  }
  func.func @transform_8(%arg0: i32) -> (i32, i32) {
    %c0_i32 = arith.constant 0 : i32
    %c0_i32_0 = arith.constant 0 : i32
    return %arg0, %c0_i32 : i32, i32
  }
  func.func @transform_9(%arg0: i32) -> (i32, i32) {
    %c0_i32 = arith.constant 0 : i32
    %c0_i32_0 = arith.constant 0 : i32
    return %arg0, %c0_i32 : i32, i32
  }
}

</mosaic_0001>

<sc_bundles>
// kernel: gather_offload_async_start
scs
__scs_entry_jumppad:
0x0: {  	(pc) =	sbr.rel $0x88, $3  }
0x1: {  	(tag) =	ssettag $0x0;
	lr =	simm.s32 $0x1  }
0x2: {  	[smem:$0x3F96] =	sst lr;
	_ =	strace $0xD0000000  }
0x3: {  	_ = 	snop  }
0x4: {  	_ = 	snop  }
0x5: {  	_ = 	snop  }
0x6: {  	_ = 	snop  }
0x7: {  	_ = 	snop  }
__scs_overlays_trampoline_lowered:
0x8: {  	[smem:$0x3FA5] =	sst s0  }
0x9: {  	[smem:$0x3FA6] =	sst s1  }
0xa: {  	[smem:$0x3FA7] =	sst s2  }
0xb: {  	[smem:$0x3FA8] =	sst s3  }
0xc: {  	[smem:$0x3FA9] =	sst s4  }
0xd: {  	[smem:$0x3FAA] =	sst s5  }
0xe: {  	[smem:$0x3FAB] =	sst s6  }
0xf: {  	[smem:$0x3FAC] =	sst s7  }
0x10: {  	[smem:$0x3FAD] =	sst s8  }
0x11: {  	[smem:$0x3FAE] =	sst s9;
	s0 =	simm.s32 @!p0 $0x0  }
0x12: {  	s1 =	sld [smem:$0x3F94];
	s0 =	simm.s32 @p0 $0x1  }
0x13: {  	[smem:$0x3FAF] =	sst s0;
	s0 =	simm.s32 @!p1 $0x0  }
0x14: {  	s2 =	sld [smem:$0x3F93];
	s0 =	simm.s32 @p1 $0x1  }
0x15: {  	[smem:$0x3FB0] =	sst s0;
	s0 =	simm.s32 @!p2 $0x0  }
0x16: {  	s3 =	sld [smem:$0x3FDB];
	s0 =	simm.s32 @p2 $0x1  }
0x17: {  	s4 =	simm.s32 $0x1BF5;
	[smem:$0x3FB2] =	sst s0  }
0x18: {  	s0 =	sld [smem:$0x3F95];
	_ =	swait.ge [sflag:s4], $0x0  }
0x19: {  	s7 =	sld [smem:$0x3F96]  }
0x1a: {  	s8 =	sadd.s32 $0xFFFFE003, lr  }
0x1b: {  	s9 =	sadd.s32 $0xFFFFFEF7, lr;
	s5 =	simm.s32 $0xFFFFFFFF;
	p2 =	slt.u32 s8, $0xFFFFF086  }
0x1c: {  	p1 =	slt.u32 s9, $0xF7A;
	s5 =	simm.s32 @!p2 $0x0  }
0x1d: {  	s5 =	simm.s32 @p1 $0x1;
	p0 =	seq.s32 s7, s2  }
0x1e: {  	s7 =	smul.u32 @!p0 $0xF7A, s2;
	p2 =	seq.s32 @!p0 s5, $0x0  }
0x1f: {  	s9 =	smul.u32 $0xF7A, s1;
	s8 =	simm.s32 @!p0 $0x1BF5;
	p2 =	por !p2, p0  }
0x20: {  	[sflag:s8] =	ssyncset.s32 @!p0 $0xFFFFF086;
	s6 =	sadd.s32 @!p0 s3, s7;
	s7 =	simm.s32 @!p0 $0x108  }
0x21: {  	s3 =	sadd.s32 s3, s9;
	s6 =	sadd.s32 @!p0 $0x88, s6;
	s7 =	simm.s32 @p2 $0x1082  }
0x22: {  	[simem:s7], [sflag:s8] =	dma.local @!p0 [hbm:s6], $0xF7A  }
0x23: {  	s9 =	sor.u32 $0xD0000000, s2;
	s6 =	simm.s32 $0x108;
	_ =	swait.ge @!p0 [sflag:s8], $0x0  }
0x24: {  	s3 =	sadd.s32 $0x88, s3;
	s6 =	simm.s32 @!p1 $0x1082;
	[sflag:s4] =	ssyncset.s32 $0xFFFFF086  }
0x25: {  	[simem:s6], [sflag:s4] =	dma.local [hbm:s3], $0xF7A  }
0x26: {  	[smem:$0x3F96] =	sst s1;
	(tag) =	ssettag s2;
	_ =	strace s9  }
0x27: {  	s1 =	sld [smem:$0x3FA6]  }
0x28: {  	s2 =	sld [smem:$0x3FA7]  }
0x29: {  	s4 =	sld [smem:$0x3FA9]  }
0x2a: {  	p0 =	seq.s32 s5, $0x0;
	s5 =	sld [smem:$0x3FAA]  }
0x2b: {  	s6 =	sld [smem:$0x3FAB]  }
0x2c: {  	s7 =	sld [smem:$0x3FAC]  }
0x2d: {  	s3 =	simm.s32 $0x108;
	s8 =	sld [smem:$0x3FAD]  }
0x2e: {  	s3 =	simm.s32 @!p0 $0x1082;
	s9 =	sld [smem:$0x3FAE]  }
0x2f: {  	lr =	sadd.s32 s0, s3;
	s0 =	sld [smem:$0x3FA5]  }
0x30: {  	s3 =	sld [smem:$0x3FA8]  }
0x31: {  	[smem:$0x3FB1] =	sst s10  }
0x32: {  	s10 =	sld [smem:$0x3FAF];
	_ =	sdelay $0x3  }
0x33: {  	p0 =	seq.s32 s10, $0x1;
	s10 =	sld [smem:$0x3FB1];
	_ =	sdelay $0x3  }
0x34: {  	[smem:$0x3FB1] =	sst s10  }
0x35: {  	s10 =	sld [smem:$0x3FB0];
	_ =	sdelay $0x3  }
0x36: {  	p1 =	seq.s32 s10, $0x1;
	s10 =	sld [smem:$0x3FB1];
	_ =	sdelay $0x3  }
0x37: {  	[smem:$0x3FB1] =	sst s10  }
0x38: {  	s10 =	sld [smem:$0x3FB2]  }
0x39: {  	_ = 	snop;
	(pc) =	sbr.ind lr, $3  }
0x3a: {  	_ = 	snop  }
0x3b: {  	_ = 	snop  }
0x3c: {  	p2 =	seq.s32 s10, $0x1;
	s10 =	sld [smem:$0x3FB1]  }
0x3d: {  	_ =	shalt  }
0x3e: {  	_ =	shalt  }
0x3f: {  	_ =	shalt  }
0x40: {  	_ =	shalt  }
0x41: {  	_ =	shalt  }
0x42: {  	_ =	shalt  }
0x43: {  	_ =	shalt  }
0x44: {  	_ =	shalt  }
0x45: {  	_ =	shalt  }
0x46: {  	_ =	shalt  }
0x47: {  	_ =	shalt  }
0x48: {  	_ =	shalt  }
0x49: {  	_ =	shalt  }
0x4a: {  	_ =	shalt  }
0x4b: {  	_ =	shalt  }
0x4c: {  	_ =	shalt  }
0x4d: {  	_ =	shalt  }
0x4e: {  	_ =	shalt  }
0x4f: {  	_ =	shalt  }
0x50: {  	_ =	shalt  }
0x51: {  	_ =	shalt  }
0x52: {  	_ =	shalt  }
0x53: {  	_ =	shalt  }
0x54: {  	_ =	shalt  }
0x55: {  	_ =	shalt  }
0x56: {  	_ =	shalt  }
0x57: {  	_ =	shalt  }
0x58: {  	_ =	shalt  }
0x59: {  	_ =	shalt  }
0x5a: {  	_ =	shalt  }
0x5b: {  	_ =	shalt  }
0x5c: {  	_ =	shalt  }
0x5d: {  	_ =	shalt  }
0x5e: {  	_ =	shalt  }
0x5f: {  	_ =	shalt  }
0x60: {  	_ =	shalt  }
0x61: {  	_ =	shalt  }
0x62: {  	_ =	shalt  }
0x63: {  	_ =	shalt  }
0x64: {  	_ =	shalt  }
0x65: {  	_ =	shalt  }
0x66: {  	_ =	shalt  }
0x67: {  	_ =	shalt  }
0x68: {  	_ =	shalt  }
0x69: {  	_ =	shalt  }
0x6a: {  	_ =	shalt  }
0x6b: {  	_ =	shalt  }
0x6c: {  	_ =	shalt  }
0x6d: {  	_ =	shalt  }
0x6e: {  	_ =	shalt  }
0x6f: {  	_ =	shalt  }
0x70: {  	_ =	shalt  }
0x71: {  	_ =	shalt  }
0x72: {  	_ =	shalt  }
0x73: {  	_ =	shalt  }
0x74: {  	_ =	shalt  }
0x75: {  	_ =	shalt  }
0x76: {  	_ =	shalt  }
0x77: {  	_ =	shalt  }
0x78: {  	_ =	shalt  }
0x79: {  	_ =	shalt  }
0x7a: {  	_ =	shalt  }
0x7b: {  	_ =	shalt  }
0x7c: {  	_ =	shalt  }
0x7d: {  	_ =	shalt  }
0x7e: {  	_ =	shalt  }
0x7f: {  	_ =	shalt  }
0x80: {  	_ =	shalt  }
0x81: {  	_ =	shalt  }
0x82: {  	_ =	shalt  }
0x83: {  	_ =	shalt  }
0x84: {  	_ =	shalt  }
0x85: {  	_ =	shalt  }
0x86: {  	_ =	shalt  }
0x87: {  	_ =	shalt  }
.Lfunc_end0:
.L_simem_size_0:
called_computation_lowered:
.L_overlay_start_0:
0x88: {  	s2 =	sld [smem:$0x3FD9]  }
0x89: {  	s3 =	sld [smem:$0x3FFE];
	_ =	sdelay $0x1  }
0x8a: {  	s1 =	srdreg.scid  }
0x8b: {  	s0 =	sand.u32 $0x1, s1  }
0x8c: {  	s17 =	sshll.u32 s0, $0xA;
	s2 =	sadd.s32 s3, s2  }
0x8d: {  	s2 =	sadd.s32 s2, s17  }
0x8e: {  	[smem:$0x3FBD] =	sst s2  }
0x8f: {  	_ = 	snop  }
0x90: {  	(tm) =	ssettm $0x1  }
0x91: {  	s18 =	sld [smem:$0x3FFB];
	_ =	sdelay $0x3  }
0x92: {  	_ =	strace s18  }
0x93: {  	s2 =	sld [smem:$0x3FFC];
	_ =	sdelay $0x3  }
0x94: {  	_ =	strace s2  }
0x95: {  	s2 =	sld [smem:$0x3FFD];
	_ =	sdelay $0x3  }
0x96: {  	_ =	strace s2  }
0x97: {  	_ =	strace $0x8FFFFFFF  }
0x98: {  	s19 =	sld [smem:$0x3FDB];
	_ =	sdelay $0x1  }
0x99: {  	s20 =	simm.s32 $_scs_section_size  }
0x9a: {  	s4 =	simm.s32 $_size__tile_overlayer_lowered;
	s5 =	simm.s32 $_tile_overlayer_lowered  }
0x9b: {  	s6 =	simm.s32 $0x1BFF;
	s21 =	sshll.u32 s5, $0x1;
	s3 =	sadd.s32 s20, s19  }
0x9c: {  	s22 =	simm.s32 $0x0;
	s4 =	sshll.u32 s4, $0x1;
	s5 =	sadd.s32 s21, s3  }
0x9d: {  	[timem:s22], [sflag:s6] =	dma.local [hbm:s5], s4  }
0x9e: {  	_ =	swait.ge [sflag:s6], s4  }
0x9f: {  	s4 =	ssub.s32 $0x0, s4;
	[sflag:s6] =	ssyncset.done $0x0  }
0xa0: {  	[sflag:s6] =	ssyncadd.s32 s4;
	_ =	sdelay $0x1  }
0xa1: {  	s23 =	simm.s32 $0x1B8B  }
0xa2: {  	_ =	swait.ge [sflag:s23], $0x1  }
0xa3: {  	[sflag:s23] =	ssyncset.done $0x0  }
0xa4: {  	[sflag:s23] =	ssyncadd.s32 $0xFFFFFFFF  }
0xa5: {  	s4 =	sld [smem:$0x0]  }
0xa6: {  	s5 =	sand.u32 $0xFFFFFFFE, s1  }
0xa7: {  	p0 =	sne.s32 s1, s5  }
0xa8: {  	s5 =	sshll.u32 @p0 s5, $0xE  }
0xa9: {  	s5 =	sadd.s32 @p0 $0x11B8D, s5;
	s6 =	sshll.u32 @p0 s4, $0x11  }
0xaa: {  	s5 =	sor.u32 @p0 s6, s5  }
0xab: {  	[sflag:s5] =	ssyncadd.remote.s32 @p0 $0x1;
	_ =	sdelay $0x1  }
0xac: {  	s5 =	simm.s32 @p0 $0x1B8D  }
0xad: {  	_ =	swait.eq @p0 [sflag:s5], $0x1  }
0xae: {  	[sflag:s5] =	ssyncadd.s32 @p0 $0xFFFFFFFF  }
0xaf: {  	s6 =	sshll.u32 @!p0 s1, $0xE  }
0xb0: {  	s6 =	sor.u32 @!p0 $0x4000, s6;
	s5 =	simm.s32 @!p0 $0x1B8D  }
0xb1: {  	s4 =	sshll.u32 @!p0 s4, $0x11;
	s6 =	sadd.s32 @!p0 $0x11B8D, s6;
	_ =	swait.eq @!p0 [sflag:s5], $0x1  }
0xb2: {  	s4 =	sor.u32 @!p0 s4, s6;
	[sflag:s5] =	ssyncadd.s32 @!p0 $0xFFFFFFFF  }
0xb3: {  	s25 =	simm.s32 $0x1B8E;
	s24 =	sld [smem:$0x3FFE];
	[sflag:s4] =	ssyncadd.remote.s32 @!p0 $0x1  }
0xb4: {  	s26 =	simm.s32 $execute0_lowered;
	[smem:$0x3FD2] =	sst s25  }
0xb5: {  	s5 =	sshll.u32 s26, $0x1;
	_ =	strace $0x80000049;
	[dreg:$0x1] =	wrdreg $0xFFFFFFFF  }
0xb6: {  	s28 =	simm.s32 $_size_execute0_lowered;
	s3 =	sadd.s32 s3, s5;
	[dreg:$0x0] =	wrdreg $0x0  }
0xb7: {  	s5 =	sshll.u32 s28, $0x1;
	[dreg:$0x2] =	wrdreg s3  }
0xb8: {  	[dreg:$0x3] =	wrdreg s5  }
0xb9: {  	[dreg:$0x4] =	wrdreg $0xC0  }
0xba: {  	_ =	task [dreg:s22], $0x5FFFF  }
0xbb: {  	[dreg:$0x1] =	wrdreg $0xFFFFFFFF  }
0xbc: {  	[dreg:$0x0] =	wrdreg $0x60  }
0xbd: {  	[dreg:$0x2] =	wrdreg s24  }
0xbe: {  	[dreg:$0x3] =	wrdreg $0x9  }
0xbf: {  	_ =	task.clear_ibuf [dreg:s22], $0x4FFFF;
	_ =	strace $0x90000049  }
0xc0: {  	s29 =	simm.s32 $0x9;
	_ =	strace $0x8000004B  }
0xc1: {  	_ =	swait.ge [sflag:s29], $0x1  }
0xc2: {  	[sflag:s29] =	ssyncadd.s32 $0xFFFFFFFF  }
0xc3: {  	_ =	strace $0x9000004B  }
0xc4: {  	_ =	sfence  }
0xc5: {  	s30 =	sld [smem:$0x0];
	_ =	sdelay $0x2  }
0xc6: {  	s31 =	sshll.u32 s1, $0xD;
	s1 =	sshrl.u32 s1, $0x2  }
0xc7: {  	s4 =	sand.u32 $0x4000, s31;
	s1 =	sadd.s32 s1, s30  }
0xc8: {  	s0 =	sor.u32 s4, s0;
	s1 =	sshll.u32 s1, $0x11  }
0xc9: {  	s0 =	sor.u32 s1, s0  }
0xca: {  	s0 =	sadd.s32 $0x8F2B, s0  }
0xcb: {  	[sflag:s0] =	ssyncadd.remote.s32 $0x1  }
0xcc: {  	_ =	sfence.sel $0xFFFF  }
0xcd: {  	[dreg:$0x0] =	wrdreg $0xFFFFFFFF;
	(pc) =	sbr.abs _section_cstart, $3  }
0xce: {  	[dreg:$0x1] =	wrdreg $0xFFFFFFFF  }
0xcf: {  	_ =	task.clear_ibuf [dreg:s22], $0x2FFFF;
	_ =	strace $0x9FFFFFFF  }
0xd0: {  	(tm) =	ssettm $0x7FFFFFFF  }
0xd1: {  	_ =	shalt  }
tec
execute0_lowered:
.L_overlay_start_1:
0x0: {  	(tag) =	ssettag $0x1  }
0x1: {  	s7 =	rddreg [dreg:$0x0]  }
0x2: {  	s1 =	srdreg.scid;
	s0 =	rddreg [dreg:$0x1]  }
0x3: {  	_ =	strace $0x8000004A;
	s3 =	simm.s32 $0x1;
	s5 =	simm.s32 $0x2  }
0x4: {  	s9 =	simm.s32 $0x3;
	s12 =	simm.s32 $0x0;
	s2 =	sshll.u32 s1, $0x4  }
.Ltmp0:
0x5: {  	s1 =	stileid.u32;
	s4 =	sand.u32 $0x10, s2;
	(pc) =	sbr.rel .LBB2_1-.Ltmp0, $4  }
0x6: {  	s10 =	simm.s32 $0x0;
	[sflag:s3] =	ssyncpa.u1 $0x0;
	s4 =	sor.u32 s1, s4  }
0x7: {  	s6 =	sadd.s32 $0x5AC00, s7;
	[sflag:s5] =	ssyncpa.u1 $0x0;
	s4 =	smul.u32 $0xA0, s4  }
0x8: {  	s2 =	sadd.s32 $0x5B000, s7;
	s7 =	sadd.s32 $0x83000, s7;
	[sflag:s9] =	ssyncpa.u1 $0x0  }
0x9: {  	vm0 =	vmmov $0xffff;
	s9 =	simm.s32 $0xA0;
	s8 =	sadd.s32 $0xA0, s4;
	s11 =	smov.u32 s4  }
.LBB2_10:
0xa: {  	s12 =	sshrl.u32 s11, $0x3  }
0xb: {  	s13 =	sand.u32 $0x7, s11;
	s12 =	sadd.s32 s6, s12  }
0xc: {  	[tilespmem:s9], [sflag:$0x2] =	stream.linear.gather [hbm4b:s12+s13], $0xA0, $0x38;
	[tilespmem:$0x14140] =	vst v63  }
.LBB2_8:
0xd: {  	s12 =	sadd.s32 $0xA0, s11  }
0xe: {  	s13 =	smov.u32 s4;
	p0 =	slt.s32 s12, s8  }
0xf: {  	s13 =	smov.u32 @p0 s12  }
0x10: {  	s10 =	sadd.s32 $0x1, s10;
	s12 =	smov.u32 s11;
	s11 =	smov.u32 s13  }
.LBB2_1:
0x11: {  	p0 =	seq.s32 s10, $0x0  }
.Ltmp1:
0x12: {  	_ = 	snop;
	(pc) =	sbr.rel @p0 .LBB2_10-.Ltmp1, $1  }
0x13: {  	_ =	sdelay $0x3  }
0x14: {  	p0 =	seq.s32 s10, $0x1  }
.Ltmp2:
0x15: {  	_ = 	snop;
	(pc) =	sbr.rel @!p0 .LBB2_9-.Ltmp2, $1  }
0x16: {  	_ =	sdelay $0x3  }
0x17: {  	_ =	swait.ge [sflag:s5], $0xA0  }
0x18: {  	[sflag:s5] =	ssyncset.done $0x0  }
0x19: {  	s13 =	simm.s32 $0x0;
	[sflag:s5] =	ssyncadd.s32 $0xFFFFFF60  }
0x1a: {  	v0 =	vld.msk [tilespmem:s13+$0xA0 ss:$0x1], $0xffff;
	_ =	sdelay $0x4  }
0x1b: {  	vm1 =	vgt.s32 v0, $0x0  }
0x1c: {  	v0 =	vnsel vm1, $0x0, v0  }
0x1d: {  	v0 =	vmin.u32 v0, $0x13FF  }
0x1e: {  	v0 =	vshll.u32 v0, $0x5;
	_ =	sdelay $0x3  }
0x1f: {  	s14 =	simm.s32 $0x10;
	s13 =	simm.s32 $0xA140  }
0x20: {  	[tilespmem:s13], [sflag:$0x1] =	stream.indirect_vreg.gather [hbm:s2], $0x100, v0, vm0, $0x38;
	[tilespmem:$0x14140] =	vst v63  }
0x21: {  	v0 =	vld.msk [tilespmem:s14+$0xA0 ss:$0x1], $0xffff;
	s14 =	simm.s32 $0x80  }
.LBB2_4:
0x22: {  	p0 =	sne.s32 s14, $0x240;
	_ =	sdelay $0x4  }
0x23: {  	vm1 =	vgt.s32 v0, $0x0  }
0x24: {  	v0 =	vnsel vm1, $0x0, v0  }
0x25: {  	v0 =	vmin.u32 v0, $0x13FF  }
0x26: {  	v0 =	vshll.u32 v0, $0x5;
	_ =	sdelay $0x1  }
.Ltmp3:
0x27: {  	(pc) =	sbr.rel @p0 .LBB2_4-.Ltmp3, $4  }
0x28: {  	_ = 	snop  }
0x29: {  	s15 =	sshra.s32 s14, $0x2;
	s13 =	sadd.s32 $0x1000, s13  }
0x2a: {  	[tilespmem:s13], [sflag:$0x1] =	stream.indirect_vreg.gather [hbm:s2], $0x100, v0, vm0, $0x38;
	[tilespmem:$0x14140] =	vst v63  }
0x2b: {  	s14 =	sadd.s32 $0x40, s14;
	v0 =	vld.msk [tilespmem:s15+$0xA0 ss:$0x1], $0xffff  }
0x2c: {  	_ =	sdelay $0x3  }
0x2d: {  	vm1 =	vgt.s32 v0, $0x0  }
0x2e: {  	v0 =	vnsel vm1, $0x0, v0  }
0x2f: {  	v0 =	vmin.u32 v0, $0x13FF  }
0x30: {  	v0 =	vshll.u32 v0, $0x5;
	_ =	sdelay $0x3  }
0x31: {  	s13 =	sadd.s32 $0x1000, s13  }
0x32: {  	[tilespmem:s13], [sflag:$0x1] =	stream.indirect_vreg.gather [hbm:s2], $0x100, v0, vm0, $0x38;
	[tilespmem:$0x14140] =	vst v63  }
0x33: {  	s12 =	sshll.u32 s12, $0x5;
	s14 =	simm.s32 $0x20;
	_ =	swait.ge [sflag:s3], $0xA000  }
0x34: {  	s15 =	simm.s32 $0xA240;
	s12 =	sadd.s32 s12, s7;
	[sflag:s3] =	ssyncset.done $0x0  }
0x35: {  	s16 =	sadd.s32 $0x0, s12;
	s13 =	simm.s32 $0xA140;
	[sflag:s3] =	ssyncadd.s32 $0xFFFF6000  }
.LBB2_6:
0x36: {  	[hbm:s16] =	stream.linear.scatter [tilespmem:s13], [sflag:$0x3], $0x100, $0x38;
	[tilespmem:$0x14140] =	vst v63  }
0x37: {  	s16 =	smov.u32 s14;
	s13 =	smov.u32 s15;
	p0 =	seq.s32 s14, $0x13E0  }
.Ltmp4:
0x38: {  	s14 =	sadd.s32 $0x20, s14;
	(pc) =	sbr.rel @!p0 .LBB2_6-.Ltmp4, $2  }
0x39: {  	_ =	sdelay $0x2  }
0x3a: {  	s15 =	sadd.s32 $0x100, s15;
	s16 =	sadd.s32 s16, s12  }
.Ltmp5:
0x3b: {  	(pc) =	sbr.rel .LBB2_8-.Ltmp5, $2  }
0x3c: {  	_ =	sdelay $0x2  }
0x3d: {  	[hbm:s16] =	stream.linear.scatter [tilespmem:s13], [sflag:$0x3], $0x100, $0x38;
	[tilespmem:$0x14140] =	vst v63  }
.LBB2_9:
0x3e: {  	s2 =	simm.s32 $0x3  }
0x3f: {  	_ =	swait.ge [sflag:s2], $0xA000  }
0x40: {  	[sflag:s2] =	ssyncset.done $0x0  }
0x41: {  	[sflag:s2] =	ssyncadd.s32 $0xFFFF6000  }
0x42: {  	_ =	sfence.sel $0x180000  }
0x43: {  	s3 =	simm.s32 $0x2;
	[bflag:$0x0] =	sbarrier.arrive $0xFFFF  }
0x44: {  	[sflag:s3] =	ssyncpa.u1 $0x1  }
0x45: {  	s31 =	simm.s32 $0x1;
	[sflag:s2] =	ssyncpa.u1 $0x1  }
0x46: {  	[sflag:s31] =	ssyncpa.u1 $0x1  }
0x47: {  	p0 =	sne.s32 s1, $0x0;
	_ =	strace $0x9000004A  }
0x48: {  	s0 =	sadd.s32 @!p0 $0x100000, s0;
	[bflag:$0x2] =	sbarrier.arrive $0xFFFF  }
0x49: {  	[sflag:s0] =	ssyncadd.tile.s32 @!p0 $0x1;
	_ =	shalt  }
.Lfunc_end2:
_tile_overlayer_lowered:
.L_overlay_start_2:
0x4a: {  	(tag) =	ssettag $0x2  }
0x4b: {  	s0 =	rddreg [dreg:$0x0];
	s2 =	stileid.u32  }
0x4c: {  	s1 =	rddreg [dreg:$0x1];
	p0 =	sne.s32 s2, $0x0  }
0x4d: {  	s3 =	rddreg [dreg:$0x2];
	[bflag:$0x3] =	sbarrier.arrive $0xFFFF;
	s2 =	simm.s32 @!p0 $0x1C01  }
0x4e: {  	[timem:s3], [sflag:s2] =	dma.local @!p0 [hbm:s0], s1  }
0x4f: {  	s0 =	simm.s32 @!p0 $0x1  }
0x50: {  	_ =	swait.ge @!p0 [sflag:s0], s1  }
0x51: {  	s1 =	ssub.s32 @!p0 $0x0, s1;
	[sflag:s0] =	ssyncset.done @!p0 $0x0  }
0x52: {  	[sflag:s0] =	ssyncadd.s32 @!p0 s1  }
0x53: {  	[bflag:$0x3] =	sbarrier.arrive $0xFFFF  }
0x54: {  	_ =	shalt  }

// kernel: kernel.10.cloned.1.call-start
scs
__scs_entry_jumppad:
0x0: {  	(pc) =	sbr.rel $0x88, $3  }
0x1: {  	(tag) =	ssettag $0x0;
	lr =	simm.s32 $0x1  }
0x2: {  	[smem:$0x3F96] =	sst lr;
	_ =	strace $0xD0000000  }
0x3: {  	_ = 	snop  }
0x4: {  	_ = 	snop  }
0x5: {  	_ = 	snop  }
0x6: {  	_ = 	snop  }
0x7: {  	_ = 	snop  }
__scs_overlays_trampoline_lowered:
0x8: {  	[smem:$0x3FA5] =	sst s0  }
0x9: {  	[smem:$0x3FA6] =	sst s1  }
0xa: {  	[smem:$0x3FA7] =	sst s2  }
0xb: {  	[smem:$0x3FA8] =	sst s3  }
0xc: {  	[smem:$0x3FA9] =	sst s4  }
0xd: {  	[smem:$0x3FAA] =	sst s5  }
0xe: {  	[smem:$0x3FAB] =	sst s6  }
0xf: {  	[smem:$0x3FAC] =	sst s7  }
0x10: {  	[smem:$0x3FAD] =	sst s8  }
0x11: {  	[smem:$0x3FAE] =	sst s9;
	s0 =	simm.s32 @!p0 $0x0  }
0x12: {  	s1 =	sld [smem:$0x3F94];
	s0 =	simm.s32 @p0 $0x1  }
0x13: {  	[smem:$0x3FAF] =	sst s0;
	s0 =	simm.s32 @!p1 $0x0  }
0x14: {  	s2 =	sld [smem:$0x3F93];
	s0 =	simm.s32 @p1 $0x1  }
0x15: {  	[smem:$0x3FB0] =	sst s0;
	s0 =	simm.s32 @!p2 $0x0  }
0x16: {  	s3 =	sld [smem:$0x3FDB];
	s0 =	simm.s32 @p2 $0x1  }
0x17: {  	s4 =	simm.s32 $0x1BF5;
	[smem:$0x3FB2] =	sst s0  }
0x18: {  	s0 =	sld [smem:$0x3F95];
	_ =	swait.ge [sflag:s4], $0x0  }
0x19: {  	s7 =	sld [smem:$0x3F96]  }
0x1a: {  	s8 =	sadd.s32 $0xFFFFE003, lr  }
0x1b: {  	s9 =	sadd.s32 $0xFFFFFEF7, lr;
	s5 =	simm.s32 $0xFFFFFFFF;
	p2 =	slt.u32 s8, $0xFFFFF086  }
0x1c: {  	p1 =	slt.u32 s9, $0xF7A;
	s5 =	simm.s32 @!p2 $0x0  }
0x1d: {  	s5 =	simm.s32 @p1 $0x1;
	p0 =	seq.s32 s7, s2  }
0x1e: {  	s7 =	smul.u32 @!p0 $0xF7A, s2;
	p2 =	seq.s32 @!p0 s5, $0x0  }
0x1f: {  	s9 =	smul.u32 $0xF7A, s1;
	s8 =	simm.s32 @!p0 $0x1BF5;
	p2 =	por !p2, p0  }
0x20: {  	[sflag:s8] =	ssyncset.s32 @!p0 $0xFFFFF086;
	s6 =	sadd.s32 @!p0 s3, s7;
	s7 =	simm.s32 @!p0 $0x108  }
0x21: {  	s3 =	sadd.s32 s3, s9;
	s6 =	sadd.s32 @!p0 $0x88, s6;
	s7 =	simm.s32 @p2 $0x1082  }
0x22: {  	[simem:s7], [sflag:s8] =	dma.local @!p0 [hbm:s6], $0xF7A  }
0x23: {  	s9 =	sor.u32 $0xD0000000, s2;
	s6 =	simm.s32 $0x108;
	_ =	swait.ge @!p0 [sflag:s8], $0x0  }
0x24: {  	s3 =	sadd.s32 $0x88, s3;
	s6 =	simm.s32 @!p1 $0x1082;
	[sflag:s4] =	ssyncset.s32 $0xFFFFF086  }
0x25: {  	[simem:s6], [sflag:s4] =	dma.local [hbm:s3], $0xF7A  }
0x26: {  	[smem:$0x3F96] =	sst s1;
	(tag) =	ssettag s2;
	_ =	strace s9  }
0x27: {  	s1 =	sld [smem:$0x3FA6]  }
0x28: {  	s2 =	sld [smem:$0x3FA7]  }
0x29: {  	s4 =	sld [smem:$0x3FA9]  }
0x2a: {  	p0 =	seq.s32 s5, $0x0;
	s5 =	sld [smem:$0x3FAA]  }
0x2b: {  	s6 =	sld [smem:$0x3FAB]  }
0x2c: {  	s7 =	sld [smem:$0x3FAC]  }
0x2d: {  	s3 =	simm.s32 $0x108;
	s8 =	sld [smem:$0x3FAD]  }
0x2e: {  	s3 =	simm.s32 @!p0 $0x1082;
	s9 =	sld [smem:$0x3FAE]  }
0x2f: {  	lr =	sadd.s32 s0, s3;
	s0 =	sld [smem:$0x3FA5]  }
0x30: {  	s3 =	sld [smem:$0x3FA8]  }
0x31: {  	[smem:$0x3FB1] =	sst s10  }
0x32: {  	s10 =	sld [smem:$0x3FAF];
	_ =	sdelay $0x3  }
0x33: {  	p0 =	seq.s32 s10, $0x1;
	s10 =	sld [smem:$0x3FB1];
	_ =	sdelay $0x3  }
0x34: {  	[smem:$0x3FB1] =	sst s10  }
0x35: {  	s10 =	sld [smem:$0x3FB0];
	_ =	sdelay $0x3  }
0x36: {  	p1 =	seq.s32 s10, $0x1;
	s10 =	sld [smem:$0x3FB1];
	_ =	sdelay $0x3  }
0x37: {  	[smem:$0x3FB1] =	sst s10  }
0x38: {  	s10 =	sld [smem:$0x3FB2]  }
0x39: {  	_ = 	snop;
	(pc) =	sbr.ind lr, $3  }
0x3a: {  	_ = 	snop  }
0x3b: {  	_ = 	snop  }
0x3c: {  	p2 =	seq.s32 s10, $0x1;
	s10 =	sld [smem:$0x3FB1]  }
0x3d: {  	_ =	shalt  }
0x3e: {  	_ =	shalt  }
0x3f: {  	_ =	shalt  }
0x40: {  	_ =	shalt  }
0x41: {  	_ =	shalt  }
0x42: {  	_ =	shalt  }
0x43: {  	_ =	shalt  }
0x44: {  	_ =	shalt  }
0x45: {  	_ =	shalt  }
0x46: {  	_ =	shalt  }
0x47: {  	_ =	shalt  }
0x48: {  	_ =	shalt  }
0x49: {  	_ =	shalt  }
0x4a: {  	_ =	shalt  }
0x4b: {  	_ =	shalt  }
0x4c: {  	_ =	shalt  }
0x4d: {  	_ =	shalt  }
0x4e: {  	_ =	shalt  }
0x4f: {  	_ =	shalt  }
0x50: {  	_ =	shalt  }
0x51: {  	_ =	shalt  }
0x52: {  	_ =	shalt  }
0x53: {  	_ =	shalt  }
0x54: {  	_ =	shalt  }
0x55: {  	_ =	shalt  }
0x56: {  	_ =	shalt  }
0x57: {  	_ =	shalt  }
0x58: {  	_ =	shalt  }
0x59: {  	_ =	shalt  }
0x5a: {  	_ =	shalt  }
0x5b: {  	_ =	shalt  }
0x5c: {  	_ =	shalt  }
0x5d: {  	_ =	shalt  }
0x5e: {  	_ =	shalt  }
0x5f: {  	_ =	shalt  }
0x60: {  	_ =	shalt  }
0x61: {  	_ =	shalt  }
0x62: {  	_ =	shalt  }
0x63: {  	_ =	shalt  }
0x64: {  	_ =	shalt  }
0x65: {  	_ =	shalt  }
0x66: {  	_ =	shalt  }
0x67: {  	_ =	shalt  }
0x68: {  	_ =	shalt  }
0x69: {  	_ =	shalt  }
0x6a: {  	_ =	shalt  }
0x6b: {  	_ =	shalt  }
0x6c: {  	_ =	shalt  }
0x6d: {  	_ =	shalt  }
0x6e: {  	_ =	shalt  }
0x6f: {  	_ =	shalt  }
0x70: {  	_ =	shalt  }
0x71: {  	_ =	shalt  }
0x72: {  	_ =	shalt  }
0x73: {  	_ =	shalt  }
0x74: {  	_ =	shalt  }
0x75: {  	_ =	shalt  }
0x76: {  	_ =	shalt  }
0x77: {  	_ =	shalt  }
0x78: {  	_ =	shalt  }
0x79: {  	_ =	shalt  }
0x7a: {  	_ =	shalt  }
0x7b: {  	_ =	shalt  }
0x7c: {  	_ =	shalt  }
0x7d: {  	_ =	shalt  }
0x7e: {  	_ =	shalt  }
0x7f: {  	_ =	shalt  }
0x80: {  	_ =	shalt  }
0x81: {  	_ =	shalt  }
0x82: {  	_ =	shalt  }
0x83: {  	_ =	shalt  }
0x84: {  	_ =	shalt  }
0x85: {  	_ =	shalt  }
0x86: {  	_ =	shalt  }
0x87: {  	_ =	shalt  }
.Lfunc_end0:
.L_simem_size_0:
called_computation.2_lowered:
.L_overlay_start_0:
0x88: {  	s2 =	sld [smem:$0x3FD9]  }
0x89: {  	s3 =	sld [smem:$0x3FFE];
	_ =	sdelay $0x1  }
0x8a: {  	s1 =	srdreg.scid  }
0x8b: {  	s0 =	sand.u32 $0x1, s1  }
0x8c: {  	s14 =	sshll.u32 s0, $0xA;
	s2 =	sadd.s32 s3, s2  }
0x8d: {  	s2 =	sadd.s32 s2, s14  }
0x8e: {  	[smem:$0x3FBD] =	sst s2  }
0x8f: {  	_ = 	snop  }
0x90: {  	s2 =	sld [smem:$0x3FD0];
	_ =	sdelay $0x2  }
0x91: {  	s15 =	simm.s32 $0xB;
	s4 =	simm.s32 $0x10  }
0x92: {  	[smem:s4], [sflag:s15] =	dma.local [hbm:s2], $0x1  }
0x93: {  	_ =	swait.eq [sflag:s15], $0x1  }
0x94: {  	[sflag:s15] =	ssyncset.done $0x0  }
0x95: {  	[sflag:s15] =	ssyncadd.s32 $0xFFFFFFFF  }
0x96: {  	s16 =	sld [smem:$0x12];
	(tm) =	ssettm $0x1  }
0x97: {  	s17 =	sld [smem:$0x3FFB];
	_ =	sdelay $0x3  }
0x98: {  	_ =	strace s17  }
0x99: {  	s3 =	sld [smem:$0x3FFC];
	_ =	sdelay $0x3  }
0x9a: {  	_ =	strace s3  }
0x9b: {  	s3 =	sld [smem:$0x3FFD];
	_ =	sdelay $0x3  }
0x9c: {  	_ =	strace s3  }
0x9d: {  	_ =	strace $0x8FFFFFFF  }
0x9e: {  	s18 =	sld [smem:$0x3FDB];
	_ =	sdelay $0x1  }
0x9f: {  	s19 =	simm.s32 $_scs_section_size  }
0xa0: {  	s5 =	simm.s32 $_size__tile_overlayer_lowered;
	s6 =	simm.s32 $_tile_overlayer_lowered  }
0xa1: {  	s22 =	simm.s32 $0x1BFF;
	s21 =	sshll.u32 s6, $0x1;
	s3 =	sadd.s32 s19, s18  }
0xa2: {  	s7 =	simm.s32 $0x0;
	s20 =	sshll.u32 s5, $0x1;
	s5 =	sadd.s32 s21, s3  }
0xa3: {  	[timem:s7], [sflag:s22] =	dma.local [hbm:s5], s20  }
0xa4: {  	_ =	swait.ge [sflag:s22], s20  }
0xa5: {  	s4 =	ssub.s32 $0x0, s20;
	[sflag:s22] =	ssyncset.done $0x0  }
0xa6: {  	[sflag:s22] =	ssyncadd.s32 s4;
	_ =	sdelay $0x1  }
0xa7: {  	s23 =	simm.s32 $0x1B8B  }
0xa8: {  	_ =	swait.ge [sflag:s23], $0x1  }
0xa9: {  	[sflag:s23] =	ssyncset.done $0x0  }
0xaa: {  	s25 =	simm.s32 $0x1B8E;
	s24 =	sld [smem:$0x3FFE];
	[sflag:s23] =	ssyncadd.s32 $0xFFFFFFFF  }
0xab: {  	s26 =	simm.s32 $execute0_lowered;
	[smem:$0x3FD2] =	sst s25  }
0xac: {  	s5 =	sshll.u32 s26, $0x1;
	_ =	strace $0x8000004C;
	[dreg:$0x1] =	wrdreg $0xFFFFFFFF  }
0xad: {  	s28 =	simm.s32 $_size_execute0_lowered;
	s3 =	sadd.s32 s3, s5;
	[dreg:$0x0] =	wrdreg $0x0  }
0xae: {  	s5 =	sshll.u32 s28, $0x1;
	[dreg:$0x2] =	wrdreg s3  }
0xaf: {  	[dreg:$0x3] =	wrdreg s5  }
0xb0: {  	[dreg:$0x4] =	wrdreg $0xC0  }
0xb1: {  	_ =	task [dreg:s7], $0x5FFFF  }
0xb2: {  	[dreg:$0x1] =	wrdreg $0xFFFFFFFF  }
0xb3: {  	[dreg:$0x0] =	wrdreg $0x60  }
0xb4: {  	[dreg:$0x2] =	wrdreg s16  }
0xb5: {  	[dreg:$0x3] =	wrdreg s24  }
0xb6: {  	[dreg:$0x4] =	wrdreg $0x0  }
0xb7: {  	[dreg:$0x5] =	wrdreg $0x9  }
0xb8: {  	_ =	task.clear_ibuf [dreg:s7], $0x6FFFF;
	_ =	strace $0x9000004C  }
0xb9: {  	s29 =	simm.s32 $0x9;
	_ =	strace $0x8000004E  }
0xba: {  	_ =	swait.ge [sflag:s29], $0x1  }
0xbb: {  	[sflag:s29] =	ssyncadd.s32 $0xFFFFFFFF  }
0xbc: {  	_ =	strace $0x9000004E  }
0xbd: {  	_ =	sfence  }
0xbe: {  	s30 =	sld [smem:$0x0];
	_ =	sdelay $0x2  }
0xbf: {  	s31 =	sshll.u32 s1, $0xD;
	s1 =	sshrl.u32 s1, $0x2  }
0xc0: {  	s3 =	sand.u32 $0x4000, s31;
	s1 =	sadd.s32 s1, s30  }
0xc1: {  	s0 =	sor.u32 s3, s0;
	s1 =	sshll.u32 s1, $0x11  }
0xc2: {  	s0 =	sor.u32 s1, s0  }
0xc3: {  	s0 =	sadd.s32 $0x8F2B, s0  }
0xc4: {  	[sflag:s0] =	ssyncadd.remote.s32 $0x1  }
0xc5: {  	_ =	sfence.sel $0xFFFF  }
0xc6: {  	[dreg:$0x0] =	wrdreg $0xFFFFFFFF;
	(pc) =	sbr.abs _section_cstart, $3  }
0xc7: {  	[dreg:$0x1] =	wrdreg $0xFFFFFFFF  }
0xc8: {  	_ =	task.clear_ibuf [dreg:s7], $0x2FFFF;
	_ =	strace $0x9FFFFFFF  }
0xc9: {  	(tm) =	ssettm $0x7FFFFFFF  }
tec
execute0_lowered:
.L_overlay_start_1:
0x0: {  	(tag) =	ssettag $0x1  }
0x1: {  	s1 =	rddreg [dreg:$0x0]  }
0x2: {  	s0 =	rddreg [dreg:$0x1]  }
0x3: {  	s2 =	rddreg [dreg:$0x2]  }
0x4: {  	s4 =	simm.s32 $0x0;
	s3 =	srdreg.scid;
	s15 =	stileid.u32  }
0x5: {  	s28 =	simm.s32 $0x18B00;
	s30 =	simm.s32 $0x1AB00;
	s31 =	simm.s32 $0x1  }
0x6: {  	s29 =	simm.s32 $0x4;
	[smem:$0x7FF] =	sst s4;
	s6 =	sadd.s32 $0x83000, s0  }
0x7: {  	s3 =	sand.u32 $0x1, s3;
	s7 =	smul.u32 $0x2780, s15;
	s5 =	sadd.s32 $0x4400, s0  }
0x8: {  	s9 =	sshll.u32 s15, $0x1;
	s10 =	sadd.s32 $0x53400, s0;
	s11 =	smul.u32 $0x4F000, s15  }
0x9: {  	s12 =	sadd.s32 $0x1C00, s0;
	s18 =	smul.u32 $0x140, s15;
	s19 =	sshll.u32 s15, $0x6  }
0xa: {  	s20 =	smul.u32 $0x3C, s15;
	s15 =	simm.s32 $0xA;
	_ =	strace $0x8000004D  }
0xb: {  	s8 =	smul.u32 $0x27800, s3;
	s9 =	sor.u32 s3, s9;
	[dreg:$0x4] =	wrdreg s12  }
0xc: {  	s14 =	ssub.s32 $0x2, s3;
	s12 =	simm.s32 $0x3;
	s13 =	smul.u32 $0x1400, s9  }
0xd: {  	s16 =	sshrl.u32 s14, $0x1;
	s9 =	smul.u32 $0x3C0, s9;
	s11 =	sshrl.u32 s11, $0x2  }
0xe: {  	s7 =	sadd.s32 s7, s8;
	s17 =	ssub.s32 s14, s16;
	s14 =	smul.u32 $0xA0, s3  }
0xf: {  	s11 =	sadd.s32 s11, s2;
	s16 =	sor.u32 $0x1C0B, s19;
	s3 =	smul.u32 $0x1E, s3  }
0x10: {  	s19 =	simm.s32 $0xB;
	s8 =	simm.s32 $0x2;
	s0 =	sadd.s32 s7, s0  }
0x11: {  	s13 =	sadd.s32 s6, s13;
	s9 =	sadd.s32 s10, s9;
	[dreg:$0x5] =	wrdreg s16  }
0x12: {  	s22 =	smax.u32 s17, $0x1;
	s7 =	sshrl.u32 s11, $0x3;
	[dreg:$0x6] =	wrdreg s13  }
0x13: {  	s11 =	simm.s32 $0x6;
	s17 =	simm.s32 $0x5;
	[dreg:$0xb] =	wrdreg s22  }
0x14: {  	s13 =	sadd.s32 $0xA0, s13;
	s21 =	sadd.s32 $0xA0, s9;
	[dreg:$0x7] =	wrdreg s9  }
0x15: {  	s0 =	sadd.s32 $0xAB000, s0;
	s23 =	sadd.s32 s14, s18;
	[dreg:$0x10] =	wrdreg s7  }
0x16: {  	s3 =	sadd.s32 s3, s20;
	s24 =	sadd.s32 $0x140, s9;
	[dreg:$0x8] =	wrdreg s13  }
0x17: {  	s25 =	sadd.s32 $0x1E0, s9;
	s22 =	simm.s32 $0x40;
	[dreg:$0x9] =	wrdreg s21  }
0x18: {  	s14 =	simm.s32 $0x7;
	s9 =	simm.s32 $0x0;
	[dreg:$0xa] =	wrdreg s0  }
0x19: {  	[dreg:$0xc] =	wrdreg s24;
	s0 =	sshll.u32 s23, $0x5;
	s3 =	sshll.u32 s3, $0x5  }
0x1a: {  	[dreg:$0xd] =	wrdreg s25;
	s21 =	simm.s32 $0x14100;
	s23 =	simm.s32 $0x14B00  }
0x1b: {  	s25 =	simm.s32 $0x16B00;
	s13 =	simm.s32 $0x9;
	s0 =	sadd.s32 s0, s6  }
0x1c: {  	s3 =	sadd.s32 s10, s3;
	s10 =	simm.s32 $0x13D00;
	s0 =	sadd.s32 $0x140, s0  }
0x1d: {  	s6 =	simm.s32 $0x1CB00;
	s26 =	sadd.s32 $0x280, s3;
	[dreg:$0xe] =	wrdreg s0  }
0x1e: {  	[dreg:$0xf] =	wrdreg s26;
	s26 =	simm.s32 $0x13E00;
	s0 =	simm.s32 $0x8  }
.LBB2_1:
0x1f: {  	[dreg:$0x11] =	wrdreg s9  }
0x20: {  	s3 =	rddreg [dreg:$0x4]  }
0x21: {  	[spmem:s7], [sflag:s16] =	dma.local [hbm:s3], $0x2780  }
0x22: {  	_ =	swait.ge [sflag:s19], $0x2780  }
0x23: {  	[sflag:s19] =	ssyncset.done $0x0  }
0x24: {  	[sflag:s19] =	ssyncadd.s32 $0xFFFFD880  }
0x25: {  	[bflag:$0x0] =	sbarrier.arrive $0xFFFF  }
0x26: {  	s18 =	simm.s32 $0x13C00;
	s16 =	rddreg [dreg:$0x6]  }
0x27: {  	[tilespmem:s18], [sflag:$0xB] =	stream.linear.gather [hbm4b:s16+s4], $0x500, $0x38;
	[tilespmem:$0x1EB00] =	vst v63  }
0x28: {  	_ =	swait.ge [sflag:s19], $0x500  }
0x29: {  	[sflag:s19] =	ssyncset.done $0x0  }
0x2a: {  	s20 =	rddreg [dreg:$0x8];
	[sflag:s19] =	ssyncadd.s32 $0xFFFFFB00  }
0x2b: {  	[tilespmem:s21], [sflag:$0xB] =	stream.linear.gather [hbm4b:s20+s4], $0x500, $0x38;
	[tilespmem:$0x1EB00] =	vst v63  }
0x2c: {  	_ =	swait.ge [sflag:s19], $0x500  }
0x2d: {  	[sflag:s19] =	ssyncset.done $0x0  }
0x2e: {  	[sflag:s19] =	ssyncadd.s32 $0xFFFFFB00  }
0x2f: {  	[tilespmem:s23], [sflag:$0x1] =	stream.indirect.gather [hbm4b:s1+s22], $0x80, s18, s22, $0xb8;
	[tilespmem:$0x1EB00] =	vst v63  }
0x30: {  	_ = 	snop  }
0x31: {  	[tilespmem:s25], [sflag:$0x2] =	stream.indirect.gather [hbm4b:s1+s22], $0x80, s10, s22, $0xb8;
	[tilespmem:$0x1EB00] =	vst v63  }
0x32: {  	_ = 	snop  }
0x33: {  	[tilespmem:s28], [sflag:$0x3] =	stream.indirect.gather [hbm4b:s1+s22], $0x80, s26, s22, $0xb8;
	[tilespmem:$0x1EB00] =	vst v63  }
0x34: {  	s24 =	simm.s32 $0x13F00  }
0x35: {  	[tilespmem:s30], [sflag:$0x4] =	stream.indirect.gather [hbm4b:s1+s22], $0x80, s24, s22, $0xb8;
	[tilespmem:$0x1EB00] =	vst v63  }
0x36: {  	_ =	swait.ge [sflag:s31], $0x2000  }
0x37: {  	[sflag:s31] =	ssyncset.done $0x0  }
0x38: {  	s26 =	simm.s32 $0x13C80;
	[sflag:s31] =	ssyncadd.s32 $0xFFFFE000  }
0x39: {  	[spmem:s2] =	stream.indirect.scatter.add.f32 [tilespmem:s23], [sflag:$0x6], $0x80, s26, s22, $0xb8;
	[tilespmem:$0x1EB00] =	vst v63  }
0x3a: {  	s7 =	simm.s32 $0x14000  }
0x3b: {  	[tilespmem:s6], [sflag:$0x5] =	stream.indirect.gather [hbm4b:s1+s22], $0x80, s7, s22, $0xb8;
	[tilespmem:$0x1EB00] =	vst v63  }
0x3c: {  	_ =	swait.ge [sflag:s8], $0x2000  }
0x3d: {  	[sflag:s8] =	ssyncset.done $0x0  }
0x3e: {  	s9 =	simm.s32 $0x13D80;
	[sflag:s8] =	ssyncadd.s32 $0xFFFFE000  }
0x3f: {  	[spmem:s2] =	stream.indirect.scatter.add.f32 [tilespmem:s25], [sflag:$0x7], $0x80, s9, s22, $0xb8;
	[tilespmem:$0x1EB00] =	vst v63  }
0x40: {  	_ =	swait.ge [sflag:s11], $0x2000  }
0x41: {  	[sflag:s11] =	ssyncset.done $0x0  }
0x42: {  	[sflag:s11] =	ssyncadd.s32 $0xFFFFE000  }
0x43: {  	[tilespmem:s23], [sflag:$0x1] =	stream.indirect.gather [hbm4b:s1+s22], $0x80, s21, s22, $0xb8;
	[tilespmem:$0x1EB00] =	vst v63  }
0x44: {  	_ =	swait.ge [sflag:s12], $0x2000  }
0x45: {  	[sflag:s12] =	ssyncset.done $0x0  }
0x46: {  	s10 =	simm.s32 $0x13E80;
	[sflag:s12] =	ssyncadd.s32 $0xFFFFE000  }
0x47: {  	[spmem:s2] =	stream.indirect.scatter.add.f32 [tilespmem:s28], [sflag:$0x8], $0x80, s10, s22, $0xb8;
	[tilespmem:$0x1EB00] =	vst v63  }
0x48: {  	_ =	swait.ge [sflag:s14], $0x2000  }
0x49: {  	[sflag:s14] =	ssyncset.done $0x0  }
0x4a: {  	s16 =	simm.s32 $0x14200;
	s20 =	smul.u32 $0xAB, s8;
	[sflag:s14] =	ssyncadd.s32 $0xFFFFE000  }
0x4b: {  	[tilespmem:s25], [sflag:$0x2] =	stream.indirect.gather [hbm4b:s1+s22], $0x80, s16, s22, $0xb8;
	[tilespmem:$0x1EB00] =	vst v63  }
0x4c: {  	s24 =	sshrl.u32 s20, $0x9;
	_ =	swait.ge [sflag:s29], $0x2000  }
0x4d: {  	s7 =	sand.u32 $0x7F, s24;
	[sflag:s29] =	ssyncset.done $0x0  }
0x4e: {  	s18 =	simm.s32 $0x13F80;
	s7 =	smul.u32 $0x3, s7;
	[sflag:s29] =	ssyncadd.s32 $0xFFFFE000  }
0x4f: {  	[spmem:s2] =	stream.indirect.scatter.add.f32 [tilespmem:s30], [sflag:$0x9], $0x80, s18, s22, $0xb8;
	[tilespmem:$0x1EB00] =	vst v63  }
0x50: {  	s3 =	sadd.s32 $0xFFFFFF55, s20;
	_ =	swait.ge [sflag:s0], $0x2000  }
0x51: {  	s3 =	sshrl.u32 s3, $0x9;
	s7 =	ssub.s32 $0x2, s7;
	[sflag:s0] =	ssyncset.done $0x0  }
0x52: {  	s7 =	sand.u32 $0xFF, s7;
	s21 =	simm.s32 $0x14300;
	[sflag:s0] =	ssyncadd.s32 $0xFFFFE000  }
0x53: {  	[tilespmem:s28], [sflag:$0x3] =	stream.indirect.gather [hbm4b:s1+s22], $0x80, s21, s22, $0xb8;
	[tilespmem:$0x1EB00] =	vst v63  }
0x54: {  	s3 =	sand.u32 $0x7F, s3;
	s7 =	smul.u32 $0x1400, s7;
	_ =	swait.ge [sflag:s17], $0x2000  }
0x55: {  	s3 =	smul.u32 $0x3, s3;
	[sflag:s17] =	ssyncset.done $0x0  }
0x56: {  	s26 =	simm.s32 $0x14080;
	s7 =	sshrl.u32 s7, $0x2;
	[sflag:s17] =	ssyncadd.s32 $0xFFFFE000  }
0x57: {  	[spmem:s2] =	stream.indirect.scatter.add.f32 [tilespmem:s6], [sflag:$0xA], $0x80, s26, s22, $0xb8;
	[tilespmem:$0x1EB00] =	vst v63  }
0x58: {  	s3 =	sxor.u32 $0xFFFFFFFF, s3;
	s7 =	sadd.s32 $0x13C00, s7;
	s18 =	rddreg [dreg:$0xe]  }
0x59: {  	[tilespmem:s7], [sflag:$0xB] =	stream.linear.gather [hbm4b:s18+s4], $0x500, $0x38;
	[tilespmem:$0x1EB00] =	vst v63  }
0x5a: {  	s3 =	sadd.s32 $0x2, s3;
	_ =	swait.ge [sflag:s19], $0x500  }
0x5b: {  	s3 =	sand.u32 $0xFF, s3;
	[sflag:s19] =	ssyncset.done $0x0  }
0x5c: {  	s9 =	smul.u32 $0x1400, s3;
	[sflag:s19] =	ssyncadd.s32 $0xFFFFFB00  }
0x5d: {  	_ =	swait.ge [sflag:s13], $0x2000  }
0x5e: {  	s9 =	sshrl.u32 s9, $0x2;
	[sflag:s13] =	ssyncset.done $0x0  }
0x5f: {  	s7 =	sadd.s32 $0x13F00, s9;
	[sflag:s13] =	ssyncadd.s32 $0xFFFFE000  }
0x60: {  	[tilespmem:s30], [sflag:$0x4] =	stream.indirect.gather [hbm4b:s1+s22], $0x80, s7, s22, $0xb8;
	[tilespmem:$0x1EB00] =	vst v63  }
0x61: {  	_ =	swait.ge [sflag:s31], $0x2000  }
0x62: {  	[sflag:s31] =	ssyncset.done $0x0  }
0x63: {  	s10 =	sadd.s32 $0x13C80, s9;
	[sflag:s31] =	ssyncadd.s32 $0xFFFFE000  }
0x64: {  	[spmem:s2] =	stream.indirect.scatter.add.f32 [tilespmem:s23], [sflag:$0x6], $0x80, s10, s22, $0xb8;
	[tilespmem:$0x1EB00] =	vst v63  }
0x65: {  	_ =	swait.ge [sflag:s15], $0x2000  }
0x66: {  	[sflag:s15] =	ssyncset.done $0x0  }
0x67: {  	s16 =	sor.u32 $0x14000, s9;
	[sflag:s15] =	ssyncadd.s32 $0xFFFFE000  }
0x68: {  	[tilespmem:s6], [sflag:$0x5] =	stream.indirect.gather [hbm4b:s1+s22], $0x80, s16, s22, $0xb8;
	[tilespmem:$0x1EB00] =	vst v63  }
0x69: {  	_ =	swait.ge [sflag:s8], $0x2000  }
0x6a: {  	s20 =	sadd.s32 $0x1, s3;
	[sflag:s8] =	ssyncset.done $0x0  }
0x6b: {  	s3 =	smul.u32 $0x500, s20;
	s21 =	sadd.s32 $0x13D80, s9;
	[sflag:s8] =	ssyncadd.s32 $0xFFFFE000  }
0x6c: {  	[spmem:s2] =	stream.indirect.scatter.add.f32 [tilespmem:s25], [sflag:$0x7], $0x80, s21, s22, $0xb8;
	[tilespmem:$0x1EB00] =	vst v63  }
0x6d: {  	p0 =	seq.s32 s20, $0x3;
	_ =	swait.ge [sflag:s11], $0x2000  }
0x6e: {  	s3 =	simm.s32 @p0 $0x0;
	[sflag:s11] =	ssyncset.done $0x0  }
0x6f: {  	s24 =	sadd.s32 $0x13C00, s3;
	[sflag:s11] =	ssyncadd.s32 $0xFFFFE000  }
0x70: {  	[tilespmem:s23], [sflag:$0x1] =	stream.indirect.gather [hbm4b:s1+s22], $0x80, s24, s22, $0xb8;
	[tilespmem:$0x1EB00] =	vst v63  }
0x71: {  	_ =	swait.ge [sflag:s12], $0x2000  }
0x72: {  	[sflag:s12] =	ssyncset.done $0x0  }
0x73: {  	s26 =	sadd.s32 $0x13E80, s9;
	[sflag:s12] =	ssyncadd.s32 $0xFFFFE000  }
0x74: {  	[spmem:s2] =	stream.indirect.scatter.add.f32 [tilespmem:s28], [sflag:$0x8], $0x80, s26, s22, $0xb8;
	[tilespmem:$0x1EB00] =	vst v63  }
0x75: {  	_ =	swait.ge [sflag:s14], $0x2000  }
0x76: {  	s7 =	simm.s32 $0x3;
	[sflag:s14] =	ssyncset.done $0x0  }
0x77: {  	s24 =	sadd.s32 $0xA0, s18;
	s26 =	sadd.s32 $0x13D00, s3;
	[sflag:s14] =	ssyncadd.s32 $0xFFFFE000  }
.LBB2_2:
0x78: {  	s16 =	smul.u32 $0xAB, s7  }
0x79: {  	s21 =	sadd.s32 $0x13F80, s9;
	s9 =	sor.u32 $0x14080, s9;
	s18 =	smov.u32 s7  }
0x7a: {  	[tilespmem:s25], [sflag:$0x2] =	stream.indirect.gather [hbm4b:s1+s22], $0x80, s26, s22, $0xb8;
	[tilespmem:$0x1EB00] =	vst v63  }
0x7b: {  	s18 =	sshrl.u32 s16, $0x9;
	s16 =	sadd.s32 $0xFFFFFF55, s16;
	_ =	swait.ge [sflag:s29], $0x2000  }
0x7c: {  	s18 =	sand.u32 $0x7F, s18;
	s16 =	sshrl.u32 s16, $0x9;
	[sflag:s29] =	ssyncset.done $0x0  }
0x7d: {  	s18 =	smul.u32 $0x3, s18;
	s16 =	sand.u32 $0x7F, s16;
	[sflag:s29] =	ssyncadd.s32 $0xFFFFE000  }
0x7e: {  	[spmem:s2] =	stream.indirect.scatter.add.f32 [tilespmem:s30], [sflag:$0x9], $0x80, s21, s22, $0xb8;
	[tilespmem:$0x1EB00] =	vst v63  }
0x7f: {  	s16 =	smul.u32 $0x3, s16;
	s18 =	ssub.s32 s7, s18;
	_ =	swait.ge [sflag:s0], $0x2000  }
0x80: {  	s3 =	sadd.s32 $0x13E00, s3;
	s18 =	sand.u32 $0xFF, s18;
	[sflag:s0] =	ssyncset.done $0x0  }
0x81: {  	s16 =	sxor.u32 $0xFFFFFFFF, s16;
	s18 =	smul.u32 $0x1400, s18;
	[sflag:s0] =	ssyncadd.s32 $0xFFFFE000  }
0x82: {  	[tilespmem:s28], [sflag:$0x3] =	stream.indirect.gather [hbm4b:s1+s22], $0x80, s3, s22, $0xb8;
	[tilespmem:$0x1EB00] =	vst v63  }
0x83: {  	s16 =	sadd.s32 s7, s16;
	s3 =	sshrl.u32 s18, $0x2;
	_ =	swait.ge [sflag:s17], $0x2000  }
0x84: {  	s18 =	sadd.s32 $0x13C00, s3;
	s3 =	sand.u32 $0xFF, s16;
	[sflag:s17] =	ssyncset.done $0x0  }
0x85: {  	s16 =	smul.u32 $0x1400, s3;
	s3 =	sadd.s32 $0x1, s3;
	[sflag:s17] =	ssyncadd.s32 $0xFFFFE000  }
0x86: {  	[spmem:s2] =	stream.indirect.scatter.add.f32 [tilespmem:s6], [sflag:$0xA], $0x80, s9, s22, $0xb8;
	[tilespmem:$0x1EB00] =	vst v63  }
0x87: {  	p0 =	seq.s32 s3, $0x3;
	s3 =	smul.u32 $0x500, s3;
	s9 =	sshrl.u32 s16, $0x2  }
0x88: {  	[tilespmem:s18], [sflag:$0xB] =	stream.linear.gather [hbm4b:s24+s4], $0x500, $0x38;
	[tilespmem:$0x1EB00] =	vst v63  }
0x89: {  	s16 =	sadd.s32 $0x1, s7;
	s3 =	simm.s32 @p0 $0x0;
	_ =	swait.ge [sflag:s19], $0x500  }
0x8a: {  	p0 =	sne.s32 s7, $0x1F;
	s26 =	sadd.s32 $0x13D00, s3;
	[sflag:s19] =	ssyncset.done $0x0  }
0x8b: {  	[sflag:s19] =	ssyncadd.s32 $0xFFFFFB00  }
0x8c: {  	_ =	swait.ge [sflag:s13], $0x2000  }
0x8d: {  	[sflag:s13] =	ssyncset.done $0x0  }
0x8e: {  	s7 =	sadd.s32 $0x13F00, s9;
	[sflag:s13] =	ssyncadd.s32 $0xFFFFE000  }
0x8f: {  	[tilespmem:s30], [sflag:$0x4] =	stream.indirect.gather [hbm4b:s1+s22], $0x80, s7, s22, $0xb8;
	[tilespmem:$0x1EB00] =	vst v63  }
0x90: {  	_ =	swait.ge [sflag:s31], $0x2000  }
0x91: {  	[sflag:s31] =	ssyncset.done $0x0  }
0x92: {  	s7 =	sadd.s32 $0x13C80, s9;
	[sflag:s31] =	ssyncadd.s32 $0xFFFFE000  }
0x93: {  	[spmem:s2] =	stream.indirect.scatter.add.f32 [tilespmem:s23], [sflag:$0x6], $0x80, s7, s22, $0xb8;
	[tilespmem:$0x1EB00] =	vst v63  }
0x94: {  	_ =	swait.ge [sflag:s15], $0x2000  }
0x95: {  	[sflag:s15] =	ssyncset.done $0x0  }
0x96: {  	s7 =	sor.u32 $0x14000, s9;
	[sflag:s15] =	ssyncadd.s32 $0xFFFFE000  }
0x97: {  	[tilespmem:s6], [sflag:$0x5] =	stream.indirect.gather [hbm4b:s1+s22], $0x80, s7, s22, $0xb8;
	[tilespmem:$0x1EB00] =	vst v63  }
0x98: {  	_ =	swait.ge [sflag:s8], $0x2000  }
0x99: {  	[sflag:s8] =	ssyncset.done $0x0  }
0x9a: {  	s7 =	sadd.s32 $0x13D80, s9;
	[sflag:s8] =	ssyncadd.s32 $0xFFFFE000  }
0x9b: {  	[spmem:s2] =	stream.indirect.scatter.add.f32 [tilespmem:s25], [sflag:$0x7], $0x80, s7, s22, $0xb8;
	[tilespmem:$0x1EB00] =	vst v63  }
0x9c: {  	_ =	swait.ge [sflag:s11], $0x2000  }
0x9d: {  	[sflag:s11] =	ssyncset.done $0x0  }
0x9e: {  	s7 =	sadd.s32 $0x13C00, s3;
	[sflag:s11] =	ssyncadd.s32 $0xFFFFE000  }
0x9f: {  	[tilespmem:s23], [sflag:$0x1] =	stream.indirect.gather [hbm4b:s1+s22], $0x80, s7, s22, $0xb8;
	[tilespmem:$0x1EB00] =	vst v63  }
0xa0: {  	_ =	swait.ge [sflag:s12], $0x2000  }
0xa1: {  	[sflag:s12] =	ssyncset.done $0x0  }
.Ltmp0:
0xa2: {  	s7 =	sadd.s32 $0x13E80, s9;
	[sflag:s12] =	ssyncadd.s32 $0xFFFFE000;
	(pc) =	sbr.rel @p0 .LBB2_2-.Ltmp0, $4  }
0xa3: {  	[spmem:s2] =	stream.indirect.scatter.add.f32 [tilespmem:s28], [sflag:$0x8], $0x80, s7, s22, $0xb8;
	[tilespmem:$0x1EB00] =	vst v63  }
0xa4: {  	_ =	swait.ge [sflag:s14], $0x2000  }
0xa5: {  	[sflag:s14] =	ssyncset.done $0x0  }
0xa6: {  	s24 =	sadd.s32 $0xA0, s24;
	s7 =	smov.u32 s16;
	[sflag:s14] =	ssyncadd.s32 $0xFFFFE000  }
0xa7: {  	[tilespmem:s25], [sflag:$0x2] =	stream.indirect.gather [hbm4b:s1+s22], $0x80, s26, s22, $0xb8;
	[tilespmem:$0x1EB00] =	vst v63  }
0xa8: {  	_ =	swait.ge [sflag:s29], $0x2000  }
0xa9: {  	[sflag:s29] =	ssyncset.done $0x0  }
0xaa: {  	s7 =	sadd.s32 $0x13F80, s9;
	[sflag:s29] =	ssyncadd.s32 $0xFFFFE000  }
0xab: {  	[spmem:s2] =	stream.indirect.scatter.add.f32 [tilespmem:s30], [sflag:$0x9], $0x80, s7, s22, $0xb8;
	[tilespmem:$0x1EB00] =	vst v63  }
0xac: {  	_ =	swait.ge [sflag:s0], $0x2000  }
0xad: {  	[sflag:s0] =	ssyncset.done $0x0  }
0xae: {  	s3 =	sadd.s32 $0x13E00, s3;
	[sflag:s0] =	ssyncadd.s32 $0xFFFFE000  }
0xaf: {  	[tilespmem:s28], [sflag:$0x3] =	stream.indirect.gather [hbm4b:s1+s22], $0x80, s3, s22, $0xb8;
	[tilespmem:$0x1EB00] =	vst v63  }
0xb0: {  	_ =	swait.ge [sflag:s17], $0x2000  }
0xb1: {  	[sflag:s17] =	ssyncset.done $0x0  }
0xb2: {  	s24 =	sor.u32 $0x14080, s9;
	[sflag:s17] =	ssyncadd.s32 $0xFFFFE000  }
0xb3: {  	[spmem:s2] =	stream.indirect.scatter.add.f32 [tilespmem:s6], [sflag:$0xA], $0x80, s24, s22, $0xb8;
	[tilespmem:$0x1EB00] =	vst v63  }
0xb4: {  	_ =	swait.ge [sflag:s13], $0x2000  }
0xb5: {  	[sflag:s13] =	ssyncset.done $0x0  }
0xb6: {  	s7 =	simm.s32 $0x14400;
	[sflag:s13] =	ssyncadd.s32 $0xFFFFE000  }
0xb7: {  	[tilespmem:s30], [sflag:$0x4] =	stream.indirect.gather [hbm4b:s1+s22], $0x80, s7, s22, $0xb8;
	[tilespmem:$0x1EB00] =	vst v63  }
0xb8: {  	_ =	swait.ge [sflag:s31], $0x2000  }
0xb9: {  	[sflag:s31] =	ssyncset.done $0x0  }
0xba: {  	s16 =	simm.s32 $0x14180;
	[sflag:s31] =	ssyncadd.s32 $0xFFFFE000  }
0xbb: {  	[spmem:s2] =	stream.indirect.scatter.add.f32 [tilespmem:s23], [sflag:$0x6], $0x80, s16, s22, $0xb8;
	[tilespmem:$0x1EB00] =	vst v63  }
0xbc: {  	_ =	swait.ge [sflag:s15], $0x2000  }
0xbd: {  	[sflag:s15] =	ssyncset.done $0x0  }
0xbe: {  	s18 =	simm.s32 $0x14500;
	[sflag:s15] =	ssyncadd.s32 $0xFFFFE000  }
0xbf: {  	[tilespmem:s6], [sflag:$0x5] =	stream.indirect.gather [hbm4b:s1+s22], $0x80, s18, s22, $0xb8;
	[tilespmem:$0x1EB00] =	vst v63  }
0xc0: {  	_ =	swait.ge [sflag:s8], $0x2000  }
0xc1: {  	[sflag:s8] =	ssyncset.done $0x0  }
0xc2: {  	s20 =	simm.s32 $0x14280;
	[sflag:s8] =	ssyncadd.s32 $0xFFFFE000  }
0xc3: {  	[spmem:s2] =	stream.indirect.scatter.add.f32 [tilespmem:s25], [sflag:$0x7], $0x80, s20, s22, $0xb8;
	[tilespmem:$0x1EB00] =	vst v63  }
0xc4: {  	_ =	swait.ge [sflag:s12], $0x2000  }
0xc5: {  	[sflag:s12] =	ssyncset.done $0x0  }
0xc6: {  	s26 =	simm.s32 $0x14380;
	[sflag:s12] =	ssyncadd.s32 $0xFFFFE000  }
0xc7: {  	[spmem:s2] =	stream.indirect.scatter.add.f32 [tilespmem:s28], [sflag:$0x8], $0x80, s26, s22, $0xb8;
	[tilespmem:$0x1EB00] =	vst v63  }
0xc8: {  	_ =	swait.ge [sflag:s29], $0x2000  }
0xc9: {  	[sflag:s29] =	ssyncset.done $0x0  }
0xca: {  	s9 =	simm.s32 $0x14480;
	[sflag:s29] =	ssyncadd.s32 $0xFFFFE000  }
0xcb: {  	[spmem:s2] =	stream.indirect.scatter.add.f32 [tilespmem:s30], [sflag:$0x9], $0x80, s9, s22, $0xb8;
	[tilespmem:$0x1EB00] =	vst v63  }
0xcc: {  	_ =	swait.ge [sflag:s17], $0x2000  }
0xcd: {  	[sflag:s17] =	ssyncset.done $0x0  }
0xce: {  	s10 =	simm.s32 $0x14580;
	[sflag:s17] =	ssyncadd.s32 $0xFFFFE000  }
0xcf: {  	[spmem:s2] =	stream.indirect.scatter.add.f32 [tilespmem:s6], [sflag:$0xA], $0x80, s10, s22, $0xb8;
	[tilespmem:$0x1EB00] =	vst v63  }
0xd0: {  	_ =	swait.ge [sflag:s11], $0x2000  }
0xd1: {  	[sflag:s11] =	ssyncset.done $0x0  }
0xd2: {  	[sflag:s11] =	ssyncadd.s32 $0xFFFFE000  }
0xd3: {  	_ =	swait.ge [sflag:s14], $0x2000  }
0xd4: {  	[sflag:s14] =	ssyncset.done $0x0  }
0xd5: {  	[sflag:s14] =	ssyncadd.s32 $0xFFFFE000  }
0xd6: {  	_ =	swait.ge [sflag:s0], $0x2000  }
0xd7: {  	[sflag:s0] =	ssyncset.done $0x0  }
0xd8: {  	[sflag:s0] =	ssyncadd.s32 $0xFFFFE000  }
0xd9: {  	_ =	swait.ge [sflag:s13], $0x2000  }
0xda: {  	[sflag:s13] =	ssyncset.done $0x0  }
0xdb: {  	[sflag:s13] =	ssyncadd.s32 $0xFFFFE000  }
0xdc: {  	_ =	swait.ge [sflag:s15], $0x2000  }
0xdd: {  	s9 =	simm.s32 $0x0;
	[sflag:s15] =	ssyncset.done $0x0  }
0xde: {  	s10 =	simm.s32 $0x13C00;
	s21 =	rddreg [dreg:$0x7];
	[sflag:s15] =	ssyncadd.s32 $0xFFFFE000  }
0xdf: {  	[tilespmem:s10], [sflag:$0xB] =	stream.linear.gather [hbm4b:s21+s9], $0x500, $0x38;
	[tilespmem:$0x1EB00] =	vst v63  }
0xe0: {  	_ =	swait.ge [sflag:s19], $0x500  }
0xe1: {  	[sflag:s19] =	ssyncset.done $0x0  }
0xe2: {  	s21 =	simm.s32 $0x14100;
	s24 =	rddreg [dreg:$0x9];
	[sflag:s19] =	ssyncadd.s32 $0xFFFFFB00  }
0xe3: {  	[tilespmem:s21], [sflag:$0xB] =	stream.linear.gather [hbm4b:s24+s9], $0x500, $0x38;
	[tilespmem:$0x1EB00] =	vst v63  }
0xe4: {  	_ =	swait.ge [sflag:s19], $0x500  }
0xe5: {  	[sflag:s19] =	ssyncset.done $0x0  }
0xe6: {  	[sflag:s19] =	ssyncadd.s32 $0xFFFFFB00  }
0xe7: {  	[tilespmem:s23], [sflag:$0x1] =	stream.indirect.gather [hbm4b:s5+s22], $0x80, s10, s22, $0xb8;
	[tilespmem:$0x1EB00] =	vst v63  }
0xe8: {  	s26 =	simm.s32 $0x13D00  }
0xe9: {  	[tilespmem:s25], [sflag:$0x2] =	stream.indirect.gather [hbm4b:s5+s22], $0x80, s26, s22, $0xb8;
	[tilespmem:$0x1EB00] =	vst v63  }
0xea: {  	s26 =	simm.s32 $0x13E00  }
0xeb: {  	[tilespmem:s28], [sflag:$0x3] =	stream.indirect.gather [hbm4b:s5+s22], $0x80, s26, s22, $0xb8;
	[tilespmem:$0x1EB00] =	vst v63  }
0xec: {  	s24 =	simm.s32 $0x13F00  }
0xed: {  	[tilespmem:s30], [sflag:$0x4] =	stream.indirect.gather [hbm4b:s5+s22], $0x80, s24, s22, $0xb8;
	[tilespmem:$0x1EB00] =	vst v63  }
0xee: {  	_ =	swait.ge [sflag:s31], $0x2000  }
0xef: {  	[sflag:s31] =	ssyncset.done $0x0  }
0xf0: {  	s24 =	simm.s32 $0x13C80;
	[sflag:s31] =	ssyncadd.s32 $0xFFFFE000  }
0xf1: {  	[spmem:s2] =	stream.indirect.scatter.add.f32 [tilespmem:s23], [sflag:$0x6], $0x80, s24, s22, $0xb8;
	[tilespmem:$0x1EB00] =	vst v63  }
0xf2: {  	s24 =	simm.s32 $0x14000  }
0xf3: {  	[tilespmem:s6], [sflag:$0x5] =	stream.indirect.gather [hbm4b:s5+s22], $0x80, s24, s22, $0xb8;
	[tilespmem:$0x1EB00] =	vst v63  }
0xf4: {  	_ =	swait.ge [sflag:s8], $0x2000  }
0xf5: {  	[sflag:s8] =	ssyncset.done $0x0  }
0xf6: {  	s24 =	simm.s32 $0x13D80;
	[sflag:s8] =	ssyncadd.s32 $0xFFFFE000  }
0xf7: {  	[spmem:s2] =	stream.indirect.scatter.add.f32 [tilespmem:s25], [sflag:$0x7], $0x80, s24, s22, $0xb8;
	[tilespmem:$0x1EB00] =	vst v63  }
0xf8: {  	_ =	swait.ge [sflag:s11], $0x2000  }
0xf9: {  	[sflag:s11] =	ssyncset.done $0x0  }
0xfa: {  	[sflag:s11] =	ssyncadd.s32 $0xFFFFE000  }
0xfb: {  	[tilespmem:s23], [sflag:$0x1] =	stream.indirect.gather [hbm4b:s5+s22], $0x80, s21, s22, $0xb8;
	[tilespmem:$0x1EB00] =	vst v63  }
0xfc: {  	_ =	swait.ge [sflag:s12], $0x2000  }
0xfd: {  	[sflag:s12] =	ssyncset.done $0x0  }
0xfe: {  	s24 =	simm.s32 $0x13E80;
	[sflag:s12] =	ssyncadd.s32 $0xFFFFE000  }
0xff: {  	[spmem:s2] =	stream.indirect.scatter.add.f32 [tilespmem:s28], [sflag:$0x8], $0x80, s24, s22, $0xb8;
	[tilespmem:$0x1EB00] =	vst v63  }
0x100: {  	_ =	swait.ge [sflag:s14], $0x2000  }
0x101: {  	[sflag:s14] =	ssyncset.done $0x0  }
0x102: {  	s24 =	simm.s32 $0x14200;
	[sflag:s14] =	ssyncadd.s32 $0xFFFFE000  }
0x103: {  	[tilespmem:s25], [sflag:$0x2] =	stream.indirect.gather [hbm4b:s5+s22], $0x80, s24, s22, $0xb8;
	[tilespmem:$0x1EB00] =	vst v63  }
0x104: {  	_ =	swait.ge [sflag:s29], $0x2000  }
0x105: {  	[sflag:s29] =	ssyncset.done $0x0  }
0x106: {  	s24 =	simm.s32 $0x13F80;
	[sflag:s29] =	ssyncadd.s32 $0xFFFFE000  }
0x107: {  	[spmem:s2] =	stream.indirect.scatter.add.f32 [tilespmem:s30], [sflag:$0x9], $0x80, s24, s22, $0xb8;
	[tilespmem:$0x1EB00] =	vst v63  }
0x108: {  	_ =	swait.ge [sflag:s0], $0x2000  }
0x109: {  	[sflag:s0] =	ssyncset.done $0x0  }
0x10a: {  	s24 =	simm.s32 $0x14300;
	[sflag:s0] =	ssyncadd.s32 $0xFFFFE000  }
0x10b: {  	[tilespmem:s28], [sflag:$0x3] =	stream.indirect.gather [hbm4b:s5+s22], $0x80, s24, s22, $0xb8;
	[tilespmem:$0x1EB00] =	vst v63  }
0x10c: {  	_ =	swait.ge [sflag:s17], $0x2000  }
0x10d: {  	[sflag:s17] =	ssyncset.done $0x0  }
0x10e: {  	s24 =	simm.s32 $0x14080;
	[sflag:s17] =	ssyncadd.s32 $0xFFFFE000  }
0x10f: {  	[spmem:s2] =	stream.indirect.scatter.add.f32 [tilespmem:s6], [sflag:$0xA], $0x80, s24, s22, $0xb8;
	[tilespmem:$0x1EB00] =	vst v63  }
0x110: {  	s3 =	rddreg [dreg:$0xc];
	s24 =	simm.s32 $0x14600  }
0x111: {  	[tilespmem:s24], [sflag:$0xB] =	stream.linear.gather [hbm4b:s3+s9], $0x500, $0x38;
	[tilespmem:$0x1EB00] =	vst v63  }
0x112: {  	_ =	swait.ge [sflag:s19], $0x500  }
0x113: {  	[sflag:s19] =	ssyncset.done $0x0  }
0x114: {  	[sflag:s19] =	ssyncadd.s32 $0xFFFFFB00  }
0x115: {  	_ =	swait.ge [sflag:s13], $0x2000  }
0x116: {  	[sflag:s13] =	ssyncset.done $0x0  }
0x117: {  	[sflag:s13] =	ssyncadd.s32 $0xFFFFE000  }
0x118: {  	[tilespmem:s30], [sflag:$0x4] =	stream.indirect.gather [hbm4b:s5+s22], $0x80, s7, s22, $0xb8;
	[tilespmem:$0x1EB00] =	vst v63  }
0x119: {  	_ =	swait.ge [sflag:s31], $0x2000  }
0x11a: {  	[sflag:s31] =	ssyncset.done $0x0  }
0x11b: {  	[sflag:s31] =	ssyncadd.s32 $0xFFFFE000  }
0x11c: {  	[spmem:s2] =	stream.indirect.scatter.add.f32 [tilespmem:s23], [sflag:$0x6], $0x80, s16, s22, $0xb8;
	[tilespmem:$0x1EB00] =	vst v63  }
0x11d: {  	_ =	swait.ge [sflag:s15], $0x2000  }
0x11e: {  	[sflag:s15] =	ssyncset.done $0x0  }
0x11f: {  	[sflag:s15] =	ssyncadd.s32 $0xFFFFE000  }
0x120: {  	[tilespmem:s6], [sflag:$0x5] =	stream.indirect.gather [hbm4b:s5+s22], $0x80, s18, s22, $0xb8;
	[tilespmem:$0x1EB00] =	vst v63  }
0x121: {  	_ =	swait.ge [sflag:s8], $0x2000  }
0x122: {  	[sflag:s8] =	ssyncset.done $0x0  }
0x123: {  	[sflag:s8] =	ssyncadd.s32 $0xFFFFE000  }
0x124: {  	[spmem:s2] =	stream.indirect.scatter.add.f32 [tilespmem:s25], [sflag:$0x7], $0x80, s20, s22, $0xb8;
	[tilespmem:$0x1EB00] =	vst v63  }
0x125: {  	_ =	swait.ge [sflag:s11], $0x2000  }
0x126: {  	[sflag:s11] =	ssyncset.done $0x0  }
0x127: {  	[sflag:s11] =	ssyncadd.s32 $0xFFFFE000  }
0x128: {  	[tilespmem:s23], [sflag:$0x1] =	stream.indirect.gather [hbm4b:s5+s22], $0x80, s24, s22, $0xb8;
	[tilespmem:$0x1EB00] =	vst v63  }
0x129: {  	_ =	swait.ge [sflag:s12], $0x2000  }
0x12a: {  	[sflag:s12] =	ssyncset.done $0x0  }
0x12b: {  	s7 =	simm.s32 $0x14380;
	[sflag:s12] =	ssyncadd.s32 $0xFFFFE000  }
0x12c: {  	[spmem:s2] =	stream.indirect.scatter.add.f32 [tilespmem:s28], [sflag:$0x8], $0x80, s7, s22, $0xb8;
	[tilespmem:$0x1EB00] =	vst v63  }
0x12d: {  	_ =	swait.ge [sflag:s14], $0x2000  }
0x12e: {  	[sflag:s14] =	ssyncset.done $0x0  }
0x12f: {  	s16 =	simm.s32 $0x14700;
	[sflag:s14] =	ssyncadd.s32 $0xFFFFE000  }
0x130: {  	[tilespmem:s25], [sflag:$0x2] =	stream.indirect.gather [hbm4b:s5+s22], $0x80, s16, s22, $0xb8;
	[tilespmem:$0x1EB00] =	vst v63  }
0x131: {  	_ =	swait.ge [sflag:s29], $0x2000  }
0x132: {  	[sflag:s29] =	ssyncset.done $0x0  }
0x133: {  	s18 =	simm.s32 $0x14480;
	[sflag:s29] =	ssyncadd.s32 $0xFFFFE000  }
0x134: {  	[spmem:s2] =	stream.indirect.scatter.add.f32 [tilespmem:s30], [sflag:$0x9], $0x80, s18, s22, $0xb8;
	[tilespmem:$0x1EB00] =	vst v63  }
0x135: {  	_ =	swait.ge [sflag:s0], $0x2000  }
0x136: {  	[sflag:s0] =	ssyncset.done $0x0  }
0x137: {  	s20 =	simm.s32 $0x14800;
	[sflag:s0] =	ssyncadd.s32 $0xFFFFE000  }
0x138: {  	[tilespmem:s28], [sflag:$0x3] =	stream.indirect.gather [hbm4b:s5+s22], $0x80, s20, s22, $0xb8;
	[tilespmem:$0x1EB00] =	vst v63  }
0x139: {  	_ =	swait.ge [sflag:s17], $0x2000  }
0x13a: {  	[sflag:s17] =	ssyncset.done $0x0  }
0x13b: {  	s24 =	simm.s32 $0x14580;
	[sflag:s17] =	ssyncadd.s32 $0xFFFFE000  }
0x13c: {  	[spmem:s2] =	stream.indirect.scatter.add.f32 [tilespmem:s6], [sflag:$0xA], $0x80, s24, s22, $0xb8;
	[tilespmem:$0x1EB00] =	vst v63  }
0x13d: {  	s7 =	rddreg [dreg:$0xd]  }
0x13e: {  	[tilespmem:s10], [sflag:$0xB] =	stream.linear.gather [hbm4b:s7+s9], $0x500, $0x38;
	[tilespmem:$0x1EB00] =	vst v63  }
0x13f: {  	_ =	swait.ge [sflag:s19], $0x500  }
0x140: {  	[sflag:s19] =	ssyncset.done $0x0  }
0x141: {  	[sflag:s19] =	ssyncadd.s32 $0xFFFFFB00  }
0x142: {  	_ =	swait.ge [sflag:s13], $0x2000  }
0x143: {  	[sflag:s13] =	ssyncset.done $0x0  }
0x144: {  	s20 =	simm.s32 $0x14900;
	[sflag:s13] =	ssyncadd.s32 $0xFFFFE000  }
0x145: {  	[tilespmem:s30], [sflag:$0x4] =	stream.indirect.gather [hbm4b:s5+s22], $0x80, s20, s22, $0xb8;
	[tilespmem:$0x1EB00] =	vst v63  }
0x146: {  	_ =	swait.ge [sflag:s31], $0x2000  }
0x147: {  	[sflag:s31] =	ssyncset.done $0x0  }
0x148: {  	s24 =	simm.s32 $0x14680;
	[sflag:s31] =	ssyncadd.s32 $0xFFFFE000  }
0x149: {  	[spmem:s2] =	stream.indirect.scatter.add.f32 [tilespmem:s23], [sflag:$0x6], $0x80, s24, s22, $0xb8;
	[tilespmem:$0x1EB00] =	vst v63  }
0x14a: {  	_ =	swait.ge [sflag:s15], $0x2000  }
0x14b: {  	[sflag:s15] =	ssyncset.done $0x0  }
0x14c: {  	s16 =	simm.s32 $0x14A00;
	[sflag:s15] =	ssyncadd.s32 $0xFFFFE000  }
0x14d: {  	[tilespmem:s6], [sflag:$0x5] =	stream.indirect.gather [hbm4b:s5+s22], $0x80, s16, s22, $0xb8;
	[tilespmem:$0x1EB00] =	vst v63  }
0x14e: {  	_ =	swait.ge [sflag:s8], $0x2000  }
0x14f: {  	[sflag:s8] =	ssyncset.done $0x0  }
0x150: {  	s18 =	simm.s32 $0x14780;
	[sflag:s8] =	ssyncadd.s32 $0xFFFFE000  }
0x151: {  	[spmem:s2] =	stream.indirect.scatter.add.f32 [tilespmem:s25], [sflag:$0x7], $0x80, s18, s22, $0xb8;
	[tilespmem:$0x1EB00] =	vst v63  }
0x152: {  	_ =	swait.ge [sflag:s11], $0x2000  }
0x153: {  	[sflag:s11] =	ssyncset.done $0x0  }
0x154: {  	[sflag:s11] =	ssyncadd.s32 $0xFFFFE000  }
0x155: {  	[tilespmem:s23], [sflag:$0x1] =	stream.indirect.gather [hbm4b:s5+s22], $0x80, s10, s22, $0xb8;
	[tilespmem:$0x1EB00] =	vst v63  }
0x156: {  	_ =	swait.ge [sflag:s12], $0x2000  }
0x157: {  	[sflag:s12] =	ssyncset.done $0x0  }
0x158: {  	s10 =	simm.s32 $0x14880;
	[sflag:s12] =	ssyncadd.s32 $0xFFFFE000  }
0x159: {  	[spmem:s2] =	stream.indirect.scatter.add.f32 [tilespmem:s28], [sflag:$0x8], $0x80, s10, s22, $0xb8;
	[tilespmem:$0x1EB00] =	vst v63  }
0x15a: {  	_ =	swait.ge [sflag:s14], $0x2000  }
0x15b: {  	[sflag:s14] =	ssyncset.done $0x0  }
0x15c: {  	s7 =	simm.s32 $0x13D00;
	[sflag:s14] =	ssyncadd.s32 $0xFFFFE000  }
0x15d: {  	[tilespmem:s25], [sflag:$0x2] =	stream.indirect.gather [hbm4b:s5+s22], $0x80, s7, s22, $0xb8;
	[tilespmem:$0x1EB00] =	vst v63  }
0x15e: {  	_ =	swait.ge [sflag:s29], $0x2000  }
0x15f: {  	[sflag:s29] =	ssyncset.done $0x0  }
0x160: {  	s16 =	simm.s32 $0x14980;
	[sflag:s29] =	ssyncadd.s32 $0xFFFFE000  }
0x161: {  	[spmem:s2] =	stream.indirect.scatter.add.f32 [tilespmem:s30], [sflag:$0x9], $0x80, s16, s22, $0xb8;
	[tilespmem:$0x1EB00] =	vst v63  }
0x162: {  	_ =	swait.ge [sflag:s0], $0x2000  }
0x163: {  	[sflag:s0] =	ssyncset.done $0x0  }
0x164: {  	[sflag:s0] =	ssyncadd.s32 $0xFFFFE000  }
0x165: {  	[tilespmem:s28], [sflag:$0x3] =	stream.indirect.gather [hbm4b:s5+s22], $0x80, s26, s22, $0xb8;
	[tilespmem:$0x1EB00] =	vst v63  }
0x166: {  	_ =	swait.ge [sflag:s17], $0x2000  }
0x167: {  	[sflag:s17] =	ssyncset.done $0x0  }
0x168: {  	s18 =	simm.s32 $0x14A80;
	s3 =	rddreg [dreg:$0xf];
	[sflag:s17] =	ssyncadd.s32 $0xFFFFE000  }
0x169: {  	[spmem:s2] =	stream.indirect.scatter.add.f32 [tilespmem:s6], [sflag:$0xA], $0x80, s18, s22, $0xb8;
	[tilespmem:$0x1EB00] =	vst v63  }
.LBB2_4:
0x16a: {  	s7 =	sshra.s32 s9, $0x2  }
0x16b: {  	s16 =	sadd.s32 $0x14100, s7  }
0x16c: {  	[tilespmem:s16], [sflag:$0xB] =	stream.linear.gather [hbm4b:s3+s4], $0x500, $0x38;
	[tilespmem:$0x1EB00] =	vst v63  }
0x16d: {  	_ =	swait.ge [sflag:s19], $0x500  }
0x16e: {  	[sflag:s19] =	ssyncset.done $0x0  }
0x16f: {  	[sflag:s19] =	ssyncadd.s32 $0xFFFFFB00  }
0x170: {  	_ =	swait.ge [sflag:s13], $0x2000  }
0x171: {  	[sflag:s13] =	ssyncset.done $0x0  }
0x172: {  	s18 =	sadd.s32 $0x13F00, s7;
	[sflag:s13] =	ssyncadd.s32 $0xFFFFE000  }
0x173: {  	[tilespmem:s30], [sflag:$0x4] =	stream.indirect.gather [hbm4b:s5+s22], $0x80, s18, s22, $0xb8;
	[tilespmem:$0x1EB00] =	vst v63  }
0x174: {  	_ =	swait.ge [sflag:s31], $0x2000  }
0x175: {  	[sflag:s31] =	ssyncset.done $0x0  }
0x176: {  	s18 =	sadd.s32 $0x13C80, s7;
	[sflag:s31] =	ssyncadd.s32 $0xFFFFE000  }
0x177: {  	[spmem:s2] =	stream.indirect.scatter.add.f32 [tilespmem:s23], [sflag:$0x6], $0x80, s18, s22, $0xb8;
	[tilespmem:$0x1EB00] =	vst v63  }
0x178: {  	_ =	swait.ge [sflag:s15], $0x2000  }
0x179: {  	[sflag:s15] =	ssyncset.done $0x0  }
0x17a: {  	s18 =	sadd.s32 $0x14000, s7;
	[sflag:s15] =	ssyncadd.s32 $0xFFFFE000  }
0x17b: {  	[tilespmem:s6], [sflag:$0x5] =	stream.indirect.gather [hbm4b:s5+s22], $0x80, s18, s22, $0xb8;
	[tilespmem:$0x1EB00] =	vst v63  }
0x17c: {  	_ =	swait.ge [sflag:s8], $0x2000  }
0x17d: {  	[sflag:s8] =	ssyncset.done $0x0  }
0x17e: {  	s18 =	sadd.s32 $0x13D80, s7;
	[sflag:s8] =	ssyncadd.s32 $0xFFFFE000  }
0x17f: {  	[spmem:s2] =	stream.indirect.scatter.add.f32 [tilespmem:s25], [sflag:$0x7], $0x80, s18, s22, $0xb8;
	[tilespmem:$0x1EB00] =	vst v63  }
0x180: {  	_ =	swait.ge [sflag:s11], $0x2000  }
0x181: {  	[sflag:s11] =	ssyncset.done $0x0  }
0x182: {  	[sflag:s11] =	ssyncadd.s32 $0xFFFFE000  }
0x183: {  	[tilespmem:s23], [sflag:$0x1] =	stream.indirect.gather [hbm4b:s5+s22], $0x80, s16, s22, $0xb8;
	[tilespmem:$0x1EB00] =	vst v63  }
0x184: {  	_ =	swait.ge [sflag:s12], $0x2000  }
0x185: {  	[sflag:s12] =	ssyncset.done $0x0  }
0x186: {  	s18 =	sadd.s32 $0x13E80, s7;
	[sflag:s12] =	ssyncadd.s32 $0xFFFFE000  }
0x187: {  	[spmem:s2] =	stream.indirect.scatter.add.f32 [tilespmem:s28], [sflag:$0x8], $0x80, s18, s22, $0xb8;
	[tilespmem:$0x1EB00] =	vst v63  }
0x188: {  	_ =	swait.ge [sflag:s14], $0x2000  }
0x189: {  	[sflag:s14] =	ssyncset.done $0x0  }
0x18a: {  	s18 =	sadd.s32 $0x14200, s7;
	[sflag:s14] =	ssyncadd.s32 $0xFFFFE000  }
0x18b: {  	[tilespmem:s25], [sflag:$0x2] =	stream.indirect.gather [hbm4b:s5+s22], $0x80, s18, s22, $0xb8;
	[tilespmem:$0x1EB00] =	vst v63  }
0x18c: {  	_ =	swait.ge [sflag:s29], $0x2000  }
0x18d: {  	[sflag:s29] =	ssyncset.done $0x0  }
0x18e: {  	s18 =	sadd.s32 $0x13F80, s7;
	[sflag:s29] =	ssyncadd.s32 $0xFFFFE000  }
0x18f: {  	[spmem:s2] =	stream.indirect.scatter.add.f32 [tilespmem:s30], [sflag:$0x9], $0x80, s18, s22, $0xb8;
	[tilespmem:$0x1EB00] =	vst v63  }
0x190: {  	_ =	swait.ge [sflag:s0], $0x2000  }
0x191: {  	[sflag:s0] =	ssyncset.done $0x0  }
0x192: {  	p0 =	sne.s32 s9, $0x1400;
	s18 =	sadd.s32 $0x14300, s7;
	[sflag:s0] =	ssyncadd.s32 $0xFFFFE000  }
0x193: {  	[tilespmem:s28], [sflag:$0x3] =	stream.indirect.gather [hbm4b:s5+s22], $0x80, s18, s22, $0xb8;
	[tilespmem:$0x1EB00] =	vst v63  }
.Ltmp1:
0x194: {  	_ = 	snop;
	(pc) =	sbr.rel @p0 .LBB2_4-.Ltmp1, $4  }
0x195: {  	_ =	swait.ge [sflag:s17], $0x2000  }
0x196: {  	s9 =	sadd.s32 $0x1400, s9;
	[sflag:s17] =	ssyncset.done $0x0  }
0x197: {  	s3 =	sadd.s32 $0xA0, s3;
	s7 =	sadd.s32 $0x14080, s7;
	[sflag:s17] =	ssyncadd.s32 $0xFFFFE000  }
0x198: {  	[spmem:s2] =	stream.indirect.scatter.add.f32 [tilespmem:s6], [sflag:$0xA], $0x80, s7, s22, $0xb8;
	[tilespmem:$0x1EB00] =	vst v63  }
0x199: {  	_ =	swait.ge [sflag:s13], $0x2000  }
0x19a: {  	[sflag:s13] =	ssyncset.done $0x0  }
0x19b: {  	[sflag:s13] =	ssyncadd.s32 $0xFFFFE000  }
0x19c: {  	[tilespmem:s30], [sflag:$0x4] =	stream.indirect.gather [hbm4b:s5+s22], $0x80, s20, s22, $0xb8;
	[tilespmem:$0x1EB00] =	vst v63  }
0x19d: {  	_ =	swait.ge [sflag:s31], $0x2000  }
0x19e: {  	[sflag:s31] =	ssyncset.done $0x0  }
0x19f: {  	[sflag:s31] =	ssyncadd.s32 $0xFFFFE000  }
0x1a0: {  	[spmem:s2] =	stream.indirect.scatter.add.f32 [tilespmem:s23], [sflag:$0x6], $0x80, s24, s22, $0xb8;
	[tilespmem:$0x1EB00] =	vst v63  }
0x1a1: {  	_ =	swait.ge [sflag:s15], $0x2000  }
0x1a2: {  	[sflag:s15] =	ssyncset.done $0x0  }
0x1a3: {  	s3 =	simm.s32 $0x14A00;
	[sflag:s15] =	ssyncadd.s32 $0xFFFFE000  }
0x1a4: {  	[tilespmem:s6], [sflag:$0x5] =	stream.indirect.gather [hbm4b:s5+s22], $0x80, s3, s22, $0xb8;
	[tilespmem:$0x1EB00] =	vst v63  }
0x1a5: {  	_ =	swait.ge [sflag:s8], $0x2000  }
0x1a6: {  	[sflag:s8] =	ssyncset.done $0x0  }
0x1a7: {  	s9 =	simm.s32 $0x14780;
	[sflag:s8] =	ssyncadd.s32 $0xFFFFE000  }
0x1a8: {  	[spmem:s2] =	stream.indirect.scatter.add.f32 [tilespmem:s25], [sflag:$0x7], $0x80, s9, s22, $0xb8;
	[tilespmem:$0x1EB00] =	vst v63  }
0x1a9: {  	_ =	swait.ge [sflag:s12], $0x2000  }
0x1aa: {  	[sflag:s12] =	ssyncset.done $0x0  }
0x1ab: {  	[sflag:s12] =	ssyncadd.s32 $0xFFFFE000  }
0x1ac: {  	[spmem:s2] =	stream.indirect.scatter.add.f32 [tilespmem:s28], [sflag:$0x8], $0x80, s10, s22, $0xb8;
	[tilespmem:$0x1EB00] =	vst v63  }
0x1ad: {  	_ =	swait.ge [sflag:s29], $0x2000  }
0x1ae: {  	[sflag:s29] =	ssyncset.done $0x0  }
0x1af: {  	s16 =	simm.s32 $0x14980;
	[sflag:s29] =	ssyncadd.s32 $0xFFFFE000  }
0x1b0: {  	[spmem:s2] =	stream.indirect.scatter.add.f32 [tilespmem:s30], [sflag:$0x9], $0x80, s16, s22, $0xb8;
	[tilespmem:$0x1EB00] =	vst v63  }
0x1b1: {  	_ =	swait.ge [sflag:s17], $0x2000  }
0x1b2: {  	[sflag:s17] =	ssyncset.done $0x0  }
0x1b3: {  	s18 =	simm.s32 $0x14A80;
	[sflag:s17] =	ssyncadd.s32 $0xFFFFE000  }
0x1b4: {  	[spmem:s2] =	stream.indirect.scatter.add.f32 [tilespmem:s6], [sflag:$0xA], $0x80, s18, s22, $0xb8;
	[tilespmem:$0x1EB00] =	vst v63  }
0x1b5: {  	_ =	swait.ge [sflag:s11], $0x2000  }
0x1b6: {  	[sflag:s11] =	ssyncset.done $0x0  }
0x1b7: {  	[sflag:s11] =	ssyncadd.s32 $0xFFFFE000  }
0x1b8: {  	_ =	swait.ge [sflag:s14], $0x2000  }
0x1b9: {  	[sflag:s14] =	ssyncset.done $0x0  }
0x1ba: {  	[sflag:s14] =	ssyncadd.s32 $0xFFFFE000  }
0x1bb: {  	_ =	swait.ge [sflag:s0], $0x2000  }
0x1bc: {  	[sflag:s0] =	ssyncset.done $0x0  }
0x1bd: {  	[sflag:s0] =	ssyncadd.s32 $0xFFFFE000  }
0x1be: {  	_ =	swait.ge [sflag:s13], $0x2000  }
0x1bf: {  	[sflag:s13] =	ssyncset.done $0x0  }
0x1c0: {  	[sflag:s13] =	ssyncadd.s32 $0xFFFFE000  }
0x1c1: {  	_ =	swait.ge [sflag:s15], $0x2000  }
0x1c2: {  	[sflag:s15] =	ssyncset.done $0x0  }
0x1c3: {  	[sflag:s15] =	ssyncadd.s32 $0xFFFFE000  }
0x1c4: {  	[bflag:$0x0] =	sbarrier.arrive $0xFFFF  }
0x1c5: {  	s16 =	rddreg [dreg:$0x5]  }
0x1c6: {  	s20 =	rddreg [dreg:$0xa]  }
0x1c7: {  	s7 =	rddreg [dreg:$0x10]  }
0x1c8: {  	[hbm:s20], [sflag:s16] =	dma.local [spmem:s7], $0x2780  }
0x1c9: {  	_ =	swait.ge [sflag:s19], $0x2780  }
0x1ca: {  	s9 =	rddreg [dreg:$0x11]  }
0x1cb: {  	s24 =	rddreg [dreg:$0xb];
	s9 =	sadd.s32 $0x1, s9  }
0x1cc: {  	p0 =	sne.s32 s9, s24  }
.Ltmp2:
0x1cd: {  	_ = 	snop;
	(pc) =	sbr.rel @p0 .LBB2_1-.Ltmp2, $3  }
0x1ce: {  	_ =	sdelay $0x1  }
0x1cf: {  	[sflag:s19] =	ssyncset.done $0x0  }
0x1d0: {  	s10 =	simm.s32 $0x13D00;
	[sflag:s19] =	ssyncadd.s32 $0xFFFFD880  }
0x1d1: {  	_ =	sfence.sel $0x180000  }
0x1d2: {  	[bflag:$0x0] =	sbarrier.arrive $0xFFFF  }
0x1d3: {  	_ =	strace $0x9000004D  }
0x1d4: {  	s0 =	stileid.u32;
	[bflag:$0x2] =	sbarrier.arrive $0xFFFF  }
0x1d5: {  	p0 =	sne.s32 s0, $0x0;
	s0 =	rddreg [dreg:$0x3]  }
0x1d6: {  	s0 =	sadd.s32 @!p0 $0x100000, s0  }
0x1d7: {  	[sflag:s0] =	ssyncadd.tile.s32 @!p0 $0x1;
	_ =	shalt  }
.Lfunc_end2:
_tile_overlayer_lowered:
.L_overlay_start_2:
0x1d8: {  	(tag) =	ssettag $0x2  }
0x1d9: {  	s0 =	rddreg [dreg:$0x0];
	s2 =	stileid.u32  }
0x1da: {  	s1 =	rddreg [dreg:$0x1];
	p0 =	sne.s32 s2, $0x0  }
0x1db: {  	s3 =	rddreg [dreg:$0x2];
	[bflag:$0x3] =	sbarrier.arrive $0xFFFF;
	s2 =	simm.s32 @!p0 $0x1C0B  }
0x1dc: {  	[timem:s3], [sflag:s2] =	dma.local @!p0 [hbm:s0], s1  }
0x1dd: {  	s0 =	simm.s32 @!p0 $0xB  }
0x1de: {  	_ =	swait.ge @!p0 [sflag:s0], s1  }
0x1df: {  	s1 =	ssub.s32 @!p0 $0x0, s1;
	[sflag:s0] =	ssyncset.done @!p0 $0x0  }
0x1e0: {  	[sflag:s0] =	ssyncadd.s32 @!p0 s1  }
0x1e1: {  	[bflag:$0x3] =	sbarrier.arrive $0xFFFF  }
0x1e2: {  	_ =	shalt  }

// kernel: kernel.7.cloned.1.call-start
scs
__scs_entry_jumppad:
0x0: {  	(pc) =	sbr.rel $0x88, $3  }
0x1: {  	(tag) =	ssettag $0x0;
	lr =	simm.s32 $0x1  }
0x2: {  	[smem:$0x3F96] =	sst lr;
	_ =	strace $0xD0000000  }
0x3: {  	_ = 	snop  }
0x4: {  	_ = 	snop  }
0x5: {  	_ = 	snop  }
0x6: {  	_ = 	snop  }
0x7: {  	_ = 	snop  }
__scs_overlays_trampoline_lowered:
0x8: {  	[smem:$0x3FA5] =	sst s0  }
0x9: {  	[smem:$0x3FA6] =	sst s1  }
0xa: {  	[smem:$0x3FA7] =	sst s2  }
0xb: {  	[smem:$0x3FA8] =	sst s3  }
0xc: {  	[smem:$0x3FA9] =	sst s4  }
0xd: {  	[smem:$0x3FAA] =	sst s5  }
0xe: {  	[smem:$0x3FAB] =	sst s6  }
0xf: {  	[smem:$0x3FAC] =	sst s7  }
0x10: {  	[smem:$0x3FAD] =	sst s8  }
0x11: {  	[smem:$0x3FAE] =	sst s9;
	s0 =	simm.s32 @!p0 $0x0  }
0x12: {  	s1 =	sld [smem:$0x3F94];
	s0 =	simm.s32 @p0 $0x1  }
0x13: {  	[smem:$0x3FAF] =	sst s0;
	s0 =	simm.s32 @!p1 $0x0  }
0x14: {  	s2 =	sld [smem:$0x3F93];
	s0 =	simm.s32 @p1 $0x1  }
0x15: {  	[smem:$0x3FB0] =	sst s0;
	s0 =	simm.s32 @!p2 $0x0  }
0x16: {  	s3 =	sld [smem:$0x3FDB];
	s0 =	simm.s32 @p2 $0x1  }
0x17: {  	s4 =	simm.s32 $0x1BF5;
	[smem:$0x3FB2] =	sst s0  }
0x18: {  	s0 =	sld [smem:$0x3F95];
	_ =	swait.ge [sflag:s4], $0x0  }
0x19: {  	s7 =	sld [smem:$0x3F96]  }
0x1a: {  	s8 =	sadd.s32 $0xFFFFE003, lr  }
0x1b: {  	s9 =	sadd.s32 $0xFFFFFEF7, lr;
	s5 =	simm.s32 $0xFFFFFFFF;
	p2 =	slt.u32 s8, $0xFFFFF086  }
0x1c: {  	p1 =	slt.u32 s9, $0xF7A;
	s5 =	simm.s32 @!p2 $0x0  }
0x1d: {  	s5 =	simm.s32 @p1 $0x1;
	p0 =	seq.s32 s7, s2  }
0x1e: {  	s7 =	smul.u32 @!p0 $0xF7A, s2;
	p2 =	seq.s32 @!p0 s5, $0x0  }
0x1f: {  	s9 =	smul.u32 $0xF7A, s1;
	s8 =	simm.s32 @!p0 $0x1BF5;
	p2 =	por !p2, p0  }
0x20: {  	[sflag:s8] =	ssyncset.s32 @!p0 $0xFFFFF086;
	s6 =	sadd.s32 @!p0 s3, s7;
	s7 =	simm.s32 @!p0 $0x108  }
0x21: {  	s3 =	sadd.s32 s3, s9;
	s6 =	sadd.s32 @!p0 $0x88, s6;
	s7 =	simm.s32 @p2 $0x1082  }
0x22: {  	[simem:s7], [sflag:s8] =	dma.local @!p0 [hbm:s6], $0xF7A  }
0x23: {  	s9 =	sor.u32 $0xD0000000, s2;
	s6 =	simm.s32 $0x108;
	_ =	swait.ge @!p0 [sflag:s8], $0x0  }
0x24: {  	s3 =	sadd.s32 $0x88, s3;
	s6 =	simm.s32 @!p1 $0x1082;
	[sflag:s4] =	ssyncset.s32 $0xFFFFF086  }
0x25: {  	[simem:s6], [sflag:s4] =	dma.local [hbm:s3], $0xF7A  }
0x26: {  	[smem:$0x3F96] =	sst s1;
	(tag) =	ssettag s2;
	_ =	strace s9  }
0x27: {  	s1 =	sld [smem:$0x3FA6]  }
0x28: {  	s2 =	sld [smem:$0x3FA7]  }
0x29: {  	s4 =	sld [smem:$0x3FA9]  }
0x2a: {  	p0 =	seq.s32 s5, $0x0;
	s5 =	sld [smem:$0x3FAA]  }
0x2b: {  	s6 =	sld [smem:$0x3FAB]  }
0x2c: {  	s7 =	sld [smem:$0x3FAC]  }
0x2d: {  	s3 =	simm.s32 $0x108;
	s8 =	sld [smem:$0x3FAD]  }
0x2e: {  	s3 =	simm.s32 @!p0 $0x1082;
	s9 =	sld [smem:$0x3FAE]  }
0x2f: {  	lr =	sadd.s32 s0, s3;
	s0 =	sld [smem:$0x3FA5]  }
0x30: {  	s3 =	sld [smem:$0x3FA8]  }
0x31: {  	[smem:$0x3FB1] =	sst s10  }
0x32: {  	s10 =	sld [smem:$0x3FAF];
	_ =	sdelay $0x3  }
0x33: {  	p0 =	seq.s32 s10, $0x1;
	s10 =	sld [smem:$0x3FB1];
	_ =	sdelay $0x3  }
0x34: {  	[smem:$0x3FB1] =	sst s10  }
0x35: {  	s10 =	sld [smem:$0x3FB0];
	_ =	sdelay $0x3  }
0x36: {  	p1 =	seq.s32 s10, $0x1;
	s10 =	sld [smem:$0x3FB1];
	_ =	sdelay $0x3  }
0x37: {  	[smem:$0x3FB1] =	sst s10  }
0x38: {  	s10 =	sld [smem:$0x3FB2]  }
0x39: {  	_ = 	snop;
	(pc) =	sbr.ind lr, $3  }
0x3a: {  	_ = 	snop  }
0x3b: {  	_ = 	snop  }
0x3c: {  	p2 =	seq.s32 s10, $0x1;
	s10 =	sld [smem:$0x3FB1]  }
0x3d: {  	_ =	shalt  }
0x3e: {  	_ =	shalt  }
0x3f: {  	_ =	shalt  }
0x40: {  	_ =	shalt  }
0x41: {  	_ =	shalt  }
0x42: {  	_ =	shalt  }
0x43: {  	_ =	shalt  }
0x44: {  	_ =	shalt  }
0x45: {  	_ =	shalt  }
0x46: {  	_ =	shalt  }
0x47: {  	_ =	shalt  }
0x48: {  	_ =	shalt  }
0x49: {  	_ =	shalt  }
0x4a: {  	_ =	shalt  }
0x4b: {  	_ =	shalt  }
0x4c: {  	_ =	shalt  }
0x4d: {  	_ =	shalt  }
0x4e: {  	_ =	shalt  }
0x4f: {  	_ =	shalt  }
0x50: {  	_ =	shalt  }
0x51: {  	_ =	shalt  }
0x52: {  	_ =	shalt  }
0x53: {  	_ =	shalt  }
0x54: {  	_ =	shalt  }
0x55: {  	_ =	shalt  }
0x56: {  	_ =	shalt  }
0x57: {  	_ =	shalt  }
0x58: {  	_ =	shalt  }
0x59: {  	_ =	shalt  }
0x5a: {  	_ =	shalt  }
0x5b: {  	_ =	shalt  }
0x5c: {  	_ =	shalt  }
0x5d: {  	_ =	shalt  }
0x5e: {  	_ =	shalt  }
0x5f: {  	_ =	shalt  }
0x60: {  	_ =	shalt  }
0x61: {  	_ =	shalt  }
0x62: {  	_ =	shalt  }
0x63: {  	_ =	shalt  }
0x64: {  	_ =	shalt  }
0x65: {  	_ =	shalt  }
0x66: {  	_ =	shalt  }
0x67: {  	_ =	shalt  }
0x68: {  	_ =	shalt  }
0x69: {  	_ =	shalt  }
0x6a: {  	_ =	shalt  }
0x6b: {  	_ =	shalt  }
0x6c: {  	_ =	shalt  }
0x6d: {  	_ =	shalt  }
0x6e: {  	_ =	shalt  }
0x6f: {  	_ =	shalt  }
0x70: {  	_ =	shalt  }
0x71: {  	_ =	shalt  }
0x72: {  	_ =	shalt  }
0x73: {  	_ =	shalt  }
0x74: {  	_ =	shalt  }
0x75: {  	_ =	shalt  }
0x76: {  	_ =	shalt  }
0x77: {  	_ =	shalt  }
0x78: {  	_ =	shalt  }
0x79: {  	_ =	shalt  }
0x7a: {  	_ =	shalt  }
0x7b: {  	_ =	shalt  }
0x7c: {  	_ =	shalt  }
0x7d: {  	_ =	shalt  }
0x7e: {  	_ =	shalt  }
0x7f: {  	_ =	shalt  }
0x80: {  	_ =	shalt  }
0x81: {  	_ =	shalt  }
0x82: {  	_ =	shalt  }
0x83: {  	_ =	shalt  }
0x84: {  	_ =	shalt  }
0x85: {  	_ =	shalt  }
0x86: {  	_ =	shalt  }
0x87: {  	_ =	shalt  }
.Lfunc_end0:
.L_simem_size_0:
called_computation.1_lowered:
.L_overlay_start_0:
0x88: {  	s2 =	sld [smem:$0x3FD9]  }
0x89: {  	s3 =	sld [smem:$0x3FFE];
	_ =	sdelay $0x1  }
0x8a: {  	s1 =	srdreg.scid  }
0x8b: {  	s0 =	sand.u32 $0x1, s1  }
0x8c: {  	s14 =	sshll.u32 s0, $0xA;
	s2 =	sadd.s32 s3, s2  }
0x8d: {  	s2 =	sadd.s32 s2, s14  }
0x8e: {  	[smem:$0x3FBD] =	sst s2  }
0x8f: {  	_ = 	snop  }
0x90: {  	s2 =	sld [smem:$0x3FD0];
	_ =	sdelay $0x2  }
0x91: {  	s15 =	simm.s32 $0xB;
	s4 =	simm.s32 $0x10  }
0x92: {  	[smem:s4], [sflag:s15] =	dma.local [hbm:s2], $0x1  }
0x93: {  	_ =	swait.eq [sflag:s15], $0x1  }
0x94: {  	[sflag:s15] =	ssyncset.done $0x0  }
0x95: {  	s16 =	sld [smem:$0x10];
	[sflag:s15] =	ssyncadd.s32 $0xFFFFFFFF  }
0x96: {  	s17 =	sld [smem:$0x11];
	(tm) =	ssettm $0x1  }
0x97: {  	s18 =	sld [smem:$0x3FFB];
	_ =	sdelay $0x3  }
0x98: {  	_ =	strace s18  }
0x99: {  	s4 =	sld [smem:$0x3FFC];
	_ =	sdelay $0x3  }
0x9a: {  	_ =	strace s4  }
0x9b: {  	s4 =	sld [smem:$0x3FFD];
	_ =	sdelay $0x3  }
0x9c: {  	_ =	strace s4  }
0x9d: {  	_ =	strace $0x8FFFFFFF  }
0x9e: {  	s19 =	sld [smem:$0x3FDB];
	_ =	sdelay $0x1  }
0x9f: {  	s5 =	simm.s32 $_scs_section_size  }
0xa0: {  	s6 =	simm.s32 $_size__tile_overlayer_lowered;
	s7 =	simm.s32 $_tile_overlayer_lowered  }
0xa1: {  	s22 =	simm.s32 $0x1BFF;
	s21 =	sshll.u32 s7, $0x1;
	s4 =	sadd.s32 s5, s19  }
0xa2: {  	s8 =	simm.s32 $0x0;
	s20 =	sshll.u32 s6, $0x1;
	s6 =	sadd.s32 s21, s4  }
0xa3: {  	[timem:s8], [sflag:s22] =	dma.local [hbm:s6], s20  }
0xa4: {  	_ =	swait.ge [sflag:s22], s20  }
0xa5: {  	s5 =	ssub.s32 $0x0, s20;
	[sflag:s22] =	ssyncset.done $0x0  }
0xa6: {  	[sflag:s22] =	ssyncadd.s32 s5;
	_ =	sdelay $0x1  }
0xa7: {  	s23 =	simm.s32 $0x1B8B  }
0xa8: {  	_ =	swait.ge [sflag:s23], $0x1  }
0xa9: {  	[sflag:s23] =	ssyncset.done $0x0  }
0xaa: {  	s25 =	simm.s32 $0x1B8E;
	s24 =	sld [smem:$0x3FFE];
	[sflag:s23] =	ssyncadd.s32 $0xFFFFFFFF  }
0xab: {  	s26 =	simm.s32 $execute0_lowered;
	[smem:$0x3FD2] =	sst s25  }
0xac: {  	s6 =	sshll.u32 s26, $0x1;
	_ =	strace $0x80000046;
	[dreg:$0x1] =	wrdreg $0xFFFFFFFF  }
0xad: {  	s28 =	simm.s32 $_size_execute0_lowered;
	s4 =	sadd.s32 s4, s6;
	[dreg:$0x0] =	wrdreg $0x0  }
0xae: {  	s6 =	sshll.u32 s28, $0x1;
	[dreg:$0x2] =	wrdreg s4  }
0xaf: {  	[dreg:$0x3] =	wrdreg s6  }
0xb0: {  	[dreg:$0x4] =	wrdreg $0xC0  }
0xb1: {  	_ =	task [dreg:s8], $0x5FFFF  }
0xb2: {  	[dreg:$0x1] =	wrdreg $0xFFFFFFFF  }
0xb3: {  	[dreg:$0x0] =	wrdreg $0x60  }
0xb4: {  	[dreg:$0x2] =	wrdreg s17  }
0xb5: {  	[dreg:$0x3] =	wrdreg s16  }
0xb6: {  	[dreg:$0x4] =	wrdreg s24  }
0xb7: {  	[dreg:$0x5] =	wrdreg $0x0  }
0xb8: {  	[dreg:$0x6] =	wrdreg $0xA  }
0xb9: {  	_ =	task.clear_ibuf [dreg:s8], $0x7FFFF;
	_ =	strace $0x90000046  }
0xba: {  	s29 =	simm.s32 $0xA;
	_ =	strace $0x80000048  }
0xbb: {  	_ =	swait.ge [sflag:s29], $0x1  }
0xbc: {  	[sflag:s29] =	ssyncadd.s32 $0xFFFFFFFF  }
0xbd: {  	_ =	strace $0x90000048  }
0xbe: {  	_ =	sfence  }
0xbf: {  	s30 =	sld [smem:$0x0];
	_ =	sdelay $0x2  }
0xc0: {  	s31 =	sshll.u32 s1, $0xD;
	s1 =	sshrl.u32 s1, $0x2  }
0xc1: {  	s3 =	sand.u32 $0x4000, s31;
	s1 =	sadd.s32 s1, s30  }
0xc2: {  	s0 =	sor.u32 s3, s0;
	s1 =	sshll.u32 s1, $0x11  }
0xc3: {  	s0 =	sor.u32 s1, s0  }
0xc4: {  	s0 =	sadd.s32 $0x8F2B, s0  }
0xc5: {  	[sflag:s0] =	ssyncadd.remote.s32 $0x1  }
0xc6: {  	_ =	sfence.sel $0xFFFF  }
0xc7: {  	[dreg:$0x0] =	wrdreg $0xFFFFFFFF;
	(pc) =	sbr.abs _section_cstart, $3  }
0xc8: {  	[dreg:$0x1] =	wrdreg $0xFFFFFFFF  }
0xc9: {  	_ =	task.clear_ibuf [dreg:s8], $0x2FFFF;
	_ =	strace $0x9FFFFFFF  }
0xca: {  	(tm) =	ssettm $0x7FFFFFFF  }
0xcb: {  	_ =	shalt  }
tec
execute0_lowered:
.L_overlay_start_1:
0x0: {  	(tag) =	ssettag $0x1  }
0x1: {  	s1 =	rddreg [dreg:$0x0]  }
0x2: {  	s0 =	rddreg [dreg:$0x1]  }
0x3: {  	s2 =	rddreg [dreg:$0x2]  }
0x4: {  	s3 =	rddreg [dreg:$0x3]  }
0x5: {  	s5 =	srdreg.scid;
	s11 =	stileid.u32;
	s4 =	simm.s32 $0x0  }
0x6: {  	s15 =	simm.s32 $0xB;
	s30 =	simm.s32 $0x1CB00;
	s31 =	simm.s32 $0x2  }
0x7: {  	s29 =	simm.s32 $0x7;
	s28 =	simm.s32 $0x4;
	s6 =	smul.u32 $0x2780, s11  }
0x8: {  	s5 =	sand.u32 $0x1, s5;
	[smem:$0x7FF] =	sst s4;
	s9 =	smul.u32 $0x4F000, s11  }
0x9: {  	s8 =	sshll.u32 s11, $0x1;
	s10 =	sadd.s32 $0x1C00, s2;
	s19 =	smul.u32 $0x3C, s11  }
0xa: {  	s21 =	sshll.u32 s11, $0x6;
	s7 =	smul.u32 $0x27800, s5;
	_ =	strace $0x80000047  }
0xb: {  	s8 =	sor.u32 s5, s8;
	s18 =	ssub.s32 $0x2, s5;
	s5 =	smul.u32 $0x1E, s5  }
0xc: {  	[dreg:$0x5] =	wrdreg s10;
	s17 =	smul.u32 $0x3C0, s8;
	s20 =	sshrl.u32 s18, $0x1  }
0xd: {  	s9 =	sshrl.u32 s9, $0x2;
	s8 =	simm.s32 $0x0;
	s6 =	sadd.s32 s6, s7  }
0xe: {  	s10 =	ssub.s32 s18, s20;
	s9 =	sadd.s32 s9, s3;
	s5 =	sadd.s32 s5, s19  }
0xf: {  	s18 =	simm.s32 $0x40;
	s19 =	simm.s32 $0x14B00;
	s20 =	simm.s32 $0x14900  }
0x10: {  	s2 =	sadd.s32 s6, s2;
	s6 =	sor.u32 $0x1C0B, s21;
	s7 =	sadd.s32 s0, s17  }
0x11: {  	s23 =	sshll.u32 s5, $0x5;
	s24 =	smax.u32 s10, $0x1;
	s21 =	simm.s32 $0x16B00  }
0x12: {  	s5 =	simm.s32 $0x5;
	s10 =	simm.s32 $0xA;
	[dreg:$0x9] =	wrdreg s24  }
0x13: {  	s22 =	sadd.s32 $0xA0, s7;
	s2 =	sadd.s32 $0x4400, s2;
	[dreg:$0x6] =	wrdreg s7  }
0x14: {  	s25 =	sadd.s32 $0x140, s7;
	s0 =	sadd.s32 s0, s23;
	[dreg:$0x7] =	wrdreg s22  }
0x15: {  	s26 =	sadd.s32 $0x1E0, s7;
	s7 =	sshrl.u32 s9, $0x3;
	[dreg:$0x8] =	wrdreg s2  }
0x16: {  	s23 =	simm.s32 $0x18B00;
	s24 =	simm.s32 $0x3;
	[dreg:$0xa] =	wrdreg s25  }
0x17: {  	s9 =	simm.s32 $0x9;
	[dreg:$0xb] =	wrdreg s26;
	s0 =	sadd.s32 $0x280, s0  }
0x18: {  	s25 =	simm.s32 $0x1AB00;
	s26 =	simm.s32 $0x1;
	[dreg:$0xd] =	wrdreg s7  }
0x19: {  	s2 =	simm.s32 $0x6;
	[dreg:$0xc] =	wrdreg s0;
	s0 =	simm.s32 $0x8  }
.LBB2_1:
0x1a: {  	s11 =	rddreg [dreg:$0x5]  }
0x1b: {  	[spmem:s7], [sflag:s6] =	dma.local [hbm:s11], $0x2780  }
0x1c: {  	_ =	swait.ge [sflag:s15], $0x2780  }
0x1d: {  	[sflag:s15] =	ssyncset.done $0x0  }
0x1e: {  	[sflag:s15] =	ssyncadd.s32 $0xFFFFD880  }
0x1f: {  	[bflag:$0x0] =	sbarrier.arrive $0xFFFF  }
0x20: {  	s14 =	simm.s32 $0x13C00;
	s13 =	rddreg [dreg:$0x6]  }
0x21: {  	[tilespmem:s14], [sflag:$0xB] =	stream.linear.gather [hbm4b:s13+s4], $0x500, $0x38;
	[tilespmem:$0x1EB00] =	vst v63  }
0x22: {  	_ =	swait.ge [sflag:s15], $0x500  }
0x23: {  	[sflag:s15] =	ssyncset.done $0x0  }
0x24: {  	s12 =	simm.s32 $0x14100;
	s17 =	rddreg [dreg:$0x7];
	[sflag:s15] =	ssyncadd.s32 $0xFFFFFB00  }
0x25: {  	[tilespmem:s12], [sflag:$0xB] =	stream.linear.gather [hbm4b:s17+s4], $0x500, $0x38;
	[tilespmem:$0x1EB00] =	vst v63  }
0x26: {  	_ =	swait.ge [sflag:s15], $0x500  }
0x27: {  	[sflag:s15] =	ssyncset.done $0x0  }
0x28: {  	[sflag:s15] =	ssyncadd.s32 $0xFFFFFB00  }
0x29: {  	[tilespmem:s19], [sflag:$0x1] =	stream.indirect.gather [hbm4b:s1+s18], $0x80, s14, s18, $0xb8;
	[tilespmem:$0x1EB00] =	vst v63  }
0x2a: {  	s13 =	simm.s32 $0x13D00  }
0x2b: {  	[tilespmem:s21], [sflag:$0x2] =	stream.indirect.gather [hbm4b:s1+s18], $0x80, s13, s18, $0xb8;
	[tilespmem:$0x1EB00] =	vst v63  }
0x2c: {  	s17 =	simm.s32 $0x13E00  }
0x2d: {  	[tilespmem:s23], [sflag:$0x3] =	stream.indirect.gather [hbm4b:s1+s18], $0x80, s17, s18, $0xb8;
	[tilespmem:$0x1EB00] =	vst v63  }
0x2e: {  	s11 =	simm.s32 $0x13F00  }
0x2f: {  	[tilespmem:s25], [sflag:$0x4] =	stream.indirect.gather [hbm4b:s1+s18], $0x80, s11, s18, $0xb8;
	[tilespmem:$0x1EB00] =	vst v63  }
0x30: {  	_ =	swait.ge [sflag:s26], $0x2000  }
0x31: {  	[sflag:s26] =	ssyncset.done $0x0  }
0x32: {  	s11 =	simm.s32 $0x13C80;
	[sflag:s26] =	ssyncadd.s32 $0xFFFFE000  }
0x33: {  	[spmem:s3] =	stream.indirect.scatter.add.f32 [tilespmem:s19], [sflag:$0x6], $0x80, s11, s18, $0xb8;
	[tilespmem:$0x1EB00] =	vst v63  }
0x34: {  	s11 =	simm.s32 $0x14000  }
0x35: {  	[tilespmem:s30], [sflag:$0x5] =	stream.indirect.gather [hbm4b:s1+s18], $0x80, s11, s18, $0xb8;
	[tilespmem:$0x1EB00] =	vst v63  }
0x36: {  	_ =	swait.ge [sflag:s31], $0x2000  }
0x37: {  	[sflag:s31] =	ssyncset.done $0x0  }
0x38: {  	s11 =	simm.s32 $0x13D80;
	[sflag:s31] =	ssyncadd.s32 $0xFFFFE000  }
0x39: {  	[spmem:s3] =	stream.indirect.scatter.add.f32 [tilespmem:s21], [sflag:$0x7], $0x80, s11, s18, $0xb8;
	[tilespmem:$0x1EB00] =	vst v63  }
0x3a: {  	_ =	swait.ge [sflag:s2], $0x2000  }
0x3b: {  	[sflag:s2] =	ssyncset.done $0x0  }
0x3c: {  	[sflag:s2] =	ssyncadd.s32 $0xFFFFE000  }
0x3d: {  	[tilespmem:s19], [sflag:$0x1] =	stream.indirect.gather [hbm4b:s1+s18], $0x80, s12, s18, $0xb8;
	[tilespmem:$0x1EB00] =	vst v63  }
0x3e: {  	_ =	swait.ge [sflag:s24], $0x2000  }
0x3f: {  	[sflag:s24] =	ssyncset.done $0x0  }
0x40: {  	s12 =	simm.s32 $0x13E80;
	[sflag:s24] =	ssyncadd.s32 $0xFFFFE000  }
0x41: {  	[spmem:s3] =	stream.indirect.scatter.add.f32 [tilespmem:s23], [sflag:$0x8], $0x80, s12, s18, $0xb8;
	[tilespmem:$0x1EB00] =	vst v63  }
0x42: {  	_ =	swait.ge [sflag:s29], $0x2000  }
0x43: {  	[sflag:s29] =	ssyncset.done $0x0  }
0x44: {  	s12 =	simm.s32 $0x14200;
	[sflag:s29] =	ssyncadd.s32 $0xFFFFE000  }
0x45: {  	[tilespmem:s21], [sflag:$0x2] =	stream.indirect.gather [hbm4b:s1+s18], $0x80, s12, s18, $0xb8;
	[tilespmem:$0x1EB00] =	vst v63  }
0x46: {  	_ =	swait.ge [sflag:s28], $0x2000  }
0x47: {  	[sflag:s28] =	ssyncset.done $0x0  }
0x48: {  	s12 =	simm.s32 $0x13F80;
	[sflag:s28] =	ssyncadd.s32 $0xFFFFE000  }
0x49: {  	[spmem:s3] =	stream.indirect.scatter.add.f32 [tilespmem:s25], [sflag:$0x9], $0x80, s12, s18, $0xb8;
	[tilespmem:$0x1EB00] =	vst v63  }
0x4a: {  	_ =	swait.ge [sflag:s0], $0x2000  }
0x4b: {  	[sflag:s0] =	ssyncset.done $0x0  }
0x4c: {  	s12 =	simm.s32 $0x14300;
	[sflag:s0] =	ssyncadd.s32 $0xFFFFE000  }
0x4d: {  	[tilespmem:s23], [sflag:$0x3] =	stream.indirect.gather [hbm4b:s1+s18], $0x80, s12, s18, $0xb8;
	[tilespmem:$0x1EB00] =	vst v63  }
0x4e: {  	_ =	swait.ge [sflag:s5], $0x2000  }
0x4f: {  	[sflag:s5] =	ssyncset.done $0x0  }
0x50: {  	s12 =	simm.s32 $0x14080;
	[sflag:s5] =	ssyncadd.s32 $0xFFFFE000  }
0x51: {  	[spmem:s3] =	stream.indirect.scatter.add.f32 [tilespmem:s30], [sflag:$0xA], $0x80, s12, s18, $0xb8;
	[tilespmem:$0x1EB00] =	vst v63  }
0x52: {  	s11 =	rddreg [dreg:$0xa];
	s12 =	simm.s32 $0x14600  }
0x53: {  	[tilespmem:s12], [sflag:$0xB] =	stream.linear.gather [hbm4b:s11+s4], $0x500, $0x38;
	[tilespmem:$0x1EB00] =	vst v63  }
0x54: {  	_ =	swait.ge [sflag:s15], $0x500  }
0x55: {  	[sflag:s15] =	ssyncset.done $0x0  }
0x56: {  	[sflag:s15] =	ssyncadd.s32 $0xFFFFFB00  }
0x57: {  	_ =	swait.ge [sflag:s9], $0x2000  }
0x58: {  	[sflag:s9] =	ssyncset.done $0x0  }
0x59: {  	s11 =	simm.s32 $0x14400;
	[sflag:s9] =	ssyncadd.s32 $0xFFFFE000  }
0x5a: {  	[tilespmem:s25], [sflag:$0x4] =	stream.indirect.gather [hbm4b:s1+s18], $0x80, s11, s18, $0xb8;
	[tilespmem:$0x1EB00] =	vst v63  }
0x5b: {  	_ =	swait.ge [sflag:s26], $0x2000  }
0x5c: {  	[sflag:s26] =	ssyncset.done $0x0  }
0x5d: {  	s11 =	simm.s32 $0x14180;
	[sflag:s26] =	ssyncadd.s32 $0xFFFFE000  }
0x5e: {  	[spmem:s3] =	stream.indirect.scatter.add.f32 [tilespmem:s19], [sflag:$0x6], $0x80, s11, s18, $0xb8;
	[tilespmem:$0x1EB00] =	vst v63  }
0x5f: {  	_ =	swait.ge [sflag:s10], $0x2000  }
0x60: {  	[sflag:s10] =	ssyncset.done $0x0  }
0x61: {  	s11 =	simm.s32 $0x14500;
	[sflag:s10] =	ssyncadd.s32 $0xFFFFE000  }
0x62: {  	[tilespmem:s30], [sflag:$0x5] =	stream.indirect.gather [hbm4b:s1+s18], $0x80, s11, s18, $0xb8;
	[tilespmem:$0x1EB00] =	vst v63  }
0x63: {  	_ =	swait.ge [sflag:s31], $0x2000  }
0x64: {  	[sflag:s31] =	ssyncset.done $0x0  }
0x65: {  	s11 =	simm.s32 $0x14280;
	[sflag:s31] =	ssyncadd.s32 $0xFFFFE000  }
0x66: {  	[spmem:s3] =	stream.indirect.scatter.add.f32 [tilespmem:s21], [sflag:$0x7], $0x80, s11, s18, $0xb8;
	[tilespmem:$0x1EB00] =	vst v63  }
0x67: {  	_ =	swait.ge [sflag:s2], $0x2000  }
0x68: {  	[sflag:s2] =	ssyncset.done $0x0  }
0x69: {  	[sflag:s2] =	ssyncadd.s32 $0xFFFFE000  }
0x6a: {  	[tilespmem:s19], [sflag:$0x1] =	stream.indirect.gather [hbm4b:s1+s18], $0x80, s12, s18, $0xb8;
	[tilespmem:$0x1EB00] =	vst v63  }
0x6b: {  	_ =	swait.ge [sflag:s24], $0x2000  }
0x6c: {  	[sflag:s24] =	ssyncset.done $0x0  }
0x6d: {  	s12 =	simm.s32 $0x14380;
	[sflag:s24] =	ssyncadd.s32 $0xFFFFE000  }
0x6e: {  	[spmem:s3] =	stream.indirect.scatter.add.f32 [tilespmem:s23], [sflag:$0x8], $0x80, s12, s18, $0xb8;
	[tilespmem:$0x1EB00] =	vst v63  }
0x6f: {  	_ =	swait.ge [sflag:s29], $0x2000  }
0x70: {  	[sflag:s29] =	ssyncset.done $0x0  }
0x71: {  	s12 =	simm.s32 $0x14700;
	[sflag:s29] =	ssyncadd.s32 $0xFFFFE000  }
0x72: {  	[tilespmem:s21], [sflag:$0x2] =	stream.indirect.gather [hbm4b:s1+s18], $0x80, s12, s18, $0xb8;
	[tilespmem:$0x1EB00] =	vst v63  }
0x73: {  	_ =	swait.ge [sflag:s28], $0x2000  }
0x74: {  	[sflag:s28] =	ssyncset.done $0x0  }
0x75: {  	s12 =	simm.s32 $0x14480;
	[sflag:s28] =	ssyncadd.s32 $0xFFFFE000  }
0x76: {  	[spmem:s3] =	stream.indirect.scatter.add.f32 [tilespmem:s25], [sflag:$0x9], $0x80, s12, s18, $0xb8;
	[tilespmem:$0x1EB00] =	vst v63  }
0x77: {  	_ =	swait.ge [sflag:s0], $0x2000  }
0x78: {  	[sflag:s0] =	ssyncset.done $0x0  }
0x79: {  	s12 =	simm.s32 $0x14800;
	[sflag:s0] =	ssyncadd.s32 $0xFFFFE000  }
0x7a: {  	[tilespmem:s23], [sflag:$0x3] =	stream.indirect.gather [hbm4b:s1+s18], $0x80, s12, s18, $0xb8;
	[tilespmem:$0x1EB00] =	vst v63  }
0x7b: {  	_ =	swait.ge [sflag:s5], $0x2000  }
0x7c: {  	[sflag:s5] =	ssyncset.done $0x0  }
0x7d: {  	s12 =	simm.s32 $0x14580;
	[sflag:s5] =	ssyncadd.s32 $0xFFFFE000  }
0x7e: {  	[spmem:s3] =	stream.indirect.scatter.add.f32 [tilespmem:s30], [sflag:$0xA], $0x80, s12, s18, $0xb8;
	[tilespmem:$0x1EB00] =	vst v63  }
0x7f: {  	s12 =	rddreg [dreg:$0xb]  }
0x80: {  	[tilespmem:s14], [sflag:$0xB] =	stream.linear.gather [hbm4b:s12+s4], $0x500, $0x38;
	[tilespmem:$0x1EB00] =	vst v63  }
0x81: {  	_ =	swait.ge [sflag:s15], $0x500  }
0x82: {  	[sflag:s15] =	ssyncset.done $0x0  }
0x83: {  	[sflag:s15] =	ssyncadd.s32 $0xFFFFFB00  }
0x84: {  	_ =	swait.ge [sflag:s9], $0x2000  }
0x85: {  	[sflag:s9] =	ssyncset.done $0x0  }
0x86: {  	[sflag:s9] =	ssyncadd.s32 $0xFFFFE000  }
0x87: {  	[tilespmem:s25], [sflag:$0x4] =	stream.indirect.gather [hbm4b:s1+s18], $0x80, s20, s18, $0xb8;
	[tilespmem:$0x1EB00] =	vst v63  }
0x88: {  	_ =	swait.ge [sflag:s26], $0x2000  }
0x89: {  	[sflag:s26] =	ssyncset.done $0x0  }
0x8a: {  	s22 =	simm.s32 $0x14680;
	[sflag:s26] =	ssyncadd.s32 $0xFFFFE000  }
0x8b: {  	[spmem:s3] =	stream.indirect.scatter.add.f32 [tilespmem:s19], [sflag:$0x6], $0x80, s22, s18, $0xb8;
	[tilespmem:$0x1EB00] =	vst v63  }
0x8c: {  	_ =	swait.ge [sflag:s10], $0x2000  }
0x8d: {  	[sflag:s10] =	ssyncset.done $0x0  }
0x8e: {  	s22 =	simm.s32 $0x14A00;
	[sflag:s10] =	ssyncadd.s32 $0xFFFFE000  }
0x8f: {  	[tilespmem:s30], [sflag:$0x5] =	stream.indirect.gather [hbm4b:s1+s18], $0x80, s22, s18, $0xb8;
	[tilespmem:$0x1EB00] =	vst v63  }
0x90: {  	_ =	swait.ge [sflag:s31], $0x2000  }
0x91: {  	[sflag:s31] =	ssyncset.done $0x0  }
0x92: {  	s7 =	simm.s32 $0x14780;
	[sflag:s31] =	ssyncadd.s32 $0xFFFFE000  }
0x93: {  	[spmem:s3] =	stream.indirect.scatter.add.f32 [tilespmem:s21], [sflag:$0x7], $0x80, s7, s18, $0xb8;
	[tilespmem:$0x1EB00] =	vst v63  }
0x94: {  	_ =	swait.ge [sflag:s2], $0x2000  }
0x95: {  	[sflag:s2] =	ssyncset.done $0x0  }
0x96: {  	[sflag:s2] =	ssyncadd.s32 $0xFFFFE000  }
0x97: {  	[tilespmem:s19], [sflag:$0x1] =	stream.indirect.gather [hbm4b:s1+s18], $0x80, s14, s18, $0xb8;
	[tilespmem:$0x1EB00] =	vst v63  }
0x98: {  	_ =	swait.ge [sflag:s24], $0x2000  }
0x99: {  	[sflag:s24] =	ssyncset.done $0x0  }
0x9a: {  	s16 =	smov.u32 s6;
	s6 =	simm.s32 $0x14880;
	[sflag:s24] =	ssyncadd.s32 $0xFFFFE000  }
0x9b: {  	[spmem:s3] =	stream.indirect.scatter.add.f32 [tilespmem:s23], [sflag:$0x8], $0x80, s6, s18, $0xb8;
	[tilespmem:$0x1EB00] =	vst v63  }
0x9c: {  	_ =	swait.ge [sflag:s29], $0x2000  }
0x9d: {  	[sflag:s29] =	ssyncset.done $0x0  }
0x9e: {  	[sflag:s29] =	ssyncadd.s32 $0xFFFFE000  }
0x9f: {  	[tilespmem:s21], [sflag:$0x2] =	stream.indirect.gather [hbm4b:s1+s18], $0x80, s13, s18, $0xb8;
	[tilespmem:$0x1EB00] =	vst v63  }
0xa0: {  	_ =	swait.ge [sflag:s28], $0x2000  }
0xa1: {  	[sflag:s28] =	ssyncset.done $0x0  }
0xa2: {  	s14 =	simm.s32 $0x14980;
	[sflag:s28] =	ssyncadd.s32 $0xFFFFE000  }
0xa3: {  	[spmem:s3] =	stream.indirect.scatter.add.f32 [tilespmem:s25], [sflag:$0x9], $0x80, s14, s18, $0xb8;
	[tilespmem:$0x1EB00] =	vst v63  }
0xa4: {  	_ =	swait.ge [sflag:s0], $0x2000  }
0xa5: {  	[sflag:s0] =	ssyncset.done $0x0  }
0xa6: {  	[sflag:s0] =	ssyncadd.s32 $0xFFFFE000  }
0xa7: {  	[tilespmem:s23], [sflag:$0x3] =	stream.indirect.gather [hbm4b:s1+s18], $0x80, s17, s18, $0xb8;
	[tilespmem:$0x1EB00] =	vst v63  }
0xa8: {  	_ =	swait.ge [sflag:s5], $0x2000  }
0xa9: {  	s20 =	simm.s32 $0x14A80;
	[sflag:s5] =	ssyncset.done $0x0  }
0xaa: {  	s17 =	simm.s32 $0x0;
	s11 =	rddreg [dreg:$0xc];
	[sflag:s5] =	ssyncadd.s32 $0xFFFFE000  }
0xab: {  	[spmem:s3] =	stream.indirect.scatter.add.f32 [tilespmem:s30], [sflag:$0xA], $0x80, s20, s18, $0xb8;
	[tilespmem:$0x1EB00] =	vst v63  }
.LBB2_2:
0xac: {  	s12 =	sshra.s32 s17, $0x2  }
0xad: {  	s20 =	sadd.s32 $0x14100, s12  }
0xae: {  	[tilespmem:s20], [sflag:$0xB] =	stream.linear.gather [hbm4b:s11+s4], $0x500, $0x38;
	[tilespmem:$0x1EB00] =	vst v63  }
0xaf: {  	_ =	swait.ge [sflag:s15], $0x500  }
0xb0: {  	[sflag:s15] =	ssyncset.done $0x0  }
0xb1: {  	[sflag:s15] =	ssyncadd.s32 $0xFFFFFB00  }
0xb2: {  	_ =	swait.ge [sflag:s9], $0x2000  }
0xb3: {  	[sflag:s9] =	ssyncset.done $0x0  }
0xb4: {  	s13 =	sadd.s32 $0x13F00, s12;
	[sflag:s9] =	ssyncadd.s32 $0xFFFFE000  }
0xb5: {  	[tilespmem:s25], [sflag:$0x4] =	stream.indirect.gather [hbm4b:s1+s18], $0x80, s13, s18, $0xb8;
	[tilespmem:$0x1EB00] =	vst v63  }
0xb6: {  	_ =	swait.ge [sflag:s26], $0x2000  }
0xb7: {  	[sflag:s26] =	ssyncset.done $0x0  }
0xb8: {  	s7 =	sadd.s32 $0x13C80, s12;
	[sflag:s26] =	ssyncadd.s32 $0xFFFFE000  }
0xb9: {  	[spmem:s3] =	stream.indirect.scatter.add.f32 [tilespmem:s19], [sflag:$0x6], $0x80, s7, s18, $0xb8;
	[tilespmem:$0x1EB00] =	vst v63  }
0xba: {  	_ =	swait.ge [sflag:s10], $0x2000  }
0xbb: {  	[sflag:s10] =	ssyncset.done $0x0  }
0xbc: {  	s6 =	sadd.s32 $0x14000, s12;
	[sflag:s10] =	ssyncadd.s32 $0xFFFFE000  }
0xbd: {  	[tilespmem:s30], [sflag:$0x5] =	stream.indirect.gather [hbm4b:s1+s18], $0x80, s6, s18, $0xb8;
	[tilespmem:$0x1EB00] =	vst v63  }
0xbe: {  	_ =	swait.ge [sflag:s31], $0x2000  }
0xbf: {  	[sflag:s31] =	ssyncset.done $0x0  }
0xc0: {  	s7 =	sadd.s32 $0x13D80, s12;
	[sflag:s31] =	ssyncadd.s32 $0xFFFFE000  }
0xc1: {  	[spmem:s3] =	stream.indirect.scatter.add.f32 [tilespmem:s21], [sflag:$0x7], $0x80, s7, s18, $0xb8;
	[tilespmem:$0x1EB00] =	vst v63  }
0xc2: {  	_ =	swait.ge [sflag:s2], $0x2000  }
0xc3: {  	[sflag:s2] =	ssyncset.done $0x0  }
0xc4: {  	[sflag:s2] =	ssyncadd.s32 $0xFFFFE000  }
0xc5: {  	[tilespmem:s19], [sflag:$0x1] =	stream.indirect.gather [hbm4b:s1+s18], $0x80, s20, s18, $0xb8;
	[tilespmem:$0x1EB00] =	vst v63  }
0xc6: {  	_ =	swait.ge [sflag:s24], $0x2000  }
0xc7: {  	[sflag:s24] =	ssyncset.done $0x0  }
0xc8: {  	s20 =	sadd.s32 $0x13E80, s12;
	[sflag:s24] =	ssyncadd.s32 $0xFFFFE000  }
0xc9: {  	[spmem:s3] =	stream.indirect.scatter.add.f32 [tilespmem:s23], [sflag:$0x8], $0x80, s20, s18, $0xb8;
	[tilespmem:$0x1EB00] =	vst v63  }
0xca: {  	_ =	swait.ge [sflag:s29], $0x2000  }
0xcb: {  	[sflag:s29] =	ssyncset.done $0x0  }
0xcc: {  	s6 =	sadd.s32 $0x14200, s12;
	[sflag:s29] =	ssyncadd.s32 $0xFFFFE000  }
0xcd: {  	[tilespmem:s21], [sflag:$0x2] =	stream.indirect.gather [hbm4b:s1+s18], $0x80, s6, s18, $0xb8;
	[tilespmem:$0x1EB00] =	vst v63  }
0xce: {  	_ =	swait.ge [sflag:s28], $0x2000  }
0xcf: {  	[sflag:s28] =	ssyncset.done $0x0  }
0xd0: {  	s7 =	sadd.s32 $0x13F80, s12;
	[sflag:s28] =	ssyncadd.s32 $0xFFFFE000  }
0xd1: {  	[spmem:s3] =	stream.indirect.scatter.add.f32 [tilespmem:s25], [sflag:$0x9], $0x80, s7, s18, $0xb8;
	[tilespmem:$0x1EB00] =	vst v63  }
0xd2: {  	_ =	swait.ge [sflag:s0], $0x2000  }
0xd3: {  	[sflag:s0] =	ssyncset.done $0x0  }
0xd4: {  	p0 =	sne.s32 s17, $0x1400;
	s20 =	sadd.s32 $0x14300, s12;
	[sflag:s0] =	ssyncadd.s32 $0xFFFFE000  }
0xd5: {  	[tilespmem:s23], [sflag:$0x3] =	stream.indirect.gather [hbm4b:s1+s18], $0x80, s20, s18, $0xb8;
	[tilespmem:$0x1EB00] =	vst v63  }
.Ltmp0:
0xd6: {  	_ = 	snop;
	(pc) =	sbr.rel @p0 .LBB2_2-.Ltmp0, $4  }
0xd7: {  	_ =	swait.ge [sflag:s5], $0x2000  }
0xd8: {  	s17 =	sadd.s32 $0x1400, s17;
	[sflag:s5] =	ssyncset.done $0x0  }
0xd9: {  	s11 =	sadd.s32 $0xA0, s11;
	s12 =	sadd.s32 $0x14080, s12;
	[sflag:s5] =	ssyncadd.s32 $0xFFFFE000  }
0xda: {  	[spmem:s3] =	stream.indirect.scatter.add.f32 [tilespmem:s30], [sflag:$0xA], $0x80, s12, s18, $0xb8;
	[tilespmem:$0x1EB00] =	vst v63  }
0xdb: {  	_ =	swait.ge [sflag:s9], $0x2000  }
0xdc: {  	[sflag:s9] =	ssyncset.done $0x0  }
0xdd: {  	s20 =	simm.s32 $0x14900;
	[sflag:s9] =	ssyncadd.s32 $0xFFFFE000  }
0xde: {  	[tilespmem:s25], [sflag:$0x4] =	stream.indirect.gather [hbm4b:s1+s18], $0x80, s20, s18, $0xb8;
	[tilespmem:$0x1EB00] =	vst v63  }
0xdf: {  	_ =	swait.ge [sflag:s26], $0x2000  }
0xe0: {  	[sflag:s26] =	ssyncset.done $0x0  }
0xe1: {  	s11 =	simm.s32 $0x14680;
	[sflag:s26] =	ssyncadd.s32 $0xFFFFE000  }
0xe2: {  	[spmem:s3] =	stream.indirect.scatter.add.f32 [tilespmem:s19], [sflag:$0x6], $0x80, s11, s18, $0xb8;
	[tilespmem:$0x1EB00] =	vst v63  }
0xe3: {  	_ =	swait.ge [sflag:s10], $0x2000  }
0xe4: {  	[sflag:s10] =	ssyncset.done $0x0  }
0xe5: {  	[sflag:s10] =	ssyncadd.s32 $0xFFFFE000  }
0xe6: {  	[tilespmem:s30], [sflag:$0x5] =	stream.indirect.gather [hbm4b:s1+s18], $0x80, s22, s18, $0xb8;
	[tilespmem:$0x1EB00] =	vst v63  }
0xe7: {  	_ =	swait.ge [sflag:s31], $0x2000  }
0xe8: {  	[sflag:s31] =	ssyncset.done $0x0  }
0xe9: {  	s7 =	simm.s32 $0x14780;
	[sflag:s31] =	ssyncadd.s32 $0xFFFFE000  }
0xea: {  	[spmem:s3] =	stream.indirect.scatter.add.f32 [tilespmem:s21], [sflag:$0x7], $0x80, s7, s18, $0xb8;
	[tilespmem:$0x1EB00] =	vst v63  }
0xeb: {  	_ =	swait.ge [sflag:s24], $0x2000  }
0xec: {  	[sflag:s24] =	ssyncset.done $0x0  }
0xed: {  	s6 =	simm.s32 $0x14880;
	[sflag:s24] =	ssyncadd.s32 $0xFFFFE000  }
0xee: {  	[spmem:s3] =	stream.indirect.scatter.add.f32 [tilespmem:s23], [sflag:$0x8], $0x80, s6, s18, $0xb8;
	[tilespmem:$0x1EB00] =	vst v63  }
0xef: {  	_ =	swait.ge [sflag:s28], $0x2000  }
0xf0: {  	[sflag:s28] =	ssyncset.done $0x0  }
0xf1: {  	[sflag:s28] =	ssyncadd.s32 $0xFFFFE000  }
0xf2: {  	[spmem:s3] =	stream.indirect.scatter.add.f32 [tilespmem:s25], [sflag:$0x9], $0x80, s14, s18, $0xb8;
	[tilespmem:$0x1EB00] =	vst v63  }
0xf3: {  	_ =	swait.ge [sflag:s5], $0x2000  }
0xf4: {  	[sflag:s5] =	ssyncset.done $0x0  }
0xf5: {  	s14 =	simm.s32 $0x14A80;
	[sflag:s5] =	ssyncadd.s32 $0xFFFFE000  }
0xf6: {  	[spmem:s3] =	stream.indirect.scatter.add.f32 [tilespmem:s30], [sflag:$0xA], $0x80, s14, s18, $0xb8;
	[tilespmem:$0x1EB00] =	vst v63  }
0xf7: {  	_ =	swait.ge [sflag:s2], $0x2000  }
0xf8: {  	[sflag:s2] =	ssyncset.done $0x0  }
0xf9: {  	[sflag:s2] =	ssyncadd.s32 $0xFFFFE000  }
0xfa: {  	_ =	swait.ge [sflag:s29], $0x2000  }
0xfb: {  	[sflag:s29] =	ssyncset.done $0x0  }
0xfc: {  	[sflag:s29] =	ssyncadd.s32 $0xFFFFE000  }
0xfd: {  	_ =	swait.ge [sflag:s0], $0x2000  }
0xfe: {  	[sflag:s0] =	ssyncset.done $0x0  }
0xff: {  	[sflag:s0] =	ssyncadd.s32 $0xFFFFE000  }
0x100: {  	_ =	swait.ge [sflag:s9], $0x2000  }
0x101: {  	[sflag:s9] =	ssyncset.done $0x0  }
0x102: {  	[sflag:s9] =	ssyncadd.s32 $0xFFFFE000  }
0x103: {  	_ =	swait.ge [sflag:s10], $0x2000  }
0x104: {  	[sflag:s10] =	ssyncset.done $0x0  }
0x105: {  	[sflag:s10] =	ssyncadd.s32 $0xFFFFE000  }
0x106: {  	[bflag:$0x0] =	sbarrier.arrive $0xFFFF  }
0x107: {  	s17 =	rddreg [dreg:$0x8]  }
0x108: {  	s7 =	rddreg [dreg:$0xd]  }
0x109: {  	[hbm:s17], [sflag:s16] =	dma.local [spmem:s7], $0x2780  }
0x10a: {  	_ =	swait.ge [sflag:s15], $0x2780  }
0x10b: {  	s8 =	sadd.s32 $0x1, s8;
	s22 =	rddreg [dreg:$0x9]  }
0x10c: {  	p0 =	sne.s32 s8, s22  }
.Ltmp1:
0x10d: {  	_ = 	snop;
	(pc) =	sbr.rel @p0 .LBB2_1-.Ltmp1, $3  }
0x10e: {  	_ =	sdelay $0x1  }
0x10f: {  	[sflag:s15] =	ssyncset.done $0x0  }
0x110: {  	s6 =	smov.u32 s16;
	[sflag:s15] =	ssyncadd.s32 $0xFFFFD880  }
0x111: {  	_ =	sfence.sel $0x180000  }
0x112: {  	[bflag:$0x0] =	sbarrier.arrive $0xFFFF  }
0x113: {  	_ =	strace $0x90000047  }
0x114: {  	s0 =	stileid.u32;
	[bflag:$0x2] =	sbarrier.arrive $0xFFFF  }
0x115: {  	p0 =	sne.s32 s0, $0x0;
	s0 =	rddreg [dreg:$0x4]  }
0x116: {  	s0 =	sadd.s32 @!p0 $0x100000, s0  }
0x117: {  	[sflag:s0] =	ssyncadd.tile.s32 @!p0 $0x1;
	_ =	shalt  }
.Lfunc_end2:
_tile_overlayer_lowered:
.L_overlay_start_2:
0x118: {  	(tag) =	ssettag $0x2  }
0x119: {  	s0 =	rddreg [dreg:$0x0];
	s2 =	stileid.u32  }
0x11a: {  	s1 =	rddreg [dreg:$0x1];
	p0 =	sne.s32 s2, $0x0  }
0x11b: {  	s3 =	rddreg [dreg:$0x2];
	[bflag:$0x3] =	sbarrier.arrive $0xFFFF;
	s2 =	simm.s32 @!p0 $0x1C0B  }
0x11c: {  	[timem:s3], [sflag:s2] =	dma.local @!p0 [hbm:s0], s1  }
0x11d: {  	s0 =	simm.s32 @!p0 $0xB  }
0x11e: {  	_ =	swait.ge @!p0 [sflag:s0], s1  }
0x11f: {  	s1 =	ssub.s32 @!p0 $0x0, s1;
	[sflag:s0] =	ssyncset.done @!p0 $0x0  }
0x120: {  	[sflag:s0] =	ssyncadd.s32 @!p0 s1  }
0x121: {  	[bflag:$0x3] =	sbarrier.arrive $0xFFFF  }
0x122: {  	_ =	shalt  }

</sc_bundles>
